<compile_context>
chip_gen: v7x
topology: tpu7x:2x2x1
jax: 0.10.2.dev20260603
libtpu: 0.0.44.dev20260713+nightly
codegen_flags: <defaults>
</compile_context>

<pallas_src>
import functools

import jax
import jax.numpy as jnp
import numpy as np
from jax import lax
from jax.experimental import pallas as pl
from jax.experimental.pallas import tpu as pltpu
from jax.experimental.pallas import tpu_sc as plsc

NP_ATOMS = 50000
NL_ATOMS = 10000
NB = 256
T = 1000
EMB = 128
NCLS = 45

_x = np.linspace(-6, 6, T)
_betas = (1.0 / (np.exp(-_x) + 1.0)) * (0.002 - 1e-07) + 1e-07
_ac = np.cumprod(1.0 - _betas, axis=0)
_sqrt_ac = np.zeros((1024,), np.float32)
_sqrt_ac[:T] = np.sqrt(_ac)
_sqrt_1mac = np.zeros((1024,), np.float32)
_sqrt_1mac[:T] = np.sqrt(1.0 - _ac)
SQRT_AC = _sqrt_ac
SQRT_1MAC = _sqrt_1mac

ATOT = NP_ATOMS + NL_ATOMS
NSUB = 16
CHUNK = 3840
APAD = NSUB * CHUNK
LPAD = 10240
LW = LPAD // NSUB
LG = LW // 16

_mesh = plsc.VectorSubcoreMesh(core_axis_name="c", subcore_axis_name="s",
                               num_cores=1, num_subcores=NSUB)


@functools.partial(
    pl.kernel,
    out_type=jax.ShapeDtypeStruct((3 * LPAD,), jnp.float32),
    mesh=_mesh,
    compiler_params=pltpu.CompilerParams(needs_layout_passes=False),
    scratch_types=[
        pltpu.VMEM((CHUNK,), jnp.float32),
        pltpu.VMEM((CHUNK,), jnp.float32),
        pltpu.VMEM((CHUNK,), jnp.float32),
        pltpu.VMEM((CHUNK,), jnp.float32),
        pltpu.VMEM((CHUNK,), jnp.int32),
        pltpu.VMEM_SHARED((NB,), jnp.float32),
        pltpu.VMEM_SHARED((NB,), jnp.float32),
        pltpu.VMEM_SHARED((NB,), jnp.float32),
        pltpu.VMEM_SHARED((NB,), jnp.float32),
        pltpu.VMEM((NB,), jnp.float32),
        pltpu.VMEM((NB,), jnp.float32),
        pltpu.VMEM((NB,), jnp.float32),
        pltpu.VMEM((NB,), jnp.float32),
        pltpu.VMEM((NB,), jnp.int32),
        pltpu.VMEM((1024,), jnp.float32),
        pltpu.VMEM((1024,), jnp.float32),
        pltpu.VMEM((NB,), jnp.float32),
        pltpu.VMEM((NB,), jnp.float32),
        pltpu.VMEM((NB,), jnp.float32),
        pltpu.VMEM((NB,), jnp.float32),
        pltpu.VMEM((NB,), jnp.float32),
        pltpu.VMEM((LW,), jnp.float32),
        pltpu.VMEM((LW,), jnp.float32),
        pltpu.VMEM((LW,), jnp.float32),
        pltpu.VMEM((LW,), jnp.float32),
        pltpu.VMEM((LW,), jnp.float32),
        pltpu.VMEM((LW,), jnp.float32),
        pltpu.VMEM((LW,), jnp.int32),
        pltpu.VMEM((LW,), jnp.float32),
        pltpu.VMEM((LW,), jnp.float32),
        pltpu.VMEM((LW,), jnp.float32),
        pltpu.VMEM((16,), jnp.float32),
        pltpu.SemaphoreType.DMA,
    ],
)
def _sc_pos_kernel(soa_hbm, ids_hbm, noisef_hbm, blig_hbm,
                   ts_hbm, sa_hbm, s1_hbm, out_hbm,
                   xs_v, ys_v, zs_v, ws_v, ids_v,
                   accx_sh, accy_sh, accz_sh, accw_sh,
                   accx_v, accy_v, accz_v, accw_v,
                   ts_v, sa_tab, s1_tab,
                   bt_sa, bt_s1, bt_ox, bt_oy, bt_oz,
                   lx, ly, lz, nx, ny, nz, bl_v, ox, oy, oz, zer16, sem):
    s = lax.axis_index("s")

    base_a = s * CHUNK
    stage = [
        pltpu.async_copy(soa_hbm.at[pl.ds(base_a, CHUNK)], xs_v, sem),
        pltpu.async_copy(soa_hbm.at[pl.ds(APAD + base_a, CHUNK)], ys_v, sem),
        pltpu.async_copy(soa_hbm.at[pl.ds(2 * APAD + base_a, CHUNK)], zs_v, sem),
        pltpu.async_copy(soa_hbm.at[pl.ds(3 * APAD + base_a, CHUNK)], ws_v, sem),
        pltpu.async_copy(ids_hbm.at[pl.ds(base_a, CHUNK)], ids_v, sem),
        pltpu.async_copy(ts_hbm, ts_v, sem),
        pltpu.async_copy(sa_hbm, sa_tab, sem),
        pltpu.async_copy(s1_hbm, s1_tab, sem),
    ]
    zer16[...] = jnp.zeros((16,), jnp.float32)
    z16 = pl.ds(s * 16, 16)
    pltpu.sync_copy(zer16, accx_sh.at[z16])
    pltpu.sync_copy(zer16, accy_sh.at[z16])
    pltpu.sync_copy(zer16, accz_sh.at[z16])
    pltpu.sync_copy(zer16, accw_sh.at[z16])
    for d in stage:
        d.wait()
    plsc.subcore_barrier()

    sc = [
        pltpu.async_copy(xs_v, accx_sh.at[ids_v], sem, add=True),
        pltpu.async_copy(ys_v, accy_sh.at[ids_v], sem, add=True),
        pltpu.async_copy(zs_v, accz_sh.at[ids_v], sem, add=True),
        pltpu.async_copy(ws_v, accw_sh.at[ids_v], sem, add=True),
    ]
    for d in sc:
        d.wait()
    plsc.subcore_barrier()
    pltpu.sync_copy(accx_sh, accx_v)
    pltpu.sync_copy(accy_sh, accy_v)
    pltpu.sync_copy(accz_sh, accz_v)
    pltpu.sync_copy(accw_sh, accw_v)

    base = s * LW
    lig_stage = [
        pltpu.async_copy(soa_hbm.at[pl.ds(NP_ATOMS + base, LW)], lx, sem),
        pltpu.async_copy(soa_hbm.at[pl.ds(APAD + NP_ATOMS + base, LW)], ly, sem),
        pltpu.async_copy(soa_hbm.at[pl.ds(2 * APAD + NP_ATOMS + base, LW)], lz, sem),
        pltpu.async_copy(noisef_hbm.at[pl.ds(base, LW)], nx, sem),
        pltpu.async_copy(noisef_hbm.at[pl.ds(LPAD + base, LW)], ny, sem),
        pltpu.async_copy(noisef_hbm.at[pl.ds(2 * LPAD + base, LW)], nz, sem),
        pltpu.async_copy(blig_hbm.at[pl.ds(base, LW)], bl_v, sem),
    ]

    for g in range(16):
        sl = pl.ds(g * 16, 16)
        cnt = accw_v[sl]
        inv = 1.0 / jnp.maximum(cnt, 1.0)
        t = ts_v[sl]
        sa = plsc.load_gather(sa_tab, [t])
        s1 = plsc.load_gather(s1_tab, [t])
        bt_sa[sl] = sa
        bt_s1[sl] = s1
        bt_ox[sl] = sa * accx_v[sl] * inv
        bt_oy[sl] = sa * accy_v[sl] * inv
        bt_oz[sl] = sa * accz_v[sl] * inv

    for d in lig_stage:
        d.wait()
    for j in range(LG):
        sl = pl.ds(j * 16, 16)
        b = bl_v[sl]
        sa = plsc.load_gather(bt_sa, [b])
        s1 = plsc.load_gather(bt_s1, [b])
        gx = plsc.load_gather(bt_ox, [b])
        gy = plsc.load_gather(bt_oy, [b])
        gz = plsc.load_gather(bt_oz, [b])
        ox[sl] = sa * lx[sl] - gx + s1 * nx[sl]
        oy[sl] = sa * ly[sl] - gy + s1 * ny[sl]
        oz[sl] = sa * lz[sl] - gz + s1 * nz[sl]
    out_stage = [
        pltpu.async_copy(ox, out_hbm.at[pl.ds(base, LW)], sem),
        pltpu.async_copy(oy, out_hbm.at[pl.ds(LPAD + base, LW)], sem),
        pltpu.async_copy(oz, out_hbm.at[pl.ds(2 * LPAD + base, LW)], sem),
    ]
    for d in out_stage:
        d.wait()



RBLK = 1024
NBLK = LPAD // RBLK
_SQRT_HALF = 0.7071067811865476


def _gelu_exact(x):
    return x * 0.5 * (1.0 + lax.erf(x * _SQRT_HALF))


def _mlp_body(prm_ref, wp_ref, w1_ref, b1_ref, w2_ref, b2_ref, w3_ref, out_ref):
    prm = jnp.reshape(prm_ref[...], (1, RBLK)).astype(jnp.int32)
    rows = lax.broadcasted_iota(jnp.int32, (EMB, RBLK), 0)
    oht = (rows == prm).astype(jnp.float32)
    bf16 = jnp.bfloat16
    h = lax.dot_general(oht.astype(bf16), wp_ref[...].astype(bf16),
                        (((0,), (0,)), ((), ())),
                        preferred_element_type=jnp.float32)
    h = _gelu_exact(jnp.dot(h.astype(bf16), w1_ref[...].astype(bf16),
                            preferred_element_type=jnp.float32)
                    + b1_ref[...])
    h = _gelu_exact(jnp.dot(h.astype(bf16), w2_ref[...].astype(bf16),
                            preferred_element_type=jnp.float32)
                    + b2_ref[...])
    out_ref[...] = jnp.dot(h.astype(bf16), w3_ref[...].astype(bf16),
                           preferred_element_type=jnp.float32)


def _mlp_call(prm3, wp_pad, w1, b1, w2, b2, w3_pad):
    return pl.pallas_call(
        _mlp_body,
        grid=(NBLK,),
        in_specs=[
            pl.BlockSpec((1, 1, RBLK), lambda i: (i, 0, 0)),
            pl.BlockSpec((EMB, EMB), lambda i: (0, 0)),
            pl.BlockSpec((EMB, 2 * EMB), lambda i: (0, 0)),
            pl.BlockSpec((1, 2 * EMB), lambda i: (0, 0)),
            pl.BlockSpec((2 * EMB, 2 * EMB), lambda i: (0, 0)),
            pl.BlockSpec((1, 2 * EMB), lambda i: (0, 0)),
            pl.BlockSpec((2 * EMB, 48), lambda i: (0, 0)),
        ],
        out_specs=pl.BlockSpec((RBLK, 48), lambda i: (i, 0)),
        out_shape=jax.ShapeDtypeStruct((LPAD, 48), jnp.float32),
    )(prm3, wp_pad, w1, b1, w2, b2, w3_pad)


def kernel(protein_pos, ligand_pos, pos_noise, Wp, W1, b1, W2, b2, W3,
           batch_protein, batch_ligand, time_step, prompt, ligand_v):
    f32 = jnp.float32
    posT = jnp.concatenate([protein_pos, ligand_pos], axis=0).T
    posT = jnp.pad(posT, ((0, 0), (0, APAD - ATOT)))
    w = jnp.pad(jnp.ones((ATOT,), f32), (0, APAD - ATOT))
    soa = jnp.concatenate([posT.reshape(-1), w])
    ids = jnp.pad(jnp.concatenate([batch_protein, batch_ligand]),
                  (0, APAD - ATOT))

    noisef = jnp.pad(pos_noise.T, ((0, 0), (0, LPAD - NL_ATOMS))).reshape(-1)
    blig = jnp.pad(batch_ligand, (0, LPAD - NL_ATOMS))

    posf = _sc_pos_kernel(soa, ids, noisef, blig,
                          time_step, jnp.asarray(SQRT_AC),
                          jnp.asarray(SQRT_1MAC))

    prm3 = jnp.pad(prompt.astype(f32), (0, LPAD - NL_ATOMS),
                   constant_values=float(EMB + 1)).reshape(NBLK, 1, RBLK)
    wp_pad = jnp.zeros((EMB, EMB), f32).at[:NCLS].set(Wp)
    w3_pad = jnp.zeros((2 * EMB, 48), f32).at[:, :NCLS].set(W3)
    logits48 = _mlp_call(prm3, wp_pad, W1, b1.reshape(1, -1),
                         W2, b2.reshape(1, -1), w3_pad)

    pos = posf.reshape(3, LPAD).T[:NL_ATOMS]
    return jnp.concatenate([pos, logits48[:NL_ATOMS, :NCLS]], axis=1)

# --- scband reference (transcript-rebuilt; emitter-appended) ---
"""Pipeline reference for scband-score-pos-net3-d-9139690406406 (READ-ONLY COPY).

The authoritative reference and input builder live on the scoring server;
editing this copy changes nothing except your own understanding.
"""

import jax, jax.numpy as jnp
import numpy as np

NP_ATOMS = 50000
NL_ATOMS = 10000
NB = 256
T = 1000
EMB = 128
NCLS = 45

# diffusion schedule (config.beta_schedule == 'sigmoid'), constants
_x = np.linspace(-6, 6, T)
_betas = (1.0 / (np.exp(-_x) + 1.0)) * (0.002 - 1e-07) + 1e-07
_alphas_cumprod = np.cumprod(1.0 - _betas, axis=0)
ALPHAS_CUMPROD = jnp.asarray(_alphas_cumprod, dtype=jnp.float32)


def _gelu(x):
    return jax.nn.gelu(x, approximate=False)


def _segment_mean(data, ids, num_segments):
    s = jax.ops.segment_sum(data, ids, num_segments=num_segments)
    c = jax.ops.segment_sum(jnp.ones((data.shape[0], 1), data.dtype), ids, num_segments=num_segments)
    return s / jnp.clip(c, 1.0)


def setup_inputs(seed: int = 0) -> dict:
    key = jax.random.key(seed)
    ks = jax.random.split(key, 14)
    protein_pos = jax.random.normal(ks[0], (NP_ATOMS, 3), dtype=jnp.float32)
    ligand_pos = jax.random.normal(ks[1], (NL_ATOMS, 3), dtype=jnp.float32)
    pos_noise = jax.random.normal(ks[2], (NL_ATOMS, 3), dtype=jnp.float32)
    batch_protein = jnp.sort(jax.random.randint(ks[3], (NP_ATOMS,), 0, NB, dtype=jnp.int32))
    batch_ligand = jnp.sort(jax.random.randint(ks[4], (NL_ATOMS,), 0, NB, dtype=jnp.int32))
    time_step = jax.random.randint(ks[5], (NB,), 0, T, dtype=jnp.int32)
    prompt = jax.random.randint(ks[6], (NL_ATOMS,), 0, NCLS, dtype=jnp.int32)
    ligand_v = jax.random.randint(ks[7], (NL_ATOMS,), 0, 13, dtype=jnp.int32)
    # learned parameters
    Wp = jax.random.normal(ks[8], (NCLS, EMB), dtype=jnp.float32) * 0.02
    Wp = Wp.at[0].set(0.0)  # nn.init.constant_(prompt_emb.weight[0], 0)
    W1 = jax.random.normal(ks[9], (EMB, EMB * 2), dtype=jnp.float32) * (1.0 / np.sqrt(EMB))
    b1 = jnp.zeros((EMB * 2,), dtype=jnp.float32)
    W2 = jax.random.normal(ks[10], (EMB * 2, EMB * 2), dtype=jnp.float32) * (1.0 / np.sqrt(EMB * 2))
    b2 = jnp.zeros((EMB * 2,), dtype=jnp.float32)
    W3 = jax.random.normal(ks[11], (EMB * 2, NCLS), dtype=jnp.float32) * 0.001  # xavier gain=0.001, no bias
    return {
        'protein_pos': protein_pos, 'ligand_pos': ligand_pos, 'pos_noise': pos_noise,
        'Wp': Wp, 'W1': W1, 'b1': b1, 'W2': W2, 'b2': b2, 'W3': W3,
        'batch_protein': batch_protein, 'batch_ligand': batch_ligand,
        'time_step': time_step, 'prompt': prompt, 'ligand_v': ligand_v,
    }


def reference(protein_pos, ligand_pos, pos_noise, Wp, W1, b1, W2, b2, W3,
              batch_protein, batch_ligand, time_step, prompt, ligand_v):
    # center_pos (mode='joint'): scatter_mean over joint protein+ligand atoms per graph
    all_pos = jnp.concatenate([protein_pos, ligand_pos], axis=0)
    all_batch = jnp.concatenate([batch_protein, batch_ligand], axis=0)
    offset = _segment_mean(all_pos, all_batch, NB)
    ligand_pos_c = ligand_pos - offset[batch_ligand]
    # q_sample: extract(sqrt_alphas_cumprod, t, batch_ligand)
    a = ALPHAS_CUMPROD[time_step][batch_ligand][:, None]
    ligand_pos_perturbed = jnp.sqrt(a) * ligand_pos_c + jnp.sqrt(1.0 - a) * pos_noise
    # prompt embedding lookup + node_mlp -> 45-way logits
    h = jnp.take(Wp, prompt, axis=0)
    h = _gelu(h @ W1 + b1)
    h = _gelu(h @ W2 + b2)
    logits = h @ W3
    return jnp.concatenate([ligand_pos_perturbed, logits], axis=1)

if __name__ == "__main__":
    import jax
    _d = setup_inputs()
    print(jax.jit(kernel)(*tuple(_d.values())))

</pallas_src>

<mosaic_0001>
#map = affine_map<(d0, d1) -> (0)>
module attributes {stable_mosaic.version = 14 : i64} {
  func.func @_sc_pos_kernel(%arg0: i32, %arg1: i32, %arg2: memref<245760xf32, #tpu.memory_space<hbm>>, %arg3: memref<61440xi32, #tpu.memory_space<hbm>>, %arg4: memref<30720xf32, #tpu.memory_space<hbm>>, %arg5: memref<10240xi32, #tpu.memory_space<hbm>>, %arg6: memref<256xi32, #tpu.memory_space<hbm>>, %arg7: memref<1024xf32, #tpu.memory_space<hbm>>, %arg8: memref<1024xf32, #tpu.memory_space<hbm>>, %arg9: memref<30720xf32, #tpu.memory_space<hbm>>, %arg10: memref<3840xf32, #tpu.memory_space<vmem>>, %arg11: memref<3840xf32, #tpu.memory_space<vmem>>, %arg12: memref<3840xf32, #tpu.memory_space<vmem>>, %arg13: memref<3840xf32, #tpu.memory_space<vmem>>, %arg14: memref<3840xi32, #tpu.memory_space<vmem>>, %arg15: memref<256xf32, #tpu.memory_space<vmem_shared>>, %arg16: memref<256xf32, #tpu.memory_space<vmem_shared>>, %arg17: memref<256xf32, #tpu.memory_space<vmem_shared>>, %arg18: memref<256xf32, #tpu.memory_space<vmem_shared>>, %arg19: memref<256xf32, #tpu.memory_space<vmem>>, %arg20: memref<256xf32, #tpu.memory_space<vmem>>, %arg21: memref<256xf32, #tpu.memory_space<vmem>>, %arg22: memref<256xf32, #tpu.memory_space<vmem>>, %arg23: memref<256xi32, #tpu.memory_space<vmem>>, %arg24: memref<1024xf32, #tpu.memory_space<vmem>>, %arg25: memref<1024xf32, #tpu.memory_space<vmem>>, %arg26: memref<256xf32, #tpu.memory_space<vmem>>, %arg27: memref<256xf32, #tpu.memory_space<vmem>>, %arg28: memref<256xf32, #tpu.memory_space<vmem>>, %arg29: memref<256xf32, #tpu.memory_space<vmem>>, %arg30: memref<256xf32, #tpu.memory_space<vmem>>, %arg31: memref<640xf32, #tpu.memory_space<vmem>>, %arg32: memref<640xf32, #tpu.memory_space<vmem>>, %arg33: memref<640xf32, #tpu.memory_space<vmem>>, %arg34: memref<640xf32, #tpu.memory_space<vmem>>, %arg35: memref<640xf32, #tpu.memory_space<vmem>>, %arg36: memref<640xf32, #tpu.memory_space<vmem>>, %arg37: memref<640xi32, #tpu.memory_space<vmem>>, %arg38: memref<640xf32, #tpu.memory_space<vmem>>, %arg39: memref<640xf32, #tpu.memory_space<vmem>>, %arg40: memref<640xf32, #tpu.memory_space<vmem>>, %arg41: memref<16xf32, #tpu.memory_space<vmem>>, %arg42: memref<!tpu.dma_semaphore, #tpu.memory_space<semaphore_mem>>) attributes {dimension_semantics = [#tpu.dimension_semantics<core_parallel>, #tpu.dimension_semantics<subcore_parallel>], iteration_bounds = array<i64: 1, 16>, scalar_prefetch = 0 : i64, scratch_operands = 33 : i64, tpu.core_type = #tpu.core_type<sc_vector_subcore>, window_params = [{transform_indices = #map}, {transform_indices = #map}, {transform_indices = #map}, {transform_indices = #map}, {transform_indices = #map}, {transform_indices = #map}, {transform_indices = #map}, {transform_indices = #map}]} {
    %mul3A = arith.constant 3840 : i32
    %mul3A_0 = arith.muli %arg1, %mul3A : i32
    %dma_start3A = tpu.memref_slice %arg2[%mul3A_0] : memref<245760xf32, #tpu.memory_space<hbm>> -> memref<3840xf32, #tpu.memory_space<hbm>>
    %dma_start3A_1 = tpu.memref_slice %arg2[%mul3A_0] : memref<245760xf32, #tpu.memory_space<hbm>> -> memref<3840xf32, #tpu.memory_space<hbm>>
    tpu.enqueue_dma source(%dma_start3A_1 : memref<3840xf32, #tpu.memory_space<hbm>>) target(%arg10 : memref<3840xf32, #tpu.memory_space<vmem>>) target_semaphore(%arg42 : memref<!tpu.dma_semaphore, #tpu.memory_space<semaphore_mem>>)
    %add3A = arith.constant 61440 : i32
    %add3A_2 = arith.addi %add3A, %mul3A_0 : i32
    %dma_start3A_3 = tpu.memref_slice %arg2[%add3A_2] : memref<245760xf32, #tpu.memory_space<hbm>> -> memref<3840xf32, #tpu.memory_space<hbm>>
    %dma_start3A_4 = tpu.memref_slice %arg2[%add3A_2] : memref<245760xf32, #tpu.memory_space<hbm>> -> memref<3840xf32, #tpu.memory_space<hbm>>
    tpu.enqueue_dma source(%dma_start3A_4 : memref<3840xf32, #tpu.memory_space<hbm>>) target(%arg11 : memref<3840xf32, #tpu.memory_space<vmem>>) target_semaphore(%arg42 : memref<!tpu.dma_semaphore, #tpu.memory_space<semaphore_mem>>)
    %add3A_5 = arith.constant 122880 : i32
    %add3A_6 = arith.addi %add3A_5, %mul3A_0 : i32
    %dma_start3A_7 = tpu.memref_slice %arg2[%add3A_6] : memref<245760xf32, #tpu.memory_space<hbm>> -> memref<3840xf32, #tpu.memory_space<hbm>>
    %dma_start3A_8 = tpu.memref_slice %arg2[%add3A_6] : memref<245760xf32, #tpu.memory_space<hbm>> -> memref<3840xf32, #tpu.memory_space<hbm>>
    tpu.enqueue_dma source(%dma_start3A_8 : memref<3840xf32, #tpu.memory_space<hbm>>) target(%arg12 : memref<3840xf32, #tpu.memory_space<vmem>>) target_semaphore(%arg42 : memref<!tpu.dma_semaphore, #tpu.memory_space<semaphore_mem>>)
    %add3A_9 = arith.constant 184320 : i32
    %add3A_10 = arith.addi %add3A_9, %mul3A_0 : i32
    %dma_start3A_11 = tpu.memref_slice %arg2[%add3A_10] : memref<245760xf32, #tpu.memory_space<hbm>> -> memref<3840xf32, #tpu.memory_space<hbm>>
    %dma_start3A_12 = tpu.memref_slice %arg2[%add3A_10] : memref<245760xf32, #tpu.memory_space<hbm>> -> memref<3840xf32, #tpu.memory_space<hbm>>
    tpu.enqueue_dma source(%dma_start3A_12 : memref<3840xf32, #tpu.memory_space<hbm>>) target(%arg13 : memref<3840xf32, #tpu.memory_space<vmem>>) target_semaphore(%arg42 : memref<!tpu.dma_semaphore, #tpu.memory_space<semaphore_mem>>)
    %dma_start3A_13 = tpu.memref_slice %arg3[%mul3A_0] : memref<61440xi32, #tpu.memory_space<hbm>> -> memref<3840xi32, #tpu.memory_space<hbm>>
    %dma_start3A_14 = tpu.memref_slice %arg3[%mul3A_0] : memref<61440xi32, #tpu.memory_space<hbm>> -> memref<3840xi32, #tpu.memory_space<hbm>>
    tpu.enqueue_dma source(%dma_start3A_14 : memref<3840xi32, #tpu.memory_space<hbm>>) target(%arg14 : memref<3840xi32, #tpu.memory_space<vmem>>) target_semaphore(%arg42 : memref<!tpu.dma_semaphore, #tpu.memory_space<semaphore_mem>>)
    tpu.enqueue_dma source(%arg6 : memref<256xi32, #tpu.memory_space<hbm>>) target(%arg23 : memref<256xi32, #tpu.memory_space<vmem>>) target_semaphore(%arg42 : memref<!tpu.dma_semaphore, #tpu.memory_space<semaphore_mem>>)
    tpu.enqueue_dma source(%arg7 : memref<1024xf32, #tpu.memory_space<hbm>>) target(%arg24 : memref<1024xf32, #tpu.memory_space<vmem>>) target_semaphore(%arg42 : memref<!tpu.dma_semaphore, #tpu.memory_space<semaphore_mem>>)
    tpu.enqueue_dma source(%arg8 : memref<1024xf32, #tpu.memory_space<hbm>>) target(%arg25 : memref<1024xf32, #tpu.memory_space<vmem>>) target_semaphore(%arg42 : memref<!tpu.dma_semaphore, #tpu.memory_space<semaphore_mem>>)
    %broadcast_in_dim3A = arith.constant 0.000000e+00 : f32
    %broadcast_in_dim3A_15 = vector.broadcast %broadcast_in_dim3A : f32 to vector<16xf32>
    %swap3A = arith.constant 0 : index
    %swap3A_16 = tpu.vector_load %arg41[%swap3A] {strides = array<i32>} : memref<16xf32, #tpu.memory_space<vmem>>, vector<16xf32>,
    tpu.vector_store %arg41[%swap3A], %broadcast_in_dim3A_15 {strides = array<i32>} : memref<16xf32, #tpu.memory_space<vmem>>, vector<16xf32>,
    %mul3A_17 = arith.constant 16 : i32
    %mul3A_18 = arith.muli %arg1, %mul3A_17 : i32
    "tpu.region"() ({
      %run_scoped3A = tpu.sem_alloc : memref<!tpu.dma_semaphore, #tpu.memory_space<semaphore_mem>>
      %dma_start3A_2120 = tpu.memref_slice %arg15[%mul3A_18] : memref<256xf32, #tpu.memory_space<vmem_shared>> -> memref<16xf32, #tpu.memory_space<vmem_shared>>
      %dma_start3A_2121 = tpu.memref_slice %arg15[%mul3A_18] : memref<256xf32, #tpu.memory_space<vmem_shared>> -> memref<16xf32, #tpu.memory_space<vmem_shared>>
      tpu.enqueue_dma source(%arg41 : memref<16xf32, #tpu.memory_space<vmem>>) target(%dma_start3A_2121 : memref<16xf32, #tpu.memory_space<vmem_shared>>) target_semaphore(%run_scoped3A : memref<!tpu.dma_semaphore, #tpu.memory_space<semaphore_mem>>)
      %dma_wait3A_2122 = tpu.memref_slice %arg15[%mul3A_18] : memref<256xf32, #tpu.memory_space<vmem_shared>> -> memref<16xf32, #tpu.memory_space<vmem_shared>>
      %dma_wait3A_2123 = tpu.memref_slice %arg15[%mul3A_18] : memref<256xf32, #tpu.memory_space<vmem_shared>> -> memref<16xf32, #tpu.memory_space<vmem_shared>>
      tpu.wait_dma2 semaphore(%run_scoped3A : memref<!tpu.dma_semaphore, #tpu.memory_space<semaphore_mem>>) src(%arg41 : memref<16xf32, #tpu.memory_space<vmem>>) dst(%dma_wait3A_2123 : memref<16xf32, #tpu.memory_space<vmem_shared>>)
      tpu.yield
    }) : () -> ()
    "tpu.region"() ({
      %run_scoped3A = tpu.sem_alloc : memref<!tpu.dma_semaphore, #tpu.memory_space<semaphore_mem>>
      %dma_start3A_2120 = tpu.memref_slice %arg16[%mul3A_18] : memref<256xf32, #tpu.memory_space<vmem_shared>> -> memref<16xf32, #tpu.memory_space<vmem_shared>>
      %dma_start3A_2121 = tpu.memref_slice %arg16[%mul3A_18] : memref<256xf32, #tpu.memory_space<vmem_shared>> -> memref<16xf32, #tpu.memory_space<vmem_shared>>
      tpu.enqueue_dma source(%arg41 : memref<16xf32, #tpu.memory_space<vmem>>) target(%dma_start3A_2121 : memref<16xf32, #tpu.memory_space<vmem_shared>>) target_semaphore(%run_scoped3A : memref<!tpu.dma_semaphore, #tpu.memory_space<semaphore_mem>>)
      %dma_wait3A_2122 = tpu.memref_slice %arg16[%mul3A_18] : memref<256xf32, #tpu.memory_space<vmem_shared>> -> memref<16xf32, #tpu.memory_space<vmem_shared>>
      %dma_wait3A_2123 = tpu.memref_slice %arg16[%mul3A_18] : memref<256xf32, #tpu.memory_space<vmem_shared>> -> memref<16xf32, #tpu.memory_space<vmem_shared>>
      tpu.wait_dma2 semaphore(%run_scoped3A : memref<!tpu.dma_semaphore, #tpu.memory_space<semaphore_mem>>) src(%arg41 : memref<16xf32, #tpu.memory_space<vmem>>) dst(%dma_wait3A_2123 : memref<16xf32, #tpu.memory_space<vmem_shared>>)
      tpu.yield
    }) : () -> ()
    "tpu.region"() ({
      %run_scoped3A = tpu.sem_alloc : memref<!tpu.dma_semaphore, #tpu.memory_space<semaphore_mem>>
      %dma_start3A_2120 = tpu.memref_slice %arg17[%mul3A_18] : memref<256xf32, #tpu.memory_space<vmem_shared>> -> memref<16xf32, #tpu.memory_space<vmem_shared>>
      %dma_start3A_2121 = tpu.memref_slice %arg17[%mul3A_18] : memref<256xf32, #tpu.memory_space<vmem_shared>> -> memref<16xf32, #tpu.memory_space<vmem_shared>>
      tpu.enqueue_dma source(%arg41 : memref<16xf32, #tpu.memory_space<vmem>>) target(%dma_start3A_2121 : memref<16xf32, #tpu.memory_space<vmem_shared>>) target_semaphore(%run_scoped3A : memref<!tpu.dma_semaphore, #tpu.memory_space<semaphore_mem>>)
      %dma_wait3A_2122 = tpu.memref_slice %arg17[%mul3A_18] : memref<256xf32, #tpu.memory_space<vmem_shared>> -> memref<16xf32, #tpu.memory_space<vmem_shared>>
      %dma_wait3A_2123 = tpu.memref_slice %arg17[%mul3A_18] : memref<256xf32, #tpu.memory_space<vmem_shared>> -> memref<16xf32, #tpu.memory_space<vmem_shared>>
      tpu.wait_dma2 semaphore(%run_scoped3A : memref<!tpu.dma_semaphore, #tpu.memory_space<semaphore_mem>>) src(%arg41 : memref<16xf32, #tpu.memory_space<vmem>>) dst(%dma_wait3A_2123 : memref<16xf32, #tpu.memory_space<vmem_shared>>)
      tpu.yield
    }) : () -> ()
    "tpu.region"() ({
      %run_scoped3A = tpu.sem_alloc : memref<!tpu.dma_semaphore, #tpu.memory_space<semaphore_mem>>
      %dma_start3A_2120 = tpu.memref_slice %arg18[%mul3A_18] : memref<256xf32, #tpu.memory_space<vmem_shared>> -> memref<16xf32, #tpu.memory_space<vmem_shared>>
      %dma_start3A_2121 = tpu.memref_slice %arg18[%mul3A_18] : memref<256xf32, #tpu.memory_space<vmem_shared>> -> memref<16xf32, #tpu.memory_space<vmem_shared>>
      tpu.enqueue_dma source(%arg41 : memref<16xf32, #tpu.memory_space<vmem>>) target(%dma_start3A_2121 : memref<16xf32, #tpu.memory_space<vmem_shared>>) target_semaphore(%run_scoped3A : memref<!tpu.dma_semaphore, #tpu.memory_space<semaphore_mem>>)
      %dma_wait3A_2122 = tpu.memref_slice %arg18[%mul3A_18] : memref<256xf32, #tpu.memory_space<vmem_shared>> -> memref<16xf32, #tpu.memory_space<vmem_shared>>
      %dma_wait3A_2123 = tpu.memref_slice %arg18[%mul3A_18] : memref<256xf32, #tpu.memory_space<vmem_shared>> -> memref<16xf32, #tpu.memory_space<vmem_shared>>
      tpu.wait_dma2 semaphore(%run_scoped3A : memref<!tpu.dma_semaphore, #tpu.memory_space<semaphore_mem>>) src(%arg41 : memref<16xf32, #tpu.memory_space<vmem>>) dst(%dma_wait3A_2123 : memref<16xf32, #tpu.memory_space<vmem_shared>>)
      tpu.yield
    }) : () -> ()
    %dma_wait3A = tpu.memref_slice %arg2[%mul3A_0] : memref<245760xf32, #tpu.memory_space<hbm>> -> memref<3840xf32, #tpu.memory_space<hbm>>
    %dma_wait3A_19 = tpu.memref_slice %arg2[%mul3A_0] : memref<245760xf32, #tpu.memory_space<hbm>> -> memref<3840xf32, #tpu.memory_space<hbm>>
    tpu.wait_dma2 semaphore(%arg42 : memref<!tpu.dma_semaphore, #tpu.memory_space<semaphore_mem>>) src(%dma_wait3A_19 : memref<3840xf32, #tpu.memory_space<hbm>>) dst(%arg10 : memref<3840xf32, #tpu.memory_space<vmem>>)
    %dma_wait3A_20 = tpu.memref_slice %arg2[%add3A_2] : memref<245760xf32, #tpu.memory_space<hbm>> -> memref<3840xf32, #tpu.memory_space<hbm>>
    %dma_wait3A_21 = tpu.memref_slice %arg2[%add3A_2] : memref<245760xf32, #tpu.memory_space<hbm>> -> memref<3840xf32, #tpu.memory_space<hbm>>
    tpu.wait_dma2 semaphore(%arg42 : memref<!tpu.dma_semaphore, #tpu.memory_space<semaphore_mem>>) src(%dma_wait3A_21 : memref<3840xf32, #tpu.memory_space<hbm>>) dst(%arg11 : memref<3840xf32, #tpu.memory_space<vmem>>)
    %dma_wait3A_22 = tpu.memref_slice %arg2[%add3A_6] : memref<245760xf32, #tpu.memory_space<hbm>> -> memref<3840xf32, #tpu.memory_space<hbm>>
    %dma_wait3A_23 = tpu.memref_slice %arg2[%add3A_6] : memref<245760xf32, #tpu.memory_space<hbm>> -> memref<3840xf32, #tpu.memory_space<hbm>>
    tpu.wait_dma2 semaphore(%arg42 : memref<!tpu.dma_semaphore, #tpu.memory_space<semaphore_mem>>) src(%dma_wait3A_23 : memref<3840xf32, #tpu.memory_space<hbm>>) dst(%arg12 : memref<3840xf32, #tpu.memory_space<vmem>>)
    %dma_wait3A_24 = tpu.memref_slice %arg2[%add3A_10] : memref<245760xf32, #tpu.memory_space<hbm>> -> memref<3840xf32, #tpu.memory_space<hbm>>
    %dma_wait3A_25 = tpu.memref_slice %arg2[%add3A_10] : memref<245760xf32, #tpu.memory_space<hbm>> -> memref<3840xf32, #tpu.memory_space<hbm>>
    tpu.wait_dma2 semaphore(%arg42 : memref<!tpu.dma_semaphore, #tpu.memory_space<semaphore_mem>>) src(%dma_wait3A_25 : memref<3840xf32, #tpu.memory_space<hbm>>) dst(%arg13 : memref<3840xf32, #tpu.memory_space<vmem>>)
    %dma_wait3A_26 = tpu.memref_slice %arg3[%mul3A_0] : memref<61440xi32, #tpu.memory_space<hbm>> -> memref<3840xi32, #tpu.memory_space<hbm>>
    %dma_wait3A_27 = tpu.memref_slice %arg3[%mul3A_0] : memref<61440xi32, #tpu.memory_space<hbm>> -> memref<3840xi32, #tpu.memory_space<hbm>>
    tpu.wait_dma2 semaphore(%arg42 : memref<!tpu.dma_semaphore, #tpu.memory_space<semaphore_mem>>) src(%dma_wait3A_27 : memref<3840xi32, #tpu.memory_space<hbm>>) dst(%arg14 : memref<3840xi32, #tpu.memory_space<vmem>>)
    tpu.wait_dma2 semaphore(%arg42 : memref<!tpu.dma_semaphore, #tpu.memory_space<semaphore_mem>>) src(%arg6 : memref<256xi32, #tpu.memory_space<hbm>>) dst(%arg23 : memref<256xi32, #tpu.memory_space<vmem>>)
    tpu.wait_dma2 semaphore(%arg42 : memref<!tpu.dma_semaphore, #tpu.memory_space<semaphore_mem>>) src(%arg7 : memref<1024xf32, #tpu.memory_space<hbm>>) dst(%arg24 : memref<1024xf32, #tpu.memory_space<vmem>>)
    tpu.wait_dma2 semaphore(%arg42 : memref<!tpu.dma_semaphore, #tpu.memory_space<semaphore_mem>>) src(%arg8 : memref<1024xf32, #tpu.memory_space<hbm>>) dst(%arg25 : memref<1024xf32, #tpu.memory_space<vmem>>)
    %barrier3A = arith.constant 0 : index
    tpu.barrier barrier_id(%barrier3A)
    %dma_start3A_28 = arith.constant 0 : i32
    %dma_start3A_29 = tpu.memref_slice %arg15[%dma_start3A_28] : memref<256xf32, #tpu.memory_space<vmem_shared>> -> memref<256xf32, #tpu.memory_space<vmem_shared>>
    tpu.enqueue_indirect_dma source(%arg10 : memref<3840xf32, #tpu.memory_space<vmem>>) target(%dma_start3A_29 : memref<256xf32, #tpu.memory_space<vmem_shared>>) offsets(%arg14 : memref<3840xi32, #tpu.memory_space<vmem>>) semaphore(%arg42 : memref<!tpu.dma_semaphore, #tpu.memory_space<semaphore_mem>>) {add = true}
    %dma_start3A_30 = arith.constant 0 : i32
    %dma_start3A_31 = tpu.memref_slice %arg16[%dma_start3A_30] : memref<256xf32, #tpu.memory_space<vmem_shared>> -> memref<256xf32, #tpu.memory_space<vmem_shared>>
    tpu.enqueue_indirect_dma source(%arg11 : memref<3840xf32, #tpu.memory_space<vmem>>) target(%dma_start3A_31 : memref<256xf32, #tpu.memory_space<vmem_shared>>) offsets(%arg14 : memref<3840xi32, #tpu.memory_space<vmem>>) semaphore(%arg42 : memref<!tpu.dma_semaphore, #tpu.memory_space<semaphore_mem>>) {add = true}
    %dma_start3A_32 = arith.constant 0 : i32
    %dma_start3A_33 = tpu.memref_slice %arg17[%dma_start3A_32] : memref<256xf32, #tpu.memory_space<vmem_shared>> -> memref<256xf32, #tpu.memory_space<vmem_shared>>
    tpu.enqueue_indirect_dma source(%arg12 : memref<3840xf32, #tpu.memory_space<vmem>>) target(%dma_start3A_33 : memref<256xf32, #tpu.memory_space<vmem_shared>>) offsets(%arg14 : memref<3840xi32, #tpu.memory_space<vmem>>) semaphore(%arg42 : memref<!tpu.dma_semaphore, #tpu.memory_space<semaphore_mem>>) {add = true}
    %dma_start3A_34 = arith.constant 0 : i32
    %dma_start3A_35 = tpu.memref_slice %arg18[%dma_start3A_34] : memref<256xf32, #tpu.memory_space<vmem_shared>> -> memref<256xf32, #tpu.memory_space<vmem_shared>>
    tpu.enqueue_indirect_dma source(%arg13 : memref<3840xf32, #tpu.memory_space<vmem>>) target(%dma_start3A_35 : memref<256xf32, #tpu.memory_space<vmem_shared>>) offsets(%arg14 : memref<3840xi32, #tpu.memory_space<vmem>>) semaphore(%arg42 : memref<!tpu.dma_semaphore, #tpu.memory_space<semaphore_mem>>) {add = true}
    %dma_wait3A_36 = arith.constant 0 : i32
    %dma_wait3A_37 = tpu.memref_slice %arg15[%dma_wait3A_36] : memref<256xf32, #tpu.memory_space<vmem_shared>> -> memref<256xf32, #tpu.memory_space<vmem_shared>>
    tpu.wait_indirect_dma semaphore(%arg42 : memref<!tpu.dma_semaphore, #tpu.memory_space<semaphore_mem>>) src(%arg10 : memref<3840xf32, #tpu.memory_space<vmem>>) dst(%dma_wait3A_37 : memref<256xf32, #tpu.memory_space<vmem_shared>>)
    %dma_wait3A_38 = arith.constant 0 : i32
    %dma_wait3A_39 = tpu.memref_slice %arg16[%dma_wait3A_38] : memref<256xf32, #tpu.memory_space<vmem_shared>> -> memref<256xf32, #tpu.memory_space<vmem_shared>>
    tpu.wait_indirect_dma semaphore(%arg42 : memref<!tpu.dma_semaphore, #tpu.memory_space<semaphore_mem>>) src(%arg11 : memref<3840xf32, #tpu.memory_space<vmem>>) dst(%dma_wait3A_39 : memref<256xf32, #tpu.memory_space<vmem_shared>>)
    %dma_wait3A_40 = arith.constant 0 : i32
    %dma_wait3A_41 = tpu.memref_slice %arg17[%dma_wait3A_40] : memref<256xf32, #tpu.memory_space<vmem_shared>> -> memref<256xf32, #tpu.memory_space<vmem_shared>>
    tpu.wait_indirect_dma semaphore(%arg42 : memref<!tpu.dma_semaphore, #tpu.memory_space<semaphore_mem>>) src(%arg12 : memref<3840xf32, #tpu.memory_space<vmem>>) dst(%dma_wait3A_41 : memref<256xf32, #tpu.memory_space<vmem_shared>>)
    %dma_wait3A_42 = arith.constant 0 : i32
    %dma_wait3A_43 = tpu.memref_slice %arg18[%dma_wait3A_42] : memref<256xf32, #tpu.memory_space<vmem_shared>> -> memref<256xf32, #tpu.memory_space<vmem_shared>>
    tpu.wait_indirect_dma semaphore(%arg42 : memref<!tpu.dma_semaphore, #tpu.memory_space<semaphore_mem>>) src(%arg13 : memref<3840xf32, #tpu.memory_space<vmem>>) dst(%dma_wait3A_43 : memref<256xf32, #tpu.memory_space<vmem_shared>>)
    %barrier3A_44 = arith.constant 0 : index
    tpu.barrier barrier_id(%barrier3A_44)
    "tpu.region"() ({
      %run_scoped3A = tpu.sem_alloc : memref<!tpu.dma_semaphore, #tpu.memory_space<semaphore_mem>>
      tpu.enqueue_dma source(%arg15 : memref<256xf32, #tpu.memory_space<vmem_shared>>) target(%arg19 : memref<256xf32, #tpu.memory_space<vmem>>) target_semaphore(%run_scoped3A : memref<!tpu.dma_semaphore, #tpu.memory_space<semaphore_mem>>)
      tpu.wait_dma2 semaphore(%run_scoped3A : memref<!tpu.dma_semaphore, #tpu.memory_space<semaphore_mem>>) src(%arg15 : memref<256xf32, #tpu.memory_space<vmem_shared>>) dst(%arg19 : memref<256xf32, #tpu.memory_space<vmem>>)
      tpu.yield
    }) : () -> ()
    "tpu.region"() ({
      %run_scoped3A = tpu.sem_alloc : memref<!tpu.dma_semaphore, #tpu.memory_space<semaphore_mem>>
      tpu.enqueue_dma source(%arg16 : memref<256xf32, #tpu.memory_space<vmem_shared>>) target(%arg20 : memref<256xf32, #tpu.memory_space<vmem>>) target_semaphore(%run_scoped3A : memref<!tpu.dma_semaphore, #tpu.memory_space<semaphore_mem>>)
      tpu.wait_dma2 semaphore(%run_scoped3A : memref<!tpu.dma_semaphore, #tpu.memory_space<semaphore_mem>>) src(%arg16 : memref<256xf32, #tpu.memory_space<vmem_shared>>) dst(%arg20 : memref<256xf32, #tpu.memory_space<vmem>>)
      tpu.yield
    }) : () -> ()
    "tpu.region"() ({
      %run_scoped3A = tpu.sem_alloc : memref<!tpu.dma_semaphore, #tpu.memory_space<semaphore_mem>>
      tpu.enqueue_dma source(%arg17 : memref<256xf32, #tpu.memory_space<vmem_shared>>) target(%arg21 : memref<256xf32, #tpu.memory_space<vmem>>) target_semaphore(%run_scoped3A : memref<!tpu.dma_semaphore, #tpu.memory_space<semaphore_mem>>)
      tpu.wait_dma2 semaphore(%run_scoped3A : memref<!tpu.dma_semaphore, #tpu.memory_space<semaphore_mem>>) src(%arg17 : memref<256xf32, #tpu.memory_space<vmem_shared>>) dst(%arg21 : memref<256xf32, #tpu.memory_space<vmem>>)
      tpu.yield
    }) : () -> ()
    "tpu.region"() ({
      %run_scoped3A = tpu.sem_alloc : memref<!tpu.dma_semaphore, #tpu.memory_space<semaphore_mem>>
      tpu.enqueue_dma source(%arg18 : memref<256xf32, #tpu.memory_space<vmem_shared>>) target(%arg22 : memref<256xf32, #tpu.memory_space<vmem>>) target_semaphore(%run_scoped3A : memref<!tpu.dma_semaphore, #tpu.memory_space<semaphore_mem>>)
      tpu.wait_dma2 semaphore(%run_scoped3A : memref<!tpu.dma_semaphore, #tpu.memory_space<semaphore_mem>>) src(%arg18 : memref<256xf32, #tpu.memory_space<vmem_shared>>) dst(%arg22 : memref<256xf32, #tpu.memory_space<vmem>>)
      tpu.yield
    }) : () -> ()
    %mul3A_45 = arith.constant 640 : i32
    %mul3A_46 = arith.muli %arg1, %mul3A_45 : i32
    %add3A_47 = arith.constant 50000 : i32
    %add3A_48 = arith.addi %add3A_47, %mul3A_46 : i32
    %dma_start3A_49 = tpu.memref_slice %arg2[%add3A_48] : memref<245760xf32, #tpu.memory_space<hbm>> -> memref<640xf32, #tpu.memory_space<hbm>>
    %dma_start3A_50 = tpu.memref_slice %arg2[%add3A_48] : memref<245760xf32, #tpu.memory_space<hbm>> -> memref<640xf32, #tpu.memory_space<hbm>>
    tpu.enqueue_dma source(%dma_start3A_50 : memref<640xf32, #tpu.memory_space<hbm>>) target(%arg31 : memref<640xf32, #tpu.memory_space<vmem>>) target_semaphore(%arg42 : memref<!tpu.dma_semaphore, #tpu.memory_space<semaphore_mem>>)
    %add3A_51 = arith.constant 111440 : i32
    %add3A_52 = arith.addi %add3A_51, %mul3A_46 : i32
    %dma_start3A_53 = tpu.memref_slice %arg2[%add3A_52] : memref<245760xf32, #tpu.memory_space<hbm>> -> memref<640xf32, #tpu.memory_space<hbm>>
    %dma_start3A_54 = tpu.memref_slice %arg2[%add3A_52] : memref<245760xf32, #tpu.memory_space<hbm>> -> memref<640xf32, #tpu.memory_space<hbm>>
    tpu.enqueue_dma source(%dma_start3A_54 : memref<640xf32, #tpu.memory_space<hbm>>) target(%arg32 : memref<640xf32, #tpu.memory_space<vmem>>) target_semaphore(%arg42 : memref<!tpu.dma_semaphore, #tpu.memory_space<semaphore_mem>>)
    %add3A_55 = arith.constant 172880 : i32
    %add3A_56 = arith.addi %add3A_55, %mul3A_46 : i32
    %dma_start3A_57 = tpu.memref_slice %arg2[%add3A_56] : memref<245760xf32, #tpu.memory_space<hbm>> -> memref<640xf32, #tpu.memory_space<hbm>>
    %dma_start3A_58 = tpu.memref_slice %arg2[%add3A_56] : memref<245760xf32, #tpu.memory_space<hbm>> -> memref<640xf32, #tpu.memory_space<hbm>>
    tpu.enqueue_dma source(%dma_start3A_58 : memref<640xf32, #tpu.memory_space<hbm>>) target(%arg33 : memref<640xf32, #tpu.memory_space<vmem>>) target_semaphore(%arg42 : memref<!tpu.dma_semaphore, #tpu.memory_space<semaphore_mem>>)
    %dma_start3A_59 = tpu.memref_slice %arg4[%mul3A_46] : memref<30720xf32, #tpu.memory_space<hbm>> -> memref<640xf32, #tpu.memory_space<hbm>>
    %dma_start3A_60 = tpu.memref_slice %arg4[%mul3A_46] : memref<30720xf32, #tpu.memory_space<hbm>> -> memref<640xf32, #tpu.memory_space<hbm>>
    tpu.enqueue_dma source(%dma_start3A_60 : memref<640xf32, #tpu.memory_space<hbm>>) target(%arg34 : memref<640xf32, #tpu.memory_space<vmem>>) target_semaphore(%arg42 : memref<!tpu.dma_semaphore, #tpu.memory_space<semaphore_mem>>)
    %add3A_61 = arith.constant 10240 : i32
    %add3A_62 = arith.addi %add3A_61, %mul3A_46 : i32
    %dma_start3A_63 = tpu.memref_slice %arg4[%add3A_62] : memref<30720xf32, #tpu.memory_space<hbm>> -> memref<640xf32, #tpu.memory_space<hbm>>
    %dma_start3A_64 = tpu.memref_slice %arg4[%add3A_62] : memref<30720xf32, #tpu.memory_space<hbm>> -> memref<640xf32, #tpu.memory_space<hbm>>
    tpu.enqueue_dma source(%dma_start3A_64 : memref<640xf32, #tpu.memory_space<hbm>>) target(%arg35 : memref<640xf32, #tpu.memory_space<vmem>>) target_semaphore(%arg42 : memref<!tpu.dma_semaphore, #tpu.memory_space<semaphore_mem>>)
    %add3A_65 = arith.constant 20480 : i32
    %add3A_66 = arith.addi %add3A_65, %mul3A_46 : i32
    %dma_start3A_67 = tpu.memref_slice %arg4[%add3A_66] : memref<30720xf32, #tpu.memory_space<hbm>> -> memref<640xf32, #tpu.memory_space<hbm>>
    %dma_start3A_68 = tpu.memref_slice %arg4[%add3A_66] : memref<30720xf32, #tpu.memory_space<hbm>> -> memref<640xf32, #tpu.memory_space<hbm>>
    tpu.enqueue_dma source(%dma_start3A_68 : memref<640xf32, #tpu.memory_space<hbm>>) target(%arg36 : memref<640xf32, #tpu.memory_space<vmem>>) target_semaphore(%arg42 : memref<!tpu.dma_semaphore, #tpu.memory_space<semaphore_mem>>)
    %dma_start3A_69 = tpu.memref_slice %arg5[%mul3A_46] : memref<10240xi32, #tpu.memory_space<hbm>> -> memref<640xi32, #tpu.memory_space<hbm>>
    %dma_start3A_70 = tpu.memref_slice %arg5[%mul3A_46] : memref<10240xi32, #tpu.memory_space<hbm>> -> memref<640xi32, #tpu.memory_space<hbm>>
    tpu.enqueue_dma source(%dma_start3A_70 : memref<640xi32, #tpu.memory_space<hbm>>) target(%arg37 : memref<640xi32, #tpu.memory_space<vmem>>) target_semaphore(%arg42 : memref<!tpu.dma_semaphore, #tpu.memory_space<semaphore_mem>>)
    %get3A = arith.constant 0 : index
    %get3A_71 = tpu.vector_load %arg22[%get3A] {strides = array<i32>} : memref<256xf32, #tpu.memory_space<vmem>>, vector<16xf32>,
    %max3A = arith.constant 1.000000e+00 : f32
    %max3A_72 = vector.broadcast %max3A : f32 to vector<16xf32>
    %max3A_73 = arith.maximumf %get3A_71, %max3A_72 : vector<16xf32>
    %div3A = arith.constant 1.000000e+00 : f32
    %div3A_74 = vector.broadcast %div3A : f32 to vector<16xf32>
    %div3A_75 = arith.divf %div3A_74, %max3A_73 : vector<16xf32>
    %get3A_76 = arith.constant 0 : index
    %get3A_77 = tpu.vector_load %arg23[%get3A_76] {strides = array<i32>} : memref<256xi32, #tpu.memory_space<vmem>>, vector<16xi32>,
    %gather3A = tpu.vector_load_idx %arg24[%get3A_77] : memref<1024xf32, #tpu.memory_space<vmem>>[vector<16xi32>], vector<16xf32>,
    %gather3A_78 = tpu.vector_load_idx %arg25[%get3A_77] : memref<1024xf32, #tpu.memory_space<vmem>>[vector<16xi32>], vector<16xf32>,
    %swap3A_79 = arith.constant 0 : index
    %swap3A_80 = tpu.vector_load %arg26[%swap3A_79] {strides = array<i32>} : memref<256xf32, #tpu.memory_space<vmem>>, vector<16xf32>,
    tpu.vector_store %arg26[%swap3A_79], %gather3A {strides = array<i32>} : memref<256xf32, #tpu.memory_space<vmem>>, vector<16xf32>,
    %swap3A_81 = arith.constant 0 : index
    %swap3A_82 = tpu.vector_load %arg27[%swap3A_81] {strides = array<i32>} : memref<256xf32, #tpu.memory_space<vmem>>, vector<16xf32>,
    tpu.vector_store %arg27[%swap3A_81], %gather3A_78 {strides = array<i32>} : memref<256xf32, #tpu.memory_space<vmem>>, vector<16xf32>,
    %get3A_83 = arith.constant 0 : index
    %get3A_84 = tpu.vector_load %arg19[%get3A_83] {strides = array<i32>} : memref<256xf32, #tpu.memory_space<vmem>>, vector<16xf32>,
    %mul3A_85 = arith.mulf %gather3A, %get3A_84 : vector<16xf32>
    %mul3A_86 = arith.mulf %mul3A_85, %div3A_75 : vector<16xf32>
    %swap3A_87 = arith.constant 0 : index
    %swap3A_88 = tpu.vector_load %arg28[%swap3A_87] {strides = array<i32>} : memref<256xf32, #tpu.memory_space<vmem>>, vector<16xf32>,
    tpu.vector_store %arg28[%swap3A_87], %mul3A_86 {strides = array<i32>} : memref<256xf32, #tpu.memory_space<vmem>>, vector<16xf32>,
    %get3A_89 = arith.constant 0 : index
    %get3A_90 = tpu.vector_load %arg20[%get3A_89] {strides = array<i32>} : memref<256xf32, #tpu.memory_space<vmem>>, vector<16xf32>,
    %mul3A_91 = arith.mulf %gather3A, %get3A_90 : vector<16xf32>
    %mul3A_92 = arith.mulf %mul3A_91, %div3A_75 : vector<16xf32>
    %swap3A_93 = arith.constant 0 : index
    %swap3A_94 = tpu.vector_load %arg29[%swap3A_93] {strides = array<i32>} : memref<256xf32, #tpu.memory_space<vmem>>, vector<16xf32>,
    tpu.vector_store %arg29[%swap3A_93], %mul3A_92 {strides = array<i32>} : memref<256xf32, #tpu.memory_space<vmem>>, vector<16xf32>,
    %get3A_95 = arith.constant 0 : index
    %get3A_96 = tpu.vector_load %arg21[%get3A_95] {strides = array<i32>} : memref<256xf32, #tpu.memory_space<vmem>>, vector<16xf32>,
    %mul3A_97 = arith.mulf %gather3A, %get3A_96 : vector<16xf32>
    %mul3A_98 = arith.mulf %mul3A_97, %div3A_75 : vector<16xf32>
    %swap3A_99 = arith.constant 0 : index
    %swap3A_100 = tpu.vector_load %arg30[%swap3A_99] {strides = array<i32>} : memref<256xf32, #tpu.memory_space<vmem>>, vector<16xf32>,
    tpu.vector_store %arg30[%swap3A_99], %mul3A_98 {strides = array<i32>} : memref<256xf32, #tpu.memory_space<vmem>>, vector<16xf32>,
    %get3A_101 = arith.constant 16 : index
    %get3A_102 = tpu.vector_load %arg22[%get3A_101] {strides = array<i32>} : memref<256xf32, #tpu.memory_space<vmem>>, vector<16xf32>,
    %max3A_103 = arith.constant 1.000000e+00 : f32
    %max3A_104 = vector.broadcast %max3A_103 : f32 to vector<16xf32>
    %max3A_105 = arith.maximumf %get3A_102, %max3A_104 : vector<16xf32>
    %div3A_106 = arith.constant 1.000000e+00 : f32
    %div3A_107 = vector.broadcast %div3A_106 : f32 to vector<16xf32>
    %div3A_108 = arith.divf %div3A_107, %max3A_105 : vector<16xf32>
    %get3A_109 = arith.constant 16 : index
    %get3A_110 = tpu.vector_load %arg23[%get3A_109] {strides = array<i32>} : memref<256xi32, #tpu.memory_space<vmem>>, vector<16xi32>,
    %gather3A_111 = tpu.vector_load_idx %arg24[%get3A_110] : memref<1024xf32, #tpu.memory_space<vmem>>[vector<16xi32>], vector<16xf32>,
    %gather3A_112 = tpu.vector_load_idx %arg25[%get3A_110] : memref<1024xf32, #tpu.memory_space<vmem>>[vector<16xi32>], vector<16xf32>,
    %swap3A_113 = arith.constant 16 : index
    %swap3A_114 = tpu.vector_load %arg26[%swap3A_113] {strides = array<i32>} : memref<256xf32, #tpu.memory_space<vmem>>, vector<16xf32>,
    tpu.vector_store %arg26[%swap3A_113], %gather3A_111 {strides = array<i32>} : memref<256xf32, #tpu.memory_space<vmem>>, vector<16xf32>,
    %swap3A_115 = arith.constant 16 : index
    %swap3A_116 = tpu.vector_load %arg27[%swap3A_115] {strides = array<i32>} : memref<256xf32, #tpu.memory_space<vmem>>, vector<16xf32>,
    tpu.vector_store %arg27[%swap3A_115], %gather3A_112 {strides = array<i32>} : memref<256xf32, #tpu.memory_space<vmem>>, vector<16xf32>,
    %get3A_117 = arith.constant 16 : index
    %get3A_118 = tpu.vector_load %arg19[%get3A_117] {strides = array<i32>} : memref<256xf32, #tpu.memory_space<vmem>>, vector<16xf32>,
    %mul3A_119 = arith.mulf %gather3A_111, %get3A_118 : vector<16xf32>
    %mul3A_120 = arith.mulf %mul3A_119, %div3A_108 : vector<16xf32>
    %swap3A_121 = arith.constant 16 : index
    %swap3A_122 = tpu.vector_load %arg28[%swap3A_121] {strides = array<i32>} : memref<256xf32, #tpu.memory_space<vmem>>, vector<16xf32>,
    tpu.vector_store %arg28[%swap3A_121], %mul3A_120 {strides = array<i32>} : memref<256xf32, #tpu.memory_space<vmem>>, vector<16xf32>,
    %get3A_123 = arith.constant 16 : index
    %get3A_124 = tpu.vector_load %arg20[%get3A_123] {strides = array<i32>} : memref<256xf32, #tpu.memory_space<vmem>>, vector<16xf32>,
    %mul3A_125 = arith.mulf %gather3A_111, %get3A_124 : vector<16xf32>
    %mul3A_126 = arith.mulf %mul3A_125, %div3A_108 : vector<16xf32>
    %swap3A_127 = arith.constant 16 : index
    %swap3A_128 = tpu.vector_load %arg29[%swap3A_127] {strides = array<i32>} : memref<256xf32, #tpu.memory_space<vmem>>, vector<16xf32>,
    tpu.vector_store %arg29[%swap3A_127], %mul3A_126 {strides = array<i32>} : memref<256xf32, #tpu.memory_space<vmem>>, vector<16xf32>,
    %get3A_129 = arith.constant 16 : index
    %get3A_130 = tpu.vector_load %arg21[%get3A_129] {strides = array<i32>} : memref<256xf32, #tpu.memory_space<vmem>>, vector<16xf32>,
    %mul3A_131 = arith.mulf %gather3A_111, %get3A_130 : vector<16xf32>
    %mul3A_132 = arith.mulf %mul3A_131, %div3A_108 : vector<16xf32>
    %swap3A_133 = arith.constant 16 : index
    %swap3A_134 = tpu.vector_load %arg30[%swap3A_133] {strides = array<i32>} : memref<256xf32, #tpu.memory_space<vmem>>, vector<16xf32>,
    tpu.vector_store %arg30[%swap3A_133], %mul3A_132 {strides = array<i32>} : memref<256xf32, #tpu.memory_space<vmem>>, vector<16xf32>,
    %get3A_135 = arith.constant 32 : index
    %get3A_136 = tpu.vector_load %arg22[%get3A_135] {strides = array<i32>} : memref<256xf32, #tpu.memory_space<vmem>>, vector<16xf32>,
    %max3A_137 = arith.constant 1.000000e+00 : f32
    %max3A_138 = vector.broadcast %max3A_137 : f32 to vector<16xf32>
    %max3A_139 = arith.maximumf %get3A_136, %max3A_138 : vector<16xf32>
    %div3A_140 = arith.constant 1.000000e+00 : f32
    %div3A_141 = vector.broadcast %div3A_140 : f32 to vector<16xf32>
    %div3A_142 = arith.divf %div3A_141, %max3A_139 : vector<16xf32>
    %get3A_143 = arith.constant 32 : index
    %get3A_144 = tpu.vector_load %arg23[%get3A_143] {strides = array<i32>} : memref<256xi32, #tpu.memory_space<vmem>>, vector<16xi32>,
    %gather3A_145 = tpu.vector_load_idx %arg24[%get3A_144] : memref<1024xf32, #tpu.memory_space<vmem>>[vector<16xi32>], vector<16xf32>,
    %gather3A_146 = tpu.vector_load_idx %arg25[%get3A_144] : memref<1024xf32, #tpu.memory_space<vmem>>[vector<16xi32>], vector<16xf32>,
    %swap3A_147 = arith.constant 32 : index
    %swap3A_148 = tpu.vector_load %arg26[%swap3A_147] {strides = array<i32>} : memref<256xf32, #tpu.memory_space<vmem>>, vector<16xf32>,
    tpu.vector_store %arg26[%swap3A_147], %gather3A_145 {strides = array<i32>} : memref<256xf32, #tpu.memory_space<vmem>>, vector<16xf32>,
    %swap3A_149 = arith.constant 32 : index
    %swap3A_150 = tpu.vector_load %arg27[%swap3A_149] {strides = array<i32>} : memref<256xf32, #tpu.memory_space<vmem>>, vector<16xf32>,
    tpu.vector_store %arg27[%swap3A_149], %gather3A_146 {strides = array<i32>} : memref<256xf32, #tpu.memory_space<vmem>>, vector<16xf32>,
    %get3A_151 = arith.constant 32 : index
    %get3A_152 = tpu.vector_load %arg19[%get3A_151] {strides = array<i32>} : memref<256xf32, #tpu.memory_space<vmem>>, vector<16xf32>,
    %mul3A_153 = arith.mulf %gather3A_145, %get3A_152 : vector<16xf32>
    %mul3A_154 = arith.mulf %mul3A_153, %div3A_142 : vector<16xf32>
    %swap3A_155 = arith.constant 32 : index
    %swap3A_156 = tpu.vector_load %arg28[%swap3A_155] {strides = array<i32>} : memref<256xf32, #tpu.memory_space<vmem>>, vector<16xf32>,
    tpu.vector_store %arg28[%swap3A_155], %mul3A_154 {strides = array<i32>} : memref<256xf32, #tpu.memory_space<vmem>>, vector<16xf32>,
    %get3A_157 = arith.constant 32 : index
    %get3A_158 = tpu.vector_load %arg20[%get3A_157] {strides = array<i32>} : memref<256xf32, #tpu.memory_space<vmem>>, vector<16xf32>,
    %mul3A_159 = arith.mulf %gather3A_145, %get3A_158 : vector<16xf32>
    %mul3A_160 = arith.mulf %mul3A_159, %div3A_142 : vector<16xf32>
    %swap3A_161 = arith.constant 32 : index
    %swap3A_162 = tpu.vector_load %arg29[%swap3A_161] {strides = array<i32>} : memref<256xf32, #tpu.memory_space<vmem>>, vector<16xf32>,
    tpu.vector_store %arg29[%swap3A_161], %mul3A_160 {strides = array<i32>} : memref<256xf32, #tpu.memory_space<vmem>>, vector<16xf32>,
    %get3A_163 = arith.constant 32 : index
    %get3A_164 = tpu.vector_load %arg21[%get3A_163] {strides = array<i32>} : memref<256xf32, #tpu.memory_space<vmem>>, vector<16xf32>,
    %mul3A_165 = arith.mulf %gather3A_145, %get3A_164 : vector<16xf32>
    %mul3A_166 = arith.mulf %mul3A_165, %div3A_142 : vector<16xf32>
    %swap3A_167 = arith.constant 32 : index
    %swap3A_168 = tpu.vector_load %arg30[%swap3A_167] {strides = array<i32>} : memref<256xf32, #tpu.memory_space<vmem>>, vector<16xf32>,
    tpu.vector_store %arg30[%swap3A_167], %mul3A_166 {strides = array<i32>} : memref<256xf32, #tpu.memory_space<vmem>>, vector<16xf32>,
    %get3A_169 = arith.constant 48 : index
    %get3A_170 = tpu.vector_load %arg22[%get3A_169] {strides = array<i32>} : memref<256xf32, #tpu.memory_space<vmem>>, vector<16xf32>,
    %max3A_171 = arith.constant 1.000000e+00 : f32
    %max3A_172 = vector.broadcast %max3A_171 : f32 to vector<16xf32>
    %max3A_173 = arith.maximumf %get3A_170, %max3A_172 : vector<16xf32>
    %div3A_174 = arith.constant 1.000000e+00 : f32
    %div3A_175 = vector.broadcast %div3A_174 : f32 to vector<16xf32>
    %div3A_176 = arith.divf %div3A_175, %max3A_173 : vector<16xf32>
    %get3A_177 = arith.constant 48 : index
    %get3A_178 = tpu.vector_load %arg23[%get3A_177] {strides = array<i32>} : memref<256xi32, #tpu.memory_space<vmem>>, vector<16xi32>,
    %gather3A_179 = tpu.vector_load_idx %arg24[%get3A_178] : memref<1024xf32, #tpu.memory_space<vmem>>[vector<16xi32>], vector<16xf32>,
    %gather3A_180 = tpu.vector_load_idx %arg25[%get3A_178] : memref<1024xf32, #tpu.memory_space<vmem>>[vector<16xi32>], vector<16xf32>,
    %swap3A_181 = arith.constant 48 : index
    %swap3A_182 = tpu.vector_load %arg26[%swap3A_181] {strides = array<i32>} : memref<256xf32, #tpu.memory_space<vmem>>, vector<16xf32>,
    tpu.vector_store %arg26[%swap3A_181], %gather3A_179 {strides = array<i32>} : memref<256xf32, #tpu.memory_space<vmem>>, vector<16xf32>,
    %swap3A_183 = arith.constant 48 : index
    %swap3A_184 = tpu.vector_load %arg27[%swap3A_183] {strides = array<i32>} : memref<256xf32, #tpu.memory_space<vmem>>, vector<16xf32>,
    tpu.vector_store %arg27[%swap3A_183], %gather3A_180 {strides = array<i32>} : memref<256xf32, #tpu.memory_space<vmem>>, vector<16xf32>,
    %get3A_185 = arith.constant 48 : index
    %get3A_186 = tpu.vector_load %arg19[%get3A_185] {strides = array<i32>} : memref<256xf32, #tpu.memory_space<vmem>>, vector<16xf32>,
    %mul3A_187 = arith.mulf %gather3A_179, %get3A_186 : vector<16xf32>
    %mul3A_188 = arith.mulf %mul3A_187, %div3A_176 : vector<16xf32>
    %swap3A_189 = arith.constant 48 : index
    %swap3A_190 = tpu.vector_load %arg28[%swap3A_189] {strides = array<i32>} : memref<256xf32, #tpu.memory_space<vmem>>, vector<16xf32>,
    tpu.vector_store %arg28[%swap3A_189], %mul3A_188 {strides = array<i32>} : memref<256xf32, #tpu.memory_space<vmem>>, vector<16xf32>,
    %get3A_191 = arith.constant 48 : index
    %get3A_192 = tpu.vector_load %arg20[%get3A_191] {strides = array<i32>} : memref<256xf32, #tpu.memory_space<vmem>>, vector<16xf32>,
    %mul3A_193 = arith.mulf %gather3A_179, %get3A_192 : vector<16xf32>
    %mul3A_194 = arith.mulf %mul3A_193, %div3A_176 : vector<16xf32>
    %swap3A_195 = arith.constant 48 : index
    %swap3A_196 = tpu.vector_load %arg29[%swap3A_195] {strides = array<i32>} : memref<256xf32, #tpu.memory_space<vmem>>, vector<16xf32>,
    tpu.vector_store %arg29[%swap3A_195], %mul3A_194 {strides = array<i32>} : memref<256xf32, #tpu.memory_space<vmem>>, vector<16xf32>,
    %get3A_197 = arith.constant 48 : index
    %get3A_198 = tpu.vector_load %arg21[%get3A_197] {strides = array<i32>} : memref<256xf32, #tpu.memory_space<vmem>>, vector<16xf32>,
    %mul3A_199 = arith.mulf %gather3A_179, %get3A_198 : vector<16xf32>
    %mul3A_200 = arith.mulf %mul3A_199, %div3A_176 : vector<16xf32>
    %swap3A_201 = arith.constant 48 : index
    %swap3A_202 = tpu.vector_load %arg30[%swap3A_201] {strides = array<i32>} : memref<256xf32, #tpu.memory_space<vmem>>, vector<16xf32>,
    tpu.vector_store %arg30[%swap3A_201], %mul3A_200 {strides = array<i32>} : memref<256xf32, #tpu.memory_space<vmem>>, vector<16xf32>,
    %get3A_203 = arith.constant 64 : index
    %get3A_204 = tpu.vector_load %arg22[%get3A_203] {strides = array<i32>} : memref<256xf32, #tpu.memory_space<vmem>>, vector<16xf32>,
    %max3A_205 = arith.constant 1.000000e+00 : f32
    %max3A_206 = vector.broadcast %max3A_205 : f32 to vector<16xf32>
    %max3A_207 = arith.maximumf %get3A_204, %max3A_206 : vector<16xf32>
    %div3A_208 = arith.constant 1.000000e+00 : f32
    %div3A_209 = vector.broadcast %div3A_208 : f32 to vector<16xf32>
    %div3A_210 = arith.divf %div3A_209, %max3A_207 : vector<16xf32>
    %get3A_211 = arith.constant 64 : index
    %get3A_212 = tpu.vector_load %arg23[%get3A_211] {strides = array<i32>} : memref<256xi32, #tpu.memory_space<vmem>>, vector<16xi32>,
    %gather3A_213 = tpu.vector_load_idx %arg24[%get3A_212] : memref<1024xf32, #tpu.memory_space<vmem>>[vector<16xi32>], vector<16xf32>,
    %gather3A_214 = tpu.vector_load_idx %arg25[%get3A_212] : memref<1024xf32, #tpu.memory_space<vmem>>[vector<16xi32>], vector<16xf32>,
    %swap3A_215 = arith.constant 64 : index
    %swap3A_216 = tpu.vector_load %arg26[%swap3A_215] {strides = array<i32>} : memref<256xf32, #tpu.memory_space<vmem>>, vector<16xf32>,
    tpu.vector_store %arg26[%swap3A_215], %gather3A_213 {strides = array<i32>} : memref<256xf32, #tpu.memory_space<vmem>>, vector<16xf32>,
    %swap3A_217 = arith.constant 64 : index
    %swap3A_218 = tpu.vector_load %arg27[%swap3A_217] {strides = array<i32>} : memref<256xf32, #tpu.memory_space<vmem>>, vector<16xf32>,
    tpu.vector_store %arg27[%swap3A_217], %gather3A_214 {strides = array<i32>} : memref<256xf32, #tpu.memory_space<vmem>>, vector<16xf32>,
    %get3A_219 = arith.constant 64 : index
    %get3A_220 = tpu.vector_load %arg19[%get3A_219] {strides = array<i32>} : memref<256xf32, #tpu.memory_space<vmem>>, vector<16xf32>,
    %mul3A_221 = arith.mulf %gather3A_213, %get3A_220 : vector<16xf32>
    %mul3A_222 = arith.mulf %mul3A_221, %div3A_210 : vector<16xf32>
    %swap3A_223 = arith.constant 64 : index
    %swap3A_224 = tpu.vector_load %arg28[%swap3A_223] {strides = array<i32>} : memref<256xf32, #tpu.memory_space<vmem>>, vector<16xf32>,
    tpu.vector_store %arg28[%swap3A_223], %mul3A_222 {strides = array<i32>} : memref<256xf32, #tpu.memory_space<vmem>>, vector<16xf32>,
    %get3A_225 = arith.constant 64 : index
    %get3A_226 = tpu.vector_load %arg20[%get3A_225] {strides = array<i32>} : memref<256xf32, #tpu.memory_space<vmem>>, vector<16xf32>,
    %mul3A_227 = arith.mulf %gather3A_213, %get3A_226 : vector<16xf32>
    %mul3A_228 = arith.mulf %mul3A_227, %div3A_210 : vector<16xf32>
    %swap3A_229 = arith.constant 64 : index
    %swap3A_230 = tpu.vector_load %arg29[%swap3A_229] {strides = array<i32>} : memref<256xf32, #tpu.memory_space<vmem>>, vector<16xf32>,
    tpu.vector_store %arg29[%swap3A_229], %mul3A_228 {strides = array<i32>} : memref<256xf32, #tpu.memory_space<vmem>>, vector<16xf32>,
    %get3A_231 = arith.constant 64 : index
    %get3A_232 = tpu.vector_load %arg21[%get3A_231] {strides = array<i32>} : memref<256xf32, #tpu.memory_space<vmem>>, vector<16xf32>,
    %mul3A_233 = arith.mulf %gather3A_213, %get3A_232 : vector<16xf32>
    %mul3A_234 = arith.mulf %mul3A_233, %div3A_210 : vector<16xf32>
    %swap3A_235 = arith.constant 64 : index
    %swap3A_236 = tpu.vector_load %arg30[%swap3A_235] {strides = array<i32>} : memref<256xf32, #tpu.memory_space<vmem>>, vector<16xf32>,
    tpu.vector_store %arg30[%swap3A_235], %mul3A_234 {strides = array<i32>} : memref<256xf32, #tpu.memory_space<vmem>>, vector<16xf32>,
    %get3A_237 = arith.constant 80 : index
    %get3A_238 = tpu.vector_load %arg22[%get3A_237] {strides = array<i32>} : memref<256xf32, #tpu.memory_space<vmem>>, vector<16xf32>,
    %max3A_239 = arith.constant 1.000000e+00 : f32
    %max3A_240 = vector.broadcast %max3A_239 : f32 to vector<16xf32>
    %max3A_241 = arith.maximumf %get3A_238, %max3A_240 : vector<16xf32>
    %div3A_242 = arith.constant 1.000000e+00 : f32
    %div3A_243 = vector.broadcast %div3A_242 : f32 to vector<16xf32>
    %div3A_244 = arith.divf %div3A_243, %max3A_241 : vector<16xf32>
    %get3A_245 = arith.constant 80 : index
    %get3A_246 = tpu.vector_load %arg23[%get3A_245] {strides = array<i32>} : memref<256xi32, #tpu.memory_space<vmem>>, vector<16xi32>,
    %gather3A_247 = tpu.vector_load_idx %arg24[%get3A_246] : memref<1024xf32, #tpu.memory_space<vmem>>[vector<16xi32>], vector<16xf32>,
    %gather3A_248 = tpu.vector_load_idx %arg25[%get3A_246] : memref<1024xf32, #tpu.memory_space<vmem>>[vector<16xi32>], vector<16xf32>,
    %swap3A_249 = arith.constant 80 : index
    %swap3A_250 = tpu.vector_load %arg26[%swap3A_249] {strides = array<i32>} : memref<256xf32, #tpu.memory_space<vmem>>, vector<16xf32>,
    tpu.vector_store %arg26[%swap3A_249], %gather3A_247 {strides = array<i32>} : memref<256xf32, #tpu.memory_space<vmem>>, vector<16xf32>,
    %swap3A_251 = arith.constant 80 : index
    %swap3A_252 = tpu.vector_load %arg27[%swap3A_251] {strides = array<i32>} : memref<256xf32, #tpu.memory_space<vmem>>, vector<16xf32>,
    tpu.vector_store %arg27[%swap3A_251], %gather3A_248 {strides = array<i32>} : memref<256xf32, #tpu.memory_space<vmem>>, vector<16xf32>,
    %get3A_253 = arith.constant 80 : index
    %get3A_254 = tpu.vector_load %arg19[%get3A_253] {strides = array<i32>} : memref<256xf32, #tpu.memory_space<vmem>>, vector<16xf32>,
    %mul3A_255 = arith.mulf %gather3A_247, %get3A_254 : vector<16xf32>
    %mul3A_256 = arith.mulf %mul3A_255, %div3A_244 : vector<16xf32>
    %swap3A_257 = arith.constant 80 : index
    %swap3A_258 = tpu.vector_load %arg28[%swap3A_257] {strides = array<i32>} : memref<256xf32, #tpu.memory_space<vmem>>, vector<16xf32>,
    tpu.vector_store %arg28[%swap3A_257], %mul3A_256 {strides = array<i32>} : memref<256xf32, #tpu.memory_space<vmem>>, vector<16xf32>,
    %get3A_259 = arith.constant 80 : index
    %get3A_260 = tpu.vector_load %arg20[%get3A_259] {strides = array<i32>} : memref<256xf32, #tpu.memory_space<vmem>>, vector<16xf32>,
    %mul3A_261 = arith.mulf %gather3A_247, %get3A_260 : vector<16xf32>
    %mul3A_262 = arith.mulf %mul3A_261, %div3A_244 : vector<16xf32>
    %swap3A_263 = arith.constant 80 : index
    %swap3A_264 = tpu.vector_load %arg29[%swap3A_263] {strides = array<i32>} : memref<256xf32, #tpu.memory_space<vmem>>, vector<16xf32>,
    tpu.vector_store %arg29[%swap3A_263], %mul3A_262 {strides = array<i32>} : memref<256xf32, #tpu.memory_space<vmem>>, vector<16xf32>,
    %get3A_265 = arith.constant 80 : index
    %get3A_266 = tpu.vector_load %arg21[%get3A_265] {strides = array<i32>} : memref<256xf32, #tpu.memory_space<vmem>>, vector<16xf32>,
    %mul3A_267 = arith.mulf %gather3A_247, %get3A_266 : vector<16xf32>
    %mul3A_268 = arith.mulf %mul3A_267, %div3A_244 : vector<16xf32>
    %swap3A_269 = arith.constant 80 : index
    %swap3A_270 = tpu.vector_load %arg30[%swap3A_269] {strides = array<i32>} : memref<256xf32, #tpu.memory_space<vmem>>, vector<16xf32>,
    tpu.vector_store %arg30[%swap3A_269], %mul3A_268 {strides = array<i32>} : memref<256xf32, #tpu.memory_space<vmem>>, vector<16xf32>,
    %get3A_271 = arith.constant 96 : index
    %get3A_272 = tpu.vector_load %arg22[%get3A_271] {strides = array<i32>} : memref<256xf32, #tpu.memory_space<vmem>>, vector<16xf32>,
    %max3A_273 = arith.constant 1.000000e+00 : f32
    %max3A_274 = vector.broadcast %max3A_273 : f32 to vector<16xf32>
    %max3A_275 = arith.maximumf %get3A_272, %max3A_274 : vector<16xf32>
    %div3A_276 = arith.constant 1.000000e+00 : f32
    %div3A_277 = vector.broadcast %div3A_276 : f32 to vector<16xf32>
    %div3A_278 = arith.divf %div3A_277, %max3A_275 : vector<16xf32>
    %get3A_279 = arith.constant 96 : index
    %get3A_280 = tpu.vector_load %arg23[%get3A_279] {strides = array<i32>} : memref<256xi32, #tpu.memory_space<vmem>>, vector<16xi32>,
    %gather3A_281 = tpu.vector_load_idx %arg24[%get3A_280] : memref<1024xf32, #tpu.memory_space<vmem>>[vector<16xi32>], vector<16xf32>,
    %gather3A_282 = tpu.vector_load_idx %arg25[%get3A_280] : memref<1024xf32, #tpu.memory_space<vmem>>[vector<16xi32>], vector<16xf32>,
    %swap3A_283 = arith.constant 96 : index
    %swap3A_284 = tpu.vector_load %arg26[%swap3A_283] {strides = array<i32>} : memref<256xf32, #tpu.memory_space<vmem>>, vector<16xf32>,
    tpu.vector_store %arg26[%swap3A_283], %gather3A_281 {strides = array<i32>} : memref<256xf32, #tpu.memory_space<vmem>>, vector<16xf32>,
    %swap3A_285 = arith.constant 96 : index
    %swap3A_286 = tpu.vector_load %arg27[%swap3A_285] {strides = array<i32>} : memref<256xf32, #tpu.memory_space<vmem>>, vector<16xf32>,
    tpu.vector_store %arg27[%swap3A_285], %gather3A_282 {strides = array<i32>} : memref<256xf32, #tpu.memory_space<vmem>>, vector<16xf32>,
    %get3A_287 = arith.constant 96 : index
    %get3A_288 = tpu.vector_load %arg19[%get3A_287] {strides = array<i32>} : memref<256xf32, #tpu.memory_space<vmem>>, vector<16xf32>,
    %mul3A_289 = arith.mulf %gather3A_281, %get3A_288 : vector<16xf32>
    %mul3A_290 = arith.mulf %mul3A_289, %div3A_278 : vector<16xf32>
    %swap3A_291 = arith.constant 96 : index
    %swap3A_292 = tpu.vector_load %arg28[%swap3A_291] {strides = array<i32>} : memref<256xf32, #tpu.memory_space<vmem>>, vector<16xf32>,
    tpu.vector_store %arg28[%swap3A_291], %mul3A_290 {strides = array<i32>} : memref<256xf32, #tpu.memory_space<vmem>>, vector<16xf32>,
    %get3A_293 = arith.constant 96 : index
    %get3A_294 = tpu.vector_load %arg20[%get3A_293] {strides = array<i32>} : memref<256xf32, #tpu.memory_space<vmem>>, vector<16xf32>,
    %mul3A_295 = arith.mulf %gather3A_281, %get3A_294 : vector<16xf32>
    %mul3A_296 = arith.mulf %mul3A_295, %div3A_278 : vector<16xf32>
    %swap3A_297 = arith.constant 96 : index
    %swap3A_298 = tpu.vector_load %arg29[%swap3A_297] {strides = array<i32>} : memref<256xf32, #tpu.memory_space<vmem>>, vector<16xf32>,
    tpu.vector_store %arg29[%swap3A_297], %mul3A_296 {strides = array<i32>} : memref<256xf32, #tpu.memory_space<vmem>>, vector<16xf32>,
    %get3A_299 = arith.constant 96 : index
    %get3A_300 = tpu.vector_load %arg21[%get3A_299] {strides = array<i32>} : memref<256xf32, #tpu.memory_space<vmem>>, vector<16xf32>,
    %mul3A_301 = arith.mulf %gather3A_281, %get3A_300 : vector<16xf32>
    %mul3A_302 = arith.mulf %mul3A_301, %div3A_278 : vector<16xf32>
    %swap3A_303 = arith.constant 96 : index
    %swap3A_304 = tpu.vector_load %arg30[%swap3A_303] {strides = array<i32>} : memref<256xf32, #tpu.memory_space<vmem>>, vector<16xf32>,
    tpu.vector_store %arg30[%swap3A_303], %mul3A_302 {strides = array<i32>} : memref<256xf32, #tpu.memory_space<vmem>>, vector<16xf32>,
    %get3A_305 = arith.constant 112 : index
    %get3A_306 = tpu.vector_load %arg22[%get3A_305] {strides = array<i32>} : memref<256xf32, #tpu.memory_space<vmem>>, vector<16xf32>,
    %max3A_307 = arith.constant 1.000000e+00 : f32
    %max3A_308 = vector.broadcast %max3A_307 : f32 to vector<16xf32>
    %max3A_309 = arith.maximumf %get3A_306, %max3A_308 : vector<16xf32>
    %div3A_310 = arith.constant 1.000000e+00 : f32
    %div3A_311 = vector.broadcast %div3A_310 : f32 to vector<16xf32>
    %div3A_312 = arith.divf %div3A_311, %max3A_309 : vector<16xf32>
    %get3A_313 = arith.constant 112 : index
    %get3A_314 = tpu.vector_load %arg23[%get3A_313] {strides = array<i32>} : memref<256xi32, #tpu.memory_space<vmem>>, vector<16xi32>,
    %gather3A_315 = tpu.vector_load_idx %arg24[%get3A_314] : memref<1024xf32, #tpu.memory_space<vmem>>[vector<16xi32>], vector<16xf32>,
    %gather3A_316 = tpu.vector_load_idx %arg25[%get3A_314] : memref<1024xf32, #tpu.memory_space<vmem>>[vector<16xi32>], vector<16xf32>,
    %swap3A_317 = arith.constant 112 : index
    %swap3A_318 = tpu.vector_load %arg26[%swap3A_317] {strides = array<i32>} : memref<256xf32, #tpu.memory_space<vmem>>, vector<16xf32>,
    tpu.vector_store %arg26[%swap3A_317], %gather3A_315 {strides = array<i32>} : memref<256xf32, #tpu.memory_space<vmem>>, vector<16xf32>,
    %swap3A_319 = arith.constant 112 : index
    %swap3A_320 = tpu.vector_load %arg27[%swap3A_319] {strides = array<i32>} : memref<256xf32, #tpu.memory_space<vmem>>, vector<16xf32>,
    tpu.vector_store %arg27[%swap3A_319], %gather3A_316 {strides = array<i32>} : memref<256xf32, #tpu.memory_space<vmem>>, vector<16xf32>,
    %get3A_321 = arith.constant 112 : index
    %get3A_322 = tpu.vector_load %arg19[%get3A_321] {strides = array<i32>} : memref<256xf32, #tpu.memory_space<vmem>>, vector<16xf32>,
    %mul3A_323 = arith.mulf %gather3A_315, %get3A_322 : vector<16xf32>
    %mul3A_324 = arith.mulf %mul3A_323, %div3A_312 : vector<16xf32>
    %swap3A_325 = arith.constant 112 : index
    %swap3A_326 = tpu.vector_load %arg28[%swap3A_325] {strides = array<i32>} : memref<256xf32, #tpu.memory_space<vmem>>, vector<16xf32>,
    tpu.vector_store %arg28[%swap3A_325], %mul3A_324 {strides = array<i32>} : memref<256xf32, #tpu.memory_space<vmem>>, vector<16xf32>,
    %get3A_327 = arith.constant 112 : index
    %get3A_328 = tpu.vector_load %arg20[%get3A_327] {strides = array<i32>} : memref<256xf32, #tpu.memory_space<vmem>>, vector<16xf32>,
    %mul3A_329 = arith.mulf %gather3A_315, %get3A_328 : vector<16xf32>
    %mul3A_330 = arith.mulf %mul3A_329, %div3A_312 : vector<16xf32>
    %swap3A_331 = arith.constant 112 : index
    %swap3A_332 = tpu.vector_load %arg29[%swap3A_331] {strides = array<i32>} : memref<256xf32, #tpu.memory_space<vmem>>, vector<16xf32>,
    tpu.vector_store %arg29[%swap3A_331], %mul3A_330 {strides = array<i32>} : memref<256xf32, #tpu.memory_space<vmem>>, vector<16xf32>,
    %get3A_333 = arith.constant 112 : index
    %get3A_334 = tpu.vector_load %arg21[%get3A_333] {strides = array<i32>} : memref<256xf32, #tpu.memory_space<vmem>>, vector<16xf32>,
    %mul3A_335 = arith.mulf %gather3A_315, %get3A_334 : vector<16xf32>
    %mul3A_336 = arith.mulf %mul3A_335, %div3A_312 : vector<16xf32>
    %swap3A_337 = arith.constant 112 : index
    %swap3A_338 = tpu.vector_load %arg30[%swap3A_337] {strides = array<i32>} : memref<256xf32, #tpu.memory_space<vmem>>, vector<16xf32>,
    tpu.vector_store %arg30[%swap3A_337], %mul3A_336 {strides = array<i32>} : memref<256xf32, #tpu.memory_space<vmem>>, vector<16xf32>,
    %get3A_339 = arith.constant 128 : index
    %get3A_340 = tpu.vector_load %arg22[%get3A_339] {strides = array<i32>} : memref<256xf32, #tpu.memory_space<vmem>>, vector<16xf32>,
    %max3A_341 = arith.constant 1.000000e+00 : f32
    %max3A_342 = vector.broadcast %max3A_341 : f32 to vector<16xf32>
    %max3A_343 = arith.maximumf %get3A_340, %max3A_342 : vector<16xf32>
    %div3A_344 = arith.constant 1.000000e+00 : f32
    %div3A_345 = vector.broadcast %div3A_344 : f32 to vector<16xf32>
    %div3A_346 = arith.divf %div3A_345, %max3A_343 : vector<16xf32>
    %get3A_347 = arith.constant 128 : index
    %get3A_348 = tpu.vector_load %arg23[%get3A_347] {strides = array<i32>} : memref<256xi32, #tpu.memory_space<vmem>>, vector<16xi32>,
    %gather3A_349 = tpu.vector_load_idx %arg24[%get3A_348] : memref<1024xf32, #tpu.memory_space<vmem>>[vector<16xi32>], vector<16xf32>,
    %gather3A_350 = tpu.vector_load_idx %arg25[%get3A_348] : memref<1024xf32, #tpu.memory_space<vmem>>[vector<16xi32>], vector<16xf32>,
    %swap3A_351 = arith.constant 128 : index
    %swap3A_352 = tpu.vector_load %arg26[%swap3A_351] {strides = array<i32>} : memref<256xf32, #tpu.memory_space<vmem>>, vector<16xf32>,
    tpu.vector_store %arg26[%swap3A_351], %gather3A_349 {strides = array<i32>} : memref<256xf32, #tpu.memory_space<vmem>>, vector<16xf32>,
    %swap3A_353 = arith.constant 128 : index
    %swap3A_354 = tpu.vector_load %arg27[%swap3A_353] {strides = array<i32>} : memref<256xf32, #tpu.memory_space<vmem>>, vector<16xf32>,
    tpu.vector_store %arg27[%swap3A_353], %gather3A_350 {strides = array<i32>} : memref<256xf32, #tpu.memory_space<vmem>>, vector<16xf32>,
    %get3A_355 = arith.constant 128 : index
    %get3A_356 = tpu.vector_load %arg19[%get3A_355] {strides = array<i32>} : memref<256xf32, #tpu.memory_space<vmem>>, vector<16xf32>,
    %mul3A_357 = arith.mulf %gather3A_349, %get3A_356 : vector<16xf32>
    %mul3A_358 = arith.mulf %mul3A_357, %div3A_346 : vector<16xf32>
    %swap3A_359 = arith.constant 128 : index
    %swap3A_360 = tpu.vector_load %arg28[%swap3A_359] {strides = array<i32>} : memref<256xf32, #tpu.memory_space<vmem>>, vector<16xf32>,
    tpu.vector_store %arg28[%swap3A_359], %mul3A_358 {strides = array<i32>} : memref<256xf32, #tpu.memory_space<vmem>>, vector<16xf32>,
    %get3A_361 = arith.constant 128 : index
    %get3A_362 = tpu.vector_load %arg20[%get3A_361] {strides = array<i32>} : memref<256xf32, #tpu.memory_space<vmem>>, vector<16xf32>,
    %mul3A_363 = arith.mulf %gather3A_349, %get3A_362 : vector<16xf32>
    %mul3A_364 = arith.mulf %mul3A_363, %div3A_346 : vector<16xf32>
    %swap3A_365 = arith.constant 128 : index
    %swap3A_366 = tpu.vector_load %arg29[%swap3A_365] {strides = array<i32>} : memref<256xf32, #tpu.memory_space<vmem>>, vector<16xf32>,
    tpu.vector_store %arg29[%swap3A_365], %mul3A_364 {strides = array<i32>} : memref<256xf32, #tpu.memory_space<vmem>>, vector<16xf32>,
    %get3A_367 = arith.constant 128 : index
    %get3A_368 = tpu.vector_load %arg21[%get3A_367] {strides = array<i32>} : memref<256xf32, #tpu.memory_space<vmem>>, vector<16xf32>,
    %mul3A_369 = arith.mulf %gather3A_349, %get3A_368 : vector<16xf32>
    %mul3A_370 = arith.mulf %mul3A_369, %div3A_346 : vector<16xf32>
    %swap3A_371 = arith.constant 128 : index
    %swap3A_372 = tpu.vector_load %arg30[%swap3A_371] {strides = array<i32>} : memref<256xf32, #tpu.memory_space<vmem>>, vector<16xf32>,
    tpu.vector_store %arg30[%swap3A_371], %mul3A_370 {strides = array<i32>} : memref<256xf32, #tpu.memory_space<vmem>>, vector<16xf32>,
    %get3A_373 = arith.constant 144 : index
    %get3A_374 = tpu.vector_load %arg22[%get3A_373] {strides = array<i32>} : memref<256xf32, #tpu.memory_space<vmem>>, vector<16xf32>,
    %max3A_375 = arith.constant 1.000000e+00 : f32
    %max3A_376 = vector.broadcast %max3A_375 : f32 to vector<16xf32>
    %max3A_377 = arith.maximumf %get3A_374, %max3A_376 : vector<16xf32>
    %div3A_378 = arith.constant 1.000000e+00 : f32
    %div3A_379 = vector.broadcast %div3A_378 : f32 to vector<16xf32>
    %div3A_380 = arith.divf %div3A_379, %max3A_377 : vector<16xf32>
    %get3A_381 = arith.constant 144 : index
    %get3A_382 = tpu.vector_load %arg23[%get3A_381] {strides = array<i32>} : memref<256xi32, #tpu.memory_space<vmem>>, vector<16xi32>,
    %gather3A_383 = tpu.vector_load_idx %arg24[%get3A_382] : memref<1024xf32, #tpu.memory_space<vmem>>[vector<16xi32>], vector<16xf32>,
    %gather3A_384 = tpu.vector_load_idx %arg25[%get3A_382] : memref<1024xf32, #tpu.memory_space<vmem>>[vector<16xi32>], vector<16xf32>,
    %swap3A_385 = arith.constant 144 : index
    %swap3A_386 = tpu.vector_load %arg26[%swap3A_385] {strides = array<i32>} : memref<256xf32, #tpu.memory_space<vmem>>, vector<16xf32>,
    tpu.vector_store %arg26[%swap3A_385], %gather3A_383 {strides = array<i32>} : memref<256xf32, #tpu.memory_space<vmem>>, vector<16xf32>,
    %swap3A_387 = arith.constant 144 : index
    %swap3A_388 = tpu.vector_load %arg27[%swap3A_387] {strides = array<i32>} : memref<256xf32, #tpu.memory_space<vmem>>, vector<16xf32>,
    tpu.vector_store %arg27[%swap3A_387], %gather3A_384 {strides = array<i32>} : memref<256xf32, #tpu.memory_space<vmem>>, vector<16xf32>,
    %get3A_389 = arith.constant 144 : index
    %get3A_390 = tpu.vector_load %arg19[%get3A_389] {strides = array<i32>} : memref<256xf32, #tpu.memory_space<vmem>>, vector<16xf32>,
    %mul3A_391 = arith.mulf %gather3A_383, %get3A_390 : vector<16xf32>
    %mul3A_392 = arith.mulf %mul3A_391, %div3A_380 : vector<16xf32>
    %swap3A_393 = arith.constant 144 : index
    %swap3A_394 = tpu.vector_load %arg28[%swap3A_393] {strides = array<i32>} : memref<256xf32, #tpu.memory_space<vmem>>, vector<16xf32>,
    tpu.vector_store %arg28[%swap3A_393], %mul3A_392 {strides = array<i32>} : memref<256xf32, #tpu.memory_space<vmem>>, vector<16xf32>,
    %get3A_395 = arith.constant 144 : index
    %get3A_396 = tpu.vector_load %arg20[%get3A_395] {strides = array<i32>} : memref<256xf32, #tpu.memory_space<vmem>>, vector<16xf32>,
    %mul3A_397 = arith.mulf %gather3A_383, %get3A_396 : vector<16xf32>
    %mul3A_398 = arith.mulf %mul3A_397, %div3A_380 : vector<16xf32>
    %swap3A_399 = arith.constant 144 : index
    %swap3A_400 = tpu.vector_load %arg29[%swap3A_399] {strides = array<i32>} : memref<256xf32, #tpu.memory_space<vmem>>, vector<16xf32>,
    tpu.vector_store %arg29[%swap3A_399], %mul3A_398 {strides = array<i32>} : memref<256xf32, #tpu.memory_space<vmem>>, vector<16xf32>,
    %get3A_401 = arith.constant 144 : index
    %get3A_402 = tpu.vector_load %arg21[%get3A_401] {strides = array<i32>} : memref<256xf32, #tpu.memory_space<vmem>>, vector<16xf32>,
    %mul3A_403 = arith.mulf %gather3A_383, %get3A_402 : vector<16xf32>
    %mul3A_404 = arith.mulf %mul3A_403, %div3A_380 : vector<16xf32>
    %swap3A_405 = arith.constant 144 : index
    %swap3A_406 = tpu.vector_load %arg30[%swap3A_405] {strides = array<i32>} : memref<256xf32, #tpu.memory_space<vmem>>, vector<16xf32>,
    tpu.vector_store %arg30[%swap3A_405], %mul3A_404 {strides = array<i32>} : memref<256xf32, #tpu.memory_space<vmem>>, vector<16xf32>,
    %get3A_407 = arith.constant 160 : index
    %get3A_408 = tpu.vector_load %arg22[%get3A_407] {strides = array<i32>} : memref<256xf32, #tpu.memory_space<vmem>>, vector<16xf32>,
    %max3A_409 = arith.constant 1.000000e+00 : f32
    %max3A_410 = vector.broadcast %max3A_409 : f32 to vector<16xf32>
    %max3A_411 = arith.maximumf %get3A_408, %max3A_410 : vector<16xf32>
    %div3A_412 = arith.constant 1.000000e+00 : f32
    %div3A_413 = vector.broadcast %div3A_412 : f32 to vector<16xf32>
    %div3A_414 = arith.divf %div3A_413, %max3A_411 : vector<16xf32>
    %get3A_415 = arith.constant 160 : index
    %get3A_416 = tpu.vector_load %arg23[%get3A_415] {strides = array<i32>} : memref<256xi32, #tpu.memory_space<vmem>>, vector<16xi32>,
    %gather3A_417 = tpu.vector_load_idx %arg24[%get3A_416] : memref<1024xf32, #tpu.memory_space<vmem>>[vector<16xi32>], vector<16xf32>,
    %gather3A_418 = tpu.vector_load_idx %arg25[%get3A_416] : memref<1024xf32, #tpu.memory_space<vmem>>[vector<16xi32>], vector<16xf32>,
    %swap3A_419 = arith.constant 160 : index
    %swap3A_420 = tpu.vector_load %arg26[%swap3A_419] {strides = array<i32>} : memref<256xf32, #tpu.memory_space<vmem>>, vector<16xf32>,
    tpu.vector_store %arg26[%swap3A_419], %gather3A_417 {strides = array<i32>} : memref<256xf32, #tpu.memory_space<vmem>>, vector<16xf32>,
    %swap3A_421 = arith.constant 160 : index
    %swap3A_422 = tpu.vector_load %arg27[%swap3A_421] {strides = array<i32>} : memref<256xf32, #tpu.memory_space<vmem>>, vector<16xf32>,
    tpu.vector_store %arg27[%swap3A_421], %gather3A_418 {strides = array<i32>} : memref<256xf32, #tpu.memory_space<vmem>>, vector<16xf32>,
    %get3A_423 = arith.constant 160 : index
    %get3A_424 = tpu.vector_load %arg19[%get3A_423] {strides = array<i32>} : memref<256xf32, #tpu.memory_space<vmem>>, vector<16xf32>,
    %mul3A_425 = arith.mulf %gather3A_417, %get3A_424 : vector<16xf32>
    %mul3A_426 = arith.mulf %mul3A_425, %div3A_414 : vector<16xf32>
    %swap3A_427 = arith.constant 160 : index
    %swap3A_428 = tpu.vector_load %arg28[%swap3A_427] {strides = array<i32>} : memref<256xf32, #tpu.memory_space<vmem>>, vector<16xf32>,
    tpu.vector_store %arg28[%swap3A_427], %mul3A_426 {strides = array<i32>} : memref<256xf32, #tpu.memory_space<vmem>>, vector<16xf32>,
    %get3A_429 = arith.constant 160 : index
    %get3A_430 = tpu.vector_load %arg20[%get3A_429] {strides = array<i32>} : memref<256xf32, #tpu.memory_space<vmem>>, vector<16xf32>,
    %mul3A_431 = arith.mulf %gather3A_417, %get3A_430 : vector<16xf32>
    %mul3A_432 = arith.mulf %mul3A_431, %div3A_414 : vector<16xf32>
    %swap3A_433 = arith.constant 160 : index
    %swap3A_434 = tpu.vector_load %arg29[%swap3A_433] {strides = array<i32>} : memref<256xf32, #tpu.memory_space<vmem>>, vector<16xf32>,
    tpu.vector_store %arg29[%swap3A_433], %mul3A_432 {strides = array<i32>} : memref<256xf32, #tpu.memory_space<vmem>>, vector<16xf32>,
    %get3A_435 = arith.constant 160 : index
    %get3A_436 = tpu.vector_load %arg21[%get3A_435] {strides = array<i32>} : memref<256xf32, #tpu.memory_space<vmem>>, vector<16xf32>,
    %mul3A_437 = arith.mulf %gather3A_417, %get3A_436 : vector<16xf32>
    %mul3A_438 = arith.mulf %mul3A_437, %div3A_414 : vector<16xf32>
    %swap3A_439 = arith.constant 160 : index
    %swap3A_440 = tpu.vector_load %arg30[%swap3A_439] {strides = array<i32>} : memref<256xf32, #tpu.memory_space<vmem>>, vector<16xf32>,
    tpu.vector_store %arg30[%swap3A_439], %mul3A_438 {strides = array<i32>} : memref<256xf32, #tpu.memory_space<vmem>>, vector<16xf32>,
    %get3A_441 = arith.constant 176 : index
    %get3A_442 = tpu.vector_load %arg22[%get3A_441] {strides = array<i32>} : memref<256xf32, #tpu.memory_space<vmem>>, vector<16xf32>,
    %max3A_443 = arith.constant 1.000000e+00 : f32
    %max3A_444 = vector.broadcast %max3A_443 : f32 to vector<16xf32>
    %max3A_445 = arith.maximumf %get3A_442, %max3A_444 : vector<16xf32>
    %div3A_446 = arith.constant 1.000000e+00 : f32
    %div3A_447 = vector.broadcast %div3A_446 : f32 to vector<16xf32>
    %div3A_448 = arith.divf %div3A_447, %max3A_445 : vector<16xf32>
    %get3A_449 = arith.constant 176 : index
    %get3A_450 = tpu.vector_load %arg23[%get3A_449] {strides = array<i32>} : memref<256xi32, #tpu.memory_space<vmem>>, vector<16xi32>,
    %gather3A_451 = tpu.vector_load_idx %arg24[%get3A_450] : memref<1024xf32, #tpu.memory_space<vmem>>[vector<16xi32>], vector<16xf32>,
    %gather3A_452 = tpu.vector_load_idx %arg25[%get3A_450] : memref<1024xf32, #tpu.memory_space<vmem>>[vector<16xi32>], vector<16xf32>,
    %swap3A_453 = arith.constant 176 : index
    %swap3A_454 = tpu.vector_load %arg26[%swap3A_453] {strides = array<i32>} : memref<256xf32, #tpu.memory_space<vmem>>, vector<16xf32>,
    tpu.vector_store %arg26[%swap3A_453], %gather3A_451 {strides = array<i32>} : memref<256xf32, #tpu.memory_space<vmem>>, vector<16xf32>,
    %swap3A_455 = arith.constant 176 : index
    %swap3A_456 = tpu.vector_load %arg27[%swap3A_455] {strides = array<i32>} : memref<256xf32, #tpu.memory_space<vmem>>, vector<16xf32>,
    tpu.vector_store %arg27[%swap3A_455], %gather3A_452 {strides = array<i32>} : memref<256xf32, #tpu.memory_space<vmem>>, vector<16xf32>,
    %get3A_457 = arith.constant 176 : index
    %get3A_458 = tpu.vector_load %arg19[%get3A_457] {strides = array<i32>} : memref<256xf32, #tpu.memory_space<vmem>>, vector<16xf32>,
    %mul3A_459 = arith.mulf %gather3A_451, %get3A_458 : vector<16xf32>
    %mul3A_460 = arith.mulf %mul3A_459, %div3A_448 : vector<16xf32>
    %swap3A_461 = arith.constant 176 : index
    %swap3A_462 = tpu.vector_load %arg28[%swap3A_461] {strides = array<i32>} : memref<256xf32, #tpu.memory_space<vmem>>, vector<16xf32>,
    tpu.vector_store %arg28[%swap3A_461], %mul3A_460 {strides = array<i32>} : memref<256xf32, #tpu.memory_space<vmem>>, vector<16xf32>,
    %get3A_463 = arith.constant 176 : index
    %get3A_464 = tpu.vector_load %arg20[%get3A_463] {strides = array<i32>} : memref<256xf32, #tpu.memory_space<vmem>>, vector<16xf32>,
    %mul3A_465 = arith.mulf %gather3A_451, %get3A_464 : vector<16xf32>
    %mul3A_466 = arith.mulf %mul3A_465, %div3A_448 : vector<16xf32>
    %swap3A_467 = arith.constant 176 : index
    %swap3A_468 = tpu.vector_load %arg29[%swap3A_467] {strides = array<i32>} : memref<256xf32, #tpu.memory_space<vmem>>, vector<16xf32>,
    tpu.vector_store %arg29[%swap3A_467], %mul3A_466 {strides = array<i32>} : memref<256xf32, #tpu.memory_space<vmem>>, vector<16xf32>,
    %get3A_469 = arith.constant 176 : index
    %get3A_470 = tpu.vector_load %arg21[%get3A_469] {strides = array<i32>} : memref<256xf32, #tpu.memory_space<vmem>>, vector<16xf32>,
    %mul3A_471 = arith.mulf %gather3A_451, %get3A_470 : vector<16xf32>
    %mul3A_472 = arith.mulf %mul3A_471, %div3A_448 : vector<16xf32>
    %swap3A_473 = arith.constant 176 : index
    %swap3A_474 = tpu.vector_load %arg30[%swap3A_473] {strides = array<i32>} : memref<256xf32, #tpu.memory_space<vmem>>, vector<16xf32>,
    tpu.vector_store %arg30[%swap3A_473], %mul3A_472 {strides = array<i32>} : memref<256xf32, #tpu.memory_space<vmem>>, vector<16xf32>,
    %get3A_475 = arith.constant 192 : index
    %get3A_476 = tpu.vector_load %arg22[%get3A_475] {strides = array<i32>} : memref<256xf32, #tpu.memory_space<vmem>>, vector<16xf32>,
    %max3A_477 = arith.constant 1.000000e+00 : f32
    %max3A_478 = vector.broadcast %max3A_477 : f32 to vector<16xf32>
    %max3A_479 = arith.maximumf %get3A_476, %max3A_478 : vector<16xf32>
    %div3A_480 = arith.constant 1.000000e+00 : f32
    %div3A_481 = vector.broadcast %div3A_480 : f32 to vector<16xf32>
    %div3A_482 = arith.divf %div3A_481, %max3A_479 : vector<16xf32>
    %get3A_483 = arith.constant 192 : index
    %get3A_484 = tpu.vector_load %arg23[%get3A_483] {strides = array<i32>} : memref<256xi32, #tpu.memory_space<vmem>>, vector<16xi32>,
    %gather3A_485 = tpu.vector_load_idx %arg24[%get3A_484] : memref<1024xf32, #tpu.memory_space<vmem>>[vector<16xi32>], vector<16xf32>,
    %gather3A_486 = tpu.vector_load_idx %arg25[%get3A_484] : memref<1024xf32, #tpu.memory_space<vmem>>[vector<16xi32>], vector<16xf32>,
    %swap3A_487 = arith.constant 192 : index
    %swap3A_488 = tpu.vector_load %arg26[%swap3A_487] {strides = array<i32>} : memref<256xf32, #tpu.memory_space<vmem>>, vector<16xf32>,
    tpu.vector_store %arg26[%swap3A_487], %gather3A_485 {strides = array<i32>} : memref<256xf32, #tpu.memory_space<vmem>>, vector<16xf32>,
    %swap3A_489 = arith.constant 192 : index
    %swap3A_490 = tpu.vector_load %arg27[%swap3A_489] {strides = array<i32>} : memref<256xf32, #tpu.memory_space<vmem>>, vector<16xf32>,
    tpu.vector_store %arg27[%swap3A_489], %gather3A_486 {strides = array<i32>} : memref<256xf32, #tpu.memory_space<vmem>>, vector<16xf32>,
    %get3A_491 = arith.constant 192 : index
    %get3A_492 = tpu.vector_load %arg19[%get3A_491] {strides = array<i32>} : memref<256xf32, #tpu.memory_space<vmem>>, vector<16xf32>,
    %mul3A_493 = arith.mulf %gather3A_485, %get3A_492 : vector<16xf32>
    %mul3A_494 = arith.mulf %mul3A_493, %div3A_482 : vector<16xf32>
    %swap3A_495 = arith.constant 192 : index
    %swap3A_496 = tpu.vector_load %arg28[%swap3A_495] {strides = array<i32>} : memref<256xf32, #tpu.memory_space<vmem>>, vector<16xf32>,
    tpu.vector_store %arg28[%swap3A_495], %mul3A_494 {strides = array<i32>} : memref<256xf32, #tpu.memory_space<vmem>>, vector<16xf32>,
    %get3A_497 = arith.constant 192 : index
    %get3A_498 = tpu.vector_load %arg20[%get3A_497] {strides = array<i32>} : memref<256xf32, #tpu.memory_space<vmem>>, vector<16xf32>,
    %mul3A_499 = arith.mulf %gather3A_485, %get3A_498 : vector<16xf32>
    %mul3A_500 = arith.mulf %mul3A_499, %div3A_482 : vector<16xf32>
    %swap3A_501 = arith.constant 192 : index
    %swap3A_502 = tpu.vector_load %arg29[%swap3A_501] {strides = array<i32>} : memref<256xf32, #tpu.memory_space<vmem>>, vector<16xf32>,
    tpu.vector_store %arg29[%swap3A_501], %mul3A_500 {strides = array<i32>} : memref<256xf32, #tpu.memory_space<vmem>>, vector<16xf32>,
    %get3A_503 = arith.constant 192 : index
    %get3A_504 = tpu.vector_load %arg21[%get3A_503] {strides = array<i32>} : memref<256xf32, #tpu.memory_space<vmem>>, vector<16xf32>,
    %mul3A_505 = arith.mulf %gather3A_485, %get3A_504 : vector<16xf32>
    %mul3A_506 = arith.mulf %mul3A_505, %div3A_482 : vector<16xf32>
    %swap3A_507 = arith.constant 192 : index
    %swap3A_508 = tpu.vector_load %arg30[%swap3A_507] {strides = array<i32>} : memref<256xf32, #tpu.memory_space<vmem>>, vector<16xf32>,
    tpu.vector_store %arg30[%swap3A_507], %mul3A_506 {strides = array<i32>} : memref<256xf32, #tpu.memory_space<vmem>>, vector<16xf32>,
    %get3A_509 = arith.constant 208 : index
    %get3A_510 = tpu.vector_load %arg22[%get3A_509] {strides = array<i32>} : memref<256xf32, #tpu.memory_space<vmem>>, vector<16xf32>,
    %max3A_511 = arith.constant 1.000000e+00 : f32
    %max3A_512 = vector.broadcast %max3A_511 : f32 to vector<16xf32>
    %max3A_513 = arith.maximumf %get3A_510, %max3A_512 : vector<16xf32>
    %div3A_514 = arith.constant 1.000000e+00 : f32
    %div3A_515 = vector.broadcast %div3A_514 : f32 to vector<16xf32>
    %div3A_516 = arith.divf %div3A_515, %max3A_513 : vector<16xf32>
    %get3A_517 = arith.constant 208 : index
    %get3A_518 = tpu.vector_load %arg23[%get3A_517] {strides = array<i32>} : memref<256xi32, #tpu.memory_space<vmem>>, vector<16xi32>,
    %gather3A_519 = tpu.vector_load_idx %arg24[%get3A_518] : memref<1024xf32, #tpu.memory_space<vmem>>[vector<16xi32>], vector<16xf32>,
    %gather3A_520 = tpu.vector_load_idx %arg25[%get3A_518] : memref<1024xf32, #tpu.memory_space<vmem>>[vector<16xi32>], vector<16xf32>,
    %swap3A_521 = arith.constant 208 : index
    %swap3A_522 = tpu.vector_load %arg26[%swap3A_521] {strides = array<i32>} : memref<256xf32, #tpu.memory_space<vmem>>, vector<16xf32>,
    tpu.vector_store %arg26[%swap3A_521], %gather3A_519 {strides = array<i32>} : memref<256xf32, #tpu.memory_space<vmem>>, vector<16xf32>,
    %swap3A_523 = arith.constant 208 : index
    %swap3A_524 = tpu.vector_load %arg27[%swap3A_523] {strides = array<i32>} : memref<256xf32, #tpu.memory_space<vmem>>, vector<16xf32>,
    tpu.vector_store %arg27[%swap3A_523], %gather3A_520 {strides = array<i32>} : memref<256xf32, #tpu.memory_space<vmem>>, vector<16xf32>,
    %get3A_525 = arith.constant 208 : index
    %get3A_526 = tpu.vector_load %arg19[%get3A_525] {strides = array<i32>} : memref<256xf32, #tpu.memory_space<vmem>>, vector<16xf32>,
    %mul3A_527 = arith.mulf %gather3A_519, %get3A_526 : vector<16xf32>
    %mul3A_528 = arith.mulf %mul3A_527, %div3A_516 : vector<16xf32>
    %swap3A_529 = arith.constant 208 : index
    %swap3A_530 = tpu.vector_load %arg28[%swap3A_529] {strides = array<i32>} : memref<256xf32, #tpu.memory_space<vmem>>, vector<16xf32>,
    tpu.vector_store %arg28[%swap3A_529], %mul3A_528 {strides = array<i32>} : memref<256xf32, #tpu.memory_space<vmem>>, vector<16xf32>,
    %get3A_531 = arith.constant 208 : index
    %get3A_532 = tpu.vector_load %arg20[%get3A_531] {strides = array<i32>} : memref<256xf32, #tpu.memory_space<vmem>>, vector<16xf32>,
    %mul3A_533 = arith.mulf %gather3A_519, %get3A_532 : vector<16xf32>
    %mul3A_534 = arith.mulf %mul3A_533, %div3A_516 : vector<16xf32>
    %swap3A_535 = arith.constant 208 : index
    %swap3A_536 = tpu.vector_load %arg29[%swap3A_535] {strides = array<i32>} : memref<256xf32, #tpu.memory_space<vmem>>, vector<16xf32>,
    tpu.vector_store %arg29[%swap3A_535], %mul3A_534 {strides = array<i32>} : memref<256xf32, #tpu.memory_space<vmem>>, vector<16xf32>,
    %get3A_537 = arith.constant 208 : index
    %get3A_538 = tpu.vector_load %arg21[%get3A_537] {strides = array<i32>} : memref<256xf32, #tpu.memory_space<vmem>>, vector<16xf32>,
    %mul3A_539 = arith.mulf %gather3A_519, %get3A_538 : vector<16xf32>
    %mul3A_540 = arith.mulf %mul3A_539, %div3A_516 : vector<16xf32>
    %swap3A_541 = arith.constant 208 : index
    %swap3A_542 = tpu.vector_load %arg30[%swap3A_541] {strides = array<i32>} : memref<256xf32, #tpu.memory_space<vmem>>, vector<16xf32>,
    tpu.vector_store %arg30[%swap3A_541], %mul3A_540 {strides = array<i32>} : memref<256xf32, #tpu.memory_space<vmem>>, vector<16xf32>,
    %get3A_543 = arith.constant 224 : index
    %get3A_544 = tpu.vector_load %arg22[%get3A_543] {strides = array<i32>} : memref<256xf32, #tpu.memory_space<vmem>>, vector<16xf32>,
    %max3A_545 = arith.constant 1.000000e+00 : f32
    %max3A_546 = vector.broadcast %max3A_545 : f32 to vector<16xf32>
    %max3A_547 = arith.maximumf %get3A_544, %max3A_546 : vector<16xf32>
    %div3A_548 = arith.constant 1.000000e+00 : f32
    %div3A_549 = vector.broadcast %div3A_548 : f32 to vector<16xf32>
    %div3A_550 = arith.divf %div3A_549, %max3A_547 : vector<16xf32>
    %get3A_551 = arith.constant 224 : index
    %get3A_552 = tpu.vector_load %arg23[%get3A_551] {strides = array<i32>} : memref<256xi32, #tpu.memory_space<vmem>>, vector<16xi32>,
    %gather3A_553 = tpu.vector_load_idx %arg24[%get3A_552] : memref<1024xf32, #tpu.memory_space<vmem>>[vector<16xi32>], vector<16xf32>,
    %gather3A_554 = tpu.vector_load_idx %arg25[%get3A_552] : memref<1024xf32, #tpu.memory_space<vmem>>[vector<16xi32>], vector<16xf32>,
    %swap3A_555 = arith.constant 224 : index
    %swap3A_556 = tpu.vector_load %arg26[%swap3A_555] {strides = array<i32>} : memref<256xf32, #tpu.memory_space<vmem>>, vector<16xf32>,
    tpu.vector_store %arg26[%swap3A_555], %gather3A_553 {strides = array<i32>} : memref<256xf32, #tpu.memory_space<vmem>>, vector<16xf32>,
    %swap3A_557 = arith.constant 224 : index
    %swap3A_558 = tpu.vector_load %arg27[%swap3A_557] {strides = array<i32>} : memref<256xf32, #tpu.memory_space<vmem>>, vector<16xf32>,
    tpu.vector_store %arg27[%swap3A_557], %gather3A_554 {strides = array<i32>} : memref<256xf32, #tpu.memory_space<vmem>>, vector<16xf32>,
    %get3A_559 = arith.constant 224 : index
    %get3A_560 = tpu.vector_load %arg19[%get3A_559] {strides = array<i32>} : memref<256xf32, #tpu.memory_space<vmem>>, vector<16xf32>,
    %mul3A_561 = arith.mulf %gather3A_553, %get3A_560 : vector<16xf32>
    %mul3A_562 = arith.mulf %mul3A_561, %div3A_550 : vector<16xf32>
    %swap3A_563 = arith.constant 224 : index
    %swap3A_564 = tpu.vector_load %arg28[%swap3A_563] {strides = array<i32>} : memref<256xf32, #tpu.memory_space<vmem>>, vector<16xf32>,
    tpu.vector_store %arg28[%swap3A_563], %mul3A_562 {strides = array<i32>} : memref<256xf32, #tpu.memory_space<vmem>>, vector<16xf32>,
    %get3A_565 = arith.constant 224 : index
    %get3A_566 = tpu.vector_load %arg20[%get3A_565] {strides = array<i32>} : memref<256xf32, #tpu.memory_space<vmem>>, vector<16xf32>,
    %mul3A_567 = arith.mulf %gather3A_553, %get3A_566 : vector<16xf32>
    %mul3A_568 = arith.mulf %mul3A_567, %div3A_550 : vector<16xf32>
    %swap3A_569 = arith.constant 224 : index
    %swap3A_570 = tpu.vector_load %arg29[%swap3A_569] {strides = array<i32>} : memref<256xf32, #tpu.memory_space<vmem>>, vector<16xf32>,
    tpu.vector_store %arg29[%swap3A_569], %mul3A_568 {strides = array<i32>} : memref<256xf32, #tpu.memory_space<vmem>>, vector<16xf32>,
    %get3A_571 = arith.constant 224 : index
    %get3A_572 = tpu.vector_load %arg21[%get3A_571] {strides = array<i32>} : memref<256xf32, #tpu.memory_space<vmem>>, vector<16xf32>,
    %mul3A_573 = arith.mulf %gather3A_553, %get3A_572 : vector<16xf32>
    %mul3A_574 = arith.mulf %mul3A_573, %div3A_550 : vector<16xf32>
    %swap3A_575 = arith.constant 224 : index
    %swap3A_576 = tpu.vector_load %arg30[%swap3A_575] {strides = array<i32>} : memref<256xf32, #tpu.memory_space<vmem>>, vector<16xf32>,
    tpu.vector_store %arg30[%swap3A_575], %mul3A_574 {strides = array<i32>} : memref<256xf32, #tpu.memory_space<vmem>>, vector<16xf32>,
    %get3A_577 = arith.constant 240 : index
    %get3A_578 = tpu.vector_load %arg22[%get3A_577] {strides = array<i32>} : memref<256xf32, #tpu.memory_space<vmem>>, vector<16xf32>,
    %max3A_579 = arith.constant 1.000000e+00 : f32
    %max3A_580 = vector.broadcast %max3A_579 : f32 to vector<16xf32>
    %max3A_581 = arith.maximumf %get3A_578, %max3A_580 : vector<16xf32>
    %div3A_582 = arith.constant 1.000000e+00 : f32
    %div3A_583 = vector.broadcast %div3A_582 : f32 to vector<16xf32>
    %div3A_584 = arith.divf %div3A_583, %max3A_581 : vector<16xf32>
    %get3A_585 = arith.constant 240 : index
    %get3A_586 = tpu.vector_load %arg23[%get3A_585] {strides = array<i32>} : memref<256xi32, #tpu.memory_space<vmem>>, vector<16xi32>,
    %gather3A_587 = tpu.vector_load_idx %arg24[%get3A_586] : memref<1024xf32, #tpu.memory_space<vmem>>[vector<16xi32>], vector<16xf32>,
    %gather3A_588 = tpu.vector_load_idx %arg25[%get3A_586] : memref<1024xf32, #tpu.memory_space<vmem>>[vector<16xi32>], vector<16xf32>,
    %swap3A_589 = arith.constant 240 : index
    %swap3A_590 = tpu.vector_load %arg26[%swap3A_589] {strides = array<i32>} : memref<256xf32, #tpu.memory_space<vmem>>, vector<16xf32>,
    tpu.vector_store %arg26[%swap3A_589], %gather3A_587 {strides = array<i32>} : memref<256xf32, #tpu.memory_space<vmem>>, vector<16xf32>,
    %swap3A_591 = arith.constant 240 : index
    %swap3A_592 = tpu.vector_load %arg27[%swap3A_591] {strides = array<i32>} : memref<256xf32, #tpu.memory_space<vmem>>, vector<16xf32>,
    tpu.vector_store %arg27[%swap3A_591], %gather3A_588 {strides = array<i32>} : memref<256xf32, #tpu.memory_space<vmem>>, vector<16xf32>,
    %get3A_593 = arith.constant 240 : index
    %get3A_594 = tpu.vector_load %arg19[%get3A_593] {strides = array<i32>} : memref<256xf32, #tpu.memory_space<vmem>>, vector<16xf32>,
    %mul3A_595 = arith.mulf %gather3A_587, %get3A_594 : vector<16xf32>
    %mul3A_596 = arith.mulf %mul3A_595, %div3A_584 : vector<16xf32>
    %swap3A_597 = arith.constant 240 : index
    %swap3A_598 = tpu.vector_load %arg28[%swap3A_597] {strides = array<i32>} : memref<256xf32, #tpu.memory_space<vmem>>, vector<16xf32>,
    tpu.vector_store %arg28[%swap3A_597], %mul3A_596 {strides = array<i32>} : memref<256xf32, #tpu.memory_space<vmem>>, vector<16xf32>,
    %get3A_599 = arith.constant 240 : index
    %get3A_600 = tpu.vector_load %arg20[%get3A_599] {strides = array<i32>} : memref<256xf32, #tpu.memory_space<vmem>>, vector<16xf32>,
    %mul3A_601 = arith.mulf %gather3A_587, %get3A_600 : vector<16xf32>
    %mul3A_602 = arith.mulf %mul3A_601, %div3A_584 : vector<16xf32>
    %swap3A_603 = arith.constant 240 : index
    %swap3A_604 = tpu.vector_load %arg29[%swap3A_603] {strides = array<i32>} : memref<256xf32, #tpu.memory_space<vmem>>, vector<16xf32>,
    tpu.vector_store %arg29[%swap3A_603], %mul3A_602 {strides = array<i32>} : memref<256xf32, #tpu.memory_space<vmem>>, vector<16xf32>,
    %get3A_605 = arith.constant 240 : index
    %get3A_606 = tpu.vector_load %arg21[%get3A_605] {strides = array<i32>} : memref<256xf32, #tpu.memory_space<vmem>>, vector<16xf32>,
    %mul3A_607 = arith.mulf %gather3A_587, %get3A_606 : vector<16xf32>
    %mul3A_608 = arith.mulf %mul3A_607, %div3A_584 : vector<16xf32>
    %swap3A_609 = arith.constant 240 : index
    %swap3A_610 = tpu.vector_load %arg30[%swap3A_609] {strides = array<i32>} : memref<256xf32, #tpu.memory_space<vmem>>, vector<16xf32>,
    tpu.vector_store %arg30[%swap3A_609], %mul3A_608 {strides = array<i32>} : memref<256xf32, #tpu.memory_space<vmem>>, vector<16xf32>,
    %dma_wait3A_611 = tpu.memref_slice %arg2[%add3A_48] : memref<245760xf32, #tpu.memory_space<hbm>> -> memref<640xf32, #tpu.memory_space<hbm>>
    %dma_wait3A_612 = tpu.memref_slice %arg2[%add3A_48] : memref<245760xf32, #tpu.memory_space<hbm>> -> memref<640xf32, #tpu.memory_space<hbm>>
    tpu.wait_dma2 semaphore(%arg42 : memref<!tpu.dma_semaphore, #tpu.memory_space<semaphore_mem>>) src(%dma_wait3A_612 : memref<640xf32, #tpu.memory_space<hbm>>) dst(%arg31 : memref<640xf32, #tpu.memory_space<vmem>>)
    %dma_wait3A_613 = tpu.memref_slice %arg2[%add3A_52] : memref<245760xf32, #tpu.memory_space<hbm>> -> memref<640xf32, #tpu.memory_space<hbm>>
    %dma_wait3A_614 = tpu.memref_slice %arg2[%add3A_52] : memref<245760xf32, #tpu.memory_space<hbm>> -> memref<640xf32, #tpu.memory_space<hbm>>
    tpu.wait_dma2 semaphore(%arg42 : memref<!tpu.dma_semaphore, #tpu.memory_space<semaphore_mem>>) src(%dma_wait3A_614 : memref<640xf32, #tpu.memory_space<hbm>>) dst(%arg32 : memref<640xf32, #tpu.memory_space<vmem>>)
    %dma_wait3A_615 = tpu.memref_slice %arg2[%add3A_56] : memref<245760xf32, #tpu.memory_space<hbm>> -> memref<640xf32, #tpu.memory_space<hbm>>
    %dma_wait3A_616 = tpu.memref_slice %arg2[%add3A_56] : memref<245760xf32, #tpu.memory_space<hbm>> -> memref<640xf32, #tpu.memory_space<hbm>>
    tpu.wait_dma2 semaphore(%arg42 : memref<!tpu.dma_semaphore, #tpu.memory_space<semaphore_mem>>) src(%dma_wait3A_616 : memref<640xf32, #tpu.memory_space<hbm>>) dst(%arg33 : memref<640xf32, #tpu.memory_space<vmem>>)
    %dma_wait3A_617 = tpu.memref_slice %arg4[%mul3A_46] : memref<30720xf32, #tpu.memory_space<hbm>> -> memref<640xf32, #tpu.memory_space<hbm>>
    %dma_wait3A_618 = tpu.memref_slice %arg4[%mul3A_46] : memref<30720xf32, #tpu.memory_space<hbm>> -> memref<640xf32, #tpu.memory_space<hbm>>
    tpu.wait_dma2 semaphore(%arg42 : memref<!tpu.dma_semaphore, #tpu.memory_space<semaphore_mem>>) src(%dma_wait3A_618 : memref<640xf32, #tpu.memory_space<hbm>>) dst(%arg34 : memref<640xf32, #tpu.memory_space<vmem>>)
    %dma_wait3A_619 = tpu.memref_slice %arg4[%add3A_62] : memref<30720xf32, #tpu.memory_space<hbm>> -> memref<640xf32, #tpu.memory_space<hbm>>
    %dma_wait3A_620 = tpu.memref_slice %arg4[%add3A_62] : memref<30720xf32, #tpu.memory_space<hbm>> -> memref<640xf32, #tpu.memory_space<hbm>>
    tpu.wait_dma2 semaphore(%arg42 : memref<!tpu.dma_semaphore, #tpu.memory_space<semaphore_mem>>) src(%dma_wait3A_620 : memref<640xf32, #tpu.memory_space<hbm>>) dst(%arg35 : memref<640xf32, #tpu.memory_space<vmem>>)
    %dma_wait3A_621 = tpu.memref_slice %arg4[%add3A_66] : memref<30720xf32, #tpu.memory_space<hbm>> -> memref<640xf32, #tpu.memory_space<hbm>>
    %dma_wait3A_622 = tpu.memref_slice %arg4[%add3A_66] : memref<30720xf32, #tpu.memory_space<hbm>> -> memref<640xf32, #tpu.memory_space<hbm>>
    tpu.wait_dma2 semaphore(%arg42 : memref<!tpu.dma_semaphore, #tpu.memory_space<semaphore_mem>>) src(%dma_wait3A_622 : memref<640xf32, #tpu.memory_space<hbm>>) dst(%arg36 : memref<640xf32, #tpu.memory_space<vmem>>)
    %dma_wait3A_623 = tpu.memref_slice %arg5[%mul3A_46] : memref<10240xi32, #tpu.memory_space<hbm>> -> memref<640xi32, #tpu.memory_space<hbm>>
    %dma_wait3A_624 = tpu.memref_slice %arg5[%mul3A_46] : memref<10240xi32, #tpu.memory_space<hbm>> -> memref<640xi32, #tpu.memory_space<hbm>>
    tpu.wait_dma2 semaphore(%arg42 : memref<!tpu.dma_semaphore, #tpu.memory_space<semaphore_mem>>) src(%dma_wait3A_624 : memref<640xi32, #tpu.memory_space<hbm>>) dst(%arg37 : memref<640xi32, #tpu.memory_space<vmem>>)
    %get3A_625 = arith.constant 0 : index
    %get3A_626 = tpu.vector_load %arg37[%get3A_625] {strides = array<i32>} : memref<640xi32, #tpu.memory_space<vmem>>, vector<16xi32>,
    %gather3A_627 = tpu.vector_load_idx %arg26[%get3A_626] : memref<256xf32, #tpu.memory_space<vmem>>[vector<16xi32>], vector<16xf32>,
    %gather3A_628 = tpu.vector_load_idx %arg27[%get3A_626] : memref<256xf32, #tpu.memory_space<vmem>>[vector<16xi32>], vector<16xf32>,
    %gather3A_629 = tpu.vector_load_idx %arg28[%get3A_626] : memref<256xf32, #tpu.memory_space<vmem>>[vector<16xi32>], vector<16xf32>,
    %gather3A_630 = tpu.vector_load_idx %arg29[%get3A_626] : memref<256xf32, #tpu.memory_space<vmem>>[vector<16xi32>], vector<16xf32>,
    %gather3A_631 = tpu.vector_load_idx %arg30[%get3A_626] : memref<256xf32, #tpu.memory_space<vmem>>[vector<16xi32>], vector<16xf32>,
    %get3A_632 = arith.constant 0 : index
    %get3A_633 = tpu.vector_load %arg31[%get3A_632] {strides = array<i32>} : memref<640xf32, #tpu.memory_space<vmem>>, vector<16xf32>,
    %mul3A_634 = arith.mulf %gather3A_627, %get3A_633 : vector<16xf32>
    %sub3A = arith.subf %mul3A_634, %gather3A_629 : vector<16xf32>
    %get3A_635 = arith.constant 0 : index
    %get3A_636 = tpu.vector_load %arg34[%get3A_635] {strides = array<i32>} : memref<640xf32, #tpu.memory_space<vmem>>, vector<16xf32>,
    %mul3A_637 = arith.mulf %gather3A_628, %get3A_636 : vector<16xf32>
    %add3A_638 = arith.addf %sub3A, %mul3A_637 : vector<16xf32>
    %swap3A_639 = arith.constant 0 : index
    %swap3A_640 = tpu.vector_load %arg38[%swap3A_639] {strides = array<i32>} : memref<640xf32, #tpu.memory_space<vmem>>, vector<16xf32>,
    tpu.vector_store %arg38[%swap3A_639], %add3A_638 {strides = array<i32>} : memref<640xf32, #tpu.memory_space<vmem>>, vector<16xf32>,
    %get3A_641 = arith.constant 0 : index
    %get3A_642 = tpu.vector_load %arg32[%get3A_641] {strides = array<i32>} : memref<640xf32, #tpu.memory_space<vmem>>, vector<16xf32>,
    %mul3A_643 = arith.mulf %gather3A_627, %get3A_642 : vector<16xf32>
    %sub3A_644 = arith.subf %mul3A_643, %gather3A_630 : vector<16xf32>
    %get3A_645 = arith.constant 0 : index
    %get3A_646 = tpu.vector_load %arg35[%get3A_645] {strides = array<i32>} : memref<640xf32, #tpu.memory_space<vmem>>, vector<16xf32>,
    %mul3A_647 = arith.mulf %gather3A_628, %get3A_646 : vector<16xf32>
    %add3A_648 = arith.addf %sub3A_644, %mul3A_647 : vector<16xf32>
    %swap3A_649 = arith.constant 0 : index
    %swap3A_650 = tpu.vector_load %arg39[%swap3A_649] {strides = array<i32>} : memref<640xf32, #tpu.memory_space<vmem>>, vector<16xf32>,
    tpu.vector_store %arg39[%swap3A_649], %add3A_648 {strides = array<i32>} : memref<640xf32, #tpu.memory_space<vmem>>, vector<16xf32>,
    %get3A_651 = arith.constant 0 : index
    %get3A_652 = tpu.vector_load %arg33[%get3A_651] {strides = array<i32>} : memref<640xf32, #tpu.memory_space<vmem>>, vector<16xf32>,
    %mul3A_653 = arith.mulf %gather3A_627, %get3A_652 : vector<16xf32>
    %sub3A_654 = arith.subf %mul3A_653, %gather3A_631 : vector<16xf32>
    %get3A_655 = arith.constant 0 : index
    %get3A_656 = tpu.vector_load %arg36[%get3A_655] {strides = array<i32>} : memref<640xf32, #tpu.memory_space<vmem>>, vector<16xf32>,
    %mul3A_657 = arith.mulf %gather3A_628, %get3A_656 : vector<16xf32>
    %add3A_658 = arith.addf %sub3A_654, %mul3A_657 : vector<16xf32>
    %swap3A_659 = arith.constant 0 : index
    %swap3A_660 = tpu.vector_load %arg40[%swap3A_659] {strides = array<i32>} : memref<640xf32, #tpu.memory_space<vmem>>, vector<16xf32>,
    tpu.vector_store %arg40[%swap3A_659], %add3A_658 {strides = array<i32>} : memref<640xf32, #tpu.memory_space<vmem>>, vector<16xf32>,
    %get3A_661 = arith.constant 16 : index
    %get3A_662 = tpu.vector_load %arg37[%get3A_661] {strides = array<i32>} : memref<640xi32, #tpu.memory_space<vmem>>, vector<16xi32>,
    %gather3A_663 = tpu.vector_load_idx %arg26[%get3A_662] : memref<256xf32, #tpu.memory_space<vmem>>[vector<16xi32>], vector<16xf32>,
    %gather3A_664 = tpu.vector_load_idx %arg27[%get3A_662] : memref<256xf32, #tpu.memory_space<vmem>>[vector<16xi32>], vector<16xf32>,
    %gather3A_665 = tpu.vector_load_idx %arg28[%get3A_662] : memref<256xf32, #tpu.memory_space<vmem>>[vector<16xi32>], vector<16xf32>,
    %gather3A_666 = tpu.vector_load_idx %arg29[%get3A_662] : memref<256xf32, #tpu.memory_space<vmem>>[vector<16xi32>], vector<16xf32>,
    %gather3A_667 = tpu.vector_load_idx %arg30[%get3A_662] : memref<256xf32, #tpu.memory_space<vmem>>[vector<16xi32>], vector<16xf32>,
    %get3A_668 = arith.constant 16 : index
    %get3A_669 = tpu.vector_load %arg31[%get3A_668] {strides = array<i32>} : memref<640xf32, #tpu.memory_space<vmem>>, vector<16xf32>,
    %mul3A_670 = arith.mulf %gather3A_663, %get3A_669 : vector<16xf32>
    %sub3A_671 = arith.subf %mul3A_670, %gather3A_665 : vector<16xf32>
    %get3A_672 = arith.constant 16 : index
    %get3A_673 = tpu.vector_load %arg34[%get3A_672] {strides = array<i32>} : memref<640xf32, #tpu.memory_space<vmem>>, vector<16xf32>,
    %mul3A_674 = arith.mulf %gather3A_664, %get3A_673 : vector<16xf32>
    %add3A_675 = arith.addf %sub3A_671, %mul3A_674 : vector<16xf32>
    %swap3A_676 = arith.constant 16 : index
    %swap3A_677 = tpu.vector_load %arg38[%swap3A_676] {strides = array<i32>} : memref<640xf32, #tpu.memory_space<vmem>>, vector<16xf32>,
    tpu.vector_store %arg38[%swap3A_676], %add3A_675 {strides = array<i32>} : memref<640xf32, #tpu.memory_space<vmem>>, vector<16xf32>,
    %get3A_678 = arith.constant 16 : index
    %get3A_679 = tpu.vector_load %arg32[%get3A_678] {strides = array<i32>} : memref<640xf32, #tpu.memory_space<vmem>>, vector<16xf32>,
    %mul3A_680 = arith.mulf %gather3A_663, %get3A_679 : vector<16xf32>
    %sub3A_681 = arith.subf %mul3A_680, %gather3A_666 : vector<16xf32>
    %get3A_682 = arith.constant 16 : index
    %get3A_683 = tpu.vector_load %arg35[%get3A_682] {strides = array<i32>} : memref<640xf32, #tpu.memory_space<vmem>>, vector<16xf32>,
    %mul3A_684 = arith.mulf %gather3A_664, %get3A_683 : vector<16xf32>
    %add3A_685 = arith.addf %sub3A_681, %mul3A_684 : vector<16xf32>
    %swap3A_686 = arith.constant 16 : index
    %swap3A_687 = tpu.vector_load %arg39[%swap3A_686] {strides = array<i32>} : memref<640xf32, #tpu.memory_space<vmem>>, vector<16xf32>,
    tpu.vector_store %arg39[%swap3A_686], %add3A_685 {strides = array<i32>} : memref<640xf32, #tpu.memory_space<vmem>>, vector<16xf32>,
    %get3A_688 = arith.constant 16 : index
    %get3A_689 = tpu.vector_load %arg33[%get3A_688] {strides = array<i32>} : memref<640xf32, #tpu.memory_space<vmem>>, vector<16xf32>,
    %mul3A_690 = arith.mulf %gather3A_663, %get3A_689 : vector<16xf32>
    %sub3A_691 = arith.subf %mul3A_690, %gather3A_667 : vector<16xf32>
    %get3A_692 = arith.constant 16 : index
    %get3A_693 = tpu.vector_load %arg36[%get3A_692] {strides = array<i32>} : memref<640xf32, #tpu.memory_space<vmem>>, vector<16xf32>,
    %mul3A_694 = arith.mulf %gather3A_664, %get3A_693 : vector<16xf32>
    %add3A_695 = arith.addf %sub3A_691, %mul3A_694 : vector<16xf32>
    %swap3A_696 = arith.constant 16 : index
    %swap3A_697 = tpu.vector_load %arg40[%swap3A_696] {strides = array<i32>} : memref<640xf32, #tpu.memory_space<vmem>>, vector<16xf32>,
    tpu.vector_store %arg40[%swap3A_696], %add3A_695 {strides = array<i32>} : memref<640xf32, #tpu.memory_space<vmem>>, vector<16xf32>,
    %get3A_698 = arith.constant 32 : index
    %get3A_699 = tpu.vector_load %arg37[%get3A_698] {strides = array<i32>} : memref<640xi32, #tpu.memory_space<vmem>>, vector<16xi32>,
    %gather3A_700 = tpu.vector_load_idx %arg26[%get3A_699] : memref<256xf32, #tpu.memory_space<vmem>>[vector<16xi32>], vector<16xf32>,
    %gather3A_701 = tpu.vector_load_idx %arg27[%get3A_699] : memref<256xf32, #tpu.memory_space<vmem>>[vector<16xi32>], vector<16xf32>,
    %gather3A_702 = tpu.vector_load_idx %arg28[%get3A_699] : memref<256xf32, #tpu.memory_space<vmem>>[vector<16xi32>], vector<16xf32>,
    %gather3A_703 = tpu.vector_load_idx %arg29[%get3A_699] : memref<256xf32, #tpu.memory_space<vmem>>[vector<16xi32>], vector<16xf32>,
    %gather3A_704 = tpu.vector_load_idx %arg30[%get3A_699] : memref<256xf32, #tpu.memory_space<vmem>>[vector<16xi32>], vector<16xf32>,
    %get3A_705 = arith.constant 32 : index
    %get3A_706 = tpu.vector_load %arg31[%get3A_705] {strides = array<i32>} : memref<640xf32, #tpu.memory_space<vmem>>, vector<16xf32>,
    %mul3A_707 = arith.mulf %gather3A_700, %get3A_706 : vector<16xf32>
    %sub3A_708 = arith.subf %mul3A_707, %gather3A_702 : vector<16xf32>
    %get3A_709 = arith.constant 32 : index
    %get3A_710 = tpu.vector_load %arg34[%get3A_709] {strides = array<i32>} : memref<640xf32, #tpu.memory_space<vmem>>, vector<16xf32>,
    %mul3A_711 = arith.mulf %gather3A_701, %get3A_710 : vector<16xf32>
    %add3A_712 = arith.addf %sub3A_708, %mul3A_711 : vector<16xf32>
    %swap3A_713 = arith.constant 32 : index
    %swap3A_714 = tpu.vector_load %arg38[%swap3A_713] {strides = array<i32>} : memref<640xf32, #tpu.memory_space<vmem>>, vector<16xf32>,
    tpu.vector_store %arg38[%swap3A_713], %add3A_712 {strides = array<i32>} : memref<640xf32, #tpu.memory_space<vmem>>, vector<16xf32>,
    %get3A_715 = arith.constant 32 : index
    %get3A_716 = tpu.vector_load %arg32[%get3A_715] {strides = array<i32>} : memref<640xf32, #tpu.memory_space<vmem>>, vector<16xf32>,
    %mul3A_717 = arith.mulf %gather3A_700, %get3A_716 : vector<16xf32>
    %sub3A_718 = arith.subf %mul3A_717, %gather3A_703 : vector<16xf32>
    %get3A_719 = arith.constant 32 : index
    %get3A_720 = tpu.vector_load %arg35[%get3A_719] {strides = array<i32>} : memref<640xf32, #tpu.memory_space<vmem>>, vector<16xf32>,
    %mul3A_721 = arith.mulf %gather3A_701, %get3A_720 : vector<16xf32>
    %add3A_722 = arith.addf %sub3A_718, %mul3A_721 : vector<16xf32>
    %swap3A_723 = arith.constant 32 : index
    %swap3A_724 = tpu.vector_load %arg39[%swap3A_723] {strides = array<i32>} : memref<640xf32, #tpu.memory_space<vmem>>, vector<16xf32>,
    tpu.vector_store %arg39[%swap3A_723], %add3A_722 {strides = array<i32>} : memref<640xf32, #tpu.memory_space<vmem>>, vector<16xf32>,
    %get3A_725 = arith.constant 32 : index
    %get3A_726 = tpu.vector_load %arg33[%get3A_725] {strides = array<i32>} : memref<640xf32, #tpu.memory_space<vmem>>, vector<16xf32>,
    %mul3A_727 = arith.mulf %gather3A_700, %get3A_726 : vector<16xf32>
    %sub3A_728 = arith.subf %mul3A_727, %gather3A_704 : vector<16xf32>
    %get3A_729 = arith.constant 32 : index
    %get3A_730 = tpu.vector_load %arg36[%get3A_729] {strides = array<i32>} : memref<640xf32, #tpu.memory_space<vmem>>, vector<16xf32>,
    %mul3A_731 = arith.mulf %gather3A_701, %get3A_730 : vector<16xf32>
    %add3A_732 = arith.addf %sub3A_728, %mul3A_731 : vector<16xf32>
    %swap3A_733 = arith.constant 32 : index
    %swap3A_734 = tpu.vector_load %arg40[%swap3A_733] {strides = array<i32>} : memref<640xf32, #tpu.memory_space<vmem>>, vector<16xf32>,
    tpu.vector_store %arg40[%swap3A_733], %add3A_732 {strides = array<i32>} : memref<640xf32, #tpu.memory_space<vmem>>, vector<16xf32>,
    %get3A_735 = arith.constant 48 : index
    %get3A_736 = tpu.vector_load %arg37[%get3A_735] {strides = array<i32>} : memref<640xi32, #tpu.memory_space<vmem>>, vector<16xi32>,
    %gather3A_737 = tpu.vector_load_idx %arg26[%get3A_736] : memref<256xf32, #tpu.memory_space<vmem>>[vector<16xi32>], vector<16xf32>,
    %gather3A_738 = tpu.vector_load_idx %arg27[%get3A_736] : memref<256xf32, #tpu.memory_space<vmem>>[vector<16xi32>], vector<16xf32>,
    %gather3A_739 = tpu.vector_load_idx %arg28[%get3A_736] : memref<256xf32, #tpu.memory_space<vmem>>[vector<16xi32>], vector<16xf32>,
    %gather3A_740 = tpu.vector_load_idx %arg29[%get3A_736] : memref<256xf32, #tpu.memory_space<vmem>>[vector<16xi32>], vector<16xf32>,
    %gather3A_741 = tpu.vector_load_idx %arg30[%get3A_736] : memref<256xf32, #tpu.memory_space<vmem>>[vector<16xi32>], vector<16xf32>,
    %get3A_742 = arith.constant 48 : index
    %get3A_743 = tpu.vector_load %arg31[%get3A_742] {strides = array<i32>} : memref<640xf32, #tpu.memory_space<vmem>>, vector<16xf32>,
    %mul3A_744 = arith.mulf %gather3A_737, %get3A_743 : vector<16xf32>
    %sub3A_745 = arith.subf %mul3A_744, %gather3A_739 : vector<16xf32>
    %get3A_746 = arith.constant 48 : index
    %get3A_747 = tpu.vector_load %arg34[%get3A_746] {strides = array<i32>} : memref<640xf32, #tpu.memory_space<vmem>>, vector<16xf32>,
    %mul3A_748 = arith.mulf %gather3A_738, %get3A_747 : vector<16xf32>
    %add3A_749 = arith.addf %sub3A_745, %mul3A_748 : vector<16xf32>
    %swap3A_750 = arith.constant 48 : index
    %swap3A_751 = tpu.vector_load %arg38[%swap3A_750] {strides = array<i32>} : memref<640xf32, #tpu.memory_space<vmem>>, vector<16xf32>,
    tpu.vector_store %arg38[%swap3A_750], %add3A_749 {strides = array<i32>} : memref<640xf32, #tpu.memory_space<vmem>>, vector<16xf32>,
    %get3A_752 = arith.constant 48 : index
    %get3A_753 = tpu.vector_load %arg32[%get3A_752] {strides = array<i32>} : memref<640xf32, #tpu.memory_space<vmem>>, vector<16xf32>,
    %mul3A_754 = arith.mulf %gather3A_737, %get3A_753 : vector<16xf32>
    %sub3A_755 = arith.subf %mul3A_754, %gather3A_740 : vector<16xf32>
    %get3A_756 = arith.constant 48 : index
    %get3A_757 = tpu.vector_load %arg35[%get3A_756] {strides = array<i32>} : memref<640xf32, #tpu.memory_space<vmem>>, vector<16xf32>,
    %mul3A_758 = arith.mulf %gather3A_738, %get3A_757 : vector<16xf32>
    %add3A_759 = arith.addf %sub3A_755, %mul3A_758 : vector<16xf32>
    %swap3A_760 = arith.constant 48 : index
    %swap3A_761 = tpu.vector_load %arg39[%swap3A_760] {strides = array<i32>} : memref<640xf32, #tpu.memory_space<vmem>>, vector<16xf32>,
    tpu.vector_store %arg39[%swap3A_760], %add3A_759 {strides = array<i32>} : memref<640xf32, #tpu.memory_space<vmem>>, vector<16xf32>,
    %get3A_762 = arith.constant 48 : index
    %get3A_763 = tpu.vector_load %arg33[%get3A_762] {strides = array<i32>} : memref<640xf32, #tpu.memory_space<vmem>>, vector<16xf32>,
    %mul3A_764 = arith.mulf %gather3A_737, %get3A_763 : vector<16xf32>
    %sub3A_765 = arith.subf %mul3A_764, %gather3A_741 : vector<16xf32>
    %get3A_766 = arith.constant 48 : index
    %get3A_767 = tpu.vector_load %arg36[%get3A_766] {strides = array<i32>} : memref<640xf32, #tpu.memory_space<vmem>>, vector<16xf32>,
    %mul3A_768 = arith.mulf %gather3A_738, %get3A_767 : vector<16xf32>
    %add3A_769 = arith.addf %sub3A_765, %mul3A_768 : vector<16xf32>
    %swap3A_770 = arith.constant 48 : index
    %swap3A_771 = tpu.vector_load %arg40[%swap3A_770] {strides = array<i32>} : memref<640xf32, #tpu.memory_space<vmem>>, vector<16xf32>,
    tpu.vector_store %arg40[%swap3A_770], %add3A_769 {strides = array<i32>} : memref<640xf32, #tpu.memory_space<vmem>>, vector<16xf32>,
    %get3A_772 = arith.constant 64 : index
    %get3A_773 = tpu.vector_load %arg37[%get3A_772] {strides = array<i32>} : memref<640xi32, #tpu.memory_space<vmem>>, vector<16xi32>,
    %gather3A_774 = tpu.vector_load_idx %arg26[%get3A_773] : memref<256xf32, #tpu.memory_space<vmem>>[vector<16xi32>], vector<16xf32>,
    %gather3A_775 = tpu.vector_load_idx %arg27[%get3A_773] : memref<256xf32, #tpu.memory_space<vmem>>[vector<16xi32>], vector<16xf32>,
    %gather3A_776 = tpu.vector_load_idx %arg28[%get3A_773] : memref<256xf32, #tpu.memory_space<vmem>>[vector<16xi32>], vector<16xf32>,
    %gather3A_777 = tpu.vector_load_idx %arg29[%get3A_773] : memref<256xf32, #tpu.memory_space<vmem>>[vector<16xi32>], vector<16xf32>,
    %gather3A_778 = tpu.vector_load_idx %arg30[%get3A_773] : memref<256xf32, #tpu.memory_space<vmem>>[vector<16xi32>], vector<16xf32>,
    %get3A_779 = arith.constant 64 : index
    %get3A_780 = tpu.vector_load %arg31[%get3A_779] {strides = array<i32>} : memref<640xf32, #tpu.memory_space<vmem>>, vector<16xf32>,
    %mul3A_781 = arith.mulf %gather3A_774, %get3A_780 : vector<16xf32>
    %sub3A_782 = arith.subf %mul3A_781, %gather3A_776 : vector<16xf32>
    %get3A_783 = arith.constant 64 : index
    %get3A_784 = tpu.vector_load %arg34[%get3A_783] {strides = array<i32>} : memref<640xf32, #tpu.memory_space<vmem>>, vector<16xf32>,
    %mul3A_785 = arith.mulf %gather3A_775, %get3A_784 : vector<16xf32>
    %add3A_786 = arith.addf %sub3A_782, %mul3A_785 : vector<16xf32>
    %swap3A_787 = arith.constant 64 : index
    %swap3A_788 = tpu.vector_load %arg38[%swap3A_787] {strides = array<i32>} : memref<640xf32, #tpu.memory_space<vmem>>, vector<16xf32>,
    tpu.vector_store %arg38[%swap3A_787], %add3A_786 {strides = array<i32>} : memref<640xf32, #tpu.memory_space<vmem>>, vector<16xf32>,
    %get3A_789 = arith.constant 64 : index
    %get3A_790 = tpu.vector_load %arg32[%get3A_789] {strides = array<i32>} : memref<640xf32, #tpu.memory_space<vmem>>, vector<16xf32>,
    %mul3A_791 = arith.mulf %gather3A_774, %get3A_790 : vector<16xf32>
    %sub3A_792 = arith.subf %mul3A_791, %gather3A_777 : vector<16xf32>
    %get3A_793 = arith.constant 64 : index
    %get3A_794 = tpu.vector_load %arg35[%get3A_793] {strides = array<i32>} : memref<640xf32, #tpu.memory_space<vmem>>, vector<16xf32>,
    %mul3A_795 = arith.mulf %gather3A_775, %get3A_794 : vector<16xf32>
    %add3A_796 = arith.addf %sub3A_792, %mul3A_795 : vector<16xf32>
    %swap3A_797 = arith.constant 64 : index
    %swap3A_798 = tpu.vector_load %arg39[%swap3A_797] {strides = array<i32>} : memref<640xf32, #tpu.memory_space<vmem>>, vector<16xf32>,
    tpu.vector_store %arg39[%swap3A_797], %add3A_796 {strides = array<i32>} : memref<640xf32, #tpu.memory_space<vmem>>, vector<16xf32>,
    %get3A_799 = arith.constant 64 : index
    %get3A_800 = tpu.vector_load %arg33[%get3A_799] {strides = array<i32>} : memref<640xf32, #tpu.memory_space<vmem>>, vector<16xf32>,
    %mul3A_801 = arith.mulf %gather3A_774, %get3A_800 : vector<16xf32>
    %sub3A_802 = arith.subf %mul3A_801, %gather3A_778 : vector<16xf32>
    %get3A_803 = arith.constant 64 : index
    %get3A_804 = tpu.vector_load %arg36[%get3A_803] {strides = array<i32>} : memref<640xf32, #tpu.memory_space<vmem>>, vector<16xf32>,
    %mul3A_805 = arith.mulf %gather3A_775, %get3A_804 : vector<16xf32>
    %add3A_806 = arith.addf %sub3A_802, %mul3A_805 : vector<16xf32>
    %swap3A_807 = arith.constant 64 : index
    %swap3A_808 = tpu.vector_load %arg40[%swap3A_807] {strides = array<i32>} : memref<640xf32, #tpu.memory_space<vmem>>, vector<16xf32>,
    tpu.vector_store %arg40[%swap3A_807], %add3A_806 {strides = array<i32>} : memref<640xf32, #tpu.memory_space<vmem>>, vector<16xf32>,
    %get3A_809 = arith.constant 80 : index
    %get3A_810 = tpu.vector_load %arg37[%get3A_809] {strides = array<i32>} : memref<640xi32, #tpu.memory_space<vmem>>, vector<16xi32>,
    %gather3A_811 = tpu.vector_load_idx %arg26[%get3A_810] : memref<256xf32, #tpu.memory_space<vmem>>[vector<16xi32>], vector<16xf32>,
    %gather3A_812 = tpu.vector_load_idx %arg27[%get3A_810] : memref<256xf32, #tpu.memory_space<vmem>>[vector<16xi32>], vector<16xf32>,
    %gather3A_813 = tpu.vector_load_idx %arg28[%get3A_810] : memref<256xf32, #tpu.memory_space<vmem>>[vector<16xi32>], vector<16xf32>,
    %gather3A_814 = tpu.vector_load_idx %arg29[%get3A_810] : memref<256xf32, #tpu.memory_space<vmem>>[vector<16xi32>], vector<16xf32>,
    %gather3A_815 = tpu.vector_load_idx %arg30[%get3A_810] : memref<256xf32, #tpu.memory_space<vmem>>[vector<16xi32>], vector<16xf32>,
    %get3A_816 = arith.constant 80 : index
    %get3A_817 = tpu.vector_load %arg31[%get3A_816] {strides = array<i32>} : memref<640xf32, #tpu.memory_space<vmem>>, vector<16xf32>,
    %mul3A_818 = arith.mulf %gather3A_811, %get3A_817 : vector<16xf32>
    %sub3A_819 = arith.subf %mul3A_818, %gather3A_813 : vector<16xf32>
    %get3A_820 = arith.constant 80 : index
    %get3A_821 = tpu.vector_load %arg34[%get3A_820] {strides = array<i32>} : memref<640xf32, #tpu.memory_space<vmem>>, vector<16xf32>,
    %mul3A_822 = arith.mulf %gather3A_812, %get3A_821 : vector<16xf32>
    %add3A_823 = arith.addf %sub3A_819, %mul3A_822 : vector<16xf32>
    %swap3A_824 = arith.constant 80 : index
    %swap3A_825 = tpu.vector_load %arg38[%swap3A_824] {strides = array<i32>} : memref<640xf32, #tpu.memory_space<vmem>>, vector<16xf32>,
    tpu.vector_store %arg38[%swap3A_824], %add3A_823 {strides = array<i32>} : memref<640xf32, #tpu.memory_space<vmem>>, vector<16xf32>,
    %get3A_826 = arith.constant 80 : index
    %get3A_827 = tpu.vector_load %arg32[%get3A_826] {strides = array<i32>} : memref<640xf32, #tpu.memory_space<vmem>>, vector<16xf32>,
    %mul3A_828 = arith.mulf %gather3A_811, %get3A_827 : vector<16xf32>
    %sub3A_829 = arith.subf %mul3A_828, %gather3A_814 : vector<16xf32>
    %get3A_830 = arith.constant 80 : index
    %get3A_831 = tpu.vector_load %arg35[%get3A_830] {strides = array<i32>} : memref<640xf32, #tpu.memory_space<vmem>>, vector<16xf32>,
    %mul3A_832 = arith.mulf %gather3A_812, %get3A_831 : vector<16xf32>
    %add3A_833 = arith.addf %sub3A_829, %mul3A_832 : vector<16xf32>
    %swap3A_834 = arith.constant 80 : index
    %swap3A_835 = tpu.vector_load %arg39[%swap3A_834] {strides = array<i32>} : memref<640xf32, #tpu.memory_space<vmem>>, vector<16xf32>,
    tpu.vector_store %arg39[%swap3A_834], %add3A_833 {strides = array<i32>} : memref<640xf32, #tpu.memory_space<vmem>>, vector<16xf32>,
    %get3A_836 = arith.constant 80 : index
    %get3A_837 = tpu.vector_load %arg33[%get3A_836] {strides = array<i32>} : memref<640xf32, #tpu.memory_space<vmem>>, vector<16xf32>,
    %mul3A_838 = arith.mulf %gather3A_811, %get3A_837 : vector<16xf32>
    %sub3A_839 = arith.subf %mul3A_838, %gather3A_815 : vector<16xf32>
    %get3A_840 = arith.constant 80 : index
    %get3A_841 = tpu.vector_load %arg36[%get3A_840] {strides = array<i32>} : memref<640xf32, #tpu.memory_space<vmem>>, vector<16xf32>,
    %mul3A_842 = arith.mulf %gather3A_812, %get3A_841 : vector<16xf32>
    %add3A_843 = arith.addf %sub3A_839, %mul3A_842 : vector<16xf32>
    %swap3A_844 = arith.constant 80 : index
    %swap3A_845 = tpu.vector_load %arg40[%swap3A_844] {strides = array<i32>} : memref<640xf32, #tpu.memory_space<vmem>>, vector<16xf32>,
    tpu.vector_store %arg40[%swap3A_844], %add3A_843 {strides = array<i32>} : memref<640xf32, #tpu.memory_space<vmem>>, vector<16xf32>,
    %get3A_846 = arith.constant 96 : index
    %get3A_847 = tpu.vector_load %arg37[%get3A_846] {strides = array<i32>} : memref<640xi32, #tpu.memory_space<vmem>>, vector<16xi32>,
    %gather3A_848 = tpu.vector_load_idx %arg26[%get3A_847] : memref<256xf32, #tpu.memory_space<vmem>>[vector<16xi32>], vector<16xf32>,
    %gather3A_849 = tpu.vector_load_idx %arg27[%get3A_847] : memref<256xf32, #tpu.memory_space<vmem>>[vector<16xi32>], vector<16xf32>,
    %gather3A_850 = tpu.vector_load_idx %arg28[%get3A_847] : memref<256xf32, #tpu.memory_space<vmem>>[vector<16xi32>], vector<16xf32>,
    %gather3A_851 = tpu.vector_load_idx %arg29[%get3A_847] : memref<256xf32, #tpu.memory_space<vmem>>[vector<16xi32>], vector<16xf32>,
    %gather3A_852 = tpu.vector_load_idx %arg30[%get3A_847] : memref<256xf32, #tpu.memory_space<vmem>>[vector<16xi32>], vector<16xf32>,
    %get3A_853 = arith.constant 96 : index
    %get3A_854 = tpu.vector_load %arg31[%get3A_853] {strides = array<i32>} : memref<640xf32, #tpu.memory_space<vmem>>, vector<16xf32>,
    %mul3A_855 = arith.mulf %gather3A_848, %get3A_854 : vector<16xf32>
    %sub3A_856 = arith.subf %mul3A_855, %gather3A_850 : vector<16xf32>
    %get3A_857 = arith.constant 96 : index
    %get3A_858 = tpu.vector_load %arg34[%get3A_857] {strides = array<i32>} : memref<640xf32, #tpu.memory_space<vmem>>, vector<16xf32>,
    %mul3A_859 = arith.mulf %gather3A_849, %get3A_858 : vector<16xf32>
    %add3A_860 = arith.addf %sub3A_856, %mul3A_859 : vector<16xf32>
    %swap3A_861 = arith.constant 96 : index
    %swap3A_862 = tpu.vector_load %arg38[%swap3A_861] {strides = array<i32>} : memref<640xf32, #tpu.memory_space<vmem>>, vector<16xf32>,
    tpu.vector_store %arg38[%swap3A_861], %add3A_860 {strides = array<i32>} : memref<640xf32, #tpu.memory_space<vmem>>, vector<16xf32>,
    %get3A_863 = arith.constant 96 : index
    %get3A_864 = tpu.vector_load %arg32[%get3A_863] {strides = array<i32>} : memref<640xf32, #tpu.memory_space<vmem>>, vector<16xf32>,
    %mul3A_865 = arith.mulf %gather3A_848, %get3A_864 : vector<16xf32>
    %sub3A_866 = arith.subf %mul3A_865, %gather3A_851 : vector<16xf32>
    %get3A_867 = arith.constant 96 : index
    %get3A_868 = tpu.vector_load %arg35[%get3A_867] {strides = array<i32>} : memref<640xf32, #tpu.memory_space<vmem>>, vector<16xf32>,
    %mul3A_869 = arith.mulf %gather3A_849, %get3A_868 : vector<16xf32>
    %add3A_870 = arith.addf %sub3A_866, %mul3A_869 : vector<16xf32>
    %swap3A_871 = arith.constant 96 : index
    %swap3A_872 = tpu.vector_load %arg39[%swap3A_871] {strides = array<i32>} : memref<640xf32, #tpu.memory_space<vmem>>, vector<16xf32>,
    tpu.vector_store %arg39[%swap3A_871], %add3A_870 {strides = array<i32>} : memref<640xf32, #tpu.memory_space<vmem>>, vector<16xf32>,
    %get3A_873 = arith.constant 96 : index
    %get3A_874 = tpu.vector_load %arg33[%get3A_873] {strides = array<i32>} : memref<640xf32, #tpu.memory_space<vmem>>, vector<16xf32>,
    %mul3A_875 = arith.mulf %gather3A_848, %get3A_874 : vector<16xf32>
    %sub3A_876 = arith.subf %mul3A_875, %gather3A_852 : vector<16xf32>
    %get3A_877 = arith.constant 96 : index
    %get3A_878 = tpu.vector_load %arg36[%get3A_877] {strides = array<i32>} : memref<640xf32, #tpu.memory_space<vmem>>, vector<16xf32>,
    %mul3A_879 = arith.mulf %gather3A_849, %get3A_878 : vector<16xf32>
    %add3A_880 = arith.addf %sub3A_876, %mul3A_879 : vector<16xf32>
    %swap3A_881 = arith.constant 96 : index
    %swap3A_882 = tpu.vector_load %arg40[%swap3A_881] {strides = array<i32>} : memref<640xf32, #tpu.memory_space<vmem>>, vector<16xf32>,
    tpu.vector_store %arg40[%swap3A_881], %add3A_880 {strides = array<i32>} : memref<640xf32, #tpu.memory_space<vmem>>, vector<16xf32>,
    %get3A_883 = arith.constant 112 : index
    %get3A_884 = tpu.vector_load %arg37[%get3A_883] {strides = array<i32>} : memref<640xi32, #tpu.memory_space<vmem>>, vector<16xi32>,
    %gather3A_885 = tpu.vector_load_idx %arg26[%get3A_884] : memref<256xf32, #tpu.memory_space<vmem>>[vector<16xi32>], vector<16xf32>,
    %gather3A_886 = tpu.vector_load_idx %arg27[%get3A_884] : memref<256xf32, #tpu.memory_space<vmem>>[vector<16xi32>], vector<16xf32>,
    %gather3A_887 = tpu.vector_load_idx %arg28[%get3A_884] : memref<256xf32, #tpu.memory_space<vmem>>[vector<16xi32>], vector<16xf32>,
    %gather3A_888 = tpu.vector_load_idx %arg29[%get3A_884] : memref<256xf32, #tpu.memory_space<vmem>>[vector<16xi32>], vector<16xf32>,
    %gather3A_889 = tpu.vector_load_idx %arg30[%get3A_884] : memref<256xf32, #tpu.memory_space<vmem>>[vector<16xi32>], vector<16xf32>,
    %get3A_890 = arith.constant 112 : index
    %get3A_891 = tpu.vector_load %arg31[%get3A_890] {strides = array<i32>} : memref<640xf32, #tpu.memory_space<vmem>>, vector<16xf32>,
    %mul3A_892 = arith.mulf %gather3A_885, %get3A_891 : vector<16xf32>
    %sub3A_893 = arith.subf %mul3A_892, %gather3A_887 : vector<16xf32>
    %get3A_894 = arith.constant 112 : index
    %get3A_895 = tpu.vector_load %arg34[%get3A_894] {strides = array<i32>} : memref<640xf32, #tpu.memory_space<vmem>>, vector<16xf32>,
    %mul3A_896 = arith.mulf %gather3A_886, %get3A_895 : vector<16xf32>
    %add3A_897 = arith.addf %sub3A_893, %mul3A_896 : vector<16xf32>
    %swap3A_898 = arith.constant 112 : index
    %swap3A_899 = tpu.vector_load %arg38[%swap3A_898] {strides = array<i32>} : memref<640xf32, #tpu.memory_space<vmem>>, vector<16xf32>,
    tpu.vector_store %arg38[%swap3A_898], %add3A_897 {strides = array<i32>} : memref<640xf32, #tpu.memory_space<vmem>>, vector<16xf32>,
    %get3A_900 = arith.constant 112 : index
    %get3A_901 = tpu.vector_load %arg32[%get3A_900] {strides = array<i32>} : memref<640xf32, #tpu.memory_space<vmem>>, vector<16xf32>,
    %mul3A_902 = arith.mulf %gather3A_885, %get3A_901 : vector<16xf32>
    %sub3A_903 = arith.subf %mul3A_902, %gather3A_888 : vector<16xf32>
    %get3A_904 = arith.constant 112 : index
    %get3A_905 = tpu.vector_load %arg35[%get3A_904] {strides = array<i32>} : memref<640xf32, #tpu.memory_space<vmem>>, vector<16xf32>,
    %mul3A_906 = arith.mulf %gather3A_886, %get3A_905 : vector<16xf32>
    %add3A_907 = arith.addf %sub3A_903, %mul3A_906 : vector<16xf32>
    %swap3A_908 = arith.constant 112 : index
    %swap3A_909 = tpu.vector_load %arg39[%swap3A_908] {strides = array<i32>} : memref<640xf32, #tpu.memory_space<vmem>>, vector<16xf32>,
    tpu.vector_store %arg39[%swap3A_908], %add3A_907 {strides = array<i32>} : memref<640xf32, #tpu.memory_space<vmem>>, vector<16xf32>,
    %get3A_910 = arith.constant 112 : index
    %get3A_911 = tpu.vector_load %arg33[%get3A_910] {strides = array<i32>} : memref<640xf32, #tpu.memory_space<vmem>>, vector<16xf32>,
    %mul3A_912 = arith.mulf %gather3A_885, %get3A_911 : vector<16xf32>
    %sub3A_913 = arith.subf %mul3A_912, %gather3A_889 : vector<16xf32>
    %get3A_914 = arith.constant 112 : index
    %get3A_915 = tpu.vector_load %arg36[%get3A_914] {strides = array<i32>} : memref<640xf32, #tpu.memory_space<vmem>>, vector<16xf32>,
    %mul3A_916 = arith.mulf %gather3A_886, %get3A_915 : vector<16xf32>
    %add3A_917 = arith.addf %sub3A_913, %mul3A_916 : vector<16xf32>
    %swap3A_918 = arith.constant 112 : index
    %swap3A_919 = tpu.vector_load %arg40[%swap3A_918] {strides = array<i32>} : memref<640xf32, #tpu.memory_space<vmem>>, vector<16xf32>,
    tpu.vector_store %arg40[%swap3A_918], %add3A_917 {strides = array<i32>} : memref<640xf32, #tpu.memory_space<vmem>>, vector<16xf32>,
    %get3A_920 = arith.constant 128 : index
    %get3A_921 = tpu.vector_load %arg37[%get3A_920] {strides = array<i32>} : memref<640xi32, #tpu.memory_space<vmem>>, vector<16xi32>,
    %gather3A_922 = tpu.vector_load_idx %arg26[%get3A_921] : memref<256xf32, #tpu.memory_space<vmem>>[vector<16xi32>], vector<16xf32>,
    %gather3A_923 = tpu.vector_load_idx %arg27[%get3A_921] : memref<256xf32, #tpu.memory_space<vmem>>[vector<16xi32>], vector<16xf32>,
    %gather3A_924 = tpu.vector_load_idx %arg28[%get3A_921] : memref<256xf32, #tpu.memory_space<vmem>>[vector<16xi32>], vector<16xf32>,
    %gather3A_925 = tpu.vector_load_idx %arg29[%get3A_921] : memref<256xf32, #tpu.memory_space<vmem>>[vector<16xi32>], vector<16xf32>,
    %gather3A_926 = tpu.vector_load_idx %arg30[%get3A_921] : memref<256xf32, #tpu.memory_space<vmem>>[vector<16xi32>], vector<16xf32>,
    %get3A_927 = arith.constant 128 : index
    %get3A_928 = tpu.vector_load %arg31[%get3A_927] {strides = array<i32>} : memref<640xf32, #tpu.memory_space<vmem>>, vector<16xf32>,
    %mul3A_929 = arith.mulf %gather3A_922, %get3A_928 : vector<16xf32>
    %sub3A_930 = arith.subf %mul3A_929, %gather3A_924 : vector<16xf32>
    %get3A_931 = arith.constant 128 : index
    %get3A_932 = tpu.vector_load %arg34[%get3A_931] {strides = array<i32>} : memref<640xf32, #tpu.memory_space<vmem>>, vector<16xf32>,
    %mul3A_933 = arith.mulf %gather3A_923, %get3A_932 : vector<16xf32>
    %add3A_934 = arith.addf %sub3A_930, %mul3A_933 : vector<16xf32>
    %swap3A_935 = arith.constant 128 : index
    %swap3A_936 = tpu.vector_load %arg38[%swap3A_935] {strides = array<i32>} : memref<640xf32, #tpu.memory_space<vmem>>, vector<16xf32>,
    tpu.vector_store %arg38[%swap3A_935], %add3A_934 {strides = array<i32>} : memref<640xf32, #tpu.memory_space<vmem>>, vector<16xf32>,
    %get3A_937 = arith.constant 128 : index
    %get3A_938 = tpu.vector_load %arg32[%get3A_937] {strides = array<i32>} : memref<640xf32, #tpu.memory_space<vmem>>, vector<16xf32>,
    %mul3A_939 = arith.mulf %gather3A_922, %get3A_938 : vector<16xf32>
    %sub3A_940 = arith.subf %mul3A_939, %gather3A_925 : vector<16xf32>
    %get3A_941 = arith.constant 128 : index
    %get3A_942 = tpu.vector_load %arg35[%get3A_941] {strides = array<i32>} : memref<640xf32, #tpu.memory_space<vmem>>, vector<16xf32>,
    %mul3A_943 = arith.mulf %gather3A_923, %get3A_942 : vector<16xf32>
    %add3A_944 = arith.addf %sub3A_940, %mul3A_943 : vector<16xf32>
    %swap3A_945 = arith.constant 128 : index
    %swap3A_946 = tpu.vector_load %arg39[%swap3A_945] {strides = array<i32>} : memref<640xf32, #tpu.memory_space<vmem>>, vector<16xf32>,
    tpu.vector_store %arg39[%swap3A_945], %add3A_944 {strides = array<i32>} : memref<640xf32, #tpu.memory_space<vmem>>, vector<16xf32>,
    %get3A_947 = arith.constant 128 : index
    %get3A_948 = tpu.vector_load %arg33[%get3A_947] {strides = array<i32>} : memref<640xf32, #tpu.memory_space<vmem>>, vector<16xf32>,
    %mul3A_949 = arith.mulf %gather3A_922, %get3A_948 : vector<16xf32>
    %sub3A_950 = arith.subf %mul3A_949, %gather3A_926 : vector<16xf32>
    %get3A_951 = arith.constant 128 : index
    %get3A_952 = tpu.vector_load %arg36[%get3A_951] {strides = array<i32>} : memref<640xf32, #tpu.memory_space<vmem>>, vector<16xf32>,
    %mul3A_953 = arith.mulf %gather3A_923, %get3A_952 : vector<16xf32>
    %add3A_954 = arith.addf %sub3A_950, %mul3A_953 : vector<16xf32>
    %swap3A_955 = arith.constant 128 : index
    %swap3A_956 = tpu.vector_load %arg40[%swap3A_955] {strides = array<i32>} : memref<640xf32, #tpu.memory_space<vmem>>, vector<16xf32>,
    tpu.vector_store %arg40[%swap3A_955], %add3A_954 {strides = array<i32>} : memref<640xf32, #tpu.memory_space<vmem>>, vector<16xf32>,
    %get3A_957 = arith.constant 144 : index
    %get3A_958 = tpu.vector_load %arg37[%get3A_957] {strides = array<i32>} : memref<640xi32, #tpu.memory_space<vmem>>, vector<16xi32>,
    %gather3A_959 = tpu.vector_load_idx %arg26[%get3A_958] : memref<256xf32, #tpu.memory_space<vmem>>[vector<16xi32>], vector<16xf32>,
    %gather3A_960 = tpu.vector_load_idx %arg27[%get3A_958] : memref<256xf32, #tpu.memory_space<vmem>>[vector<16xi32>], vector<16xf32>,
    %gather3A_961 = tpu.vector_load_idx %arg28[%get3A_958] : memref<256xf32, #tpu.memory_space<vmem>>[vector<16xi32>], vector<16xf32>,
    %gather3A_962 = tpu.vector_load_idx %arg29[%get3A_958] : memref<256xf32, #tpu.memory_space<vmem>>[vector<16xi32>], vector<16xf32>,
    %gather3A_963 = tpu.vector_load_idx %arg30[%get3A_958] : memref<256xf32, #tpu.memory_space<vmem>>[vector<16xi32>], vector<16xf32>,
    %get3A_964 = arith.constant 144 : index
    %get3A_965 = tpu.vector_load %arg31[%get3A_964] {strides = array<i32>} : memref<640xf32, #tpu.memory_space<vmem>>, vector<16xf32>,
    %mul3A_966 = arith.mulf %gather3A_959, %get3A_965 : vector<16xf32>
    %sub3A_967 = arith.subf %mul3A_966, %gather3A_961 : vector<16xf32>
    %get3A_968 = arith.constant 144 : index
    %get3A_969 = tpu.vector_load %arg34[%get3A_968] {strides = array<i32>} : memref<640xf32, #tpu.memory_space<vmem>>, vector<16xf32>,
    %mul3A_970 = arith.mulf %gather3A_960, %get3A_969 : vector<16xf32>
    %add3A_971 = arith.addf %sub3A_967, %mul3A_970 : vector<16xf32>
    %swap3A_972 = arith.constant 144 : index
    %swap3A_973 = tpu.vector_load %arg38[%swap3A_972] {strides = array<i32>} : memref<640xf32, #tpu.memory_space<vmem>>, vector<16xf32>,
    tpu.vector_store %arg38[%swap3A_972], %add3A_971 {strides = array<i32>} : memref<640xf32, #tpu.memory_space<vmem>>, vector<16xf32>,
    %get3A_974 = arith.constant 144 : index
    %get3A_975 = tpu.vector_load %arg32[%get3A_974] {strides = array<i32>} : memref<640xf32, #tpu.memory_space<vmem>>, vector<16xf32>,
    %mul3A_976 = arith.mulf %gather3A_959, %get3A_975 : vector<16xf32>
    %sub3A_977 = arith.subf %mul3A_976, %gather3A_962 : vector<16xf32>
    %get3A_978 = arith.constant 144 : index
    %get3A_979 = tpu.vector_load %arg35[%get3A_978] {strides = array<i32>} : memref<640xf32, #tpu.memory_space<vmem>>, vector<16xf32>,
    %mul3A_980 = arith.mulf %gather3A_960, %get3A_979 : vector<16xf32>
    %add3A_981 = arith.addf %sub3A_977, %mul3A_980 : vector<16xf32>
    %swap3A_982 = arith.constant 144 : index
    %swap3A_983 = tpu.vector_load %arg39[%swap3A_982] {strides = array<i32>} : memref<640xf32, #tpu.memory_space<vmem>>, vector<16xf32>,
    tpu.vector_store %arg39[%swap3A_982], %add3A_981 {strides = array<i32>} : memref<640xf32, #tpu.memory_space<vmem>>, vector<16xf32>,
    %get3A_984 = arith.constant 144 : index
    %get3A_985 = tpu.vector_load %arg33[%get3A_984] {strides = array<i32>} : memref<640xf32, #tpu.memory_space<vmem>>, vector<16xf32>,
    %mul3A_986 = arith.mulf %gather3A_959, %get3A_985 : vector<16xf32>
    %sub3A_987 = arith.subf %mul3A_986, %gather3A_963 : vector<16xf32>
    %get3A_988 = arith.constant 144 : index
    %get3A_989 = tpu.vector_load %arg36[%get3A_988] {strides = array<i32>} : memref<640xf32, #tpu.memory_space<vmem>>, vector<16xf32>,
    %mul3A_990 = arith.mulf %gather3A_960, %get3A_989 : vector<16xf32>
    %add3A_991 = arith.addf %sub3A_987, %mul3A_990 : vector<16xf32>
    %swap3A_992 = arith.constant 144 : index
    %swap3A_993 = tpu.vector_load %arg40[%swap3A_992] {strides = array<i32>} : memref<640xf32, #tpu.memory_space<vmem>>, vector<16xf32>,
    tpu.vector_store %arg40[%swap3A_992], %add3A_991 {strides = array<i32>} : memref<640xf32, #tpu.memory_space<vmem>>, vector<16xf32>,
    %get3A_994 = arith.constant 160 : index
    %get3A_995 = tpu.vector_load %arg37[%get3A_994] {strides = array<i32>} : memref<640xi32, #tpu.memory_space<vmem>>, vector<16xi32>,
    %gather3A_996 = tpu.vector_load_idx %arg26[%get3A_995] : memref<256xf32, #tpu.memory_space<vmem>>[vector<16xi32>], vector<16xf32>,
    %gather3A_997 = tpu.vector_load_idx %arg27[%get3A_995] : memref<256xf32, #tpu.memory_space<vmem>>[vector<16xi32>], vector<16xf32>,
    %gather3A_998 = tpu.vector_load_idx %arg28[%get3A_995] : memref<256xf32, #tpu.memory_space<vmem>>[vector<16xi32>], vector<16xf32>,
    %gather3A_999 = tpu.vector_load_idx %arg29[%get3A_995] : memref<256xf32, #tpu.memory_space<vmem>>[vector<16xi32>], vector<16xf32>,
    %gather3A_1000 = tpu.vector_load_idx %arg30[%get3A_995] : memref<256xf32, #tpu.memory_space<vmem>>[vector<16xi32>], vector<16xf32>,
    %get3A_1001 = arith.constant 160 : index
    %get3A_1002 = tpu.vector_load %arg31[%get3A_1001] {strides = array<i32>} : memref<640xf32, #tpu.memory_space<vmem>>, vector<16xf32>,
    %mul3A_1003 = arith.mulf %gather3A_996, %get3A_1002 : vector<16xf32>
    %sub3A_1004 = arith.subf %mul3A_1003, %gather3A_998 : vector<16xf32>
    %get3A_1005 = arith.constant 160 : index
    %get3A_1006 = tpu.vector_load %arg34[%get3A_1005] {strides = array<i32>} : memref<640xf32, #tpu.memory_space<vmem>>, vector<16xf32>,
    %mul3A_1007 = arith.mulf %gather3A_997, %get3A_1006 : vector<16xf32>
    %add3A_1008 = arith.addf %sub3A_1004, %mul3A_1007 : vector<16xf32>
    %swap3A_1009 = arith.constant 160 : index
    %swap3A_1010 = tpu.vector_load %arg38[%swap3A_1009] {strides = array<i32>} : memref<640xf32, #tpu.memory_space<vmem>>, vector<16xf32>,
    tpu.vector_store %arg38[%swap3A_1009], %add3A_1008 {strides = array<i32>} : memref<640xf32, #tpu.memory_space<vmem>>, vector<16xf32>,
    %get3A_1011 = arith.constant 160 : index
    %get3A_1012 = tpu.vector_load %arg32[%get3A_1011] {strides = array<i32>} : memref<640xf32, #tpu.memory_space<vmem>>, vector<16xf32>,
    %mul3A_1013 = arith.mulf %gather3A_996, %get3A_1012 : vector<16xf32>
    %sub3A_1014 = arith.subf %mul3A_1013, %gather3A_999 : vector<16xf32>
    %get3A_1015 = arith.constant 160 : index
    %get3A_1016 = tpu.vector_load %arg35[%get3A_1015] {strides = array<i32>} : memref<640xf32, #tpu.memory_space<vmem>>, vector<16xf32>,
    %mul3A_1017 = arith.mulf %gather3A_997, %get3A_1016 : vector<16xf32>
    %add3A_1018 = arith.addf %sub3A_1014, %mul3A_1017 : vector<16xf32>
    %swap3A_1019 = arith.constant 160 : index
    %swap3A_1020 = tpu.vector_load %arg39[%swap3A_1019] {strides = array<i32>} : memref<640xf32, #tpu.memory_space<vmem>>, vector<16xf32>,
    tpu.vector_store %arg39[%swap3A_1019], %add3A_1018 {strides = array<i32>} : memref<640xf32, #tpu.memory_space<vmem>>, vector<16xf32>,
    %get3A_1021 = arith.constant 160 : index
    %get3A_1022 = tpu.vector_load %arg33[%get3A_1021] {strides = array<i32>} : memref<640xf32, #tpu.memory_space<vmem>>, vector<16xf32>,
    %mul3A_1023 = arith.mulf %gather3A_996, %get3A_1022 : vector<16xf32>
    %sub3A_1024 = arith.subf %mul3A_1023, %gather3A_1000 : vector<16xf32>
    %get3A_1025 = arith.constant 160 : index
    %get3A_1026 = tpu.vector_load %arg36[%get3A_1025] {strides = array<i32>} : memref<640xf32, #tpu.memory_space<vmem>>, vector<16xf32>,
    %mul3A_1027 = arith.mulf %gather3A_997, %get3A_1026 : vector<16xf32>
    %add3A_1028 = arith.addf %sub3A_1024, %mul3A_1027 : vector<16xf32>
    %swap3A_1029 = arith.constant 160 : index
    %swap3A_1030 = tpu.vector_load %arg40[%swap3A_1029] {strides = array<i32>} : memref<640xf32, #tpu.memory_space<vmem>>, vector<16xf32>,
    tpu.vector_store %arg40[%swap3A_1029], %add3A_1028 {strides = array<i32>} : memref<640xf32, #tpu.memory_space<vmem>>, vector<16xf32>,
    %get3A_1031 = arith.constant 176 : index
    %get3A_1032 = tpu.vector_load %arg37[%get3A_1031] {strides = array<i32>} : memref<640xi32, #tpu.memory_space<vmem>>, vector<16xi32>,
    %gather3A_1033 = tpu.vector_load_idx %arg26[%get3A_1032] : memref<256xf32, #tpu.memory_space<vmem>>[vector<16xi32>], vector<16xf32>,
    %gather3A_1034 = tpu.vector_load_idx %arg27[%get3A_1032] : memref<256xf32, #tpu.memory_space<vmem>>[vector<16xi32>], vector<16xf32>,
    %gather3A_1035 = tpu.vector_load_idx %arg28[%get3A_1032] : memref<256xf32, #tpu.memory_space<vmem>>[vector<16xi32>], vector<16xf32>,
    %gather3A_1036 = tpu.vector_load_idx %arg29[%get3A_1032] : memref<256xf32, #tpu.memory_space<vmem>>[vector<16xi32>], vector<16xf32>,
    %gather3A_1037 = tpu.vector_load_idx %arg30[%get3A_1032] : memref<256xf32, #tpu.memory_space<vmem>>[vector<16xi32>], vector<16xf32>,
    %get3A_1038 = arith.constant 176 : index
    %get3A_1039 = tpu.vector_load %arg31[%get3A_1038] {strides = array<i32>} : memref<640xf32, #tpu.memory_space<vmem>>, vector<16xf32>,
    %mul3A_1040 = arith.mulf %gather3A_1033, %get3A_1039 : vector<16xf32>
    %sub3A_1041 = arith.subf %mul3A_1040, %gather3A_1035 : vector<16xf32>
    %get3A_1042 = arith.constant 176 : index
    %get3A_1043 = tpu.vector_load %arg34[%get3A_1042] {strides = array<i32>} : memref<640xf32, #tpu.memory_space<vmem>>, vector<16xf32>,
    %mul3A_1044 = arith.mulf %gather3A_1034, %get3A_1043 : vector<16xf32>
    %add3A_1045 = arith.addf %sub3A_1041, %mul3A_1044 : vector<16xf32>
    %swap3A_1046 = arith.constant 176 : index
    %swap3A_1047 = tpu.vector_load %arg38[%swap3A_1046] {strides = array<i32>} : memref<640xf32, #tpu.memory_space<vmem>>, vector<16xf32>,
    tpu.vector_store %arg38[%swap3A_1046], %add3A_1045 {strides = array<i32>} : memref<640xf32, #tpu.memory_space<vmem>>, vector<16xf32>,
    %get3A_1048 = arith.constant 176 : index
    %get3A_1049 = tpu.vector_load %arg32[%get3A_1048] {strides = array<i32>} : memref<640xf32, #tpu.memory_space<vmem>>, vector<16xf32>,
    %mul3A_1050 = arith.mulf %gather3A_1033, %get3A_1049 : vector<16xf32>
    %sub3A_1051 = arith.subf %mul3A_1050, %gather3A_1036 : vector<16xf32>
    %get3A_1052 = arith.constant 176 : index
    %get3A_1053 = tpu.vector_load %arg35[%get3A_1052] {strides = array<i32>} : memref<640xf32, #tpu.memory_space<vmem>>, vector<16xf32>,
    %mul3A_1054 = arith.mulf %gather3A_1034, %get3A_1053 : vector<16xf32>
    %add3A_1055 = arith.addf %sub3A_1051, %mul3A_1054 : vector<16xf32>
    %swap3A_1056 = arith.constant 176 : index
    %swap3A_1057 = tpu.vector_load %arg39[%swap3A_1056] {strides = array<i32>} : memref<640xf32, #tpu.memory_space<vmem>>, vector<16xf32>,
    tpu.vector_store %arg39[%swap3A_1056], %add3A_1055 {strides = array<i32>} : memref<640xf32, #tpu.memory_space<vmem>>, vector<16xf32>,
    %get3A_1058 = arith.constant 176 : index
    %get3A_1059 = tpu.vector_load %arg33[%get3A_1058] {strides = array<i32>} : memref<640xf32, #tpu.memory_space<vmem>>, vector<16xf32>,
    %mul3A_1060 = arith.mulf %gather3A_1033, %get3A_1059 : vector<16xf32>
    %sub3A_1061 = arith.subf %mul3A_1060, %gather3A_1037 : vector<16xf32>
    %get3A_1062 = arith.constant 176 : index
    %get3A_1063 = tpu.vector_load %arg36[%get3A_1062] {strides = array<i32>} : memref<640xf32, #tpu.memory_space<vmem>>, vector<16xf32>,
    %mul3A_1064 = arith.mulf %gather3A_1034, %get3A_1063 : vector<16xf32>
    %add3A_1065 = arith.addf %sub3A_1061, %mul3A_1064 : vector<16xf32>
    %swap3A_1066 = arith.constant 176 : index
    %swap3A_1067 = tpu.vector_load %arg40[%swap3A_1066] {strides = array<i32>} : memref<640xf32, #tpu.memory_space<vmem>>, vector<16xf32>,
    tpu.vector_store %arg40[%swap3A_1066], %add3A_1065 {strides = array<i32>} : memref<640xf32, #tpu.memory_space<vmem>>, vector<16xf32>,
    %get3A_1068 = arith.constant 192 : index
    %get3A_1069 = tpu.vector_load %arg37[%get3A_1068] {strides = array<i32>} : memref<640xi32, #tpu.memory_space<vmem>>, vector<16xi32>,
    %gather3A_1070 = tpu.vector_load_idx %arg26[%get3A_1069] : memref<256xf32, #tpu.memory_space<vmem>>[vector<16xi32>], vector<16xf32>,
    %gather3A_1071 = tpu.vector_load_idx %arg27[%get3A_1069] : memref<256xf32, #tpu.memory_space<vmem>>[vector<16xi32>], vector<16xf32>,
    %gather3A_1072 = tpu.vector_load_idx %arg28[%get3A_1069] : memref<256xf32, #tpu.memory_space<vmem>>[vector<16xi32>], vector<16xf32>,
    %gather3A_1073 = tpu.vector_load_idx %arg29[%get3A_1069] : memref<256xf32, #tpu.memory_space<vmem>>[vector<16xi32>], vector<16xf32>,
    %gather3A_1074 = tpu.vector_load_idx %arg30[%get3A_1069] : memref<256xf32, #tpu.memory_space<vmem>>[vector<16xi32>], vector<16xf32>,
    %get3A_1075 = arith.constant 192 : index
    %get3A_1076 = tpu.vector_load %arg31[%get3A_1075] {strides = array<i32>} : memref<640xf32, #tpu.memory_space<vmem>>, vector<16xf32>,
    %mul3A_1077 = arith.mulf %gather3A_1070, %get3A_1076 : vector<16xf32>
    %sub3A_1078 = arith.subf %mul3A_1077, %gather3A_1072 : vector<16xf32>
    %get3A_1079 = arith.constant 192 : index
    %get3A_1080 = tpu.vector_load %arg34[%get3A_1079] {strides = array<i32>} : memref<640xf32, #tpu.memory_space<vmem>>, vector<16xf32>,
    %mul3A_1081 = arith.mulf %gather3A_1071, %get3A_1080 : vector<16xf32>
    %add3A_1082 = arith.addf %sub3A_1078, %mul3A_1081 : vector<16xf32>
    %swap3A_1083 = arith.constant 192 : index
    %swap3A_1084 = tpu.vector_load %arg38[%swap3A_1083] {strides = array<i32>} : memref<640xf32, #tpu.memory_space<vmem>>, vector<16xf32>,
    tpu.vector_store %arg38[%swap3A_1083], %add3A_1082 {strides = array<i32>} : memref<640xf32, #tpu.memory_space<vmem>>, vector<16xf32>,
    %get3A_1085 = arith.constant 192 : index
    %get3A_1086 = tpu.vector_load %arg32[%get3A_1085] {strides = array<i32>} : memref<640xf32, #tpu.memory_space<vmem>>, vector<16xf32>,
    %mul3A_1087 = arith.mulf %gather3A_1070, %get3A_1086 : vector<16xf32>
    %sub3A_1088 = arith.subf %mul3A_1087, %gather3A_1073 : vector<16xf32>
    %get3A_1089 = arith.constant 192 : index
    %get3A_1090 = tpu.vector_load %arg35[%get3A_1089] {strides = array<i32>} : memref<640xf32, #tpu.memory_space<vmem>>, vector<16xf32>,
    %mul3A_1091 = arith.mulf %gather3A_1071, %get3A_1090 : vector<16xf32>
    %add3A_1092 = arith.addf %sub3A_1088, %mul3A_1091 : vector<16xf32>
    %swap3A_1093 = arith.constant 192 : index
    %swap3A_1094 = tpu.vector_load %arg39[%swap3A_1093] {strides = array<i32>} : memref<640xf32, #tpu.memory_space<vmem>>, vector<16xf32>,
    tpu.vector_store %arg39[%swap3A_1093], %add3A_1092 {strides = array<i32>} : memref<640xf32, #tpu.memory_space<vmem>>, vector<16xf32>,
    %get3A_1095 = arith.constant 192 : index
    %get3A_1096 = tpu.vector_load %arg33[%get3A_1095] {strides = array<i32>} : memref<640xf32, #tpu.memory_space<vmem>>, vector<16xf32>,
    %mul3A_1097 = arith.mulf %gather3A_1070, %get3A_1096 : vector<16xf32>
    %sub3A_1098 = arith.subf %mul3A_1097, %gather3A_1074 : vector<16xf32>
    %get3A_1099 = arith.constant 192 : index
    %get3A_1100 = tpu.vector_load %arg36[%get3A_1099] {strides = array<i32>} : memref<640xf32, #tpu.memory_space<vmem>>, vector<16xf32>,
    %mul3A_1101 = arith.mulf %gather3A_1071, %get3A_1100 : vector<16xf32>
    %add3A_1102 = arith.addf %sub3A_1098, %mul3A_1101 : vector<16xf32>
    %swap3A_1103 = arith.constant 192 : index
    %swap3A_1104 = tpu.vector_load %arg40[%swap3A_1103] {strides = array<i32>} : memref<640xf32, #tpu.memory_space<vmem>>, vector<16xf32>,
    tpu.vector_store %arg40[%swap3A_1103], %add3A_1102 {strides = array<i32>} : memref<640xf32, #tpu.memory_space<vmem>>, vector<16xf32>,
    %get3A_1105 = arith.constant 208 : index
    %get3A_1106 = tpu.vector_load %arg37[%get3A_1105] {strides = array<i32>} : memref<640xi32, #tpu.memory_space<vmem>>, vector<16xi32>,
    %gather3A_1107 = tpu.vector_load_idx %arg26[%get3A_1106] : memref<256xf32, #tpu.memory_space<vmem>>[vector<16xi32>], vector<16xf32>,
    %gather3A_1108 = tpu.vector_load_idx %arg27[%get3A_1106] : memref<256xf32, #tpu.memory_space<vmem>>[vector<16xi32>], vector<16xf32>,
    %gather3A_1109 = tpu.vector_load_idx %arg28[%get3A_1106] : memref<256xf32, #tpu.memory_space<vmem>>[vector<16xi32>], vector<16xf32>,
    %gather3A_1110 = tpu.vector_load_idx %arg29[%get3A_1106] : memref<256xf32, #tpu.memory_space<vmem>>[vector<16xi32>], vector<16xf32>,
    %gather3A_1111 = tpu.vector_load_idx %arg30[%get3A_1106] : memref<256xf32, #tpu.memory_space<vmem>>[vector<16xi32>], vector<16xf32>,
    %get3A_1112 = arith.constant 208 : index
    %get3A_1113 = tpu.vector_load %arg31[%get3A_1112] {strides = array<i32>} : memref<640xf32, #tpu.memory_space<vmem>>, vector<16xf32>,
    %mul3A_1114 = arith.mulf %gather3A_1107, %get3A_1113 : vector<16xf32>
    %sub3A_1115 = arith.subf %mul3A_1114, %gather3A_1109 : vector<16xf32>
    %get3A_1116 = arith.constant 208 : index
    %get3A_1117 = tpu.vector_load %arg34[%get3A_1116] {strides = array<i32>} : memref<640xf32, #tpu.memory_space<vmem>>, vector<16xf32>,
    %mul3A_1118 = arith.mulf %gather3A_1108, %get3A_1117 : vector<16xf32>
    %add3A_1119 = arith.addf %sub3A_1115, %mul3A_1118 : vector<16xf32>
    %swap3A_1120 = arith.constant 208 : index
    %swap3A_1121 = tpu.vector_load %arg38[%swap3A_1120] {strides = array<i32>} : memref<640xf32, #tpu.memory_space<vmem>>, vector<16xf32>,
    tpu.vector_store %arg38[%swap3A_1120], %add3A_1119 {strides = array<i32>} : memref<640xf32, #tpu.memory_space<vmem>>, vector<16xf32>,
    %get3A_1122 = arith.constant 208 : index
    %get3A_1123 = tpu.vector_load %arg32[%get3A_1122] {strides = array<i32>} : memref<640xf32, #tpu.memory_space<vmem>>, vector<16xf32>,
    %mul3A_1124 = arith.mulf %gather3A_1107, %get3A_1123 : vector<16xf32>
    %sub3A_1125 = arith.subf %mul3A_1124, %gather3A_1110 : vector<16xf32>
    %get3A_1126 = arith.constant 208 : index
    %get3A_1127 = tpu.vector_load %arg35[%get3A_1126] {strides = array<i32>} : memref<640xf32, #tpu.memory_space<vmem>>, vector<16xf32>,
    %mul3A_1128 = arith.mulf %gather3A_1108, %get3A_1127 : vector<16xf32>
    %add3A_1129 = arith.addf %sub3A_1125, %mul3A_1128 : vector<16xf32>
    %swap3A_1130 = arith.constant 208 : index
    %swap3A_1131 = tpu.vector_load %arg39[%swap3A_1130] {strides = array<i32>} : memref<640xf32, #tpu.memory_space<vmem>>, vector<16xf32>,
    tpu.vector_store %arg39[%swap3A_1130], %add3A_1129 {strides = array<i32>} : memref<640xf32, #tpu.memory_space<vmem>>, vector<16xf32>,
    %get3A_1132 = arith.constant 208 : index
    %get3A_1133 = tpu.vector_load %arg33[%get3A_1132] {strides = array<i32>} : memref<640xf32, #tpu.memory_space<vmem>>, vector<16xf32>,
    %mul3A_1134 = arith.mulf %gather3A_1107, %get3A_1133 : vector<16xf32>
    %sub3A_1135 = arith.subf %mul3A_1134, %gather3A_1111 : vector<16xf32>
    %get3A_1136 = arith.constant 208 : index
    %get3A_1137 = tpu.vector_load %arg36[%get3A_1136] {strides = array<i32>} : memref<640xf32, #tpu.memory_space<vmem>>, vector<16xf32>,
    %mul3A_1138 = arith.mulf %gather3A_1108, %get3A_1137 : vector<16xf32>
    %add3A_1139 = arith.addf %sub3A_1135, %mul3A_1138 : vector<16xf32>
    %swap3A_1140 = arith.constant 208 : index
    %swap3A_1141 = tpu.vector_load %arg40[%swap3A_1140] {strides = array<i32>} : memref<640xf32, #tpu.memory_space<vmem>>, vector<16xf32>,
    tpu.vector_store %arg40[%swap3A_1140], %add3A_1139 {strides = array<i32>} : memref<640xf32, #tpu.memory_space<vmem>>, vector<16xf32>,
    %get3A_1142 = arith.constant 224 : index
    %get3A_1143 = tpu.vector_load %arg37[%get3A_1142] {strides = array<i32>} : memref<640xi32, #tpu.memory_space<vmem>>, vector<16xi32>,
    %gather3A_1144 = tpu.vector_load_idx %arg26[%get3A_1143] : memref<256xf32, #tpu.memory_space<vmem>>[vector<16xi32>], vector<16xf32>,
    %gather3A_1145 = tpu.vector_load_idx %arg27[%get3A_1143] : memref<256xf32, #tpu.memory_space<vmem>>[vector<16xi32>], vector<16xf32>,
    %gather3A_1146 = tpu.vector_load_idx %arg28[%get3A_1143] : memref<256xf32, #tpu.memory_space<vmem>>[vector<16xi32>], vector<16xf32>,
    %gather3A_1147 = tpu.vector_load_idx %arg29[%get3A_1143] : memref<256xf32, #tpu.memory_space<vmem>>[vector<16xi32>], vector<16xf32>,
    %gather3A_1148 = tpu.vector_load_idx %arg30[%get3A_1143] : memref<256xf32, #tpu.memory_space<vmem>>[vector<16xi32>], vector<16xf32>,
    %get3A_1149 = arith.constant 224 : index
    %get3A_1150 = tpu.vector_load %arg31[%get3A_1149] {strides = array<i32>} : memref<640xf32, #tpu.memory_space<vmem>>, vector<16xf32>,
    %mul3A_1151 = arith.mulf %gather3A_1144, %get3A_1150 : vector<16xf32>
    %sub3A_1152 = arith.subf %mul3A_1151, %gather3A_1146 : vector<16xf32>
    %get3A_1153 = arith.constant 224 : index
    %get3A_1154 = tpu.vector_load %arg34[%get3A_1153] {strides = array<i32>} : memref<640xf32, #tpu.memory_space<vmem>>, vector<16xf32>,
    %mul3A_1155 = arith.mulf %gather3A_1145, %get3A_1154 : vector<16xf32>
    %add3A_1156 = arith.addf %sub3A_1152, %mul3A_1155 : vector<16xf32>
    %swap3A_1157 = arith.constant 224 : index
    %swap3A_1158 = tpu.vector_load %arg38[%swap3A_1157] {strides = array<i32>} : memref<640xf32, #tpu.memory_space<vmem>>, vector<16xf32>,
    tpu.vector_store %arg38[%swap3A_1157], %add3A_1156 {strides = array<i32>} : memref<640xf32, #tpu.memory_space<vmem>>, vector<16xf32>,
    %get3A_1159 = arith.constant 224 : index
    %get3A_1160 = tpu.vector_load %arg32[%get3A_1159] {strides = array<i32>} : memref<640xf32, #tpu.memory_space<vmem>>, vector<16xf32>,
    %mul3A_1161 = arith.mulf %gather3A_1144, %get3A_1160 : vector<16xf32>
    %sub3A_1162 = arith.subf %mul3A_1161, %gather3A_1147 : vector<16xf32>
    %get3A_1163 = arith.constant 224 : index
    %get3A_1164 = tpu.vector_load %arg35[%get3A_1163] {strides = array<i32>} : memref<640xf32, #tpu.memory_space<vmem>>, vector<16xf32>,
    %mul3A_1165 = arith.mulf %gather3A_1145, %get3A_1164 : vector<16xf32>
    %add3A_1166 = arith.addf %sub3A_1162, %mul3A_1165 : vector<16xf32>
    %swap3A_1167 = arith.constant 224 : index
    %swap3A_1168 = tpu.vector_load %arg39[%swap3A_1167] {strides = array<i32>} : memref<640xf32, #tpu.memory_space<vmem>>, vector<16xf32>,
    tpu.vector_store %arg39[%swap3A_1167], %add3A_1166 {strides = array<i32>} : memref<640xf32, #tpu.memory_space<vmem>>, vector<16xf32>,
    %get3A_1169 = arith.constant 224 : index
    %get3A_1170 = tpu.vector_load %arg33[%get3A_1169] {strides = array<i32>} : memref<640xf32, #tpu.memory_space<vmem>>, vector<16xf32>,
    %mul3A_1171 = arith.mulf %gather3A_1144, %get3A_1170 : vector<16xf32>
    %sub3A_1172 = arith.subf %mul3A_1171, %gather3A_1148 : vector<16xf32>
    %get3A_1173 = arith.constant 224 : index
    %get3A_1174 = tpu.vector_load %arg36[%get3A_1173] {strides = array<i32>} : memref<640xf32, #tpu.memory_space<vmem>>, vector<16xf32>,
    %mul3A_1175 = arith.mulf %gather3A_1145, %get3A_1174 : vector<16xf32>
    %add3A_1176 = arith.addf %sub3A_1172, %mul3A_1175 : vector<16xf32>
    %swap3A_1177 = arith.constant 224 : index
    %swap3A_1178 = tpu.vector_load %arg40[%swap3A_1177] {strides = array<i32>} : memref<640xf32, #tpu.memory_space<vmem>>, vector<16xf32>,
    tpu.vector_store %arg40[%swap3A_1177], %add3A_1176 {strides = array<i32>} : memref<640xf32, #tpu.memory_space<vmem>>, vector<16xf32>,
    %get3A_1179 = arith.constant 240 : index
    %get3A_1180 = tpu.vector_load %arg37[%get3A_1179] {strides = array<i32>} : memref<640xi32, #tpu.memory_space<vmem>>, vector<16xi32>,
    %gather3A_1181 = tpu.vector_load_idx %arg26[%get3A_1180] : memref<256xf32, #tpu.memory_space<vmem>>[vector<16xi32>], vector<16xf32>,
    %gather3A_1182 = tpu.vector_load_idx %arg27[%get3A_1180] : memref<256xf32, #tpu.memory_space<vmem>>[vector<16xi32>], vector<16xf32>,
    %gather3A_1183 = tpu.vector_load_idx %arg28[%get3A_1180] : memref<256xf32, #tpu.memory_space<vmem>>[vector<16xi32>], vector<16xf32>,
    %gather3A_1184 = tpu.vector_load_idx %arg29[%get3A_1180] : memref<256xf32, #tpu.memory_space<vmem>>[vector<16xi32>], vector<16xf32>,
    %gather3A_1185 = tpu.vector_load_idx %arg30[%get3A_1180] : memref<256xf32, #tpu.memory_space<vmem>>[vector<16xi32>], vector<16xf32>,
    %get3A_1186 = arith.constant 240 : index
    %get3A_1187 = tpu.vector_load %arg31[%get3A_1186] {strides = array<i32>} : memref<640xf32, #tpu.memory_space<vmem>>, vector<16xf32>,
    %mul3A_1188 = arith.mulf %gather3A_1181, %get3A_1187 : vector<16xf32>
    %sub3A_1189 = arith.subf %mul3A_1188, %gather3A_1183 : vector<16xf32>
    %get3A_1190 = arith.constant 240 : index
    %get3A_1191 = tpu.vector_load %arg34[%get3A_1190] {strides = array<i32>} : memref<640xf32, #tpu.memory_space<vmem>>, vector<16xf32>,
    %mul3A_1192 = arith.mulf %gather3A_1182, %get3A_1191 : vector<16xf32>
    %add3A_1193 = arith.addf %sub3A_1189, %mul3A_1192 : vector<16xf32>
    %swap3A_1194 = arith.constant 240 : index
    %swap3A_1195 = tpu.vector_load %arg38[%swap3A_1194] {strides = array<i32>} : memref<640xf32, #tpu.memory_space<vmem>>, vector<16xf32>,
    tpu.vector_store %arg38[%swap3A_1194], %add3A_1193 {strides = array<i32>} : memref<640xf32, #tpu.memory_space<vmem>>, vector<16xf32>,
    %get3A_1196 = arith.constant 240 : index
    %get3A_1197 = tpu.vector_load %arg32[%get3A_1196] {strides = array<i32>} : memref<640xf32, #tpu.memory_space<vmem>>, vector<16xf32>,
    %mul3A_1198 = arith.mulf %gather3A_1181, %get3A_1197 : vector<16xf32>
    %sub3A_1199 = arith.subf %mul3A_1198, %gather3A_1184 : vector<16xf32>
    %get3A_1200 = arith.constant 240 : index
    %get3A_1201 = tpu.vector_load %arg35[%get3A_1200] {strides = array<i32>} : memref<640xf32, #tpu.memory_space<vmem>>, vector<16xf32>,
    %mul3A_1202 = arith.mulf %gather3A_1182, %get3A_1201 : vector<16xf32>
    %add3A_1203 = arith.addf %sub3A_1199, %mul3A_1202 : vector<16xf32>
    %swap3A_1204 = arith.constant 240 : index
    %swap3A_1205 = tpu.vector_load %arg39[%swap3A_1204] {strides = array<i32>} : memref<640xf32, #tpu.memory_space<vmem>>, vector<16xf32>,
    tpu.vector_store %arg39[%swap3A_1204], %add3A_1203 {strides = array<i32>} : memref<640xf32, #tpu.memory_space<vmem>>, vector<16xf32>,
    %get3A_1206 = arith.constant 240 : index
    %get3A_1207 = tpu.vector_load %arg33[%get3A_1206] {strides = array<i32>} : memref<640xf32, #tpu.memory_space<vmem>>, vector<16xf32>,
    %mul3A_1208 = arith.mulf %gather3A_1181, %get3A_1207 : vector<16xf32>
    %sub3A_1209 = arith.subf %mul3A_1208, %gather3A_1185 : vector<16xf32>
    %get3A_1210 = arith.constant 240 : index
    %get3A_1211 = tpu.vector_load %arg36[%get3A_1210] {strides = array<i32>} : memref<640xf32, #tpu.memory_space<vmem>>, vector<16xf32>,
    %mul3A_1212 = arith.mulf %gather3A_1182, %get3A_1211 : vector<16xf32>
    %add3A_1213 = arith.addf %sub3A_1209, %mul3A_1212 : vector<16xf32>
    %swap3A_1214 = arith.constant 240 : index
    %swap3A_1215 = tpu.vector_load %arg40[%swap3A_1214] {strides = array<i32>} : memref<640xf32, #tpu.memory_space<vmem>>, vector<16xf32>,
    tpu.vector_store %arg40[%swap3A_1214], %add3A_1213 {strides = array<i32>} : memref<640xf32, #tpu.memory_space<vmem>>, vector<16xf32>,
    %get3A_1216 = arith.constant 256 : index
    %get3A_1217 = tpu.vector_load %arg37[%get3A_1216] {strides = array<i32>} : memref<640xi32, #tpu.memory_space<vmem>>, vector<16xi32>,
    %gather3A_1218 = tpu.vector_load_idx %arg26[%get3A_1217] : memref<256xf32, #tpu.memory_space<vmem>>[vector<16xi32>], vector<16xf32>,
    %gather3A_1219 = tpu.vector_load_idx %arg27[%get3A_1217] : memref<256xf32, #tpu.memory_space<vmem>>[vector<16xi32>], vector<16xf32>,
    %gather3A_1220 = tpu.vector_load_idx %arg28[%get3A_1217] : memref<256xf32, #tpu.memory_space<vmem>>[vector<16xi32>], vector<16xf32>,
    %gather3A_1221 = tpu.vector_load_idx %arg29[%get3A_1217] : memref<256xf32, #tpu.memory_space<vmem>>[vector<16xi32>], vector<16xf32>,
    %gather3A_1222 = tpu.vector_load_idx %arg30[%get3A_1217] : memref<256xf32, #tpu.memory_space<vmem>>[vector<16xi32>], vector<16xf32>,
    %get3A_1223 = arith.constant 256 : index
    %get3A_1224 = tpu.vector_load %arg31[%get3A_1223] {strides = array<i32>} : memref<640xf32, #tpu.memory_space<vmem>>, vector<16xf32>,
    %mul3A_1225 = arith.mulf %gather3A_1218, %get3A_1224 : vector<16xf32>
    %sub3A_1226 = arith.subf %mul3A_1225, %gather3A_1220 : vector<16xf32>
    %get3A_1227 = arith.constant 256 : index
    %get3A_1228 = tpu.vector_load %arg34[%get3A_1227] {strides = array<i32>} : memref<640xf32, #tpu.memory_space<vmem>>, vector<16xf32>,
    %mul3A_1229 = arith.mulf %gather3A_1219, %get3A_1228 : vector<16xf32>
    %add3A_1230 = arith.addf %sub3A_1226, %mul3A_1229 : vector<16xf32>
    %swap3A_1231 = arith.constant 256 : index
    %swap3A_1232 = tpu.vector_load %arg38[%swap3A_1231] {strides = array<i32>} : memref<640xf32, #tpu.memory_space<vmem>>, vector<16xf32>,
    tpu.vector_store %arg38[%swap3A_1231], %add3A_1230 {strides = array<i32>} : memref<640xf32, #tpu.memory_space<vmem>>, vector<16xf32>,
    %get3A_1233 = arith.constant 256 : index
    %get3A_1234 = tpu.vector_load %arg32[%get3A_1233] {strides = array<i32>} : memref<640xf32, #tpu.memory_space<vmem>>, vector<16xf32>,
    %mul3A_1235 = arith.mulf %gather3A_1218, %get3A_1234 : vector<16xf32>
    %sub3A_1236 = arith.subf %mul3A_1235, %gather3A_1221 : vector<16xf32>
    %get3A_1237 = arith.constant 256 : index
    %get3A_1238 = tpu.vector_load %arg35[%get3A_1237] {strides = array<i32>} : memref<640xf32, #tpu.memory_space<vmem>>, vector<16xf32>,
    %mul3A_1239 = arith.mulf %gather3A_1219, %get3A_1238 : vector<16xf32>
    %add3A_1240 = arith.addf %sub3A_1236, %mul3A_1239 : vector<16xf32>
    %swap3A_1241 = arith.constant 256 : index
    %swap3A_1242 = tpu.vector_load %arg39[%swap3A_1241] {strides = array<i32>} : memref<640xf32, #tpu.memory_space<vmem>>, vector<16xf32>,
    tpu.vector_store %arg39[%swap3A_1241], %add3A_1240 {strides = array<i32>} : memref<640xf32, #tpu.memory_space<vmem>>, vector<16xf32>,
    %get3A_1243 = arith.constant 256 : index
    %get3A_1244 = tpu.vector_load %arg33[%get3A_1243] {strides = array<i32>} : memref<640xf32, #tpu.memory_space<vmem>>, vector<16xf32>,
    %mul3A_1245 = arith.mulf %gather3A_1218, %get3A_1244 : vector<16xf32>
    %sub3A_1246 = arith.subf %mul3A_1245, %gather3A_1222 : vector<16xf32>
    %get3A_1247 = arith.constant 256 : index
    %get3A_1248 = tpu.vector_load %arg36[%get3A_1247] {strides = array<i32>} : memref<640xf32, #tpu.memory_space<vmem>>, vector<16xf32>,
    %mul3A_1249 = arith.mulf %gather3A_1219, %get3A_1248 : vector<16xf32>
    %add3A_1250 = arith.addf %sub3A_1246, %mul3A_1249 : vector<16xf32>
    %swap3A_1251 = arith.constant 256 : index
    %swap3A_1252 = tpu.vector_load %arg40[%swap3A_1251] {strides = array<i32>} : memref<640xf32, #tpu.memory_space<vmem>>, vector<16xf32>,
    tpu.vector_store %arg40[%swap3A_1251], %add3A_1250 {strides = array<i32>} : memref<640xf32, #tpu.memory_space<vmem>>, vector<16xf32>,
    %get3A_1253 = arith.constant 272 : index
    %get3A_1254 = tpu.vector_load %arg37[%get3A_1253] {strides = array<i32>} : memref<640xi32, #tpu.memory_space<vmem>>, vector<16xi32>,
    %gather3A_1255 = tpu.vector_load_idx %arg26[%get3A_1254] : memref<256xf32, #tpu.memory_space<vmem>>[vector<16xi32>], vector<16xf32>,
    %gather3A_1256 = tpu.vector_load_idx %arg27[%get3A_1254] : memref<256xf32, #tpu.memory_space<vmem>>[vector<16xi32>], vector<16xf32>,
    %gather3A_1257 = tpu.vector_load_idx %arg28[%get3A_1254] : memref<256xf32, #tpu.memory_space<vmem>>[vector<16xi32>], vector<16xf32>,
    %gather3A_1258 = tpu.vector_load_idx %arg29[%get3A_1254] : memref<256xf32, #tpu.memory_space<vmem>>[vector<16xi32>], vector<16xf32>,
    %gather3A_1259 = tpu.vector_load_idx %arg30[%get3A_1254] : memref<256xf32, #tpu.memory_space<vmem>>[vector<16xi32>], vector<16xf32>,
    %get3A_1260 = arith.constant 272 : index
    %get3A_1261 = tpu.vector_load %arg31[%get3A_1260] {strides = array<i32>} : memref<640xf32, #tpu.memory_space<vmem>>, vector<16xf32>,
    %mul3A_1262 = arith.mulf %gather3A_1255, %get3A_1261 : vector<16xf32>
    %sub3A_1263 = arith.subf %mul3A_1262, %gather3A_1257 : vector<16xf32>
    %get3A_1264 = arith.constant 272 : index
    %get3A_1265 = tpu.vector_load %arg34[%get3A_1264] {strides = array<i32>} : memref<640xf32, #tpu.memory_space<vmem>>, vector<16xf32>,
    %mul3A_1266 = arith.mulf %gather3A_1256, %get3A_1265 : vector<16xf32>
    %add3A_1267 = arith.addf %sub3A_1263, %mul3A_1266 : vector<16xf32>
    %swap3A_1268 = arith.constant 272 : index
    %swap3A_1269 = tpu.vector_load %arg38[%swap3A_1268] {strides = array<i32>} : memref<640xf32, #tpu.memory_space<vmem>>, vector<16xf32>,
    tpu.vector_store %arg38[%swap3A_1268], %add3A_1267 {strides = array<i32>} : memref<640xf32, #tpu.memory_space<vmem>>, vector<16xf32>,
    %get3A_1270 = arith.constant 272 : index
    %get3A_1271 = tpu.vector_load %arg32[%get3A_1270] {strides = array<i32>} : memref<640xf32, #tpu.memory_space<vmem>>, vector<16xf32>,
    %mul3A_1272 = arith.mulf %gather3A_1255, %get3A_1271 : vector<16xf32>
    %sub3A_1273 = arith.subf %mul3A_1272, %gather3A_1258 : vector<16xf32>
    %get3A_1274 = arith.constant 272 : index
    %get3A_1275 = tpu.vector_load %arg35[%get3A_1274] {strides = array<i32>} : memref<640xf32, #tpu.memory_space<vmem>>, vector<16xf32>,
    %mul3A_1276 = arith.mulf %gather3A_1256, %get3A_1275 : vector<16xf32>
    %add3A_1277 = arith.addf %sub3A_1273, %mul3A_1276 : vector<16xf32>
    %swap3A_1278 = arith.constant 272 : index
    %swap3A_1279 = tpu.vector_load %arg39[%swap3A_1278] {strides = array<i32>} : memref<640xf32, #tpu.memory_space<vmem>>, vector<16xf32>,
    tpu.vector_store %arg39[%swap3A_1278], %add3A_1277 {strides = array<i32>} : memref<640xf32, #tpu.memory_space<vmem>>, vector<16xf32>,
    %get3A_1280 = arith.constant 272 : index
    %get3A_1281 = tpu.vector_load %arg33[%get3A_1280] {strides = array<i32>} : memref<640xf32, #tpu.memory_space<vmem>>, vector<16xf32>,
    %mul3A_1282 = arith.mulf %gather3A_1255, %get3A_1281 : vector<16xf32>
    %sub3A_1283 = arith.subf %mul3A_1282, %gather3A_1259 : vector<16xf32>
    %get3A_1284 = arith.constant 272 : index
    %get3A_1285 = tpu.vector_load %arg36[%get3A_1284] {strides = array<i32>} : memref<640xf32, #tpu.memory_space<vmem>>, vector<16xf32>,
    %mul3A_1286 = arith.mulf %gather3A_1256, %get3A_1285 : vector<16xf32>
    %add3A_1287 = arith.addf %sub3A_1283, %mul3A_1286 : vector<16xf32>
    %swap3A_1288 = arith.constant 272 : index
    %swap3A_1289 = tpu.vector_load %arg40[%swap3A_1288] {strides = array<i32>} : memref<640xf32, #tpu.memory_space<vmem>>, vector<16xf32>,
    tpu.vector_store %arg40[%swap3A_1288], %add3A_1287 {strides = array<i32>} : memref<640xf32, #tpu.memory_space<vmem>>, vector<16xf32>,
    %get3A_1290 = arith.constant 288 : index
    %get3A_1291 = tpu.vector_load %arg37[%get3A_1290] {strides = array<i32>} : memref<640xi32, #tpu.memory_space<vmem>>, vector<16xi32>,
    %gather3A_1292 = tpu.vector_load_idx %arg26[%get3A_1291] : memref<256xf32, #tpu.memory_space<vmem>>[vector<16xi32>], vector<16xf32>,
    %gather3A_1293 = tpu.vector_load_idx %arg27[%get3A_1291] : memref<256xf32, #tpu.memory_space<vmem>>[vector<16xi32>], vector<16xf32>,
    %gather3A_1294 = tpu.vector_load_idx %arg28[%get3A_1291] : memref<256xf32, #tpu.memory_space<vmem>>[vector<16xi32>], vector<16xf32>,
    %gather3A_1295 = tpu.vector_load_idx %arg29[%get3A_1291] : memref<256xf32, #tpu.memory_space<vmem>>[vector<16xi32>], vector<16xf32>,
    %gather3A_1296 = tpu.vector_load_idx %arg30[%get3A_1291] : memref<256xf32, #tpu.memory_space<vmem>>[vector<16xi32>], vector<16xf32>,
    %get3A_1297 = arith.constant 288 : index
    %get3A_1298 = tpu.vector_load %arg31[%get3A_1297] {strides = array<i32>} : memref<640xf32, #tpu.memory_space<vmem>>, vector<16xf32>,
    %mul3A_1299 = arith.mulf %gather3A_1292, %get3A_1298 : vector<16xf32>
    %sub3A_1300 = arith.subf %mul3A_1299, %gather3A_1294 : vector<16xf32>
    %get3A_1301 = arith.constant 288 : index
    %get3A_1302 = tpu.vector_load %arg34[%get3A_1301] {strides = array<i32>} : memref<640xf32, #tpu.memory_space<vmem>>, vector<16xf32>,
    %mul3A_1303 = arith.mulf %gather3A_1293, %get3A_1302 : vector<16xf32>
    %add3A_1304 = arith.addf %sub3A_1300, %mul3A_1303 : vector<16xf32>
    %swap3A_1305 = arith.constant 288 : index
    %swap3A_1306 = tpu.vector_load %arg38[%swap3A_1305] {strides = array<i32>} : memref<640xf32, #tpu.memory_space<vmem>>, vector<16xf32>,
    tpu.vector_store %arg38[%swap3A_1305], %add3A_1304 {strides = array<i32>} : memref<640xf32, #tpu.memory_space<vmem>>, vector<16xf32>,
    %get3A_1307 = arith.constant 288 : index
    %get3A_1308 = tpu.vector_load %arg32[%get3A_1307] {strides = array<i32>} : memref<640xf32, #tpu.memory_space<vmem>>, vector<16xf32>,
    %mul3A_1309 = arith.mulf %gather3A_1292, %get3A_1308 : vector<16xf32>
    %sub3A_1310 = arith.subf %mul3A_1309, %gather3A_1295 : vector<16xf32>
    %get3A_1311 = arith.constant 288 : index
    %get3A_1312 = tpu.vector_load %arg35[%get3A_1311] {strides = array<i32>} : memref<640xf32, #tpu.memory_space<vmem>>, vector<16xf32>,
    %mul3A_1313 = arith.mulf %gather3A_1293, %get3A_1312 : vector<16xf32>
    %add3A_1314 = arith.addf %sub3A_1310, %mul3A_1313 : vector<16xf32>
    %swap3A_1315 = arith.constant 288 : index
    %swap3A_1316 = tpu.vector_load %arg39[%swap3A_1315] {strides = array<i32>} : memref<640xf32, #tpu.memory_space<vmem>>, vector<16xf32>,
    tpu.vector_store %arg39[%swap3A_1315], %add3A_1314 {strides = array<i32>} : memref<640xf32, #tpu.memory_space<vmem>>, vector<16xf32>,
    %get3A_1317 = arith.constant 288 : index
    %get3A_1318 = tpu.vector_load %arg33[%get3A_1317] {strides = array<i32>} : memref<640xf32, #tpu.memory_space<vmem>>, vector<16xf32>,
    %mul3A_1319 = arith.mulf %gather3A_1292, %get3A_1318 : vector<16xf32>
    %sub3A_1320 = arith.subf %mul3A_1319, %gather3A_1296 : vector<16xf32>
    %get3A_1321 = arith.constant 288 : index
    %get3A_1322 = tpu.vector_load %arg36[%get3A_1321] {strides = array<i32>} : memref<640xf32, #tpu.memory_space<vmem>>, vector<16xf32>,
    %mul3A_1323 = arith.mulf %gather3A_1293, %get3A_1322 : vector<16xf32>
    %add3A_1324 = arith.addf %sub3A_1320, %mul3A_1323 : vector<16xf32>
    %swap3A_1325 = arith.constant 288 : index
    %swap3A_1326 = tpu.vector_load %arg40[%swap3A_1325] {strides = array<i32>} : memref<640xf32, #tpu.memory_space<vmem>>, vector<16xf32>,
    tpu.vector_store %arg40[%swap3A_1325], %add3A_1324 {strides = array<i32>} : memref<640xf32, #tpu.memory_space<vmem>>, vector<16xf32>,
    %get3A_1327 = arith.constant 304 : index
    %get3A_1328 = tpu.vector_load %arg37[%get3A_1327] {strides = array<i32>} : memref<640xi32, #tpu.memory_space<vmem>>, vector<16xi32>,
    %gather3A_1329 = tpu.vector_load_idx %arg26[%get3A_1328] : memref<256xf32, #tpu.memory_space<vmem>>[vector<16xi32>], vector<16xf32>,
    %gather3A_1330 = tpu.vector_load_idx %arg27[%get3A_1328] : memref<256xf32, #tpu.memory_space<vmem>>[vector<16xi32>], vector<16xf32>,
    %gather3A_1331 = tpu.vector_load_idx %arg28[%get3A_1328] : memref<256xf32, #tpu.memory_space<vmem>>[vector<16xi32>], vector<16xf32>,
    %gather3A_1332 = tpu.vector_load_idx %arg29[%get3A_1328] : memref<256xf32, #tpu.memory_space<vmem>>[vector<16xi32>], vector<16xf32>,
    %gather3A_1333 = tpu.vector_load_idx %arg30[%get3A_1328] : memref<256xf32, #tpu.memory_space<vmem>>[vector<16xi32>], vector<16xf32>,
    %get3A_1334 = arith.constant 304 : index
    %get3A_1335 = tpu.vector_load %arg31[%get3A_1334] {strides = array<i32>} : memref<640xf32, #tpu.memory_space<vmem>>, vector<16xf32>,
    %mul3A_1336 = arith.mulf %gather3A_1329, %get3A_1335 : vector<16xf32>
    %sub3A_1337 = arith.subf %mul3A_1336, %gather3A_1331 : vector<16xf32>
    %get3A_1338 = arith.constant 304 : index
    %get3A_1339 = tpu.vector_load %arg34[%get3A_1338] {strides = array<i32>} : memref<640xf32, #tpu.memory_space<vmem>>, vector<16xf32>,
    %mul3A_1340 = arith.mulf %gather3A_1330, %get3A_1339 : vector<16xf32>
    %add3A_1341 = arith.addf %sub3A_1337, %mul3A_1340 : vector<16xf32>
    %swap3A_1342 = arith.constant 304 : index
    %swap3A_1343 = tpu.vector_load %arg38[%swap3A_1342] {strides = array<i32>} : memref<640xf32, #tpu.memory_space<vmem>>, vector<16xf32>,
    tpu.vector_store %arg38[%swap3A_1342], %add3A_1341 {strides = array<i32>} : memref<640xf32, #tpu.memory_space<vmem>>, vector<16xf32>,
    %get3A_1344 = arith.constant 304 : index
    %get3A_1345 = tpu.vector_load %arg32[%get3A_1344] {strides = array<i32>} : memref<640xf32, #tpu.memory_space<vmem>>, vector<16xf32>,
    %mul3A_1346 = arith.mulf %gather3A_1329, %get3A_1345 : vector<16xf32>
    %sub3A_1347 = arith.subf %mul3A_1346, %gather3A_1332 : vector<16xf32>
    %get3A_1348 = arith.constant 304 : index
    %get3A_1349 = tpu.vector_load %arg35[%get3A_1348] {strides = array<i32>} : memref<640xf32, #tpu.memory_space<vmem>>, vector<16xf32>,
    %mul3A_1350 = arith.mulf %gather3A_1330, %get3A_1349 : vector<16xf32>
    %add3A_1351 = arith.addf %sub3A_1347, %mul3A_1350 : vector<16xf32>
    %swap3A_1352 = arith.constant 304 : index
    %swap3A_1353 = tpu.vector_load %arg39[%swap3A_1352] {strides = array<i32>} : memref<640xf32, #tpu.memory_space<vmem>>, vector<16xf32>,
    tpu.vector_store %arg39[%swap3A_1352], %add3A_1351 {strides = array<i32>} : memref<640xf32, #tpu.memory_space<vmem>>, vector<16xf32>,
    %get3A_1354 = arith.constant 304 : index
    %get3A_1355 = tpu.vector_load %arg33[%get3A_1354] {strides = array<i32>} : memref<640xf32, #tpu.memory_space<vmem>>, vector<16xf32>,
    %mul3A_1356 = arith.mulf %gather3A_1329, %get3A_1355 : vector<16xf32>
    %sub3A_1357 = arith.subf %mul3A_1356, %gather3A_1333 : vector<16xf32>
    %get3A_1358 = arith.constant 304 : index
    %get3A_1359 = tpu.vector_load %arg36[%get3A_1358] {strides = array<i32>} : memref<640xf32, #tpu.memory_space<vmem>>, vector<16xf32>,
    %mul3A_1360 = arith.mulf %gather3A_1330, %get3A_1359 : vector<16xf32>
    %add3A_1361 = arith.addf %sub3A_1357, %mul3A_1360 : vector<16xf32>
    %swap3A_1362 = arith.constant 304 : index
    %swap3A_1363 = tpu.vector_load %arg40[%swap3A_1362] {strides = array<i32>} : memref<640xf32, #tpu.memory_space<vmem>>, vector<16xf32>,
    tpu.vector_store %arg40[%swap3A_1362], %add3A_1361 {strides = array<i32>} : memref<640xf32, #tpu.memory_space<vmem>>, vector<16xf32>,
    %get3A_1364 = arith.constant 320 : index
    %get3A_1365 = tpu.vector_load %arg37[%get3A_1364] {strides = array<i32>} : memref<640xi32, #tpu.memory_space<vmem>>, vector<16xi32>,
    %gather3A_1366 = tpu.vector_load_idx %arg26[%get3A_1365] : memref<256xf32, #tpu.memory_space<vmem>>[vector<16xi32>], vector<16xf32>,
    %gather3A_1367 = tpu.vector_load_idx %arg27[%get3A_1365] : memref<256xf32, #tpu.memory_space<vmem>>[vector<16xi32>], vector<16xf32>,
    %gather3A_1368 = tpu.vector_load_idx %arg28[%get3A_1365] : memref<256xf32, #tpu.memory_space<vmem>>[vector<16xi32>], vector<16xf32>,
    %gather3A_1369 = tpu.vector_load_idx %arg29[%get3A_1365] : memref<256xf32, #tpu.memory_space<vmem>>[vector<16xi32>], vector<16xf32>,
    %gather3A_1370 = tpu.vector_load_idx %arg30[%get3A_1365] : memref<256xf32, #tpu.memory_space<vmem>>[vector<16xi32>], vector<16xf32>,
    %get3A_1371 = arith.constant 320 : index
    %get3A_1372 = tpu.vector_load %arg31[%get3A_1371] {strides = array<i32>} : memref<640xf32, #tpu.memory_space<vmem>>, vector<16xf32>,
    %mul3A_1373 = arith.mulf %gather3A_1366, %get3A_1372 : vector<16xf32>
    %sub3A_1374 = arith.subf %mul3A_1373, %gather3A_1368 : vector<16xf32>
    %get3A_1375 = arith.constant 320 : index
    %get3A_1376 = tpu.vector_load %arg34[%get3A_1375] {strides = array<i32>} : memref<640xf32, #tpu.memory_space<vmem>>, vector<16xf32>,
    %mul3A_1377 = arith.mulf %gather3A_1367, %get3A_1376 : vector<16xf32>
    %add3A_1378 = arith.addf %sub3A_1374, %mul3A_1377 : vector<16xf32>
    %swap3A_1379 = arith.constant 320 : index
    %swap3A_1380 = tpu.vector_load %arg38[%swap3A_1379] {strides = array<i32>} : memref<640xf32, #tpu.memory_space<vmem>>, vector<16xf32>,
    tpu.vector_store %arg38[%swap3A_1379], %add3A_1378 {strides = array<i32>} : memref<640xf32, #tpu.memory_space<vmem>>, vector<16xf32>,
    %get3A_1381 = arith.constant 320 : index
    %get3A_1382 = tpu.vector_load %arg32[%get3A_1381] {strides = array<i32>} : memref<640xf32, #tpu.memory_space<vmem>>, vector<16xf32>,
    %mul3A_1383 = arith.mulf %gather3A_1366, %get3A_1382 : vector<16xf32>
    %sub3A_1384 = arith.subf %mul3A_1383, %gather3A_1369 : vector<16xf32>
    %get3A_1385 = arith.constant 320 : index
    %get3A_1386 = tpu.vector_load %arg35[%get3A_1385] {strides = array<i32>} : memref<640xf32, #tpu.memory_space<vmem>>, vector<16xf32>,
    %mul3A_1387 = arith.mulf %gather3A_1367, %get3A_1386 : vector<16xf32>
    %add3A_1388 = arith.addf %sub3A_1384, %mul3A_1387 : vector<16xf32>
    %swap3A_1389 = arith.constant 320 : index
    %swap3A_1390 = tpu.vector_load %arg39[%swap3A_1389] {strides = array<i32>} : memref<640xf32, #tpu.memory_space<vmem>>, vector<16xf32>,
    tpu.vector_store %arg39[%swap3A_1389], %add3A_1388 {strides = array<i32>} : memref<640xf32, #tpu.memory_space<vmem>>, vector<16xf32>,
    %get3A_1391 = arith.constant 320 : index
    %get3A_1392 = tpu.vector_load %arg33[%get3A_1391] {strides = array<i32>} : memref<640xf32, #tpu.memory_space<vmem>>, vector<16xf32>,
    %mul3A_1393 = arith.mulf %gather3A_1366, %get3A_1392 : vector<16xf32>
    %sub3A_1394 = arith.subf %mul3A_1393, %gather3A_1370 : vector<16xf32>
    %get3A_1395 = arith.constant 320 : index
    %get3A_1396 = tpu.vector_load %arg36[%get3A_1395] {strides = array<i32>} : memref<640xf32, #tpu.memory_space<vmem>>, vector<16xf32>,
    %mul3A_1397 = arith.mulf %gather3A_1367, %get3A_1396 : vector<16xf32>
    %add3A_1398 = arith.addf %sub3A_1394, %mul3A_1397 : vector<16xf32>
    %swap3A_1399 = arith.constant 320 : index
    %swap3A_1400 = tpu.vector_load %arg40[%swap3A_1399] {strides = array<i32>} : memref<640xf32, #tpu.memory_space<vmem>>, vector<16xf32>,
    tpu.vector_store %arg40[%swap3A_1399], %add3A_1398 {strides = array<i32>} : memref<640xf32, #tpu.memory_space<vmem>>, vector<16xf32>,
    %get3A_1401 = arith.constant 336 : index
    %get3A_1402 = tpu.vector_load %arg37[%get3A_1401] {strides = array<i32>} : memref<640xi32, #tpu.memory_space<vmem>>, vector<16xi32>,
    %gather3A_1403 = tpu.vector_load_idx %arg26[%get3A_1402] : memref<256xf32, #tpu.memory_space<vmem>>[vector<16xi32>], vector<16xf32>,
    %gather3A_1404 = tpu.vector_load_idx %arg27[%get3A_1402] : memref<256xf32, #tpu.memory_space<vmem>>[vector<16xi32>], vector<16xf32>,
    %gather3A_1405 = tpu.vector_load_idx %arg28[%get3A_1402] : memref<256xf32, #tpu.memory_space<vmem>>[vector<16xi32>], vector<16xf32>,
    %gather3A_1406 = tpu.vector_load_idx %arg29[%get3A_1402] : memref<256xf32, #tpu.memory_space<vmem>>[vector<16xi32>], vector<16xf32>,
    %gather3A_1407 = tpu.vector_load_idx %arg30[%get3A_1402] : memref<256xf32, #tpu.memory_space<vmem>>[vector<16xi32>], vector<16xf32>,
    %get3A_1408 = arith.constant 336 : index
    %get3A_1409 = tpu.vector_load %arg31[%get3A_1408] {strides = array<i32>} : memref<640xf32, #tpu.memory_space<vmem>>, vector<16xf32>,
    %mul3A_1410 = arith.mulf %gather3A_1403, %get3A_1409 : vector<16xf32>
    %sub3A_1411 = arith.subf %mul3A_1410, %gather3A_1405 : vector<16xf32>
    %get3A_1412 = arith.constant 336 : index
    %get3A_1413 = tpu.vector_load %arg34[%get3A_1412] {strides = array<i32>} : memref<640xf32, #tpu.memory_space<vmem>>, vector<16xf32>,
    %mul3A_1414 = arith.mulf %gather3A_1404, %get3A_1413 : vector<16xf32>
    %add3A_1415 = arith.addf %sub3A_1411, %mul3A_1414 : vector<16xf32>
    %swap3A_1416 = arith.constant 336 : index
    %swap3A_1417 = tpu.vector_load %arg38[%swap3A_1416] {strides = array<i32>} : memref<640xf32, #tpu.memory_space<vmem>>, vector<16xf32>,
    tpu.vector_store %arg38[%swap3A_1416], %add3A_1415 {strides = array<i32>} : memref<640xf32, #tpu.memory_space<vmem>>, vector<16xf32>,
    %get3A_1418 = arith.constant 336 : index
    %get3A_1419 = tpu.vector_load %arg32[%get3A_1418] {strides = array<i32>} : memref<640xf32, #tpu.memory_space<vmem>>, vector<16xf32>,
    %mul3A_1420 = arith.mulf %gather3A_1403, %get3A_1419 : vector<16xf32>
    %sub3A_1421 = arith.subf %mul3A_1420, %gather3A_1406 : vector<16xf32>
    %get3A_1422 = arith.constant 336 : index
    %get3A_1423 = tpu.vector_load %arg35[%get3A_1422] {strides = array<i32>} : memref<640xf32, #tpu.memory_space<vmem>>, vector<16xf32>,
    %mul3A_1424 = arith.mulf %gather3A_1404, %get3A_1423 : vector<16xf32>
    %add3A_1425 = arith.addf %sub3A_1421, %mul3A_1424 : vector<16xf32>
    %swap3A_1426 = arith.constant 336 : index
    %swap3A_1427 = tpu.vector_load %arg39[%swap3A_1426] {strides = array<i32>} : memref<640xf32, #tpu.memory_space<vmem>>, vector<16xf32>,
    tpu.vector_store %arg39[%swap3A_1426], %add3A_1425 {strides = array<i32>} : memref<640xf32, #tpu.memory_space<vmem>>, vector<16xf32>,
    %get3A_1428 = arith.constant 336 : index
    %get3A_1429 = tpu.vector_load %arg33[%get3A_1428] {strides = array<i32>} : memref<640xf32, #tpu.memory_space<vmem>>, vector<16xf32>,
    %mul3A_1430 = arith.mulf %gather3A_1403, %get3A_1429 : vector<16xf32>
    %sub3A_1431 = arith.subf %mul3A_1430, %gather3A_1407 : vector<16xf32>
    %get3A_1432 = arith.constant 336 : index
    %get3A_1433 = tpu.vector_load %arg36[%get3A_1432] {strides = array<i32>} : memref<640xf32, #tpu.memory_space<vmem>>, vector<16xf32>,
    %mul3A_1434 = arith.mulf %gather3A_1404, %get3A_1433 : vector<16xf32>
    %add3A_1435 = arith.addf %sub3A_1431, %mul3A_1434 : vector<16xf32>
    %swap3A_1436 = arith.constant 336 : index
    %swap3A_1437 = tpu.vector_load %arg40[%swap3A_1436] {strides = array<i32>} : memref<640xf32, #tpu.memory_space<vmem>>, vector<16xf32>,
    tpu.vector_store %arg40[%swap3A_1436], %add3A_1435 {strides = array<i32>} : memref<640xf32, #tpu.memory_space<vmem>>, vector<16xf32>,
    %get3A_1438 = arith.constant 352 : index
    %get3A_1439 = tpu.vector_load %arg37[%get3A_1438] {strides = array<i32>} : memref<640xi32, #tpu.memory_space<vmem>>, vector<16xi32>,
    %gather3A_1440 = tpu.vector_load_idx %arg26[%get3A_1439] : memref<256xf32, #tpu.memory_space<vmem>>[vector<16xi32>], vector<16xf32>,
    %gather3A_1441 = tpu.vector_load_idx %arg27[%get3A_1439] : memref<256xf32, #tpu.memory_space<vmem>>[vector<16xi32>], vector<16xf32>,
    %gather3A_1442 = tpu.vector_load_idx %arg28[%get3A_1439] : memref<256xf32, #tpu.memory_space<vmem>>[vector<16xi32>], vector<16xf32>,
    %gather3A_1443 = tpu.vector_load_idx %arg29[%get3A_1439] : memref<256xf32, #tpu.memory_space<vmem>>[vector<16xi32>], vector<16xf32>,
    %gather3A_1444 = tpu.vector_load_idx %arg30[%get3A_1439] : memref<256xf32, #tpu.memory_space<vmem>>[vector<16xi32>], vector<16xf32>,
    %get3A_1445 = arith.constant 352 : index
    %get3A_1446 = tpu.vector_load %arg31[%get3A_1445] {strides = array<i32>} : memref<640xf32, #tpu.memory_space<vmem>>, vector<16xf32>,
    %mul3A_1447 = arith.mulf %gather3A_1440, %get3A_1446 : vector<16xf32>
    %sub3A_1448 = arith.subf %mul3A_1447, %gather3A_1442 : vector<16xf32>
    %get3A_1449 = arith.constant 352 : index
    %get3A_1450 = tpu.vector_load %arg34[%get3A_1449] {strides = array<i32>} : memref<640xf32, #tpu.memory_space<vmem>>, vector<16xf32>,
    %mul3A_1451 = arith.mulf %gather3A_1441, %get3A_1450 : vector<16xf32>
    %add3A_1452 = arith.addf %sub3A_1448, %mul3A_1451 : vector<16xf32>
    %swap3A_1453 = arith.constant 352 : index
    %swap3A_1454 = tpu.vector_load %arg38[%swap3A_1453] {strides = array<i32>} : memref<640xf32, #tpu.memory_space<vmem>>, vector<16xf32>,
    tpu.vector_store %arg38[%swap3A_1453], %add3A_1452 {strides = array<i32>} : memref<640xf32, #tpu.memory_space<vmem>>, vector<16xf32>,
    %get3A_1455 = arith.constant 352 : index
    %get3A_1456 = tpu.vector_load %arg32[%get3A_1455] {strides = array<i32>} : memref<640xf32, #tpu.memory_space<vmem>>, vector<16xf32>,
    %mul3A_1457 = arith.mulf %gather3A_1440, %get3A_1456 : vector<16xf32>
    %sub3A_1458 = arith.subf %mul3A_1457, %gather3A_1443 : vector<16xf32>
    %get3A_1459 = arith.constant 352 : index
    %get3A_1460 = tpu.vector_load %arg35[%get3A_1459] {strides = array<i32>} : memref<640xf32, #tpu.memory_space<vmem>>, vector<16xf32>,
    %mul3A_1461 = arith.mulf %gather3A_1441, %get3A_1460 : vector<16xf32>
    %add3A_1462 = arith.addf %sub3A_1458, %mul3A_1461 : vector<16xf32>
    %swap3A_1463 = arith.constant 352 : index
    %swap3A_1464 = tpu.vector_load %arg39[%swap3A_1463] {strides = array<i32>} : memref<640xf32, #tpu.memory_space<vmem>>, vector<16xf32>,
    tpu.vector_store %arg39[%swap3A_1463], %add3A_1462 {strides = array<i32>} : memref<640xf32, #tpu.memory_space<vmem>>, vector<16xf32>,
    %get3A_1465 = arith.constant 352 : index
    %get3A_1466 = tpu.vector_load %arg33[%get3A_1465] {strides = array<i32>} : memref<640xf32, #tpu.memory_space<vmem>>, vector<16xf32>,
    %mul3A_1467 = arith.mulf %gather3A_1440, %get3A_1466 : vector<16xf32>
    %sub3A_1468 = arith.subf %mul3A_1467, %gather3A_1444 : vector<16xf32>
    %get3A_1469 = arith.constant 352 : index
    %get3A_1470 = tpu.vector_load %arg36[%get3A_1469] {strides = array<i32>} : memref<640xf32, #tpu.memory_space<vmem>>, vector<16xf32>,
    %mul3A_1471 = arith.mulf %gather3A_1441, %get3A_1470 : vector<16xf32>
    %add3A_1472 = arith.addf %sub3A_1468, %mul3A_1471 : vector<16xf32>
    %swap3A_1473 = arith.constant 352 : index
    %swap3A_1474 = tpu.vector_load %arg40[%swap3A_1473] {strides = array<i32>} : memref<640xf32, #tpu.memory_space<vmem>>, vector<16xf32>,
    tpu.vector_store %arg40[%swap3A_1473], %add3A_1472 {strides = array<i32>} : memref<640xf32, #tpu.memory_space<vmem>>, vector<16xf32>,
    %get3A_1475 = arith.constant 368 : index
    %get3A_1476 = tpu.vector_load %arg37[%get3A_1475] {strides = array<i32>} : memref<640xi32, #tpu.memory_space<vmem>>, vector<16xi32>,
    %gather3A_1477 = tpu.vector_load_idx %arg26[%get3A_1476] : memref<256xf32, #tpu.memory_space<vmem>>[vector<16xi32>], vector<16xf32>,
    %gather3A_1478 = tpu.vector_load_idx %arg27[%get3A_1476] : memref<256xf32, #tpu.memory_space<vmem>>[vector<16xi32>], vector<16xf32>,
    %gather3A_1479 = tpu.vector_load_idx %arg28[%get3A_1476] : memref<256xf32, #tpu.memory_space<vmem>>[vector<16xi32>], vector<16xf32>,
    %gather3A_1480 = tpu.vector_load_idx %arg29[%get3A_1476] : memref<256xf32, #tpu.memory_space<vmem>>[vector<16xi32>], vector<16xf32>,
    %gather3A_1481 = tpu.vector_load_idx %arg30[%get3A_1476] : memref<256xf32, #tpu.memory_space<vmem>>[vector<16xi32>], vector<16xf32>,
    %get3A_1482 = arith.constant 368 : index
    %get3A_1483 = tpu.vector_load %arg31[%get3A_1482] {strides = array<i32>} : memref<640xf32, #tpu.memory_space<vmem>>, vector<16xf32>,
    %mul3A_1484 = arith.mulf %gather3A_1477, %get3A_1483 : vector<16xf32>
    %sub3A_1485 = arith.subf %mul3A_1484, %gather3A_1479 : vector<16xf32>
    %get3A_1486 = arith.constant 368 : index
    %get3A_1487 = tpu.vector_load %arg34[%get3A_1486] {strides = array<i32>} : memref<640xf32, #tpu.memory_space<vmem>>, vector<16xf32>,
    %mul3A_1488 = arith.mulf %gather3A_1478, %get3A_1487 : vector<16xf32>
    %add3A_1489 = arith.addf %sub3A_1485, %mul3A_1488 : vector<16xf32>
    %swap3A_1490 = arith.constant 368 : index
    %swap3A_1491 = tpu.vector_load %arg38[%swap3A_1490] {strides = array<i32>} : memref<640xf32, #tpu.memory_space<vmem>>, vector<16xf32>,
    tpu.vector_store %arg38[%swap3A_1490], %add3A_1489 {strides = array<i32>} : memref<640xf32, #tpu.memory_space<vmem>>, vector<16xf32>,
    %get3A_1492 = arith.constant 368 : index
    %get3A_1493 = tpu.vector_load %arg32[%get3A_1492] {strides = array<i32>} : memref<640xf32, #tpu.memory_space<vmem>>, vector<16xf32>,
    %mul3A_1494 = arith.mulf %gather3A_1477, %get3A_1493 : vector<16xf32>
    %sub3A_1495 = arith.subf %mul3A_1494, %gather3A_1480 : vector<16xf32>
    %get3A_1496 = arith.constant 368 : index
    %get3A_1497 = tpu.vector_load %arg35[%get3A_1496] {strides = array<i32>} : memref<640xf32, #tpu.memory_space<vmem>>, vector<16xf32>,
    %mul3A_1498 = arith.mulf %gather3A_1478, %get3A_1497 : vector<16xf32>
    %add3A_1499 = arith.addf %sub3A_1495, %mul3A_1498 : vector<16xf32>
    %swap3A_1500 = arith.constant 368 : index
    %swap3A_1501 = tpu.vector_load %arg39[%swap3A_1500] {strides = array<i32>} : memref<640xf32, #tpu.memory_space<vmem>>, vector<16xf32>,
    tpu.vector_store %arg39[%swap3A_1500], %add3A_1499 {strides = array<i32>} : memref<640xf32, #tpu.memory_space<vmem>>, vector<16xf32>,
    %get3A_1502 = arith.constant 368 : index
    %get3A_1503 = tpu.vector_load %arg33[%get3A_1502] {strides = array<i32>} : memref<640xf32, #tpu.memory_space<vmem>>, vector<16xf32>,
    %mul3A_1504 = arith.mulf %gather3A_1477, %get3A_1503 : vector<16xf32>
    %sub3A_1505 = arith.subf %mul3A_1504, %gather3A_1481 : vector<16xf32>
    %get3A_1506 = arith.constant 368 : index
    %get3A_1507 = tpu.vector_load %arg36[%get3A_1506] {strides = array<i32>} : memref<640xf32, #tpu.memory_space<vmem>>, vector<16xf32>,
    %mul3A_1508 = arith.mulf %gather3A_1478, %get3A_1507 : vector<16xf32>
    %add3A_1509 = arith.addf %sub3A_1505, %mul3A_1508 : vector<16xf32>
    %swap3A_1510 = arith.constant 368 : index
    %swap3A_1511 = tpu.vector_load %arg40[%swap3A_1510] {strides = array<i32>} : memref<640xf32, #tpu.memory_space<vmem>>, vector<16xf32>,
    tpu.vector_store %arg40[%swap3A_1510], %add3A_1509 {strides = array<i32>} : memref<640xf32, #tpu.memory_space<vmem>>, vector<16xf32>,
    %get3A_1512 = arith.constant 384 : index
    %get3A_1513 = tpu.vector_load %arg37[%get3A_1512] {strides = array<i32>} : memref<640xi32, #tpu.memory_space<vmem>>, vector<16xi32>,
    %gather3A_1514 = tpu.vector_load_idx %arg26[%get3A_1513] : memref<256xf32, #tpu.memory_space<vmem>>[vector<16xi32>], vector<16xf32>,
    %gather3A_1515 = tpu.vector_load_idx %arg27[%get3A_1513] : memref<256xf32, #tpu.memory_space<vmem>>[vector<16xi32>], vector<16xf32>,
    %gather3A_1516 = tpu.vector_load_idx %arg28[%get3A_1513] : memref<256xf32, #tpu.memory_space<vmem>>[vector<16xi32>], vector<16xf32>,
    %gather3A_1517 = tpu.vector_load_idx %arg29[%get3A_1513] : memref<256xf32, #tpu.memory_space<vmem>>[vector<16xi32>], vector<16xf32>,
    %gather3A_1518 = tpu.vector_load_idx %arg30[%get3A_1513] : memref<256xf32, #tpu.memory_space<vmem>>[vector<16xi32>], vector<16xf32>,
    %get3A_1519 = arith.constant 384 : index
    %get3A_1520 = tpu.vector_load %arg31[%get3A_1519] {strides = array<i32>} : memref<640xf32, #tpu.memory_space<vmem>>, vector<16xf32>,
    %mul3A_1521 = arith.mulf %gather3A_1514, %get3A_1520 : vector<16xf32>
    %sub3A_1522 = arith.subf %mul3A_1521, %gather3A_1516 : vector<16xf32>
    %get3A_1523 = arith.constant 384 : index
    %get3A_1524 = tpu.vector_load %arg34[%get3A_1523] {strides = array<i32>} : memref<640xf32, #tpu.memory_space<vmem>>, vector<16xf32>,
    %mul3A_1525 = arith.mulf %gather3A_1515, %get3A_1524 : vector<16xf32>
    %add3A_1526 = arith.addf %sub3A_1522, %mul3A_1525 : vector<16xf32>
    %swap3A_1527 = arith.constant 384 : index
    %swap3A_1528 = tpu.vector_load %arg38[%swap3A_1527] {strides = array<i32>} : memref<640xf32, #tpu.memory_space<vmem>>, vector<16xf32>,
    tpu.vector_store %arg38[%swap3A_1527], %add3A_1526 {strides = array<i32>} : memref<640xf32, #tpu.memory_space<vmem>>, vector<16xf32>,
    %get3A_1529 = arith.constant 384 : index
    %get3A_1530 = tpu.vector_load %arg32[%get3A_1529] {strides = array<i32>} : memref<640xf32, #tpu.memory_space<vmem>>, vector<16xf32>,
    %mul3A_1531 = arith.mulf %gather3A_1514, %get3A_1530 : vector<16xf32>
    %sub3A_1532 = arith.subf %mul3A_1531, %gather3A_1517 : vector<16xf32>
    %get3A_1533 = arith.constant 384 : index
    %get3A_1534 = tpu.vector_load %arg35[%get3A_1533] {strides = array<i32>} : memref<640xf32, #tpu.memory_space<vmem>>, vector<16xf32>,
    %mul3A_1535 = arith.mulf %gather3A_1515, %get3A_1534 : vector<16xf32>
    %add3A_1536 = arith.addf %sub3A_1532, %mul3A_1535 : vector<16xf32>
    %swap3A_1537 = arith.constant 384 : index
    %swap3A_1538 = tpu.vector_load %arg39[%swap3A_1537] {strides = array<i32>} : memref<640xf32, #tpu.memory_space<vmem>>, vector<16xf32>,
    tpu.vector_store %arg39[%swap3A_1537], %add3A_1536 {strides = array<i32>} : memref<640xf32, #tpu.memory_space<vmem>>, vector<16xf32>,
    %get3A_1539 = arith.constant 384 : index
    %get3A_1540 = tpu.vector_load %arg33[%get3A_1539] {strides = array<i32>} : memref<640xf32, #tpu.memory_space<vmem>>, vector<16xf32>,
    %mul3A_1541 = arith.mulf %gather3A_1514, %get3A_1540 : vector<16xf32>
    %sub3A_1542 = arith.subf %mul3A_1541, %gather3A_1518 : vector<16xf32>
    %get3A_1543 = arith.constant 384 : index
    %get3A_1544 = tpu.vector_load %arg36[%get3A_1543] {strides = array<i32>} : memref<640xf32, #tpu.memory_space<vmem>>, vector<16xf32>,
    %mul3A_1545 = arith.mulf %gather3A_1515, %get3A_1544 : vector<16xf32>
    %add3A_1546 = arith.addf %sub3A_1542, %mul3A_1545 : vector<16xf32>
    %swap3A_1547 = arith.constant 384 : index
    %swap3A_1548 = tpu.vector_load %arg40[%swap3A_1547] {strides = array<i32>} : memref<640xf32, #tpu.memory_space<vmem>>, vector<16xf32>,
    tpu.vector_store %arg40[%swap3A_1547], %add3A_1546 {strides = array<i32>} : memref<640xf32, #tpu.memory_space<vmem>>, vector<16xf32>,
    %get3A_1549 = arith.constant 400 : index
    %get3A_1550 = tpu.vector_load %arg37[%get3A_1549] {strides = array<i32>} : memref<640xi32, #tpu.memory_space<vmem>>, vector<16xi32>,
    %gather3A_1551 = tpu.vector_load_idx %arg26[%get3A_1550] : memref<256xf32, #tpu.memory_space<vmem>>[vector<16xi32>], vector<16xf32>,
    %gather3A_1552 = tpu.vector_load_idx %arg27[%get3A_1550] : memref<256xf32, #tpu.memory_space<vmem>>[vector<16xi32>], vector<16xf32>,
    %gather3A_1553 = tpu.vector_load_idx %arg28[%get3A_1550] : memref<256xf32, #tpu.memory_space<vmem>>[vector<16xi32>], vector<16xf32>,
    %gather3A_1554 = tpu.vector_load_idx %arg29[%get3A_1550] : memref<256xf32, #tpu.memory_space<vmem>>[vector<16xi32>], vector<16xf32>,
    %gather3A_1555 = tpu.vector_load_idx %arg30[%get3A_1550] : memref<256xf32, #tpu.memory_space<vmem>>[vector<16xi32>], vector<16xf32>,
    %get3A_1556 = arith.constant 400 : index
    %get3A_1557 = tpu.vector_load %arg31[%get3A_1556] {strides = array<i32>} : memref<640xf32, #tpu.memory_space<vmem>>, vector<16xf32>,
    %mul3A_1558 = arith.mulf %gather3A_1551, %get3A_1557 : vector<16xf32>
    %sub3A_1559 = arith.subf %mul3A_1558, %gather3A_1553 : vector<16xf32>
    %get3A_1560 = arith.constant 400 : index
    %get3A_1561 = tpu.vector_load %arg34[%get3A_1560] {strides = array<i32>} : memref<640xf32, #tpu.memory_space<vmem>>, vector<16xf32>,
    %mul3A_1562 = arith.mulf %gather3A_1552, %get3A_1561 : vector<16xf32>
    %add3A_1563 = arith.addf %sub3A_1559, %mul3A_1562 : vector<16xf32>
    %swap3A_1564 = arith.constant 400 : index
    %swap3A_1565 = tpu.vector_load %arg38[%swap3A_1564] {strides = array<i32>} : memref<640xf32, #tpu.memory_space<vmem>>, vector<16xf32>,
    tpu.vector_store %arg38[%swap3A_1564], %add3A_1563 {strides = array<i32>} : memref<640xf32, #tpu.memory_space<vmem>>, vector<16xf32>,
    %get3A_1566 = arith.constant 400 : index
    %get3A_1567 = tpu.vector_load %arg32[%get3A_1566] {strides = array<i32>} : memref<640xf32, #tpu.memory_space<vmem>>, vector<16xf32>,
    %mul3A_1568 = arith.mulf %gather3A_1551, %get3A_1567 : vector<16xf32>
    %sub3A_1569 = arith.subf %mul3A_1568, %gather3A_1554 : vector<16xf32>
    %get3A_1570 = arith.constant 400 : index
    %get3A_1571 = tpu.vector_load %arg35[%get3A_1570] {strides = array<i32>} : memref<640xf32, #tpu.memory_space<vmem>>, vector<16xf32>,
    %mul3A_1572 = arith.mulf %gather3A_1552, %get3A_1571 : vector<16xf32>
    %add3A_1573 = arith.addf %sub3A_1569, %mul3A_1572 : vector<16xf32>
    %swap3A_1574 = arith.constant 400 : index
    %swap3A_1575 = tpu.vector_load %arg39[%swap3A_1574] {strides = array<i32>} : memref<640xf32, #tpu.memory_space<vmem>>, vector<16xf32>,
    tpu.vector_store %arg39[%swap3A_1574], %add3A_1573 {strides = array<i32>} : memref<640xf32, #tpu.memory_space<vmem>>, vector<16xf32>,
    %get3A_1576 = arith.constant 400 : index
    %get3A_1577 = tpu.vector_load %arg33[%get3A_1576] {strides = array<i32>} : memref<640xf32, #tpu.memory_space<vmem>>, vector<16xf32>,
    %mul3A_1578 = arith.mulf %gather3A_1551, %get3A_1577 : vector<16xf32>
    %sub3A_1579 = arith.subf %mul3A_1578, %gather3A_1555 : vector<16xf32>
    %get3A_1580 = arith.constant 400 : index
    %get3A_1581 = tpu.vector_load %arg36[%get3A_1580] {strides = array<i32>} : memref<640xf32, #tpu.memory_space<vmem>>, vector<16xf32>,
    %mul3A_1582 = arith.mulf %gather3A_1552, %get3A_1581 : vector<16xf32>
    %add3A_1583 = arith.addf %sub3A_1579, %mul3A_1582 : vector<16xf32>
    %swap3A_1584 = arith.constant 400 : index
    %swap3A_1585 = tpu.vector_load %arg40[%swap3A_1584] {strides = array<i32>} : memref<640xf32, #tpu.memory_space<vmem>>, vector<16xf32>,
    tpu.vector_store %arg40[%swap3A_1584], %add3A_1583 {strides = array<i32>} : memref<640xf32, #tpu.memory_space<vmem>>, vector<16xf32>,
    %get3A_1586 = arith.constant 416 : index
    %get3A_1587 = tpu.vector_load %arg37[%get3A_1586] {strides = array<i32>} : memref<640xi32, #tpu.memory_space<vmem>>, vector<16xi32>,
    %gather3A_1588 = tpu.vector_load_idx %arg26[%get3A_1587] : memref<256xf32, #tpu.memory_space<vmem>>[vector<16xi32>], vector<16xf32>,
    %gather3A_1589 = tpu.vector_load_idx %arg27[%get3A_1587] : memref<256xf32, #tpu.memory_space<vmem>>[vector<16xi32>], vector<16xf32>,
    %gather3A_1590 = tpu.vector_load_idx %arg28[%get3A_1587] : memref<256xf32, #tpu.memory_space<vmem>>[vector<16xi32>], vector<16xf32>,
    %gather3A_1591 = tpu.vector_load_idx %arg29[%get3A_1587] : memref<256xf32, #tpu.memory_space<vmem>>[vector<16xi32>], vector<16xf32>,
    %gather3A_1592 = tpu.vector_load_idx %arg30[%get3A_1587] : memref<256xf32, #tpu.memory_space<vmem>>[vector<16xi32>], vector<16xf32>,
    %get3A_1593 = arith.constant 416 : index
    %get3A_1594 = tpu.vector_load %arg31[%get3A_1593] {strides = array<i32>} : memref<640xf32, #tpu.memory_space<vmem>>, vector<16xf32>,
    %mul3A_1595 = arith.mulf %gather3A_1588, %get3A_1594 : vector<16xf32>
    %sub3A_1596 = arith.subf %mul3A_1595, %gather3A_1590 : vector<16xf32>
    %get3A_1597 = arith.constant 416 : index
    %get3A_1598 = tpu.vector_load %arg34[%get3A_1597] {strides = array<i32>} : memref<640xf32, #tpu.memory_space<vmem>>, vector<16xf32>,
    %mul3A_1599 = arith.mulf %gather3A_1589, %get3A_1598 : vector<16xf32>
    %add3A_1600 = arith.addf %sub3A_1596, %mul3A_1599 : vector<16xf32>
    %swap3A_1601 = arith.constant 416 : index
    %swap3A_1602 = tpu.vector_load %arg38[%swap3A_1601] {strides = array<i32>} : memref<640xf32, #tpu.memory_space<vmem>>, vector<16xf32>,
    tpu.vector_store %arg38[%swap3A_1601], %add3A_1600 {strides = array<i32>} : memref<640xf32, #tpu.memory_space<vmem>>, vector<16xf32>,
    %get3A_1603 = arith.constant 416 : index
    %get3A_1604 = tpu.vector_load %arg32[%get3A_1603] {strides = array<i32>} : memref<640xf32, #tpu.memory_space<vmem>>, vector<16xf32>,
    %mul3A_1605 = arith.mulf %gather3A_1588, %get3A_1604 : vector<16xf32>
    %sub3A_1606 = arith.subf %mul3A_1605, %gather3A_1591 : vector<16xf32>
    %get3A_1607 = arith.constant 416 : index
    %get3A_1608 = tpu.vector_load %arg35[%get3A_1607] {strides = array<i32>} : memref<640xf32, #tpu.memory_space<vmem>>, vector<16xf32>,
    %mul3A_1609 = arith.mulf %gather3A_1589, %get3A_1608 : vector<16xf32>
    %add3A_1610 = arith.addf %sub3A_1606, %mul3A_1609 : vector<16xf32>
    %swap3A_1611 = arith.constant 416 : index
    %swap3A_1612 = tpu.vector_load %arg39[%swap3A_1611] {strides = array<i32>} : memref<640xf32, #tpu.memory_space<vmem>>, vector<16xf32>,
    tpu.vector_store %arg39[%swap3A_1611], %add3A_1610 {strides = array<i32>} : memref<640xf32, #tpu.memory_space<vmem>>, vector<16xf32>,
    %get3A_1613 = arith.constant 416 : index
    %get3A_1614 = tpu.vector_load %arg33[%get3A_1613] {strides = array<i32>} : memref<640xf32, #tpu.memory_space<vmem>>, vector<16xf32>,
    %mul3A_1615 = arith.mulf %gather3A_1588, %get3A_1614 : vector<16xf32>
    %sub3A_1616 = arith.subf %mul3A_1615, %gather3A_1592 : vector<16xf32>
    %get3A_1617 = arith.constant 416 : index
    %get3A_1618 = tpu.vector_load %arg36[%get3A_1617] {strides = array<i32>} : memref<640xf32, #tpu.memory_space<vmem>>, vector<16xf32>,
    %mul3A_1619 = arith.mulf %gather3A_1589, %get3A_1618 : vector<16xf32>
    %add3A_1620 = arith.addf %sub3A_1616, %mul3A_1619 : vector<16xf32>
    %swap3A_1621 = arith.constant 416 : index
    %swap3A_1622 = tpu.vector_load %arg40[%swap3A_1621] {strides = array<i32>} : memref<640xf32, #tpu.memory_space<vmem>>, vector<16xf32>,
    tpu.vector_store %arg40[%swap3A_1621], %add3A_1620 {strides = array<i32>} : memref<640xf32, #tpu.memory_space<vmem>>, vector<16xf32>,
    %get3A_1623 = arith.constant 432 : index
    %get3A_1624 = tpu.vector_load %arg37[%get3A_1623] {strides = array<i32>} : memref<640xi32, #tpu.memory_space<vmem>>, vector<16xi32>,
    %gather3A_1625 = tpu.vector_load_idx %arg26[%get3A_1624] : memref<256xf32, #tpu.memory_space<vmem>>[vector<16xi32>], vector<16xf32>,
    %gather3A_1626 = tpu.vector_load_idx %arg27[%get3A_1624] : memref<256xf32, #tpu.memory_space<vmem>>[vector<16xi32>], vector<16xf32>,
    %gather3A_1627 = tpu.vector_load_idx %arg28[%get3A_1624] : memref<256xf32, #tpu.memory_space<vmem>>[vector<16xi32>], vector<16xf32>,
    %gather3A_1628 = tpu.vector_load_idx %arg29[%get3A_1624] : memref<256xf32, #tpu.memory_space<vmem>>[vector<16xi32>], vector<16xf32>,
    %gather3A_1629 = tpu.vector_load_idx %arg30[%get3A_1624] : memref<256xf32, #tpu.memory_space<vmem>>[vector<16xi32>], vector<16xf32>,
    %get3A_1630 = arith.constant 432 : index
    %get3A_1631 = tpu.vector_load %arg31[%get3A_1630] {strides = array<i32>} : memref<640xf32, #tpu.memory_space<vmem>>, vector<16xf32>,
    %mul3A_1632 = arith.mulf %gather3A_1625, %get3A_1631 : vector<16xf32>
    %sub3A_1633 = arith.subf %mul3A_1632, %gather3A_1627 : vector<16xf32>
    %get3A_1634 = arith.constant 432 : index
    %get3A_1635 = tpu.vector_load %arg34[%get3A_1634] {strides = array<i32>} : memref<640xf32, #tpu.memory_space<vmem>>, vector<16xf32>,
    %mul3A_1636 = arith.mulf %gather3A_1626, %get3A_1635 : vector<16xf32>
    %add3A_1637 = arith.addf %sub3A_1633, %mul3A_1636 : vector<16xf32>
    %swap3A_1638 = arith.constant 432 : index
    %swap3A_1639 = tpu.vector_load %arg38[%swap3A_1638] {strides = array<i32>} : memref<640xf32, #tpu.memory_space<vmem>>, vector<16xf32>,
    tpu.vector_store %arg38[%swap3A_1638], %add3A_1637 {strides = array<i32>} : memref<640xf32, #tpu.memory_space<vmem>>, vector<16xf32>,
    %get3A_1640 = arith.constant 432 : index
    %get3A_1641 = tpu.vector_load %arg32[%get3A_1640] {strides = array<i32>} : memref<640xf32, #tpu.memory_space<vmem>>, vector<16xf32>,
    %mul3A_1642 = arith.mulf %gather3A_1625, %get3A_1641 : vector<16xf32>
    %sub3A_1643 = arith.subf %mul3A_1642, %gather3A_1628 : vector<16xf32>
    %get3A_1644 = arith.constant 432 : index
    %get3A_1645 = tpu.vector_load %arg35[%get3A_1644] {strides = array<i32>} : memref<640xf32, #tpu.memory_space<vmem>>, vector<16xf32>,
    %mul3A_1646 = arith.mulf %gather3A_1626, %get3A_1645 : vector<16xf32>
    %add3A_1647 = arith.addf %sub3A_1643, %mul3A_1646 : vector<16xf32>
    %swap3A_1648 = arith.constant 432 : index
    %swap3A_1649 = tpu.vector_load %arg39[%swap3A_1648] {strides = array<i32>} : memref<640xf32, #tpu.memory_space<vmem>>, vector<16xf32>,
    tpu.vector_store %arg39[%swap3A_1648], %add3A_1647 {strides = array<i32>} : memref<640xf32, #tpu.memory_space<vmem>>, vector<16xf32>,
    %get3A_1650 = arith.constant 432 : index
    %get3A_1651 = tpu.vector_load %arg33[%get3A_1650] {strides = array<i32>} : memref<640xf32, #tpu.memory_space<vmem>>, vector<16xf32>,
    %mul3A_1652 = arith.mulf %gather3A_1625, %get3A_1651 : vector<16xf32>
    %sub3A_1653 = arith.subf %mul3A_1652, %gather3A_1629 : vector<16xf32>
    %get3A_1654 = arith.constant 432 : index
    %get3A_1655 = tpu.vector_load %arg36[%get3A_1654] {strides = array<i32>} : memref<640xf32, #tpu.memory_space<vmem>>, vector<16xf32>,
    %mul3A_1656 = arith.mulf %gather3A_1626, %get3A_1655 : vector<16xf32>
    %add3A_1657 = arith.addf %sub3A_1653, %mul3A_1656 : vector<16xf32>
    %swap3A_1658 = arith.constant 432 : index
    %swap3A_1659 = tpu.vector_load %arg40[%swap3A_1658] {strides = array<i32>} : memref<640xf32, #tpu.memory_space<vmem>>, vector<16xf32>,
    tpu.vector_store %arg40[%swap3A_1658], %add3A_1657 {strides = array<i32>} : memref<640xf32, #tpu.memory_space<vmem>>, vector<16xf32>,
    %get3A_1660 = arith.constant 448 : index
    %get3A_1661 = tpu.vector_load %arg37[%get3A_1660] {strides = array<i32>} : memref<640xi32, #tpu.memory_space<vmem>>, vector<16xi32>,
    %gather3A_1662 = tpu.vector_load_idx %arg26[%get3A_1661] : memref<256xf32, #tpu.memory_space<vmem>>[vector<16xi32>], vector<16xf32>,
    %gather3A_1663 = tpu.vector_load_idx %arg27[%get3A_1661] : memref<256xf32, #tpu.memory_space<vmem>>[vector<16xi32>], vector<16xf32>,
    %gather3A_1664 = tpu.vector_load_idx %arg28[%get3A_1661] : memref<256xf32, #tpu.memory_space<vmem>>[vector<16xi32>], vector<16xf32>,
    %gather3A_1665 = tpu.vector_load_idx %arg29[%get3A_1661] : memref<256xf32, #tpu.memory_space<vmem>>[vector<16xi32>], vector<16xf32>,
    %gather3A_1666 = tpu.vector_load_idx %arg30[%get3A_1661] : memref<256xf32, #tpu.memory_space<vmem>>[vector<16xi32>], vector<16xf32>,
    %get3A_1667 = arith.constant 448 : index
    %get3A_1668 = tpu.vector_load %arg31[%get3A_1667] {strides = array<i32>} : memref<640xf32, #tpu.memory_space<vmem>>, vector<16xf32>,
    %mul3A_1669 = arith.mulf %gather3A_1662, %get3A_1668 : vector<16xf32>
    %sub3A_1670 = arith.subf %mul3A_1669, %gather3A_1664 : vector<16xf32>
    %get3A_1671 = arith.constant 448 : index
    %get3A_1672 = tpu.vector_load %arg34[%get3A_1671] {strides = array<i32>} : memref<640xf32, #tpu.memory_space<vmem>>, vector<16xf32>,
    %mul3A_1673 = arith.mulf %gather3A_1663, %get3A_1672 : vector<16xf32>
    %add3A_1674 = arith.addf %sub3A_1670, %mul3A_1673 : vector<16xf32>
    %swap3A_1675 = arith.constant 448 : index
    %swap3A_1676 = tpu.vector_load %arg38[%swap3A_1675] {strides = array<i32>} : memref<640xf32, #tpu.memory_space<vmem>>, vector<16xf32>,
    tpu.vector_store %arg38[%swap3A_1675], %add3A_1674 {strides = array<i32>} : memref<640xf32, #tpu.memory_space<vmem>>, vector<16xf32>,
    %get3A_1677 = arith.constant 448 : index
    %get3A_1678 = tpu.vector_load %arg32[%get3A_1677] {strides = array<i32>} : memref<640xf32, #tpu.memory_space<vmem>>, vector<16xf32>,
    %mul3A_1679 = arith.mulf %gather3A_1662, %get3A_1678 : vector<16xf32>
    %sub3A_1680 = arith.subf %mul3A_1679, %gather3A_1665 : vector<16xf32>
    %get3A_1681 = arith.constant 448 : index
    %get3A_1682 = tpu.vector_load %arg35[%get3A_1681] {strides = array<i32>} : memref<640xf32, #tpu.memory_space<vmem>>, vector<16xf32>,
    %mul3A_1683 = arith.mulf %gather3A_1663, %get3A_1682 : vector<16xf32>
    %add3A_1684 = arith.addf %sub3A_1680, %mul3A_1683 : vector<16xf32>
    %swap3A_1685 = arith.constant 448 : index
    %swap3A_1686 = tpu.vector_load %arg39[%swap3A_1685] {strides = array<i32>} : memref<640xf32, #tpu.memory_space<vmem>>, vector<16xf32>,
    tpu.vector_store %arg39[%swap3A_1685], %add3A_1684 {strides = array<i32>} : memref<640xf32, #tpu.memory_space<vmem>>, vector<16xf32>,
    %get3A_1687 = arith.constant 448 : index
    %get3A_1688 = tpu.vector_load %arg33[%get3A_1687] {strides = array<i32>} : memref<640xf32, #tpu.memory_space<vmem>>, vector<16xf32>,
    %mul3A_1689 = arith.mulf %gather3A_1662, %get3A_1688 : vector<16xf32>
    %sub3A_1690 = arith.subf %mul3A_1689, %gather3A_1666 : vector<16xf32>
    %get3A_1691 = arith.constant 448 : index
    %get3A_1692 = tpu.vector_load %arg36[%get3A_1691] {strides = array<i32>} : memref<640xf32, #tpu.memory_space<vmem>>, vector<16xf32>,
    %mul3A_1693 = arith.mulf %gather3A_1663, %get3A_1692 : vector<16xf32>
    %add3A_1694 = arith.addf %sub3A_1690, %mul3A_1693 : vector<16xf32>
    %swap3A_1695 = arith.constant 448 : index
    %swap3A_1696 = tpu.vector_load %arg40[%swap3A_1695] {strides = array<i32>} : memref<640xf32, #tpu.memory_space<vmem>>, vector<16xf32>,
    tpu.vector_store %arg40[%swap3A_1695], %add3A_1694 {strides = array<i32>} : memref<640xf32, #tpu.memory_space<vmem>>, vector<16xf32>,
    %get3A_1697 = arith.constant 464 : index
    %get3A_1698 = tpu.vector_load %arg37[%get3A_1697] {strides = array<i32>} : memref<640xi32, #tpu.memory_space<vmem>>, vector<16xi32>,
    %gather3A_1699 = tpu.vector_load_idx %arg26[%get3A_1698] : memref<256xf32, #tpu.memory_space<vmem>>[vector<16xi32>], vector<16xf32>,
    %gather3A_1700 = tpu.vector_load_idx %arg27[%get3A_1698] : memref<256xf32, #tpu.memory_space<vmem>>[vector<16xi32>], vector<16xf32>,
    %gather3A_1701 = tpu.vector_load_idx %arg28[%get3A_1698] : memref<256xf32, #tpu.memory_space<vmem>>[vector<16xi32>], vector<16xf32>,
    %gather3A_1702 = tpu.vector_load_idx %arg29[%get3A_1698] : memref<256xf32, #tpu.memory_space<vmem>>[vector<16xi32>], vector<16xf32>,
    %gather3A_1703 = tpu.vector_load_idx %arg30[%get3A_1698] : memref<256xf32, #tpu.memory_space<vmem>>[vector<16xi32>], vector<16xf32>,
    %get3A_1704 = arith.constant 464 : index
    %get3A_1705 = tpu.vector_load %arg31[%get3A_1704] {strides = array<i32>} : memref<640xf32, #tpu.memory_space<vmem>>, vector<16xf32>,
    %mul3A_1706 = arith.mulf %gather3A_1699, %get3A_1705 : vector<16xf32>
    %sub3A_1707 = arith.subf %mul3A_1706, %gather3A_1701 : vector<16xf32>
    %get3A_1708 = arith.constant 464 : index
    %get3A_1709 = tpu.vector_load %arg34[%get3A_1708] {strides = array<i32>} : memref<640xf32, #tpu.memory_space<vmem>>, vector<16xf32>,
    %mul3A_1710 = arith.mulf %gather3A_1700, %get3A_1709 : vector<16xf32>
    %add3A_1711 = arith.addf %sub3A_1707, %mul3A_1710 : vector<16xf32>
    %swap3A_1712 = arith.constant 464 : index
    %swap3A_1713 = tpu.vector_load %arg38[%swap3A_1712] {strides = array<i32>} : memref<640xf32, #tpu.memory_space<vmem>>, vector<16xf32>,
    tpu.vector_store %arg38[%swap3A_1712], %add3A_1711 {strides = array<i32>} : memref<640xf32, #tpu.memory_space<vmem>>, vector<16xf32>,
    %get3A_1714 = arith.constant 464 : index
    %get3A_1715 = tpu.vector_load %arg32[%get3A_1714] {strides = array<i32>} : memref<640xf32, #tpu.memory_space<vmem>>, vector<16xf32>,
    %mul3A_1716 = arith.mulf %gather3A_1699, %get3A_1715 : vector<16xf32>
    %sub3A_1717 = arith.subf %mul3A_1716, %gather3A_1702 : vector<16xf32>
    %get3A_1718 = arith.constant 464 : index
    %get3A_1719 = tpu.vector_load %arg35[%get3A_1718] {strides = array<i32>} : memref<640xf32, #tpu.memory_space<vmem>>, vector<16xf32>,
    %mul3A_1720 = arith.mulf %gather3A_1700, %get3A_1719 : vector<16xf32>
    %add3A_1721 = arith.addf %sub3A_1717, %mul3A_1720 : vector<16xf32>
    %swap3A_1722 = arith.constant 464 : index
    %swap3A_1723 = tpu.vector_load %arg39[%swap3A_1722] {strides = array<i32>} : memref<640xf32, #tpu.memory_space<vmem>>, vector<16xf32>,
    tpu.vector_store %arg39[%swap3A_1722], %add3A_1721 {strides = array<i32>} : memref<640xf32, #tpu.memory_space<vmem>>, vector<16xf32>,
    %get3A_1724 = arith.constant 464 : index
    %get3A_1725 = tpu.vector_load %arg33[%get3A_1724] {strides = array<i32>} : memref<640xf32, #tpu.memory_space<vmem>>, vector<16xf32>,
    %mul3A_1726 = arith.mulf %gather3A_1699, %get3A_1725 : vector<16xf32>
    %sub3A_1727 = arith.subf %mul3A_1726, %gather3A_1703 : vector<16xf32>
    %get3A_1728 = arith.constant 464 : index
    %get3A_1729 = tpu.vector_load %arg36[%get3A_1728] {strides = array<i32>} : memref<640xf32, #tpu.memory_space<vmem>>, vector<16xf32>,
    %mul3A_1730 = arith.mulf %gather3A_1700, %get3A_1729 : vector<16xf32>
    %add3A_1731 = arith.addf %sub3A_1727, %mul3A_1730 : vector<16xf32>
    %swap3A_1732 = arith.constant 464 : index
    %swap3A_1733 = tpu.vector_load %arg40[%swap3A_1732] {strides = array<i32>} : memref<640xf32, #tpu.memory_space<vmem>>, vector<16xf32>,
    tpu.vector_store %arg40[%swap3A_1732], %add3A_1731 {strides = array<i32>} : memref<640xf32, #tpu.memory_space<vmem>>, vector<16xf32>,
    %get3A_1734 = arith.constant 480 : index
    %get3A_1735 = tpu.vector_load %arg37[%get3A_1734] {strides = array<i32>} : memref<640xi32, #tpu.memory_space<vmem>>, vector<16xi32>,
    %gather3A_1736 = tpu.vector_load_idx %arg26[%get3A_1735] : memref<256xf32, #tpu.memory_space<vmem>>[vector<16xi32>], vector<16xf32>,
    %gather3A_1737 = tpu.vector_load_idx %arg27[%get3A_1735] : memref<256xf32, #tpu.memory_space<vmem>>[vector<16xi32>], vector<16xf32>,
    %gather3A_1738 = tpu.vector_load_idx %arg28[%get3A_1735] : memref<256xf32, #tpu.memory_space<vmem>>[vector<16xi32>], vector<16xf32>,
    %gather3A_1739 = tpu.vector_load_idx %arg29[%get3A_1735] : memref<256xf32, #tpu.memory_space<vmem>>[vector<16xi32>], vector<16xf32>,
    %gather3A_1740 = tpu.vector_load_idx %arg30[%get3A_1735] : memref<256xf32, #tpu.memory_space<vmem>>[vector<16xi32>], vector<16xf32>,
    %get3A_1741 = arith.constant 480 : index
    %get3A_1742 = tpu.vector_load %arg31[%get3A_1741] {strides = array<i32>} : memref<640xf32, #tpu.memory_space<vmem>>, vector<16xf32>,
    %mul3A_1743 = arith.mulf %gather3A_1736, %get3A_1742 : vector<16xf32>
    %sub3A_1744 = arith.subf %mul3A_1743, %gather3A_1738 : vector<16xf32>
    %get3A_1745 = arith.constant 480 : index
    %get3A_1746 = tpu.vector_load %arg34[%get3A_1745] {strides = array<i32>} : memref<640xf32, #tpu.memory_space<vmem>>, vector<16xf32>,
    %mul3A_1747 = arith.mulf %gather3A_1737, %get3A_1746 : vector<16xf32>
    %add3A_1748 = arith.addf %sub3A_1744, %mul3A_1747 : vector<16xf32>
    %swap3A_1749 = arith.constant 480 : index
    %swap3A_1750 = tpu.vector_load %arg38[%swap3A_1749] {strides = array<i32>} : memref<640xf32, #tpu.memory_space<vmem>>, vector<16xf32>,
    tpu.vector_store %arg38[%swap3A_1749], %add3A_1748 {strides = array<i32>} : memref<640xf32, #tpu.memory_space<vmem>>, vector<16xf32>,
    %get3A_1751 = arith.constant 480 : index
    %get3A_1752 = tpu.vector_load %arg32[%get3A_1751] {strides = array<i32>} : memref<640xf32, #tpu.memory_space<vmem>>, vector<16xf32>,
    %mul3A_1753 = arith.mulf %gather3A_1736, %get3A_1752 : vector<16xf32>
    %sub3A_1754 = arith.subf %mul3A_1753, %gather3A_1739 : vector<16xf32>
    %get3A_1755 = arith.constant 480 : index
    %get3A_1756 = tpu.vector_load %arg35[%get3A_1755] {strides = array<i32>} : memref<640xf32, #tpu.memory_space<vmem>>, vector<16xf32>,
    %mul3A_1757 = arith.mulf %gather3A_1737, %get3A_1756 : vector<16xf32>
    %add3A_1758 = arith.addf %sub3A_1754, %mul3A_1757 : vector<16xf32>
    %swap3A_1759 = arith.constant 480 : index
    %swap3A_1760 = tpu.vector_load %arg39[%swap3A_1759] {strides = array<i32>} : memref<640xf32, #tpu.memory_space<vmem>>, vector<16xf32>,
    tpu.vector_store %arg39[%swap3A_1759], %add3A_1758 {strides = array<i32>} : memref<640xf32, #tpu.memory_space<vmem>>, vector<16xf32>,
    %get3A_1761 = arith.constant 480 : index
    %get3A_1762 = tpu.vector_load %arg33[%get3A_1761] {strides = array<i32>} : memref<640xf32, #tpu.memory_space<vmem>>, vector<16xf32>,
    %mul3A_1763 = arith.mulf %gather3A_1736, %get3A_1762 : vector<16xf32>
    %sub3A_1764 = arith.subf %mul3A_1763, %gather3A_1740 : vector<16xf32>
    %get3A_1765 = arith.constant 480 : index
    %get3A_1766 = tpu.vector_load %arg36[%get3A_1765] {strides = array<i32>} : memref<640xf32, #tpu.memory_space<vmem>>, vector<16xf32>,
    %mul3A_1767 = arith.mulf %gather3A_1737, %get3A_1766 : vector<16xf32>
    %add3A_1768 = arith.addf %sub3A_1764, %mul3A_1767 : vector<16xf32>
    %swap3A_1769 = arith.constant 480 : index
    %swap3A_1770 = tpu.vector_load %arg40[%swap3A_1769] {strides = array<i32>} : memref<640xf32, #tpu.memory_space<vmem>>, vector<16xf32>,
    tpu.vector_store %arg40[%swap3A_1769], %add3A_1768 {strides = array<i32>} : memref<640xf32, #tpu.memory_space<vmem>>, vector<16xf32>,
    %get3A_1771 = arith.constant 496 : index
    %get3A_1772 = tpu.vector_load %arg37[%get3A_1771] {strides = array<i32>} : memref<640xi32, #tpu.memory_space<vmem>>, vector<16xi32>,
    %gather3A_1773 = tpu.vector_load_idx %arg26[%get3A_1772] : memref<256xf32, #tpu.memory_space<vmem>>[vector<16xi32>], vector<16xf32>,
    %gather3A_1774 = tpu.vector_load_idx %arg27[%get3A_1772] : memref<256xf32, #tpu.memory_space<vmem>>[vector<16xi32>], vector<16xf32>,
    %gather3A_1775 = tpu.vector_load_idx %arg28[%get3A_1772] : memref<256xf32, #tpu.memory_space<vmem>>[vector<16xi32>], vector<16xf32>,
    %gather3A_1776 = tpu.vector_load_idx %arg29[%get3A_1772] : memref<256xf32, #tpu.memory_space<vmem>>[vector<16xi32>], vector<16xf32>,
    %gather3A_1777 = tpu.vector_load_idx %arg30[%get3A_1772] : memref<256xf32, #tpu.memory_space<vmem>>[vector<16xi32>], vector<16xf32>,
    %get3A_1778 = arith.constant 496 : index
    %get3A_1779 = tpu.vector_load %arg31[%get3A_1778] {strides = array<i32>} : memref<640xf32, #tpu.memory_space<vmem>>, vector<16xf32>,
    %mul3A_1780 = arith.mulf %gather3A_1773, %get3A_1779 : vector<16xf32>
    %sub3A_1781 = arith.subf %mul3A_1780, %gather3A_1775 : vector<16xf32>
    %get3A_1782 = arith.constant 496 : index
    %get3A_1783 = tpu.vector_load %arg34[%get3A_1782] {strides = array<i32>} : memref<640xf32, #tpu.memory_space<vmem>>, vector<16xf32>,
    %mul3A_1784 = arith.mulf %gather3A_1774, %get3A_1783 : vector<16xf32>
    %add3A_1785 = arith.addf %sub3A_1781, %mul3A_1784 : vector<16xf32>
    %swap3A_1786 = arith.constant 496 : index
    %swap3A_1787 = tpu.vector_load %arg38[%swap3A_1786] {strides = array<i32>} : memref<640xf32, #tpu.memory_space<vmem>>, vector<16xf32>,
    tpu.vector_store %arg38[%swap3A_1786], %add3A_1785 {strides = array<i32>} : memref<640xf32, #tpu.memory_space<vmem>>, vector<16xf32>,
    %get3A_1788 = arith.constant 496 : index
    %get3A_1789 = tpu.vector_load %arg32[%get3A_1788] {strides = array<i32>} : memref<640xf32, #tpu.memory_space<vmem>>, vector<16xf32>,
    %mul3A_1790 = arith.mulf %gather3A_1773, %get3A_1789 : vector<16xf32>
    %sub3A_1791 = arith.subf %mul3A_1790, %gather3A_1776 : vector<16xf32>
    %get3A_1792 = arith.constant 496 : index
    %get3A_1793 = tpu.vector_load %arg35[%get3A_1792] {strides = array<i32>} : memref<640xf32, #tpu.memory_space<vmem>>, vector<16xf32>,
    %mul3A_1794 = arith.mulf %gather3A_1774, %get3A_1793 : vector<16xf32>
    %add3A_1795 = arith.addf %sub3A_1791, %mul3A_1794 : vector<16xf32>
    %swap3A_1796 = arith.constant 496 : index
    %swap3A_1797 = tpu.vector_load %arg39[%swap3A_1796] {strides = array<i32>} : memref<640xf32, #tpu.memory_space<vmem>>, vector<16xf32>,
    tpu.vector_store %arg39[%swap3A_1796], %add3A_1795 {strides = array<i32>} : memref<640xf32, #tpu.memory_space<vmem>>, vector<16xf32>,
    %get3A_1798 = arith.constant 496 : index
    %get3A_1799 = tpu.vector_load %arg33[%get3A_1798] {strides = array<i32>} : memref<640xf32, #tpu.memory_space<vmem>>, vector<16xf32>,
    %mul3A_1800 = arith.mulf %gather3A_1773, %get3A_1799 : vector<16xf32>
    %sub3A_1801 = arith.subf %mul3A_1800, %gather3A_1777 : vector<16xf32>
    %get3A_1802 = arith.constant 496 : index
    %get3A_1803 = tpu.vector_load %arg36[%get3A_1802] {strides = array<i32>} : memref<640xf32, #tpu.memory_space<vmem>>, vector<16xf32>,
    %mul3A_1804 = arith.mulf %gather3A_1774, %get3A_1803 : vector<16xf32>
    %add3A_1805 = arith.addf %sub3A_1801, %mul3A_1804 : vector<16xf32>
    %swap3A_1806 = arith.constant 496 : index
    %swap3A_1807 = tpu.vector_load %arg40[%swap3A_1806] {strides = array<i32>} : memref<640xf32, #tpu.memory_space<vmem>>, vector<16xf32>,
    tpu.vector_store %arg40[%swap3A_1806], %add3A_1805 {strides = array<i32>} : memref<640xf32, #tpu.memory_space<vmem>>, vector<16xf32>,
    %get3A_1808 = arith.constant 512 : index
    %get3A_1809 = tpu.vector_load %arg37[%get3A_1808] {strides = array<i32>} : memref<640xi32, #tpu.memory_space<vmem>>, vector<16xi32>,
    %gather3A_1810 = tpu.vector_load_idx %arg26[%get3A_1809] : memref<256xf32, #tpu.memory_space<vmem>>[vector<16xi32>], vector<16xf32>,
    %gather3A_1811 = tpu.vector_load_idx %arg27[%get3A_1809] : memref<256xf32, #tpu.memory_space<vmem>>[vector<16xi32>], vector<16xf32>,
    %gather3A_1812 = tpu.vector_load_idx %arg28[%get3A_1809] : memref<256xf32, #tpu.memory_space<vmem>>[vector<16xi32>], vector<16xf32>,
    %gather3A_1813 = tpu.vector_load_idx %arg29[%get3A_1809] : memref<256xf32, #tpu.memory_space<vmem>>[vector<16xi32>], vector<16xf32>,
    %gather3A_1814 = tpu.vector_load_idx %arg30[%get3A_1809] : memref<256xf32, #tpu.memory_space<vmem>>[vector<16xi32>], vector<16xf32>,
    %get3A_1815 = arith.constant 512 : index
    %get3A_1816 = tpu.vector_load %arg31[%get3A_1815] {strides = array<i32>} : memref<640xf32, #tpu.memory_space<vmem>>, vector<16xf32>,
    %mul3A_1817 = arith.mulf %gather3A_1810, %get3A_1816 : vector<16xf32>
    %sub3A_1818 = arith.subf %mul3A_1817, %gather3A_1812 : vector<16xf32>
    %get3A_1819 = arith.constant 512 : index
    %get3A_1820 = tpu.vector_load %arg34[%get3A_1819] {strides = array<i32>} : memref<640xf32, #tpu.memory_space<vmem>>, vector<16xf32>,
    %mul3A_1821 = arith.mulf %gather3A_1811, %get3A_1820 : vector<16xf32>
    %add3A_1822 = arith.addf %sub3A_1818, %mul3A_1821 : vector<16xf32>
    %swap3A_1823 = arith.constant 512 : index
    %swap3A_1824 = tpu.vector_load %arg38[%swap3A_1823] {strides = array<i32>} : memref<640xf32, #tpu.memory_space<vmem>>, vector<16xf32>,
    tpu.vector_store %arg38[%swap3A_1823], %add3A_1822 {strides = array<i32>} : memref<640xf32, #tpu.memory_space<vmem>>, vector<16xf32>,
    %get3A_1825 = arith.constant 512 : index
    %get3A_1826 = tpu.vector_load %arg32[%get3A_1825] {strides = array<i32>} : memref<640xf32, #tpu.memory_space<vmem>>, vector<16xf32>,
    %mul3A_1827 = arith.mulf %gather3A_1810, %get3A_1826 : vector<16xf32>
    %sub3A_1828 = arith.subf %mul3A_1827, %gather3A_1813 : vector<16xf32>
    %get3A_1829 = arith.constant 512 : index
    %get3A_1830 = tpu.vector_load %arg35[%get3A_1829] {strides = array<i32>} : memref<640xf32, #tpu.memory_space<vmem>>, vector<16xf32>,
    %mul3A_1831 = arith.mulf %gather3A_1811, %get3A_1830 : vector<16xf32>
    %add3A_1832 = arith.addf %sub3A_1828, %mul3A_1831 : vector<16xf32>
    %swap3A_1833 = arith.constant 512 : index
    %swap3A_1834 = tpu.vector_load %arg39[%swap3A_1833] {strides = array<i32>} : memref<640xf32, #tpu.memory_space<vmem>>, vector<16xf32>,
    tpu.vector_store %arg39[%swap3A_1833], %add3A_1832 {strides = array<i32>} : memref<640xf32, #tpu.memory_space<vmem>>, vector<16xf32>,
    %get3A_1835 = arith.constant 512 : index
    %get3A_1836 = tpu.vector_load %arg33[%get3A_1835] {strides = array<i32>} : memref<640xf32, #tpu.memory_space<vmem>>, vector<16xf32>,
    %mul3A_1837 = arith.mulf %gather3A_1810, %get3A_1836 : vector<16xf32>
    %sub3A_1838 = arith.subf %mul3A_1837, %gather3A_1814 : vector<16xf32>
    %get3A_1839 = arith.constant 512 : index
    %get3A_1840 = tpu.vector_load %arg36[%get3A_1839] {strides = array<i32>} : memref<640xf32, #tpu.memory_space<vmem>>, vector<16xf32>,
    %mul3A_1841 = arith.mulf %gather3A_1811, %get3A_1840 : vector<16xf32>
    %add3A_1842 = arith.addf %sub3A_1838, %mul3A_1841 : vector<16xf32>
    %swap3A_1843 = arith.constant 512 : index
    %swap3A_1844 = tpu.vector_load %arg40[%swap3A_1843] {strides = array<i32>} : memref<640xf32, #tpu.memory_space<vmem>>, vector<16xf32>,
    tpu.vector_store %arg40[%swap3A_1843], %add3A_1842 {strides = array<i32>} : memref<640xf32, #tpu.memory_space<vmem>>, vector<16xf32>,
    %get3A_1845 = arith.constant 528 : index
    %get3A_1846 = tpu.vector_load %arg37[%get3A_1845] {strides = array<i32>} : memref<640xi32, #tpu.memory_space<vmem>>, vector<16xi32>,
    %gather3A_1847 = tpu.vector_load_idx %arg26[%get3A_1846] : memref<256xf32, #tpu.memory_space<vmem>>[vector<16xi32>], vector<16xf32>,
    %gather3A_1848 = tpu.vector_load_idx %arg27[%get3A_1846] : memref<256xf32, #tpu.memory_space<vmem>>[vector<16xi32>], vector<16xf32>,
    %gather3A_1849 = tpu.vector_load_idx %arg28[%get3A_1846] : memref<256xf32, #tpu.memory_space<vmem>>[vector<16xi32>], vector<16xf32>,
    %gather3A_1850 = tpu.vector_load_idx %arg29[%get3A_1846] : memref<256xf32, #tpu.memory_space<vmem>>[vector<16xi32>], vector<16xf32>,
    %gather3A_1851 = tpu.vector_load_idx %arg30[%get3A_1846] : memref<256xf32, #tpu.memory_space<vmem>>[vector<16xi32>], vector<16xf32>,
    %get3A_1852 = arith.constant 528 : index
    %get3A_1853 = tpu.vector_load %arg31[%get3A_1852] {strides = array<i32>} : memref<640xf32, #tpu.memory_space<vmem>>, vector<16xf32>,
    %mul3A_1854 = arith.mulf %gather3A_1847, %get3A_1853 : vector<16xf32>
    %sub3A_1855 = arith.subf %mul3A_1854, %gather3A_1849 : vector<16xf32>
    %get3A_1856 = arith.constant 528 : index
    %get3A_1857 = tpu.vector_load %arg34[%get3A_1856] {strides = array<i32>} : memref<640xf32, #tpu.memory_space<vmem>>, vector<16xf32>,
    %mul3A_1858 = arith.mulf %gather3A_1848, %get3A_1857 : vector<16xf32>
    %add3A_1859 = arith.addf %sub3A_1855, %mul3A_1858 : vector<16xf32>
    %swap3A_1860 = arith.constant 528 : index
    %swap3A_1861 = tpu.vector_load %arg38[%swap3A_1860] {strides = array<i32>} : memref<640xf32, #tpu.memory_space<vmem>>, vector<16xf32>,
    tpu.vector_store %arg38[%swap3A_1860], %add3A_1859 {strides = array<i32>} : memref<640xf32, #tpu.memory_space<vmem>>, vector<16xf32>,
    %get3A_1862 = arith.constant 528 : index
    %get3A_1863 = tpu.vector_load %arg32[%get3A_1862] {strides = array<i32>} : memref<640xf32, #tpu.memory_space<vmem>>, vector<16xf32>,
    %mul3A_1864 = arith.mulf %gather3A_1847, %get3A_1863 : vector<16xf32>
    %sub3A_1865 = arith.subf %mul3A_1864, %gather3A_1850 : vector<16xf32>
    %get3A_1866 = arith.constant 528 : index
    %get3A_1867 = tpu.vector_load %arg35[%get3A_1866] {strides = array<i32>} : memref<640xf32, #tpu.memory_space<vmem>>, vector<16xf32>,
    %mul3A_1868 = arith.mulf %gather3A_1848, %get3A_1867 : vector<16xf32>
    %add3A_1869 = arith.addf %sub3A_1865, %mul3A_1868 : vector<16xf32>
    %swap3A_1870 = arith.constant 528 : index
    %swap3A_1871 = tpu.vector_load %arg39[%swap3A_1870] {strides = array<i32>} : memref<640xf32, #tpu.memory_space<vmem>>, vector<16xf32>,
    tpu.vector_store %arg39[%swap3A_1870], %add3A_1869 {strides = array<i32>} : memref<640xf32, #tpu.memory_space<vmem>>, vector<16xf32>,
    %get3A_1872 = arith.constant 528 : index
    %get3A_1873 = tpu.vector_load %arg33[%get3A_1872] {strides = array<i32>} : memref<640xf32, #tpu.memory_space<vmem>>, vector<16xf32>,
    %mul3A_1874 = arith.mulf %gather3A_1847, %get3A_1873 : vector<16xf32>
    %sub3A_1875 = arith.subf %mul3A_1874, %gather3A_1851 : vector<16xf32>
    %get3A_1876 = arith.constant 528 : index
    %get3A_1877 = tpu.vector_load %arg36[%get3A_1876] {strides = array<i32>} : memref<640xf32, #tpu.memory_space<vmem>>, vector<16xf32>,
    %mul3A_1878 = arith.mulf %gather3A_1848, %get3A_1877 : vector<16xf32>
    %add3A_1879 = arith.addf %sub3A_1875, %mul3A_1878 : vector<16xf32>
    %swap3A_1880 = arith.constant 528 : index
    %swap3A_1881 = tpu.vector_load %arg40[%swap3A_1880] {strides = array<i32>} : memref<640xf32, #tpu.memory_space<vmem>>, vector<16xf32>,
    tpu.vector_store %arg40[%swap3A_1880], %add3A_1879 {strides = array<i32>} : memref<640xf32, #tpu.memory_space<vmem>>, vector<16xf32>,
    %get3A_1882 = arith.constant 544 : index
    %get3A_1883 = tpu.vector_load %arg37[%get3A_1882] {strides = array<i32>} : memref<640xi32, #tpu.memory_space<vmem>>, vector<16xi32>,
    %gather3A_1884 = tpu.vector_load_idx %arg26[%get3A_1883] : memref<256xf32, #tpu.memory_space<vmem>>[vector<16xi32>], vector<16xf32>,
    %gather3A_1885 = tpu.vector_load_idx %arg27[%get3A_1883] : memref<256xf32, #tpu.memory_space<vmem>>[vector<16xi32>], vector<16xf32>,
    %gather3A_1886 = tpu.vector_load_idx %arg28[%get3A_1883] : memref<256xf32, #tpu.memory_space<vmem>>[vector<16xi32>], vector<16xf32>,
    %gather3A_1887 = tpu.vector_load_idx %arg29[%get3A_1883] : memref<256xf32, #tpu.memory_space<vmem>>[vector<16xi32>], vector<16xf32>,
    %gather3A_1888 = tpu.vector_load_idx %arg30[%get3A_1883] : memref<256xf32, #tpu.memory_space<vmem>>[vector<16xi32>], vector<16xf32>,
    %get3A_1889 = arith.constant 544 : index
    %get3A_1890 = tpu.vector_load %arg31[%get3A_1889] {strides = array<i32>} : memref<640xf32, #tpu.memory_space<vmem>>, vector<16xf32>,
    %mul3A_1891 = arith.mulf %gather3A_1884, %get3A_1890 : vector<16xf32>
    %sub3A_1892 = arith.subf %mul3A_1891, %gather3A_1886 : vector<16xf32>
    %get3A_1893 = arith.constant 544 : index
    %get3A_1894 = tpu.vector_load %arg34[%get3A_1893] {strides = array<i32>} : memref<640xf32, #tpu.memory_space<vmem>>, vector<16xf32>,
    %mul3A_1895 = arith.mulf %gather3A_1885, %get3A_1894 : vector<16xf32>
    %add3A_1896 = arith.addf %sub3A_1892, %mul3A_1895 : vector<16xf32>
    %swap3A_1897 = arith.constant 544 : index
    %swap3A_1898 = tpu.vector_load %arg38[%swap3A_1897] {strides = array<i32>} : memref<640xf32, #tpu.memory_space<vmem>>, vector<16xf32>,
    tpu.vector_store %arg38[%swap3A_1897], %add3A_1896 {strides = array<i32>} : memref<640xf32, #tpu.memory_space<vmem>>, vector<16xf32>,
    %get3A_1899 = arith.constant 544 : index
    %get3A_1900 = tpu.vector_load %arg32[%get3A_1899] {strides = array<i32>} : memref<640xf32, #tpu.memory_space<vmem>>, vector<16xf32>,
    %mul3A_1901 = arith.mulf %gather3A_1884, %get3A_1900 : vector<16xf32>
    %sub3A_1902 = arith.subf %mul3A_1901, %gather3A_1887 : vector<16xf32>
    %get3A_1903 = arith.constant 544 : index
    %get3A_1904 = tpu.vector_load %arg35[%get3A_1903] {strides = array<i32>} : memref<640xf32, #tpu.memory_space<vmem>>, vector<16xf32>,
    %mul3A_1905 = arith.mulf %gather3A_1885, %get3A_1904 : vector<16xf32>
    %add3A_1906 = arith.addf %sub3A_1902, %mul3A_1905 : vector<16xf32>
    %swap3A_1907 = arith.constant 544 : index
    %swap3A_1908 = tpu.vector_load %arg39[%swap3A_1907] {strides = array<i32>} : memref<640xf32, #tpu.memory_space<vmem>>, vector<16xf32>,
    tpu.vector_store %arg39[%swap3A_1907], %add3A_1906 {strides = array<i32>} : memref<640xf32, #tpu.memory_space<vmem>>, vector<16xf32>,
    %get3A_1909 = arith.constant 544 : index
    %get3A_1910 = tpu.vector_load %arg33[%get3A_1909] {strides = array<i32>} : memref<640xf32, #tpu.memory_space<vmem>>, vector<16xf32>,
    %mul3A_1911 = arith.mulf %gather3A_1884, %get3A_1910 : vector<16xf32>
    %sub3A_1912 = arith.subf %mul3A_1911, %gather3A_1888 : vector<16xf32>
    %get3A_1913 = arith.constant 544 : index
    %get3A_1914 = tpu.vector_load %arg36[%get3A_1913] {strides = array<i32>} : memref<640xf32, #tpu.memory_space<vmem>>, vector<16xf32>,
    %mul3A_1915 = arith.mulf %gather3A_1885, %get3A_1914 : vector<16xf32>
    %add3A_1916 = arith.addf %sub3A_1912, %mul3A_1915 : vector<16xf32>
    %swap3A_1917 = arith.constant 544 : index
    %swap3A_1918 = tpu.vector_load %arg40[%swap3A_1917] {strides = array<i32>} : memref<640xf32, #tpu.memory_space<vmem>>, vector<16xf32>,
    tpu.vector_store %arg40[%swap3A_1917], %add3A_1916 {strides = array<i32>} : memref<640xf32, #tpu.memory_space<vmem>>, vector<16xf32>,
    %get3A_1919 = arith.constant 560 : index
    %get3A_1920 = tpu.vector_load %arg37[%get3A_1919] {strides = array<i32>} : memref<640xi32, #tpu.memory_space<vmem>>, vector<16xi32>,
    %gather3A_1921 = tpu.vector_load_idx %arg26[%get3A_1920] : memref<256xf32, #tpu.memory_space<vmem>>[vector<16xi32>], vector<16xf32>,
    %gather3A_1922 = tpu.vector_load_idx %arg27[%get3A_1920] : memref<256xf32, #tpu.memory_space<vmem>>[vector<16xi32>], vector<16xf32>,
    %gather3A_1923 = tpu.vector_load_idx %arg28[%get3A_1920] : memref<256xf32, #tpu.memory_space<vmem>>[vector<16xi32>], vector<16xf32>,
    %gather3A_1924 = tpu.vector_load_idx %arg29[%get3A_1920] : memref<256xf32, #tpu.memory_space<vmem>>[vector<16xi32>], vector<16xf32>,
    %gather3A_1925 = tpu.vector_load_idx %arg30[%get3A_1920] : memref<256xf32, #tpu.memory_space<vmem>>[vector<16xi32>], vector<16xf32>,
    %get3A_1926 = arith.constant 560 : index
    %get3A_1927 = tpu.vector_load %arg31[%get3A_1926] {strides = array<i32>} : memref<640xf32, #tpu.memory_space<vmem>>, vector<16xf32>,
    %mul3A_1928 = arith.mulf %gather3A_1921, %get3A_1927 : vector<16xf32>
    %sub3A_1929 = arith.subf %mul3A_1928, %gather3A_1923 : vector<16xf32>
    %get3A_1930 = arith.constant 560 : index
    %get3A_1931 = tpu.vector_load %arg34[%get3A_1930] {strides = array<i32>} : memref<640xf32, #tpu.memory_space<vmem>>, vector<16xf32>,
    %mul3A_1932 = arith.mulf %gather3A_1922, %get3A_1931 : vector<16xf32>
    %add3A_1933 = arith.addf %sub3A_1929, %mul3A_1932 : vector<16xf32>
    %swap3A_1934 = arith.constant 560 : index
    %swap3A_1935 = tpu.vector_load %arg38[%swap3A_1934] {strides = array<i32>} : memref<640xf32, #tpu.memory_space<vmem>>, vector<16xf32>,
    tpu.vector_store %arg38[%swap3A_1934], %add3A_1933 {strides = array<i32>} : memref<640xf32, #tpu.memory_space<vmem>>, vector<16xf32>,
    %get3A_1936 = arith.constant 560 : index
    %get3A_1937 = tpu.vector_load %arg32[%get3A_1936] {strides = array<i32>} : memref<640xf32, #tpu.memory_space<vmem>>, vector<16xf32>,
    %mul3A_1938 = arith.mulf %gather3A_1921, %get3A_1937 : vector<16xf32>
    %sub3A_1939 = arith.subf %mul3A_1938, %gather3A_1924 : vector<16xf32>
    %get3A_1940 = arith.constant 560 : index
    %get3A_1941 = tpu.vector_load %arg35[%get3A_1940] {strides = array<i32>} : memref<640xf32, #tpu.memory_space<vmem>>, vector<16xf32>,
    %mul3A_1942 = arith.mulf %gather3A_1922, %get3A_1941 : vector<16xf32>
    %add3A_1943 = arith.addf %sub3A_1939, %mul3A_1942 : vector<16xf32>
    %swap3A_1944 = arith.constant 560 : index
    %swap3A_1945 = tpu.vector_load %arg39[%swap3A_1944] {strides = array<i32>} : memref<640xf32, #tpu.memory_space<vmem>>, vector<16xf32>,
    tpu.vector_store %arg39[%swap3A_1944], %add3A_1943 {strides = array<i32>} : memref<640xf32, #tpu.memory_space<vmem>>, vector<16xf32>,
    %get3A_1946 = arith.constant 560 : index
    %get3A_1947 = tpu.vector_load %arg33[%get3A_1946] {strides = array<i32>} : memref<640xf32, #tpu.memory_space<vmem>>, vector<16xf32>,
    %mul3A_1948 = arith.mulf %gather3A_1921, %get3A_1947 : vector<16xf32>
    %sub3A_1949 = arith.subf %mul3A_1948, %gather3A_1925 : vector<16xf32>
    %get3A_1950 = arith.constant 560 : index
    %get3A_1951 = tpu.vector_load %arg36[%get3A_1950] {strides = array<i32>} : memref<640xf32, #tpu.memory_space<vmem>>, vector<16xf32>,
    %mul3A_1952 = arith.mulf %gather3A_1922, %get3A_1951 : vector<16xf32>
    %add3A_1953 = arith.addf %sub3A_1949, %mul3A_1952 : vector<16xf32>
    %swap3A_1954 = arith.constant 560 : index
    %swap3A_1955 = tpu.vector_load %arg40[%swap3A_1954] {strides = array<i32>} : memref<640xf32, #tpu.memory_space<vmem>>, vector<16xf32>,
    tpu.vector_store %arg40[%swap3A_1954], %add3A_1953 {strides = array<i32>} : memref<640xf32, #tpu.memory_space<vmem>>, vector<16xf32>,
    %get3A_1956 = arith.constant 576 : index
    %get3A_1957 = tpu.vector_load %arg37[%get3A_1956] {strides = array<i32>} : memref<640xi32, #tpu.memory_space<vmem>>, vector<16xi32>,
    %gather3A_1958 = tpu.vector_load_idx %arg26[%get3A_1957] : memref<256xf32, #tpu.memory_space<vmem>>[vector<16xi32>], vector<16xf32>,
    %gather3A_1959 = tpu.vector_load_idx %arg27[%get3A_1957] : memref<256xf32, #tpu.memory_space<vmem>>[vector<16xi32>], vector<16xf32>,
    %gather3A_1960 = tpu.vector_load_idx %arg28[%get3A_1957] : memref<256xf32, #tpu.memory_space<vmem>>[vector<16xi32>], vector<16xf32>,
    %gather3A_1961 = tpu.vector_load_idx %arg29[%get3A_1957] : memref<256xf32, #tpu.memory_space<vmem>>[vector<16xi32>], vector<16xf32>,
    %gather3A_1962 = tpu.vector_load_idx %arg30[%get3A_1957] : memref<256xf32, #tpu.memory_space<vmem>>[vector<16xi32>], vector<16xf32>,
    %get3A_1963 = arith.constant 576 : index
    %get3A_1964 = tpu.vector_load %arg31[%get3A_1963] {strides = array<i32>} : memref<640xf32, #tpu.memory_space<vmem>>, vector<16xf32>,
    %mul3A_1965 = arith.mulf %gather3A_1958, %get3A_1964 : vector<16xf32>
    %sub3A_1966 = arith.subf %mul3A_1965, %gather3A_1960 : vector<16xf32>
    %get3A_1967 = arith.constant 576 : index
    %get3A_1968 = tpu.vector_load %arg34[%get3A_1967] {strides = array<i32>} : memref<640xf32, #tpu.memory_space<vmem>>, vector<16xf32>,
    %mul3A_1969 = arith.mulf %gather3A_1959, %get3A_1968 : vector<16xf32>
    %add3A_1970 = arith.addf %sub3A_1966, %mul3A_1969 : vector<16xf32>
    %swap3A_1971 = arith.constant 576 : index
    %swap3A_1972 = tpu.vector_load %arg38[%swap3A_1971] {strides = array<i32>} : memref<640xf32, #tpu.memory_space<vmem>>, vector<16xf32>,
    tpu.vector_store %arg38[%swap3A_1971], %add3A_1970 {strides = array<i32>} : memref<640xf32, #tpu.memory_space<vmem>>, vector<16xf32>,
    %get3A_1973 = arith.constant 576 : index
    %get3A_1974 = tpu.vector_load %arg32[%get3A_1973] {strides = array<i32>} : memref<640xf32, #tpu.memory_space<vmem>>, vector<16xf32>,
    %mul3A_1975 = arith.mulf %gather3A_1958, %get3A_1974 : vector<16xf32>
    %sub3A_1976 = arith.subf %mul3A_1975, %gather3A_1961 : vector<16xf32>
    %get3A_1977 = arith.constant 576 : index
    %get3A_1978 = tpu.vector_load %arg35[%get3A_1977] {strides = array<i32>} : memref<640xf32, #tpu.memory_space<vmem>>, vector<16xf32>,
    %mul3A_1979 = arith.mulf %gather3A_1959, %get3A_1978 : vector<16xf32>
    %add3A_1980 = arith.addf %sub3A_1976, %mul3A_1979 : vector<16xf32>
    %swap3A_1981 = arith.constant 576 : index
    %swap3A_1982 = tpu.vector_load %arg39[%swap3A_1981] {strides = array<i32>} : memref<640xf32, #tpu.memory_space<vmem>>, vector<16xf32>,
    tpu.vector_store %arg39[%swap3A_1981], %add3A_1980 {strides = array<i32>} : memref<640xf32, #tpu.memory_space<vmem>>, vector<16xf32>,
    %get3A_1983 = arith.constant 576 : index
    %get3A_1984 = tpu.vector_load %arg33[%get3A_1983] {strides = array<i32>} : memref<640xf32, #tpu.memory_space<vmem>>, vector<16xf32>,
    %mul3A_1985 = arith.mulf %gather3A_1958, %get3A_1984 : vector<16xf32>
    %sub3A_1986 = arith.subf %mul3A_1985, %gather3A_1962 : vector<16xf32>
    %get3A_1987 = arith.constant 576 : index
    %get3A_1988 = tpu.vector_load %arg36[%get3A_1987] {strides = array<i32>} : memref<640xf32, #tpu.memory_space<vmem>>, vector<16xf32>,
    %mul3A_1989 = arith.mulf %gather3A_1959, %get3A_1988 : vector<16xf32>
    %add3A_1990 = arith.addf %sub3A_1986, %mul3A_1989 : vector<16xf32>
    %swap3A_1991 = arith.constant 576 : index
    %swap3A_1992 = tpu.vector_load %arg40[%swap3A_1991] {strides = array<i32>} : memref<640xf32, #tpu.memory_space<vmem>>, vector<16xf32>,
    tpu.vector_store %arg40[%swap3A_1991], %add3A_1990 {strides = array<i32>} : memref<640xf32, #tpu.memory_space<vmem>>, vector<16xf32>,
    %get3A_1993 = arith.constant 592 : index
    %get3A_1994 = tpu.vector_load %arg37[%get3A_1993] {strides = array<i32>} : memref<640xi32, #tpu.memory_space<vmem>>, vector<16xi32>,
    %gather3A_1995 = tpu.vector_load_idx %arg26[%get3A_1994] : memref<256xf32, #tpu.memory_space<vmem>>[vector<16xi32>], vector<16xf32>,
    %gather3A_1996 = tpu.vector_load_idx %arg27[%get3A_1994] : memref<256xf32, #tpu.memory_space<vmem>>[vector<16xi32>], vector<16xf32>,
    %gather3A_1997 = tpu.vector_load_idx %arg28[%get3A_1994] : memref<256xf32, #tpu.memory_space<vmem>>[vector<16xi32>], vector<16xf32>,
    %gather3A_1998 = tpu.vector_load_idx %arg29[%get3A_1994] : memref<256xf32, #tpu.memory_space<vmem>>[vector<16xi32>], vector<16xf32>,
    %gather3A_1999 = tpu.vector_load_idx %arg30[%get3A_1994] : memref<256xf32, #tpu.memory_space<vmem>>[vector<16xi32>], vector<16xf32>,
    %get3A_2000 = arith.constant 592 : index
    %get3A_2001 = tpu.vector_load %arg31[%get3A_2000] {strides = array<i32>} : memref<640xf32, #tpu.memory_space<vmem>>, vector<16xf32>,
    %mul3A_2002 = arith.mulf %gather3A_1995, %get3A_2001 : vector<16xf32>
    %sub3A_2003 = arith.subf %mul3A_2002, %gather3A_1997 : vector<16xf32>
    %get3A_2004 = arith.constant 592 : index
    %get3A_2005 = tpu.vector_load %arg34[%get3A_2004] {strides = array<i32>} : memref<640xf32, #tpu.memory_space<vmem>>, vector<16xf32>,
    %mul3A_2006 = arith.mulf %gather3A_1996, %get3A_2005 : vector<16xf32>
    %add3A_2007 = arith.addf %sub3A_2003, %mul3A_2006 : vector<16xf32>
    %swap3A_2008 = arith.constant 592 : index
    %swap3A_2009 = tpu.vector_load %arg38[%swap3A_2008] {strides = array<i32>} : memref<640xf32, #tpu.memory_space<vmem>>, vector<16xf32>,
    tpu.vector_store %arg38[%swap3A_2008], %add3A_2007 {strides = array<i32>} : memref<640xf32, #tpu.memory_space<vmem>>, vector<16xf32>,
    %get3A_2010 = arith.constant 592 : index
    %get3A_2011 = tpu.vector_load %arg32[%get3A_2010] {strides = array<i32>} : memref<640xf32, #tpu.memory_space<vmem>>, vector<16xf32>,
    %mul3A_2012 = arith.mulf %gather3A_1995, %get3A_2011 : vector<16xf32>
    %sub3A_2013 = arith.subf %mul3A_2012, %gather3A_1998 : vector<16xf32>
    %get3A_2014 = arith.constant 592 : index
    %get3A_2015 = tpu.vector_load %arg35[%get3A_2014] {strides = array<i32>} : memref<640xf32, #tpu.memory_space<vmem>>, vector<16xf32>,
    %mul3A_2016 = arith.mulf %gather3A_1996, %get3A_2015 : vector<16xf32>
    %add3A_2017 = arith.addf %sub3A_2013, %mul3A_2016 : vector<16xf32>
    %swap3A_2018 = arith.constant 592 : index
    %swap3A_2019 = tpu.vector_load %arg39[%swap3A_2018] {strides = array<i32>} : memref<640xf32, #tpu.memory_space<vmem>>, vector<16xf32>,
    tpu.vector_store %arg39[%swap3A_2018], %add3A_2017 {strides = array<i32>} : memref<640xf32, #tpu.memory_space<vmem>>, vector<16xf32>,
    %get3A_2020 = arith.constant 592 : index
    %get3A_2021 = tpu.vector_load %arg33[%get3A_2020] {strides = array<i32>} : memref<640xf32, #tpu.memory_space<vmem>>, vector<16xf32>,
    %mul3A_2022 = arith.mulf %gather3A_1995, %get3A_2021 : vector<16xf32>
    %sub3A_2023 = arith.subf %mul3A_2022, %gather3A_1999 : vector<16xf32>
    %get3A_2024 = arith.constant 592 : index
    %get3A_2025 = tpu.vector_load %arg36[%get3A_2024] {strides = array<i32>} : memref<640xf32, #tpu.memory_space<vmem>>, vector<16xf32>,
    %mul3A_2026 = arith.mulf %gather3A_1996, %get3A_2025 : vector<16xf32>
    %add3A_2027 = arith.addf %sub3A_2023, %mul3A_2026 : vector<16xf32>
    %swap3A_2028 = arith.constant 592 : index
    %swap3A_2029 = tpu.vector_load %arg40[%swap3A_2028] {strides = array<i32>} : memref<640xf32, #tpu.memory_space<vmem>>, vector<16xf32>,
    tpu.vector_store %arg40[%swap3A_2028], %add3A_2027 {strides = array<i32>} : memref<640xf32, #tpu.memory_space<vmem>>, vector<16xf32>,
    %get3A_2030 = arith.constant 608 : index
    %get3A_2031 = tpu.vector_load %arg37[%get3A_2030] {strides = array<i32>} : memref<640xi32, #tpu.memory_space<vmem>>, vector<16xi32>,
    %gather3A_2032 = tpu.vector_load_idx %arg26[%get3A_2031] : memref<256xf32, #tpu.memory_space<vmem>>[vector<16xi32>], vector<16xf32>,
    %gather3A_2033 = tpu.vector_load_idx %arg27[%get3A_2031] : memref<256xf32, #tpu.memory_space<vmem>>[vector<16xi32>], vector<16xf32>,
    %gather3A_2034 = tpu.vector_load_idx %arg28[%get3A_2031] : memref<256xf32, #tpu.memory_space<vmem>>[vector<16xi32>], vector<16xf32>,
    %gather3A_2035 = tpu.vector_load_idx %arg29[%get3A_2031] : memref<256xf32, #tpu.memory_space<vmem>>[vector<16xi32>], vector<16xf32>,
    %gather3A_2036 = tpu.vector_load_idx %arg30[%get3A_2031] : memref<256xf32, #tpu.memory_space<vmem>>[vector<16xi32>], vector<16xf32>,
    %get3A_2037 = arith.constant 608 : index
    %get3A_2038 = tpu.vector_load %arg31[%get3A_2037] {strides = array<i32>} : memref<640xf32, #tpu.memory_space<vmem>>, vector<16xf32>,
    %mul3A_2039 = arith.mulf %gather3A_2032, %get3A_2038 : vector<16xf32>
    %sub3A_2040 = arith.subf %mul3A_2039, %gather3A_2034 : vector<16xf32>
    %get3A_2041 = arith.constant 608 : index
    %get3A_2042 = tpu.vector_load %arg34[%get3A_2041] {strides = array<i32>} : memref<640xf32, #tpu.memory_space<vmem>>, vector<16xf32>,
    %mul3A_2043 = arith.mulf %gather3A_2033, %get3A_2042 : vector<16xf32>
    %add3A_2044 = arith.addf %sub3A_2040, %mul3A_2043 : vector<16xf32>
    %swap3A_2045 = arith.constant 608 : index
    %swap3A_2046 = tpu.vector_load %arg38[%swap3A_2045] {strides = array<i32>} : memref<640xf32, #tpu.memory_space<vmem>>, vector<16xf32>,
    tpu.vector_store %arg38[%swap3A_2045], %add3A_2044 {strides = array<i32>} : memref<640xf32, #tpu.memory_space<vmem>>, vector<16xf32>,
    %get3A_2047 = arith.constant 608 : index
    %get3A_2048 = tpu.vector_load %arg32[%get3A_2047] {strides = array<i32>} : memref<640xf32, #tpu.memory_space<vmem>>, vector<16xf32>,
    %mul3A_2049 = arith.mulf %gather3A_2032, %get3A_2048 : vector<16xf32>
    %sub3A_2050 = arith.subf %mul3A_2049, %gather3A_2035 : vector<16xf32>
    %get3A_2051 = arith.constant 608 : index
    %get3A_2052 = tpu.vector_load %arg35[%get3A_2051] {strides = array<i32>} : memref<640xf32, #tpu.memory_space<vmem>>, vector<16xf32>,
    %mul3A_2053 = arith.mulf %gather3A_2033, %get3A_2052 : vector<16xf32>
    %add3A_2054 = arith.addf %sub3A_2050, %mul3A_2053 : vector<16xf32>
    %swap3A_2055 = arith.constant 608 : index
    %swap3A_2056 = tpu.vector_load %arg39[%swap3A_2055] {strides = array<i32>} : memref<640xf32, #tpu.memory_space<vmem>>, vector<16xf32>,
    tpu.vector_store %arg39[%swap3A_2055], %add3A_2054 {strides = array<i32>} : memref<640xf32, #tpu.memory_space<vmem>>, vector<16xf32>,
    %get3A_2057 = arith.constant 608 : index
    %get3A_2058 = tpu.vector_load %arg33[%get3A_2057] {strides = array<i32>} : memref<640xf32, #tpu.memory_space<vmem>>, vector<16xf32>,
    %mul3A_2059 = arith.mulf %gather3A_2032, %get3A_2058 : vector<16xf32>
    %sub3A_2060 = arith.subf %mul3A_2059, %gather3A_2036 : vector<16xf32>
    %get3A_2061 = arith.constant 608 : index
    %get3A_2062 = tpu.vector_load %arg36[%get3A_2061] {strides = array<i32>} : memref<640xf32, #tpu.memory_space<vmem>>, vector<16xf32>,
    %mul3A_2063 = arith.mulf %gather3A_2033, %get3A_2062 : vector<16xf32>
    %add3A_2064 = arith.addf %sub3A_2060, %mul3A_2063 : vector<16xf32>
    %swap3A_2065 = arith.constant 608 : index
    %swap3A_2066 = tpu.vector_load %arg40[%swap3A_2065] {strides = array<i32>} : memref<640xf32, #tpu.memory_space<vmem>>, vector<16xf32>,
    tpu.vector_store %arg40[%swap3A_2065], %add3A_2064 {strides = array<i32>} : memref<640xf32, #tpu.memory_space<vmem>>, vector<16xf32>,
    %get3A_2067 = arith.constant 624 : index
    %get3A_2068 = tpu.vector_load %arg37[%get3A_2067] {strides = array<i32>} : memref<640xi32, #tpu.memory_space<vmem>>, vector<16xi32>,
    %gather3A_2069 = tpu.vector_load_idx %arg26[%get3A_2068] : memref<256xf32, #tpu.memory_space<vmem>>[vector<16xi32>], vector<16xf32>,
    %gather3A_2070 = tpu.vector_load_idx %arg27[%get3A_2068] : memref<256xf32, #tpu.memory_space<vmem>>[vector<16xi32>], vector<16xf32>,
    %gather3A_2071 = tpu.vector_load_idx %arg28[%get3A_2068] : memref<256xf32, #tpu.memory_space<vmem>>[vector<16xi32>], vector<16xf32>,
    %gather3A_2072 = tpu.vector_load_idx %arg29[%get3A_2068] : memref<256xf32, #tpu.memory_space<vmem>>[vector<16xi32>], vector<16xf32>,
    %gather3A_2073 = tpu.vector_load_idx %arg30[%get3A_2068] : memref<256xf32, #tpu.memory_space<vmem>>[vector<16xi32>], vector<16xf32>,
    %get3A_2074 = arith.constant 624 : index
    %get3A_2075 = tpu.vector_load %arg31[%get3A_2074] {strides = array<i32>} : memref<640xf32, #tpu.memory_space<vmem>>, vector<16xf32>,
    %mul3A_2076 = arith.mulf %gather3A_2069, %get3A_2075 : vector<16xf32>
    %sub3A_2077 = arith.subf %mul3A_2076, %gather3A_2071 : vector<16xf32>
    %get3A_2078 = arith.constant 624 : index
    %get3A_2079 = tpu.vector_load %arg34[%get3A_2078] {strides = array<i32>} : memref<640xf32, #tpu.memory_space<vmem>>, vector<16xf32>,
    %mul3A_2080 = arith.mulf %gather3A_2070, %get3A_2079 : vector<16xf32>
    %add3A_2081 = arith.addf %sub3A_2077, %mul3A_2080 : vector<16xf32>
    %swap3A_2082 = arith.constant 624 : index
    %swap3A_2083 = tpu.vector_load %arg38[%swap3A_2082] {strides = array<i32>} : memref<640xf32, #tpu.memory_space<vmem>>, vector<16xf32>,
    tpu.vector_store %arg38[%swap3A_2082], %add3A_2081 {strides = array<i32>} : memref<640xf32, #tpu.memory_space<vmem>>, vector<16xf32>,
    %get3A_2084 = arith.constant 624 : index
    %get3A_2085 = tpu.vector_load %arg32[%get3A_2084] {strides = array<i32>} : memref<640xf32, #tpu.memory_space<vmem>>, vector<16xf32>,
    %mul3A_2086 = arith.mulf %gather3A_2069, %get3A_2085 : vector<16xf32>
    %sub3A_2087 = arith.subf %mul3A_2086, %gather3A_2072 : vector<16xf32>
    %get3A_2088 = arith.constant 624 : index
    %get3A_2089 = tpu.vector_load %arg35[%get3A_2088] {strides = array<i32>} : memref<640xf32, #tpu.memory_space<vmem>>, vector<16xf32>,
    %mul3A_2090 = arith.mulf %gather3A_2070, %get3A_2089 : vector<16xf32>
    %add3A_2091 = arith.addf %sub3A_2087, %mul3A_2090 : vector<16xf32>
    %swap3A_2092 = arith.constant 624 : index
    %swap3A_2093 = tpu.vector_load %arg39[%swap3A_2092] {strides = array<i32>} : memref<640xf32, #tpu.memory_space<vmem>>, vector<16xf32>,
    tpu.vector_store %arg39[%swap3A_2092], %add3A_2091 {strides = array<i32>} : memref<640xf32, #tpu.memory_space<vmem>>, vector<16xf32>,
    %get3A_2094 = arith.constant 624 : index
    %get3A_2095 = tpu.vector_load %arg33[%get3A_2094] {strides = array<i32>} : memref<640xf32, #tpu.memory_space<vmem>>, vector<16xf32>,
    %mul3A_2096 = arith.mulf %gather3A_2069, %get3A_2095 : vector<16xf32>
    %sub3A_2097 = arith.subf %mul3A_2096, %gather3A_2073 : vector<16xf32>
    %get3A_2098 = arith.constant 624 : index
    %get3A_2099 = tpu.vector_load %arg36[%get3A_2098] {strides = array<i32>} : memref<640xf32, #tpu.memory_space<vmem>>, vector<16xf32>,
    %mul3A_2100 = arith.mulf %gather3A_2070, %get3A_2099 : vector<16xf32>
    %add3A_2101 = arith.addf %sub3A_2097, %mul3A_2100 : vector<16xf32>
    %swap3A_2102 = arith.constant 624 : index
    %swap3A_2103 = tpu.vector_load %arg40[%swap3A_2102] {strides = array<i32>} : memref<640xf32, #tpu.memory_space<vmem>>, vector<16xf32>,
    tpu.vector_store %arg40[%swap3A_2102], %add3A_2101 {strides = array<i32>} : memref<640xf32, #tpu.memory_space<vmem>>, vector<16xf32>,
    %dma_start3A_2104 = tpu.memref_slice %arg9[%mul3A_46] : memref<30720xf32, #tpu.memory_space<hbm>> -> memref<640xf32, #tpu.memory_space<hbm>>
    %dma_start3A_2105 = tpu.memref_slice %arg9[%mul3A_46] : memref<30720xf32, #tpu.memory_space<hbm>> -> memref<640xf32, #tpu.memory_space<hbm>>
    tpu.enqueue_dma source(%arg38 : memref<640xf32, #tpu.memory_space<vmem>>) target(%dma_start3A_2105 : memref<640xf32, #tpu.memory_space<hbm>>) target_semaphore(%arg42 : memref<!tpu.dma_semaphore, #tpu.memory_space<semaphore_mem>>)
    %add3A_2106 = arith.constant 10240 : i32
    %add3A_2107 = arith.addi %add3A_2106, %mul3A_46 : i32
    %dma_start3A_2108 = tpu.memref_slice %arg9[%add3A_2107] : memref<30720xf32, #tpu.memory_space<hbm>> -> memref<640xf32, #tpu.memory_space<hbm>>
    %dma_start3A_2109 = tpu.memref_slice %arg9[%add3A_2107] : memref<30720xf32, #tpu.memory_space<hbm>> -> memref<640xf32, #tpu.memory_space<hbm>>
    tpu.enqueue_dma source(%arg39 : memref<640xf32, #tpu.memory_space<vmem>>) target(%dma_start3A_2109 : memref<640xf32, #tpu.memory_space<hbm>>) target_semaphore(%arg42 : memref<!tpu.dma_semaphore, #tpu.memory_space<semaphore_mem>>)
    %add3A_2110 = arith.constant 20480 : i32
    %add3A_2111 = arith.addi %add3A_2110, %mul3A_46 : i32
    %dma_start3A_2112 = tpu.memref_slice %arg9[%add3A_2111] : memref<30720xf32, #tpu.memory_space<hbm>> -> memref<640xf32, #tpu.memory_space<hbm>>
    %dma_start3A_2113 = tpu.memref_slice %arg9[%add3A_2111] : memref<30720xf32, #tpu.memory_space<hbm>> -> memref<640xf32, #tpu.memory_space<hbm>>
    tpu.enqueue_dma source(%arg40 : memref<640xf32, #tpu.memory_space<vmem>>) target(%dma_start3A_2113 : memref<640xf32, #tpu.memory_space<hbm>>) target_semaphore(%arg42 : memref<!tpu.dma_semaphore, #tpu.memory_space<semaphore_mem>>)
    %dma_wait3A_2114 = tpu.memref_slice %arg9[%mul3A_46] : memref<30720xf32, #tpu.memory_space<hbm>> -> memref<640xf32, #tpu.memory_space<hbm>>
    %dma_wait3A_2115 = tpu.memref_slice %arg9[%mul3A_46] : memref<30720xf32, #tpu.memory_space<hbm>> -> memref<640xf32, #tpu.memory_space<hbm>>
    tpu.wait_dma2 semaphore(%arg42 : memref<!tpu.dma_semaphore, #tpu.memory_space<semaphore_mem>>) src(%arg38 : memref<640xf32, #tpu.memory_space<vmem>>) dst(%dma_wait3A_2115 : memref<640xf32, #tpu.memory_space<hbm>>)
    %dma_wait3A_2116 = tpu.memref_slice %arg9[%add3A_2107] : memref<30720xf32, #tpu.memory_space<hbm>> -> memref<640xf32, #tpu.memory_space<hbm>>
    %dma_wait3A_2117 = tpu.memref_slice %arg9[%add3A_2107] : memref<30720xf32, #tpu.memory_space<hbm>> -> memref<640xf32, #tpu.memory_space<hbm>>
    tpu.wait_dma2 semaphore(%arg42 : memref<!tpu.dma_semaphore, #tpu.memory_space<semaphore_mem>>) src(%arg39 : memref<640xf32, #tpu.memory_space<vmem>>) dst(%dma_wait3A_2117 : memref<640xf32, #tpu.memory_space<hbm>>)
    %dma_wait3A_2118 = tpu.memref_slice %arg9[%add3A_2111] : memref<30720xf32, #tpu.memory_space<hbm>> -> memref<640xf32, #tpu.memory_space<hbm>>
    %dma_wait3A_2119 = tpu.memref_slice %arg9[%add3A_2111] : memref<30720xf32, #tpu.memory_space<hbm>> -> memref<640xf32, #tpu.memory_space<hbm>>
    tpu.wait_dma2 semaphore(%arg42 : memref<!tpu.dma_semaphore, #tpu.memory_space<semaphore_mem>>) src(%arg40 : memref<640xf32, #tpu.memory_space<vmem>>) dst(%dma_wait3A_2119 : memref<640xf32, #tpu.memory_space<hbm>>)
    return
  }
}

module attributes {stable_mosaic.version = 14 : i64} {
  func.func @_mlp_body(%arg0: i32, %arg1: memref<1x1x1024xf32, #tpu.memory_space<vmem>>, %arg2: memref<128x128xf32, #tpu.memory_space<vmem>>, %arg3: memref<128x256xf32, #tpu.memory_space<vmem>>, %arg4: memref<1x256xf32, #tpu.memory_space<vmem>>, %arg5: memref<256x256xf32, #tpu.memory_space<vmem>>, %arg6: memref<1x256xf32, #tpu.memory_space<vmem>>, %arg7: memref<256x48xf32, #tpu.memory_space<vmem>>, %arg8: memref<1024x48xf32, #tpu.memory_space<vmem>>) attributes {dimension_semantics = [#tpu.dimension_semantics<arbitrary>], iteration_bounds = array<i64: 10>, scalar_prefetch = 0 : i64, scratch_operands = 0 : i64, tpu.core_type = #tpu.core_type<tc>, window_params = [{transform_indices = @transform_0, window_bounds = array<i64: 1, 1, 1024>}, {pipeline_mode = #tpu.pipeline_mode<synchronous>, transform_indices = @transform_1, window_bounds = array<i64: 128, 128>}, {pipeline_mode = #tpu.pipeline_mode<synchronous>, transform_indices = @transform_2, window_bounds = array<i64: 128, 256>}, {pipeline_mode = #tpu.pipeline_mode<synchronous>, transform_indices = @transform_3, window_bounds = array<i64: 1, 256>}, {pipeline_mode = #tpu.pipeline_mode<synchronous>, transform_indices = @transform_4, window_bounds = array<i64: 256, 256>}, {pipeline_mode = #tpu.pipeline_mode<synchronous>, transform_indices = @transform_5, window_bounds = array<i64: 1, 256>}, {pipeline_mode = #tpu.pipeline_mode<synchronous>, transform_indices = @transform_6, window_bounds = array<i64: 256, 48>}, {transform_indices = @transform_7, window_bounds = array<i64: 1024, 48>}]} {
    %get3A = arith.constant 0 : index
    %get3A_0 = arith.constant 0 : index
    %get3A_1 = arith.constant 0 : index
    %get3A_2 = vector.load %arg1[%get3A, %get3A_0, %get3A_1] : memref<1x1x1024xf32, #tpu.memory_space<vmem>>, vector<1x1x1024xf32>
    %reshape3A = vector.shape_cast %get3A_2 : vector<1x1x1024xf32> to vector<1x1024xf32>
    %convert_element_type3A = arith.fptosi %reshape3A : vector<1x1024xf32> to vector<1x1024xi32>
    %iota3A = tpu.iota {dimensions = array<i32: 0>} : vector<128x1024xi32>
    %eq3A = vector.broadcast %convert_element_type3A : vector<1x1024xi32> to vector<128x1024xi32>
    %eq3A_3 = arith.cmpi eq, %iota3A, %eq3A : vector<128x1024xi32>
    %convert_element_type3A_4 = arith.extui %eq3A_3 : vector<128x1024xi1> to vector<128x1024xi32>
    %convert_element_type3A_5 = arith.sitofp %convert_element_type3A_4 : vector<128x1024xi32> to vector<128x1024xf32>
    %convert_element_type3A_6 = arith.truncf %convert_element_type3A_5 : vector<128x1024xf32> to vector<128x1024xbf16>
    %get3A_7 = arith.constant 0 : index
    %get3A_8 = arith.constant 0 : index
    %get3A_9 = vector.load %arg2[%get3A_7, %get3A_8] : memref<128x128xf32, #tpu.memory_space<vmem>>, vector<128x128xf32>
    %convert_element_type3A_10 = arith.truncf %get3A_9 : vector<128x128xf32> to vector<128x128xbf16>
    %dot_general3A = arith.constant dense<0.000000e+00> : vector<1024x128xf32>
    %dot_general3A_11 = tpu.matmul %convert_element_type3A_6, %convert_element_type3A_10, %dot_general3A {dimension_numbers = #tpu.dot_dimension_numbers<[0], [0], [1], [1], [0, 1, 1, 1], [], []>, transpose_lhs_hint = false} : vector<128x1024xbf16>, vector<128x128xbf16>, vector<1024x128xf32> -> vector<1024x128xf32>
    %convert_element_type3A_12 = arith.truncf %dot_general3A_11 : vector<1024x128xf32> to vector<1024x128xbf16>
    %get3A_13 = arith.constant 0 : index
    %get3A_14 = arith.constant 0 : index
    %get3A_15 = vector.load %arg3[%get3A_13, %get3A_14] : memref<128x256xf32, #tpu.memory_space<vmem>>, vector<128x256xf32>
    %convert_element_type3A_16 = arith.truncf %get3A_15 : vector<128x256xf32> to vector<128x256xbf16>
    %dot_general3A_17 = arith.constant dense<0.000000e+00> : vector<1024x256xf32>
    %dot_general3A_18 = tpu.matmul %convert_element_type3A_12, %convert_element_type3A_16, %dot_general3A_17 {dimension_numbers = #tpu.dot_dimension_numbers<[1], [0], [0], [1], [0, 0, 1, 1], [], []>, transpose_lhs_hint = false} : vector<1024x128xbf16>, vector<128x256xbf16>, vector<1024x256xf32> -> vector<1024x256xf32>
    %get3A_19 = arith.constant 0 : index
    %get3A_20 = arith.constant 0 : index
    %get3A_21 = vector.load %arg4[%get3A_19, %get3A_20] : memref<1x256xf32, #tpu.memory_space<vmem>>, vector<1x256xf32>
    %add3A = vector.broadcast %get3A_21 : vector<1x256xf32> to vector<1024x256xf32>
    %add3A_22 = arith.addf %dot_general3A_18, %add3A : vector<1024x256xf32>
    %mul3A = arith.constant 5.000000e-01 : f32
    %mul3A_23 = vector.broadcast %mul3A : f32 to vector<1024x256xf32>
    %mul3A_24 = arith.mulf %add3A_22, %mul3A_23 : vector<1024x256xf32>
    %mul3A_25 = arith.constant 0.707106769 : f32
    %mul3A_26 = vector.broadcast %mul3A_25 : f32 to vector<1024x256xf32>
    %mul3A_27 = arith.mulf %add3A_22, %mul3A_26 : vector<1024x256xf32>
    %erf3A = math.erf %mul3A_27 : vector<1024x256xf32>
    %add3A_28 = arith.constant 1.000000e+00 : f32
    %add3A_29 = vector.broadcast %add3A_28 : f32 to vector<1024x256xf32>
    %add3A_30 = arith.addf %add3A_29, %erf3A : vector<1024x256xf32>
    %mul3A_31 = arith.mulf %mul3A_24, %add3A_30 : vector<1024x256xf32>
    %convert_element_type3A_32 = arith.truncf %mul3A_31 : vector<1024x256xf32> to vector<1024x256xbf16>
    %get3A_33 = arith.constant 0 : index
    %get3A_34 = arith.constant 0 : index
    %get3A_35 = vector.load %arg5[%get3A_33, %get3A_34] : memref<256x256xf32, #tpu.memory_space<vmem>>, vector<256x256xf32>
    %convert_element_type3A_36 = arith.truncf %get3A_35 : vector<256x256xf32> to vector<256x256xbf16>
    %dot_general3A_37 = arith.constant dense<0.000000e+00> : vector<1024x256xf32>
    %dot_general3A_38 = tpu.matmul %convert_element_type3A_32, %convert_element_type3A_36, %dot_general3A_37 {dimension_numbers = #tpu.dot_dimension_numbers<[1], [0], [0], [1], [0, 0, 1, 1], [], []>, transpose_lhs_hint = false} : vector<1024x256xbf16>, vector<256x256xbf16>, vector<1024x256xf32> -> vector<1024x256xf32>
    %get3A_39 = arith.constant 0 : index
    %get3A_40 = arith.constant 0 : index
    %get3A_41 = vector.load %arg6[%get3A_39, %get3A_40] : memref<1x256xf32, #tpu.memory_space<vmem>>, vector<1x256xf32>
    %add3A_42 = vector.broadcast %get3A_41 : vector<1x256xf32> to vector<1024x256xf32>
    %add3A_43 = arith.addf %dot_general3A_38, %add3A_42 : vector<1024x256xf32>
    %mul3A_44 = arith.constant 5.000000e-01 : f32
    %mul3A_45 = vector.broadcast %mul3A_44 : f32 to vector<1024x256xf32>
    %mul3A_46 = arith.mulf %add3A_43, %mul3A_45 : vector<1024x256xf32>
    %mul3A_47 = arith.constant 0.707106769 : f32
    %mul3A_48 = vector.broadcast %mul3A_47 : f32 to vector<1024x256xf32>
    %mul3A_49 = arith.mulf %add3A_43, %mul3A_48 : vector<1024x256xf32>
    %erf3A_50 = math.erf %mul3A_49 : vector<1024x256xf32>
    %add3A_51 = arith.constant 1.000000e+00 : f32
    %add3A_52 = vector.broadcast %add3A_51 : f32 to vector<1024x256xf32>
    %add3A_53 = arith.addf %add3A_52, %erf3A_50 : vector<1024x256xf32>
    %mul3A_54 = arith.mulf %mul3A_46, %add3A_53 : vector<1024x256xf32>
    %convert_element_type3A_55 = arith.truncf %mul3A_54 : vector<1024x256xf32> to vector<1024x256xbf16>
    %get3A_56 = arith.constant 0 : index
    %get3A_57 = arith.constant 0 : index
    %get3A_58 = vector.load %arg7[%get3A_56, %get3A_57] : memref<256x48xf32, #tpu.memory_space<vmem>>, vector<256x48xf32>
    %convert_element_type3A_59 = arith.truncf %get3A_58 : vector<256x48xf32> to vector<256x48xbf16>
    %dot_general3A_60 = arith.constant dense<0.000000e+00> : vector<1024x48xf32>
    %dot_general3A_61 = tpu.matmul %convert_element_type3A_55, %convert_element_type3A_59, %dot_general3A_60 {dimension_numbers = #tpu.dot_dimension_numbers<[1], [0], [0], [1], [0, 0, 1, 1], [], []>, transpose_lhs_hint = false} : vector<1024x256xbf16>, vector<256x48xbf16>, vector<1024x48xf32> -> vector<1024x48xf32>
    %swap3A = arith.constant 0 : index
    %swap3A_62 = arith.constant 0 : index
    %swap3A_63 = vector.load %arg8[%swap3A, %swap3A_62] : memref<1024x48xf32, #tpu.memory_space<vmem>>, vector<1024x48xf32>
    tpu.vector_store %arg8[%swap3A, %swap3A_62], %dot_general3A_61 {strides = array<i32>} : memref<1024x48xf32, #tpu.memory_space<vmem>>, vector<1024x48xf32>,
    return
  }
  func.func @transform_0(%arg0: i32) -> (i32, i32, i32) {
    %c0_i32 = arith.constant 0 : i32
    %c0_i32_0 = arith.constant 0 : i32
    %c0_i32_1 = arith.constant 0 : i32
    return %arg0, %c0_i32, %c0_i32_0 : i32, i32, i32
  }
  func.func @transform_1(%arg0: i32) -> (i32, i32) {
    %c0_i32 = arith.constant 0 : i32
    %c0_i32_0 = arith.constant 0 : i32
    %c0_i32_1 = arith.constant 0 : i32
    return %c0_i32, %c0_i32_0 : i32, i32
  }
  func.func @transform_2(%arg0: i32) -> (i32, i32) {
    %c0_i32 = arith.constant 0 : i32
    %c0_i32_0 = arith.constant 0 : i32
    %c0_i32_1 = arith.constant 0 : i32
    return %c0_i32, %c0_i32_0 : i32, i32
  }
  func.func @transform_3(%arg0: i32) -> (i32, i32) {
    %c0_i32 = arith.constant 0 : i32
    %c0_i32_0 = arith.constant 0 : i32
    %c0_i32_1 = arith.constant 0 : i32
    return %c0_i32, %c0_i32_0 : i32, i32
  }
  func.func @transform_4(%arg0: i32) -> (i32, i32) {
    %c0_i32 = arith.constant 0 : i32
    %c0_i32_0 = arith.constant 0 : i32
    %c0_i32_1 = arith.constant 0 : i32
    return %c0_i32, %c0_i32_0 : i32, i32
  }
  func.func @transform_5(%arg0: i32) -> (i32, i32) {
    %c0_i32 = arith.constant 0 : i32
    %c0_i32_0 = arith.constant 0 : i32
    %c0_i32_1 = arith.constant 0 : i32
    return %c0_i32, %c0_i32_0 : i32, i32
  }
  func.func @transform_6(%arg0: i32) -> (i32, i32) {
    %c0_i32 = arith.constant 0 : i32
    %c0_i32_0 = arith.constant 0 : i32
    %c0_i32_1 = arith.constant 0 : i32
    return %c0_i32, %c0_i32_0 : i32, i32
  }
  func.func @transform_7(%arg0: i32) -> (i32, i32) {
    %c0_i32 = arith.constant 0 : i32
    %c0_i32_0 = arith.constant 0 : i32
    return %arg0, %c0_i32 : i32, i32
  }
}

</mosaic_0001>

<sc_bundles>
// kernel: kernel.4.cloned.1.call-start
scs
__scs_entry_jumppad:
0x0: {  	(pc) =	sbr.rel $0x88, $3  }
0x1: {  	(tag) =	ssettag $0x0;
	lr =	simm.s32 $0x1  }
0x2: {  	[smem:$0x3F94] =	sst lr;
	_ =	strace $0xD0000000  }
0x3: {  	_ = 	snop  }
0x4: {  	_ = 	snop  }
0x5: {  	_ = 	snop  }
0x6: {  	_ = 	snop  }
0x7: {  	_ = 	snop  }
__scs_overlays_trampoline_lowered:
0x8: {  	[smem:$0x3FA3] =	sst s0  }
0x9: {  	[smem:$0x3FA4] =	sst s1  }
0xa: {  	[smem:$0x3FA5] =	sst s2  }
0xb: {  	[smem:$0x3FA6] =	sst s3  }
0xc: {  	[smem:$0x3FA7] =	sst s4  }
0xd: {  	[smem:$0x3FA8] =	sst s5  }
0xe: {  	[smem:$0x3FA9] =	sst s6  }
0xf: {  	[smem:$0x3FAA] =	sst s7  }
0x10: {  	[smem:$0x3FAB] =	sst s8  }
0x11: {  	[smem:$0x3FAC] =	sst s9;
	s0 =	simm.s32 @!p0 $0x0  }
0x12: {  	s1 =	sld [smem:$0x3F92];
	s0 =	simm.s32 @p0 $0x1  }
0x13: {  	[smem:$0x3FAD] =	sst s0;
	s0 =	simm.s32 @!p1 $0x0  }
0x14: {  	s2 =	sld [smem:$0x3F91];
	s0 =	simm.s32 @p1 $0x1  }
0x15: {  	[smem:$0x3FAE] =	sst s0;
	s0 =	simm.s32 @!p2 $0x0  }
0x16: {  	s3 =	sld [smem:$0x3FDB];
	s0 =	simm.s32 @p2 $0x1  }
0x17: {  	s4 =	simm.s32 $0x1BF5;
	[smem:$0x3FB0] =	sst s0  }
0x18: {  	s0 =	sld [smem:$0x3F93];
	_ =	swait.ge [sflag:s4], $0x0  }
0x19: {  	s7 =	sld [smem:$0x3F94]  }
0x1a: {  	s8 =	sadd.s32 $0xFFFFE003, lr  }
0x1b: {  	s9 =	sadd.s32 $0xFFFFFEF7, lr;
	s5 =	simm.s32 $0xFFFFFFFF;
	p2 =	slt.u32 s8, $0xFFFFF086  }
0x1c: {  	p1 =	slt.u32 s9, $0xF7A;
	s5 =	simm.s32 @!p2 $0x0  }
0x1d: {  	s5 =	simm.s32 @p1 $0x1;
	p0 =	seq.s32 s7, s2  }
0x1e: {  	s7 =	smul.u32 @!p0 $0xF7A, s2;
	p2 =	seq.s32 @!p0 s5, $0x0  }
0x1f: {  	s9 =	smul.u32 $0xF7A, s1;
	s8 =	simm.s32 @!p0 $0x1BF5;
	p2 =	por !p2, p0  }
0x20: {  	[sflag:s8] =	ssyncset.s32 @!p0 $0xFFFFF086;
	s6 =	sadd.s32 @!p0 s3, s7;
	s7 =	simm.s32 @!p0 $0x108  }
0x21: {  	s3 =	sadd.s32 s3, s9;
	s6 =	sadd.s32 @!p0 $0x88, s6;
	s7 =	simm.s32 @p2 $0x1082  }
0x22: {  	[simem:s7], [sflag:s8] =	dma.local @!p0 [hbm:s6], $0xF7A  }
0x23: {  	s9 =	sor.u32 $0xD0000000, s2;
	s6 =	simm.s32 $0x108;
	_ =	swait.ge @!p0 [sflag:s8], $0x0  }
0x24: {  	s3 =	sadd.s32 $0x88, s3;
	s6 =	simm.s32 @!p1 $0x1082;
	[sflag:s4] =	ssyncset.s32 $0xFFFFF086  }
0x25: {  	[simem:s6], [sflag:s4] =	dma.local [hbm:s3], $0xF7A  }
0x26: {  	[smem:$0x3F94] =	sst s1;
	(tag) =	ssettag s2;
	_ =	strace s9  }
0x27: {  	s1 =	sld [smem:$0x3FA4]  }
0x28: {  	s2 =	sld [smem:$0x3FA5]  }
0x29: {  	s4 =	sld [smem:$0x3FA7]  }
0x2a: {  	p0 =	seq.s32 s5, $0x0;
	s5 =	sld [smem:$0x3FA8]  }
0x2b: {  	s6 =	sld [smem:$0x3FA9]  }
0x2c: {  	s7 =	sld [smem:$0x3FAA]  }
0x2d: {  	s3 =	simm.s32 $0x108;
	s8 =	sld [smem:$0x3FAB]  }
0x2e: {  	s3 =	simm.s32 @!p0 $0x1082;
	s9 =	sld [smem:$0x3FAC]  }
0x2f: {  	lr =	sadd.s32 s0, s3;
	s0 =	sld [smem:$0x3FA3]  }
0x30: {  	s3 =	sld [smem:$0x3FA6]  }
0x31: {  	[smem:$0x3FAF] =	sst s10  }
0x32: {  	s10 =	sld [smem:$0x3FAD];
	_ =	sdelay $0x3  }
0x33: {  	p0 =	seq.s32 s10, $0x1;
	s10 =	sld [smem:$0x3FAF];
	_ =	sdelay $0x3  }
0x34: {  	[smem:$0x3FAF] =	sst s10  }
0x35: {  	s10 =	sld [smem:$0x3FAE];
	_ =	sdelay $0x3  }
0x36: {  	p1 =	seq.s32 s10, $0x1;
	s10 =	sld [smem:$0x3FAF];
	_ =	sdelay $0x3  }
0x37: {  	[smem:$0x3FAF] =	sst s10  }
0x38: {  	s10 =	sld [smem:$0x3FB0]  }
0x39: {  	_ = 	snop;
	(pc) =	sbr.ind lr, $3  }
0x3a: {  	_ = 	snop  }
0x3b: {  	_ = 	snop  }
0x3c: {  	p2 =	seq.s32 s10, $0x1;
	s10 =	sld [smem:$0x3FAF]  }
0x3d: {  	_ =	shalt  }
0x3e: {  	_ =	shalt  }
0x3f: {  	_ =	shalt  }
0x40: {  	_ =	shalt  }
0x41: {  	_ =	shalt  }
0x42: {  	_ =	shalt  }
0x43: {  	_ =	shalt  }
0x44: {  	_ =	shalt  }
0x45: {  	_ =	shalt  }
0x46: {  	_ =	shalt  }
0x47: {  	_ =	shalt  }
0x48: {  	_ =	shalt  }
0x49: {  	_ =	shalt  }
0x4a: {  	_ =	shalt  }
0x4b: {  	_ =	shalt  }
0x4c: {  	_ =	shalt  }
0x4d: {  	_ =	shalt  }
0x4e: {  	_ =	shalt  }
0x4f: {  	_ =	shalt  }
0x50: {  	_ =	shalt  }
0x51: {  	_ =	shalt  }
0x52: {  	_ =	shalt  }
0x53: {  	_ =	shalt  }
0x54: {  	_ =	shalt  }
0x55: {  	_ =	shalt  }
0x56: {  	_ =	shalt  }
0x57: {  	_ =	shalt  }
0x58: {  	_ =	shalt  }
0x59: {  	_ =	shalt  }
0x5a: {  	_ =	shalt  }
0x5b: {  	_ =	shalt  }
0x5c: {  	_ =	shalt  }
0x5d: {  	_ =	shalt  }
0x5e: {  	_ =	shalt  }
0x5f: {  	_ =	shalt  }
0x60: {  	_ =	shalt  }
0x61: {  	_ =	shalt  }
0x62: {  	_ =	shalt  }
0x63: {  	_ =	shalt  }
0x64: {  	_ =	shalt  }
0x65: {  	_ =	shalt  }
0x66: {  	_ =	shalt  }
0x67: {  	_ =	shalt  }
0x68: {  	_ =	shalt  }
0x69: {  	_ =	shalt  }
0x6a: {  	_ =	shalt  }
0x6b: {  	_ =	shalt  }
0x6c: {  	_ =	shalt  }
0x6d: {  	_ =	shalt  }
0x6e: {  	_ =	shalt  }
0x6f: {  	_ =	shalt  }
0x70: {  	_ =	shalt  }
0x71: {  	_ =	shalt  }
0x72: {  	_ =	shalt  }
0x73: {  	_ =	shalt  }
0x74: {  	_ =	shalt  }
0x75: {  	_ =	shalt  }
0x76: {  	_ =	shalt  }
0x77: {  	_ =	shalt  }
0x78: {  	_ =	shalt  }
0x79: {  	_ =	shalt  }
0x7a: {  	_ =	shalt  }
0x7b: {  	_ =	shalt  }
0x7c: {  	_ =	shalt  }
0x7d: {  	_ =	shalt  }
0x7e: {  	_ =	shalt  }
0x7f: {  	_ =	shalt  }
0x80: {  	_ =	shalt  }
0x81: {  	_ =	shalt  }
0x82: {  	_ =	shalt  }
0x83: {  	_ =	shalt  }
0x84: {  	_ =	shalt  }
0x85: {  	_ =	shalt  }
0x86: {  	_ =	shalt  }
0x87: {  	_ =	shalt  }
.Lfunc_end0:
.L_simem_size_0:
called_computation_lowered:
.L_overlay_start_0:
0x88: {  	s0 =	sld [smem:$0x3FD9]  }
0x89: {  	s1 =	sld [smem:$0x3FFE];
	_ =	sdelay $0x3  }
0x8a: {  	s0 =	sadd.s32 s1, s0  }
0x8b: {  	[smem:$0x3FBB] =	sst s0  }
0x8c: {  	_ = 	snop  }
0x8d: {  	s0 =	sld [smem:$0x3FBE]  }
0x8e: {  	s16 =	sld [smem:$0x3FD0];
	(tm) =	ssettm $0x1  }
0x8f: {  	s2 =	sld [smem:$0x3FFB];
	_ =	sdelay $0x3  }
0x90: {  	_ =	strace s2  }
0x91: {  	s2 =	sld [smem:$0x3FFC];
	_ =	sdelay $0x3  }
0x92: {  	_ =	strace s2  }
0x93: {  	s2 =	sld [smem:$0x3FFD];
	_ =	sdelay $0x3  }
0x94: {  	_ =	strace s2  }
0x95: {  	_ =	strace $0x8FFFFFFF  }
0x96: {  	s17 =	sld [smem:$0x3FDB];
	_ =	sdelay $0x1  }
0x97: {  	s3 =	simm.s32 $_scs_section_size  }
0x98: {  	s4 =	simm.s32 $_size__tile_overlayer_lowered;
	s5 =	simm.s32 $_tile_overlayer_lowered  }
0x99: {  	s20 =	simm.s32 $0x1BFF;
	s19 =	sshll.u32 s5, $0x1;
	s2 =	sadd.s32 s3, s17  }
0x9a: {  	s6 =	simm.s32 $0x0;
	s18 =	sshll.u32 s4, $0x1;
	s4 =	sadd.s32 s19, s2  }
0x9b: {  	[timem:s6], [sflag:s20] =	dma.local [hbm:s4], s18  }
0x9c: {  	_ =	swait.ge [sflag:s20], s18  }
0x9d: {  	s3 =	ssub.s32 $0x0, s18;
	[sflag:s20] =	ssyncset.done $0x0  }
0x9e: {  	[sflag:s20] =	ssyncadd.s32 s3;
	_ =	sdelay $0x1  }
0x9f: {  	s21 =	simm.s32 $0x1B8B  }
0xa0: {  	_ =	swait.ge [sflag:s21], $0x1  }
0xa1: {  	[sflag:s21] =	ssyncset.done $0x0  }
0xa2: {  	s23 =	simm.s32 $0x1B8E;
	s22 =	sld [smem:$0x3FFE];
	[sflag:s21] =	ssyncadd.s32 $0xFFFFFFFF  }
0xa3: {  	s24 =	simm.s32 $execute0_lowered;
	[smem:$0x3FD2] =	sst s23  }
0xa4: {  	s4 =	sshll.u32 s24, $0x1;
	_ =	strace $0x80000046;
	[dreg:$0x1] =	wrdreg $0xFFFFFFFF  }
0xa5: {  	s25 =	simm.s32 $_size_execute0_lowered;
	s2 =	sadd.s32 s2, s4;
	[dreg:$0x0] =	wrdreg $0x0  }
0xa6: {  	s4 =	sshll.u32 s25, $0x1;
	[dreg:$0x2] =	wrdreg s2  }
0xa7: {  	[dreg:$0x3] =	wrdreg s4  }
0xa8: {  	[dreg:$0x4] =	wrdreg $0xC0  }
0xa9: {  	_ =	task [dreg:s6], $0x5FFFF  }
0xaa: {  	[dreg:$0x1] =	wrdreg $0xFFFFFFFF  }
0xab: {  	[dreg:$0x0] =	wrdreg $0x60  }
0xac: {  	[dreg:$0x2] =	wrdreg s16  }
0xad: {  	[dreg:$0x3] =	wrdreg s22  }
0xae: {  	[dreg:$0x4] =	wrdreg s0  }
0xaf: {  	[dreg:$0x5] =	wrdreg $0x4B000  }
0xb0: {  	[dreg:$0x6] =	wrdreg $0x4B100  }
0xb1: {  	[dreg:$0x7] =	wrdreg $0x4B200  }
0xb2: {  	[dreg:$0x8] =	wrdreg $0x4B300  }
0xb3: {  	[dreg:$0x9] =	wrdreg $0x9  }
0xb4: {  	_ =	task.clear_ibuf [dreg:s6], $0xAFFFF;
	_ =	strace $0x90000046  }
0xb5: {  	s26 =	simm.s32 $0x9;
	_ =	strace $0x80000048  }
0xb6: {  	_ =	swait.ge [sflag:s26], $0x1  }
0xb7: {  	[sflag:s26] =	ssyncadd.s32 $0xFFFFFFFF  }
0xb8: {  	_ =	strace $0x90000048  }
0xb9: {  	_ =	sfence  }
0xba: {  	s28 =	sld [smem:$0x0];
	_ =	sdelay $0x1  }
0xbb: {  	s29 =	srdreg.scid  }
0xbc: {  	s30 =	sshll.u32 s29, $0xD;
	s31 =	sshrl.u32 s29, $0x2  }
0xbd: {  	s1 =	sand.u32 $0x1, s29;
	s2 =	sand.u32 $0x4000, s30;
	s0 =	sadd.s32 s31, s28  }
0xbe: {  	s1 =	sor.u32 s2, s1;
	s0 =	sshll.u32 s0, $0x11  }
0xbf: {  	s0 =	sor.u32 s0, s1  }
0xc0: {  	s0 =	sadd.s32 $0x8F2B, s0  }
0xc1: {  	[sflag:s0] =	ssyncadd.remote.s32 $0x1  }
0xc2: {  	_ =	sfence.sel $0xFFFF  }
0xc3: {  	[dreg:$0x0] =	wrdreg $0xFFFFFFFF;
	(pc) =	sbr.abs _section_cstart, $3  }
0xc4: {  	[dreg:$0x1] =	wrdreg $0xFFFFFFFF  }
0xc5: {  	_ =	task.clear_ibuf [dreg:s6], $0x2FFFF;
	_ =	strace $0x9FFFFFFF  }
0xc6: {  	(tm) =	ssettm $0x7FFFFFFF  }
0xc7: {  	_ =	shalt  }
tec
execute0_lowered:
.L_overlay_start_1:
0x0: {  	(tag) =	ssettag $0x1  }
0x1: {  	s6 =	rddreg [dreg:$0x0]  }
0x2: {  	s3 =	rddreg [dreg:$0x1]  }
0x3: {  	s4 =	rddreg [dreg:$0x2]  }
0x4: {  	s11 =	rddreg [dreg:$0x3]  }
0x5: {  	s10 =	rddreg [dreg:$0x4];
	s1 =	stileid.u32  }
0x6: {  	s7 =	rddreg [dreg:$0x5];
	s8 =	smul.u32 $0xF00, s1  }
0x7: {  	s5 =	rddreg [dreg:$0x6];
	s2 =	simm.s32 $0x0  }
0x8: {  	[smem:$0x7FF] =	sst s2;
	s8 =	sshrl.u32 s8, $0x3  }
0x9: {  	s0 =	rddreg [dreg:$0x7];
	_ =	strace $0x80000047;
	s9 =	sadd.s32 s6, s8  }
0xa: {  	[tilespmem:s2], [sflag:$0x1] =	stream.linear.gather [hbm4b:s9+s2], $0xF00, $0x38;
	[tilespmem:$0x76C0] =	vst v63  }
0xb: {  	s13 =	simm.s32 $0xF00;
	s12 =	sadd.s32 $0x1E00, s9  }
0xc: {  	[tilespmem:s13], [sflag:$0x1] =	stream.linear.gather [hbm4b:s12+s2], $0xF00, $0x38;
	[tilespmem:$0x76C0] =	vst v63  }
0xd: {  	s14 =	simm.s32 $0x1E00;
	s24 =	sadd.s32 $0x3C00, s9  }
0xe: {  	[tilespmem:s14], [sflag:$0x1] =	stream.linear.gather [hbm4b:s24+s2], $0xF00, $0x38;
	[tilespmem:$0x76C0] =	vst v63  }
0xf: {  	s15 =	simm.s32 $0x2D00;
	s8 =	sadd.s32 s8, s3;
	s9 =	sadd.s32 $0x5A00, s9  }
0x10: {  	[tilespmem:s15], [sflag:$0x1] =	stream.linear.gather [hbm4b:s9+s2], $0xF00, $0x38;
	[tilespmem:$0x76C0] =	vst v63  }
0x11: {  	s16 =	simm.s32 $0x3C00;
	s8 =	sadd.s32 $0x1E00, s8  }
0x12: {  	[tilespmem:s16], [sflag:$0x1] =	stream.linear.gather [hbm4b:s8+s2], $0xF00, $0x38;
	[tilespmem:$0x76C0] =	vst v63  }
0x13: {  	s25 =	simm.s32 $0x4F40  }
0x14: {  	[tilespmem:s25], [sflag:$0x1] =	stream.linear.gather [hbm4b:s4+s2], $0x100, $0x38;
	[tilespmem:$0x76C0] =	vst v63  }
0x15: {  	s26 =	sadd.s32 $0x4C00, s3;
	s8 =	simm.s32 $0x5040  }
0x16: {  	[tilespmem:s8], [sflag:$0x1] =	stream.linear.gather [hbm4b:s26+s2], $0x400, $0x38;
	[tilespmem:$0x76C0] =	vst v63  }
0x17: {  	s28 =	sadd.s32 $0x4E00, s3;
	s17 =	sshll.u32 s1, $0x4;
	s9 =	simm.s32 $0x5440  }
0x18: {  	v0 =	vimm.f32 $0.0e+00;
	[tilespmem:s9], [sflag:$0x1] =	stream.linear.gather [hbm4b:s28+s2], $0x400, $0x38;
	[tilespmem:$0x76C0] =	vst v63  }
0x19: {  	s18 =	simm.s32 $0x7640;
	s30 =	simm.s32 $0x2;
	s29 =	sadd.s32 s17, s11;
	[tilespmem:$0x7640] =	vst v0  }
0x1a: {  	[spmem:s29] =	stream.linear.scatter [tilespmem:s18], [sflag:$0x2], $0x10, $0x38;
	[tilespmem:$0x76C0] =	vst v63  }
0x1b: {  	_ =	swait.ge [sflag:s30], $0x10  }
0x1c: {  	[sflag:s30] =	ssyncset.done $0x0  }
0x1d: {  	s31 =	sadd.s32 s17, s10;
	[sflag:s30] =	ssyncadd.s32 $0xFFFFFFF0  }
0x1e: {  	[spmem:s31] =	stream.linear.scatter [tilespmem:s18], [sflag:$0x2], $0x10, $0x38;
	[tilespmem:$0x76C0] =	vst v63  }
0x1f: {  	_ =	swait.ge [sflag:s30], $0x10  }
0x20: {  	[sflag:s30] =	ssyncset.done $0x0  }
0x21: {  	s19 =	sadd.s32 s17, s7;
	[sflag:s30] =	ssyncadd.s32 $0xFFFFFFF0  }
0x22: {  	[spmem:s19] =	stream.linear.scatter [tilespmem:s18], [sflag:$0x2], $0x10, $0x38;
	[tilespmem:$0x76C0] =	vst v63  }
0x23: {  	_ =	swait.ge [sflag:s30], $0x10  }
0x24: {  	[sflag:s30] =	ssyncset.done $0x0  }
0x25: {  	s20 =	sadd.s32 s17, s5;
	[sflag:s30] =	ssyncadd.s32 $0xFFFFFFF0  }
0x26: {  	[spmem:s20] =	stream.linear.scatter [tilespmem:s18], [sflag:$0x2], $0x10, $0x38;
	[tilespmem:$0x76C0] =	vst v63  }
0x27: {  	_ =	swait.ge [sflag:s30], $0x10  }
0x28: {  	[sflag:s30] =	ssyncset.done $0x0  }
0x29: {  	s4 =	simm.s32 $0x1;
	[sflag:s30] =	ssyncadd.s32 $0xFFFFFFF0  }
0x2a: {  	_ =	swait.ge [sflag:s4], $0xF00  }
0x2b: {  	[sflag:s4] =	ssyncset.done $0x0  }
0x2c: {  	[sflag:s4] =	ssyncadd.s32 $0xFFFFF100  }
0x2d: {  	_ =	swait.ge [sflag:s4], $0xF00  }
0x2e: {  	[sflag:s4] =	ssyncset.done $0x0  }
0x2f: {  	[sflag:s4] =	ssyncadd.s32 $0xFFFFF100  }
0x30: {  	_ =	swait.ge [sflag:s4], $0xF00  }
0x31: {  	[sflag:s4] =	ssyncset.done $0x0  }
0x32: {  	[sflag:s4] =	ssyncadd.s32 $0xFFFFF100  }
0x33: {  	_ =	swait.ge [sflag:s4], $0xF00  }
0x34: {  	[sflag:s4] =	ssyncset.done $0x0  }
0x35: {  	[sflag:s4] =	ssyncadd.s32 $0xFFFFF100  }
0x36: {  	_ =	swait.ge [sflag:s4], $0xF00  }
0x37: {  	[sflag:s4] =	ssyncset.done $0x0  }
0x38: {  	[sflag:s4] =	ssyncadd.s32 $0xFFFFF100  }
0x39: {  	_ =	swait.ge [sflag:s4], $0x100  }
0x3a: {  	[sflag:s4] =	ssyncset.done $0x0  }
0x3b: {  	[sflag:s4] =	ssyncadd.s32 $0xFFFFFF00  }
0x3c: {  	_ =	swait.ge [sflag:s4], $0x400  }
0x3d: {  	[sflag:s4] =	ssyncset.done $0x0  }
0x3e: {  	[sflag:s4] =	ssyncadd.s32 $0xFFFFFC00  }
0x3f: {  	_ =	swait.ge [sflag:s4], $0x400  }
0x40: {  	[sflag:s4] =	ssyncset.done $0x0  }
0x41: {  	[sflag:s4] =	ssyncadd.s32 $0xFFFFFC00  }
0x42: {  	[bflag:$0x0] =	sbarrier.arrive $0xFFFF  }
0x43: {  	[spmem:s11] =	stream.indirect.scatter.add.f32 [tilespmem:s2], [sflag:$0x1], $0x1, s16, s13, $0xb8;
	[tilespmem:$0x76C0] =	vst v63  }
0x44: {  	_ = 	snop  }
0x45: {  	[spmem:s10] =	stream.indirect.scatter.add.f32 [tilespmem:s13], [sflag:$0x1], $0x1, s16, s13, $0xb8;
	[tilespmem:$0x76C0] =	vst v63  }
0x46: {  	_ = 	snop  }
0x47: {  	[spmem:s7] =	stream.indirect.scatter.add.f32 [tilespmem:s14], [sflag:$0x1], $0x1, s16, s13, $0xb8;
	[tilespmem:$0x76C0] =	vst v63  }
0x48: {  	_ = 	snop  }
0x49: {  	[spmem:s5] =	stream.indirect.scatter.add.f32 [tilespmem:s15], [sflag:$0x1], $0x1, s16, s13, $0xb8;
	[tilespmem:$0x76C0] =	vst v63  }
0x4a: {  	_ =	swait.ge [sflag:s4], $0xF00  }
0x4b: {  	[sflag:s4] =	ssyncset.done $0x0  }
0x4c: {  	[sflag:s4] =	ssyncadd.s32 $0xFFFFF100  }
0x4d: {  	_ =	swait.ge [sflag:s4], $0xF00  }
0x4e: {  	[sflag:s4] =	ssyncset.done $0x0  }
0x4f: {  	[sflag:s4] =	ssyncadd.s32 $0xFFFFF100  }
0x50: {  	_ =	swait.ge [sflag:s4], $0xF00  }
0x51: {  	[sflag:s4] =	ssyncset.done $0x0  }
0x52: {  	[sflag:s4] =	ssyncadd.s32 $0xFFFFF100  }
0x53: {  	_ =	swait.ge [sflag:s4], $0xF00  }
0x54: {  	[sflag:s4] =	ssyncset.done $0x0  }
0x55: {  	[sflag:s4] =	ssyncadd.s32 $0xFFFFF100  }
0x56: {  	s21 =	simm.s32 $0x4B40;
	[bflag:$0x0] =	sbarrier.arrive $0xFFFF  }
0x57: {  	[tilespmem:s21], [sflag:$0x2] =	stream.linear.gather [spmem:s11], $0x100, $0x38;
	[tilespmem:$0x76C0] =	vst v63  }
0x58: {  	_ =	swait.ge [sflag:s30], $0x100  }
0x59: {  	[sflag:s30] =	ssyncset.done $0x0  }
0x5a: {  	s22 =	simm.s32 $0x4C40;
	[sflag:s30] =	ssyncadd.s32 $0xFFFFFF00  }
0x5b: {  	[tilespmem:s22], [sflag:$0x2] =	stream.linear.gather [spmem:s10], $0x100, $0x38;
	[tilespmem:$0x76C0] =	vst v63  }
0x5c: {  	_ =	swait.ge [sflag:s30], $0x100  }
0x5d: {  	[sflag:s30] =	ssyncset.done $0x0  }
0x5e: {  	s23 =	simm.s32 $0x4D40;
	[sflag:s30] =	ssyncadd.s32 $0xFFFFFF00  }
0x5f: {  	[tilespmem:s23], [sflag:$0x2] =	stream.linear.gather [spmem:s7], $0x100, $0x38;
	[tilespmem:$0x76C0] =	vst v63  }
0x60: {  	_ =	swait.ge [sflag:s30], $0x100  }
0x61: {  	[sflag:s30] =	ssyncset.done $0x0  }
0x62: {  	s24 =	smul.u32 $0x280, s1;
	s25 =	simm.s32 $0x4E40;
	[sflag:s30] =	ssyncadd.s32 $0xFFFFFF00  }
0x63: {  	[tilespmem:s25], [sflag:$0x2] =	stream.linear.gather [spmem:s5], $0x100, $0x38;
	[tilespmem:$0x76C0] =	vst v63  }
0x64: {  	s5 =	sshrl.u32 s24, $0x3;
	_ =	swait.ge [sflag:s30], $0x100  }
0x65: {  	s6 =	sadd.s32 s6, s5;
	[sflag:s30] =	ssyncset.done $0x0  }
0x66: {  	s28 =	simm.s32 $0x5D40;
	s26 =	sadd.s32 $0x186A, s6;
	[sflag:s30] =	ssyncadd.s32 $0xFFFFFF00  }
0x67: {  	[tilespmem:s28], [sflag:$0x1] =	stream.linear.gather [hbm4b:s26+s2], $0x280, $0x38;
	[tilespmem:$0x76C0] =	vst v63  }
0x68: {  	s29 =	sadd.s32 $0x366A, s6;
	s30 =	simm.s32 $0x5FC0  }
0x69: {  	[tilespmem:s30], [sflag:$0x1] =	stream.linear.gather [hbm4b:s29+s2], $0x280, $0x38;
	[tilespmem:$0x76C0] =	vst v63  }
0x6a: {  	s31 =	sadd.s32 $0x3C00, s3;
	s11 =	simm.s32 $0x6240;
	s6 =	sadd.s32 $0x546A, s6  }
0x6b: {  	[tilespmem:s11], [sflag:$0x1] =	stream.linear.gather [hbm4b:s6+s2], $0x280, $0x38;
	[tilespmem:$0x76C0] =	vst v63  }
0x6c: {  	s14 =	simm.s32 $0x64C0;
	s12 =	sadd.s32 s31, s5;
	s13 =	sadd.s32 $0x500, s5  }
0x6d: {  	[tilespmem:s14], [sflag:$0x1] =	stream.linear.gather [hbm4b:s12+s2], $0x280, $0x38;
	[tilespmem:$0x76C0] =	vst v63  }
0x6e: {  	s17 =	simm.s32 $0x6740;
	s16 =	sadd.s32 $0xA00, s5;
	s15 =	sadd.s32 s31, s13  }
0x6f: {  	[tilespmem:s17], [sflag:$0x1] =	stream.linear.gather [hbm4b:s15+s2], $0x280, $0x38;
	[tilespmem:$0x76C0] =	vst v63  }
0x70: {  	s19 =	simm.s32 $0x69C0;
	s18 =	sadd.s32 s5, s3;
	s10 =	sadd.s32 s31, s16  }
0x71: {  	[tilespmem:s19], [sflag:$0x1] =	stream.linear.gather [hbm4b:s10+s2], $0x280, $0x38;
	[tilespmem:$0x76C0] =	vst v63  }
0x72: {  	s21 =	simm.s32 $0x6C40;
	s20 =	sadd.s32 $0x1800, s18  }
0x73: {  	[tilespmem:s21], [sflag:$0x1] =	stream.linear.gather [hbm4b:s20+s2], $0x280, $0x38;
	[tilespmem:$0x76C0] =	vst v63  }
0x74: {  	v1 =	vld [tilespmem:$0x4E40]  }
0x75: {  	v24 =	vld [tilespmem:$0x4F40];
	_ =	sdelay $0x3  }
0x76: {  	v1 =	vmax.f32 v1, $1.000000000e+00  }
0x77: {  	(erf) = vrcp.f32 v1  }
0x78: {  	v2 =	vld [tilespmem:$0x4B40]  }
0x79: {  	v3 =	vld [tilespmem:$0x4C40]  }
0x7a: {  	v25 =	vld.idx.msk [tilespmem:v24+s8+$0x0], $0xffff  }
0x7b: {  	v4 =	vld [tilespmem:$0x4D40]  }
0x7c: {  	v5 =	vld [tilespmem:$0x4E50]  }
0x7d: {  	v0 =	vld.idx.msk [tilespmem:v24+s9+$0x0], $0xffff  }
0x7e: {  	v6 =	vld [tilespmem:$0x4F50]  }
0x7f: {  	v2 =	vmul.f32 v2, v25  }
0x80: {  	v3 =	vmul.f32 v3, v25;
	v7 =	vpop (erf)  }
0x81: {  	[tilespmem:$0x5840] =	vst v25;
	v1 =	vmul.f32 v4, v25;
	v2 =	vmul.f32 v2, v7  }
0x82: {  	v27 =	vmax.f32 v5, $1.000000000e+00;
	[tilespmem:$0x5940] =	vst v0;
	v26 =	vmul.f32 v3, v7  }
0x83: {  	(erf) = vrcp.f32 v27;
	v1 =	vmul.f32 v1, v7;
	[tilespmem:$0x5A40] =	vst v2  }
0x84: {  	v28 =	vld [tilespmem:$0x4B50];
	[tilespmem:$0x5B40] =	vst v26  }
0x85: {  	v29 =	vld [tilespmem:$0x4C50];
	[tilespmem:$0x5C40] =	vst v1  }
0x86: {  	v0 =	vld.idx.msk [tilespmem:v6+s8+$0x0], $0xffff  }
0x87: {  	v30 =	vld [tilespmem:$0x4D50]  }
0x88: {  	v33 =	vld [tilespmem:$0x4E60]  }
0x89: {  	v31 =	vld.idx.msk [tilespmem:v6+s9+$0x0], $0xffff  }
0x8a: {  	v32 =	vld [tilespmem:$0x4F60]  }
0x8b: {  	v1 =	vmul.f32 v28, v0  }
0x8c: {  	v34 =	vpop (erf);
	v2 =	vmul.f32 v29, v0  }
0x8d: {  	[tilespmem:$0x5850] =	vst v0;
	v0 =	vmul.f32 v30, v0;
	v1 =	vmul.f32 v1, v34  }
0x8e: {  	v35 =	vmax.f32 v33, $1.000000000e+00;
	[tilespmem:$0x5950] =	vst v31;
	v2 =	vmul.f32 v2, v34  }
0x8f: {  	(erf) = vrcp.f32 v35;
	v0 =	vmul.f32 v0, v34;
	[tilespmem:$0x5A50] =	vst v1  }
0x90: {  	v37 =	vld [tilespmem:$0x4B60];
	[tilespmem:$0x5B50] =	vst v2  }
0x91: {  	v38 =	vld [tilespmem:$0x4C60];
	[tilespmem:$0x5C50] =	vst v0  }
0x92: {  	v0 =	vld.idx.msk [tilespmem:v32+s8+$0x0], $0xffff  }
0x93: {  	v39 =	vld [tilespmem:$0x4D60]  }
0x94: {  	v40 =	vld [tilespmem:$0x4E70]  }
0x95: {  	v36 =	vld.idx.msk [tilespmem:v32+s9+$0x0], $0xffff  }
0x96: {  	v41 =	vld [tilespmem:$0x4F70]  }
0x97: {  	v2 =	vmul.f32 v37, v0  }
0x98: {  	v42 =	vpop (erf);
	v3 =	vmul.f32 v38, v0  }
0x99: {  	[tilespmem:$0x5860] =	vst v0;
	v0 =	vmul.f32 v39, v0;
	v2 =	vmul.f32 v2, v42  }
0x9a: {  	v44 =	vmax.f32 v40, $1.000000000e+00;
	[tilespmem:$0x5960] =	vst v36;
	v43 =	vmul.f32 v3, v42  }
0x9b: {  	(erf) = vrcp.f32 v44;
	v0 =	vmul.f32 v0, v42;
	[tilespmem:$0x5A60] =	vst v2  }
0x9c: {  	v45 =	vld [tilespmem:$0x4B70];
	[tilespmem:$0x5B60] =	vst v43  }
0x9d: {  	v46 =	vld [tilespmem:$0x4C70];
	[tilespmem:$0x5C60] =	vst v0  }
0x9e: {  	v0 =	vld.idx.msk [tilespmem:v41+s8+$0x0], $0xffff  }
0x9f: {  	v47 =	vld [tilespmem:$0x4D70]  }
0xa0: {  	v50 =	vld [tilespmem:$0x4E80]  }
0xa1: {  	v48 =	vld.idx.msk [tilespmem:v41+s9+$0x0], $0xffff  }
0xa2: {  	v49 =	vld [tilespmem:$0x4F80]  }
0xa3: {  	v1 =	vmul.f32 v45, v0  }
0xa4: {  	v51 =	vpop (erf);
	v2 =	vmul.f32 v46, v0  }
0xa5: {  	[tilespmem:$0x5870] =	vst v0;
	v0 =	vmul.f32 v47, v0;
	v1 =	vmul.f32 v1, v51  }
0xa6: {  	v52 =	vmax.f32 v50, $1.000000000e+00;
	[tilespmem:$0x5970] =	vst v48;
	v2 =	vmul.f32 v2, v51  }
0xa7: {  	(erf) = vrcp.f32 v52;
	v0 =	vmul.f32 v0, v51;
	[tilespmem:$0x5A70] =	vst v1  }
0xa8: {  	v54 =	vld [tilespmem:$0x4B80];
	[tilespmem:$0x5B70] =	vst v2  }
0xa9: {  	v55 =	vld [tilespmem:$0x4C80];
	[tilespmem:$0x5C70] =	vst v0  }
0xaa: {  	v0 =	vld.idx.msk [tilespmem:v49+s8+$0x0], $0xffff  }
0xab: {  	v56 =	vld [tilespmem:$0x4D80]  }
0xac: {  	v57 =	vld [tilespmem:$0x4E90]  }
0xad: {  	v53 =	vld.idx.msk [tilespmem:v49+s9+$0x0], $0xffff  }
0xae: {  	v58 =	vld [tilespmem:$0x4F90]  }
0xaf: {  	v2 =	vmul.f32 v54, v0  }
0xb0: {  	v59 =	vpop (erf);
	v3 =	vmul.f32 v55, v0  }
0xb1: {  	[tilespmem:$0x5880] =	vst v0;
	v0 =	vmul.f32 v56, v0;
	v2 =	vmul.f32 v2, v59  }
0xb2: {  	v61 =	vmax.f32 v57, $1.000000000e+00;
	[tilespmem:$0x5980] =	vst v53;
	v60 =	vmul.f32 v3, v59  }
0xb3: {  	(erf) = vrcp.f32 v61;
	v0 =	vmul.f32 v0, v59;
	[tilespmem:$0x5A80] =	vst v2  }
0xb4: {  	v62 =	vld [tilespmem:$0x4B90];
	[tilespmem:$0x5B80] =	vst v60  }
0xb5: {  	v63 =	vld [tilespmem:$0x4C90];
	[tilespmem:$0x5C80] =	vst v0  }
0xb6: {  	v0 =	vld.idx.msk [tilespmem:v58+s8+$0x0], $0xffff  }
0xb7: {  	v9 =	vld [tilespmem:$0x4D90]  }
0xb8: {  	v12 =	vld [tilespmem:$0x4EA0]  }
0xb9: {  	v10 =	vld.idx.msk [tilespmem:v58+s9+$0x0], $0xffff  }
0xba: {  	v11 =	vld [tilespmem:$0x4FA0]  }
0xbb: {  	v1 =	vmul.f32 v62, v0  }
0xbc: {  	v13 =	vpop (erf);
	v2 =	vmul.f32 v63, v0  }
0xbd: {  	[tilespmem:$0x5890] =	vst v0;
	v0 =	vmul.f32 v9, v0;
	v1 =	vmul.f32 v1, v13  }
0xbe: {  	v14 =	vmax.f32 v12, $1.000000000e+00;
	[tilespmem:$0x5990] =	vst v10;
	v2 =	vmul.f32 v2, v13  }
0xbf: {  	(erf) = vrcp.f32 v14;
	v0 =	vmul.f32 v0, v13;
	[tilespmem:$0x5A90] =	vst v1  }
0xc0: {  	v16 =	vld [tilespmem:$0x4BA0];
	[tilespmem:$0x5B90] =	vst v2  }
0xc1: {  	v17 =	vld [tilespmem:$0x4CA0];
	[tilespmem:$0x5C90] =	vst v0  }
0xc2: {  	v0 =	vld.idx.msk [tilespmem:v11+s8+$0x0], $0xffff  }
0xc3: {  	v18 =	vld [tilespmem:$0x4DA0]  }
0xc4: {  	v19 =	vld [tilespmem:$0x4EB0]  }
0xc5: {  	v15 =	vld.idx.msk [tilespmem:v11+s9+$0x0], $0xffff  }
0xc6: {  	v20 =	vld [tilespmem:$0x4FB0]  }
0xc7: {  	v2 =	vmul.f32 v16, v0  }
0xc8: {  	v21 =	vpop (erf);
	v3 =	vmul.f32 v17, v0  }
0xc9: {  	[tilespmem:$0x58A0] =	vst v0;
	v0 =	vmul.f32 v18, v0;
	v2 =	vmul.f32 v2, v21  }
0xca: {  	v23 =	vmax.f32 v19, $1.000000000e+00;
	[tilespmem:$0x59A0] =	vst v15;
	v22 =	vmul.f32 v3, v21  }
0xcb: {  	(erf) = vrcp.f32 v23;
	v0 =	vmul.f32 v0, v21;
	[tilespmem:$0x5AA0] =	vst v2  }
0xcc: {  	v24 =	vld [tilespmem:$0x4BB0];
	[tilespmem:$0x5BA0] =	vst v22  }
0xcd: {  	v25 =	vld [tilespmem:$0x4CB0];
	[tilespmem:$0x5CA0] =	vst v0  }
0xce: {  	v0 =	vld.idx.msk [tilespmem:v20+s8+$0x0], $0xffff  }
0xcf: {  	v26 =	vld [tilespmem:$0x4DB0]  }
0xd0: {  	v29 =	vld [tilespmem:$0x4EC0]  }
0xd1: {  	v27 =	vld.idx.msk [tilespmem:v20+s9+$0x0], $0xffff  }
0xd2: {  	v28 =	vld [tilespmem:$0x4FC0]  }
0xd3: {  	v1 =	vmul.f32 v24, v0  }
0xd4: {  	v30 =	vpop (erf);
	v2 =	vmul.f32 v25, v0  }
0xd5: {  	[tilespmem:$0x58B0] =	vst v0;
	v0 =	vmul.f32 v26, v0;
	v1 =	vmul.f32 v1, v30  }
0xd6: {  	v31 =	vmax.f32 v29, $1.000000000e+00;
	[tilespmem:$0x59B0] =	vst v27;
	v2 =	vmul.f32 v2, v30  }
0xd7: {  	(erf) = vrcp.f32 v31;
	v0 =	vmul.f32 v0, v30;
	[tilespmem:$0x5AB0] =	vst v1  }
0xd8: {  	v33 =	vld [tilespmem:$0x4BC0];
	[tilespmem:$0x5BB0] =	vst v2  }
0xd9: {  	v35 =	vld [tilespmem:$0x4DC0];
	[tilespmem:$0x5CB0] =	vst v0  }
0xda: {  	v0 =	vld.idx.msk [tilespmem:v28+s8+$0x0], $0xffff  }
0xdb: {  	v34 =	vld [tilespmem:$0x4CC0]  }
0xdc: {  	v36 =	vld [tilespmem:$0x4ED0]  }
0xdd: {  	v32 =	vld.idx.msk [tilespmem:v28+s9+$0x0], $0xffff  }
0xde: {  	v37 =	vld [tilespmem:$0x4FD0]  }
0xdf: {  	v2 =	vmul.f32 v33, v0  }
0xe0: {  	v38 =	vpop (erf);
	v3 =	vmul.f32 v34, v0  }
0xe1: {  	[tilespmem:$0x58C0] =	vst v0;
	v0 =	vmul.f32 v35, v0;
	v2 =	vmul.f32 v2, v38  }
0xe2: {  	v40 =	vmax.f32 v36, $1.000000000e+00;
	[tilespmem:$0x59C0] =	vst v32;
	v39 =	vmul.f32 v3, v38  }
0xe3: {  	(erf) = vrcp.f32 v40;
	v0 =	vmul.f32 v0, v38;
	[tilespmem:$0x5AC0] =	vst v2  }
0xe4: {  	v42 =	vld [tilespmem:$0x4CD0];
	[tilespmem:$0x5BC0] =	vst v39  }
0xe5: {  	v41 =	vld [tilespmem:$0x4BD0];
	[tilespmem:$0x5CC0] =	vst v0  }
0xe6: {  	v0 =	vld.idx.msk [tilespmem:v37+s8+$0x0], $0xffff  }
0xe7: {  	v43 =	vld [tilespmem:$0x4DD0]  }
0xe8: {  	v46 =	vld [tilespmem:$0x4EE0]  }
0xe9: {  	v44 =	vld.idx.msk [tilespmem:v37+s9+$0x0], $0xffff  }
0xea: {  	v45 =	vld [tilespmem:$0x4FE0]  }
0xeb: {  	v1 =	vmul.f32 v41, v0  }
0xec: {  	v47 =	vpop (erf);
	v2 =	vmul.f32 v42, v0  }
0xed: {  	[tilespmem:$0x58D0] =	vst v0;
	v0 =	vmul.f32 v43, v0;
	v1 =	vmul.f32 v1, v47  }
0xee: {  	v48 =	vmax.f32 v46, $1.000000000e+00;
	[tilespmem:$0x59D0] =	vst v44;
	v2 =	vmul.f32 v2, v47  }
0xef: {  	(erf) = vrcp.f32 v48;
	v0 =	vmul.f32 v0, v47;
	[tilespmem:$0x5AD0] =	vst v1  }
0xf0: {  	v50 =	vld [tilespmem:$0x4BE0];
	[tilespmem:$0x5BD0] =	vst v2  }
0xf1: {  	v52 =	vld [tilespmem:$0x4DE0];
	[tilespmem:$0x5CD0] =	vst v0  }
0xf2: {  	v0 =	vld.idx.msk [tilespmem:v45+s8+$0x0], $0xffff  }
0xf3: {  	v51 =	vld [tilespmem:$0x4CE0]  }
0xf4: {  	v53 =	vld [tilespmem:$0x4EF0]  }
0xf5: {  	v49 =	vld.idx.msk [tilespmem:v45+s9+$0x0], $0xffff  }
0xf6: {  	v54 =	vld [tilespmem:$0x4FF0]  }
0xf7: {  	v2 =	vmul.f32 v50, v0  }
0xf8: {  	v55 =	vpop (erf);
	v3 =	vmul.f32 v51, v0  }
0xf9: {  	[tilespmem:$0x58E0] =	vst v0;
	v0 =	vmul.f32 v52, v0;
	v2 =	vmul.f32 v2, v55  }
0xfa: {  	v57 =	vmax.f32 v53, $1.000000000e+00;
	[tilespmem:$0x59E0] =	vst v49;
	v56 =	vmul.f32 v3, v55  }
0xfb: {  	(erf) = vrcp.f32 v57;
	v0 =	vmul.f32 v0, v55;
	[tilespmem:$0x5AE0] =	vst v2  }
0xfc: {  	v59 =	vld [tilespmem:$0x4CF0];
	[tilespmem:$0x5BE0] =	vst v56  }
0xfd: {  	v58 =	vld [tilespmem:$0x4BF0];
	[tilespmem:$0x5CE0] =	vst v0  }
0xfe: {  	v0 =	vld.idx.msk [tilespmem:v54+s8+$0x0], $0xffff  }
0xff: {  	v60 =	vld [tilespmem:$0x4DF0]  }
0x100: {  	v63 =	vld [tilespmem:$0x4F00]  }
0x101: {  	v61 =	vld.idx.msk [tilespmem:v54+s9+$0x0], $0xffff  }
0x102: {  	v62 =	vld [tilespmem:$0x5000]  }
0x103: {  	v1 =	vmul.f32 v58, v0  }
0x104: {  	v9 =	vpop (erf);
	v2 =	vmul.f32 v59, v0  }
0x105: {  	[tilespmem:$0x58F0] =	vst v0;
	v0 =	vmul.f32 v60, v0;
	v1 =	vmul.f32 v1, v9  }
0x106: {  	v10 =	vmax.f32 v63, $1.000000000e+00;
	[tilespmem:$0x59F0] =	vst v61;
	v2 =	vmul.f32 v2, v9  }
0x107: {  	(erf) = vrcp.f32 v10;
	v0 =	vmul.f32 v0, v9;
	[tilespmem:$0x5AF0] =	vst v1  }
0x108: {  	v12 =	vld [tilespmem:$0x4C00];
	[tilespmem:$0x5BF0] =	vst v2  }
0x109: {  	v14 =	vld [tilespmem:$0x4E00];
	[tilespmem:$0x5CF0] =	vst v0  }
0x10a: {  	v0 =	vld.idx.msk [tilespmem:v62+s8+$0x0], $0xffff  }
0x10b: {  	v13 =	vld [tilespmem:$0x4D00]  }
0x10c: {  	v15 =	vld [tilespmem:$0x4F10]  }
0x10d: {  	v11 =	vld.idx.msk [tilespmem:v62+s9+$0x0], $0xffff  }
0x10e: {  	v16 =	vld [tilespmem:$0x5010]  }
0x10f: {  	v2 =	vmul.f32 v12, v0  }
0x110: {  	v17 =	vpop (erf);
	v3 =	vmul.f32 v13, v0  }
0x111: {  	[tilespmem:$0x5900] =	vst v0;
	v0 =	vmul.f32 v14, v0;
	v2 =	vmul.f32 v2, v17  }
0x112: {  	v19 =	vmax.f32 v15, $1.000000000e+00;
	[tilespmem:$0x5A00] =	vst v11;
	v18 =	vmul.f32 v3, v17  }
0x113: {  	(erf) = vrcp.f32 v19;
	v0 =	vmul.f32 v0, v17;
	[tilespmem:$0x5B00] =	vst v2  }
0x114: {  	v21 =	vld [tilespmem:$0x4D10];
	[tilespmem:$0x5C00] =	vst v18  }
0x115: {  	v20 =	vld [tilespmem:$0x4C10];
	[tilespmem:$0x5D00] =	vst v0  }
0x116: {  	v0 =	vld.idx.msk [tilespmem:v16+s8+$0x0], $0xffff  }
0x117: {  	v22 =	vld [tilespmem:$0x4E10]  }
0x118: {  	v25 =	vld [tilespmem:$0x4F20]  }
0x119: {  	v23 =	vld.idx.msk [tilespmem:v16+s9+$0x0], $0xffff  }
0x11a: {  	v24 =	vld [tilespmem:$0x5020]  }
0x11b: {  	v1 =	vmul.f32 v20, v0  }
0x11c: {  	v26 =	vpop (erf);
	v2 =	vmul.f32 v21, v0  }
0x11d: {  	[tilespmem:$0x5910] =	vst v0;
	v0 =	vmul.f32 v22, v0;
	v1 =	vmul.f32 v1, v26  }
0x11e: {  	v27 =	vmax.f32 v25, $1.000000000e+00;
	[tilespmem:$0x5A10] =	vst v23;
	v2 =	vmul.f32 v2, v26  }
0x11f: {  	(erf) = vrcp.f32 v27;
	v0 =	vmul.f32 v0, v26;
	[tilespmem:$0x5B10] =	vst v1  }
0x120: {  	v29 =	vld [tilespmem:$0x4C20];
	[tilespmem:$0x5C10] =	vst v2  }
0x121: {  	v31 =	vld [tilespmem:$0x4E20];
	[tilespmem:$0x5D10] =	vst v0  }
0x122: {  	v0 =	vld.idx.msk [tilespmem:v24+s8+$0x0], $0xffff  }
0x123: {  	v30 =	vld [tilespmem:$0x4D20]  }
0x124: {  	v32 =	vld [tilespmem:$0x4F30]  }
0x125: {  	v28 =	vld.idx.msk [tilespmem:v24+s9+$0x0], $0xffff  }
0x126: {  	v33 =	vld [tilespmem:$0x5030]  }
0x127: {  	v2 =	vmul.f32 v29, v0  }
0x128: {  	v34 =	vpop (erf);
	v3 =	vmul.f32 v30, v0  }
0x129: {  	[tilespmem:$0x5920] =	vst v0;
	v0 =	vmul.f32 v31, v0;
	v2 =	vmul.f32 v2, v34  }
0x12a: {  	v36 =	vmax.f32 v32, $1.000000000e+00;
	[tilespmem:$0x5A20] =	vst v28;
	v35 =	vmul.f32 v3, v34  }
0x12b: {  	(erf) = vrcp.f32 v36;
	v0 =	vmul.f32 v0, v34;
	[tilespmem:$0x5B20] =	vst v2  }
0x12c: {  	[tilespmem:$0x5C20] =	vst v35  }
0x12d: {  	v37 =	vld [tilespmem:$0x4C30];
	[tilespmem:$0x5D20] =	vst v0  }
0x12e: {  	v0 =	vld.idx.msk [tilespmem:v33+s8+$0x0], $0xffff  }
0x12f: {  	v38 =	vld [tilespmem:$0x4D30]  }
0x130: {  	v39 =	vld [tilespmem:$0x4E30]  }
0x131: {  	v40 =	vld.idx.msk [tilespmem:v33+s9+$0x0], $0xffff;
	_ =	sdelay $0x1  }
0x132: {  	v1 =	vmul.f32 v37, v0  }
0x133: {  	v41 =	vpop (erf);
	v2 =	vmul.f32 v38, v0  }
0x134: {  	[tilespmem:$0x5930] =	vst v0;
	v0 =	vmul.f32 v39, v0;
	v1 =	vmul.f32 v1, v41  }
0x135: {  	[tilespmem:$0x5A30] =	vst v40;
	v2 =	vmul.f32 v2, v41  }
0x136: {  	v0 =	vmul.f32 v0, v41;
	[tilespmem:$0x5B30] =	vst v1  }
0x137: {  	[tilespmem:$0x5C30] =	vst v2  }
0x138: {  	[tilespmem:$0x5D30] =	vst v0  }
0x139: {  	_ =	swait.ge [sflag:s4], $0x280  }
0x13a: {  	[sflag:s4] =	ssyncset.done $0x0  }
0x13b: {  	[sflag:s4] =	ssyncadd.s32 $0xFFFFFD80  }
0x13c: {  	_ =	swait.ge [sflag:s4], $0x280  }
0x13d: {  	[sflag:s4] =	ssyncset.done $0x0  }
0x13e: {  	[sflag:s4] =	ssyncadd.s32 $0xFFFFFD80  }
0x13f: {  	_ =	swait.ge [sflag:s4], $0x280  }
0x140: {  	[sflag:s4] =	ssyncset.done $0x0  }
0x141: {  	[sflag:s4] =	ssyncadd.s32 $0xFFFFFD80  }
0x142: {  	_ =	swait.ge [sflag:s4], $0x280  }
0x143: {  	[sflag:s4] =	ssyncset.done $0x0  }
0x144: {  	[sflag:s4] =	ssyncadd.s32 $0xFFFFFD80  }
0x145: {  	_ =	swait.ge [sflag:s4], $0x280  }
0x146: {  	[sflag:s4] =	ssyncset.done $0x0  }
0x147: {  	[sflag:s4] =	ssyncadd.s32 $0xFFFFFD80  }
0x148: {  	_ =	swait.ge [sflag:s4], $0x280  }
0x149: {  	[sflag:s4] =	ssyncset.done $0x0  }
0x14a: {  	[sflag:s4] =	ssyncadd.s32 $0xFFFFFD80  }
0x14b: {  	_ =	swait.ge [sflag:s4], $0x280  }
0x14c: {  	[sflag:s4] =	ssyncset.done $0x0  }
0x14d: {  	[sflag:s4] =	ssyncadd.s32 $0xFFFFFD80  }
0x14e: {  	v42 =	vld [tilespmem:$0x6C40];
	_ =	sdelay $0x1  }
0x14f: {  	v47 =	vld [tilespmem:$0x5D40]  }
0x150: {  	v48 =	vld [tilespmem:$0x64C0]  }
0x151: {  	v49 =	vld [tilespmem:$0x5FC0]  }
0x152: {  	v8 =	vld [tilespmem:$0x6240]  }
0x153: {  	v9 =	vld [tilespmem:$0x6740]  }
0x154: {  	s22 =	simm.s32 $0x5840;
	v10 =	vld [tilespmem:$0x69C0]  }
0x155: {  	s23 =	simm.s32 $0x5940;
	v43 =	vld.idx.msk [tilespmem:v42+s22+$0x0], $0xffff  }
0x156: {  	s24 =	simm.s32 $0x5A40;
	v44 =	vld.idx.msk [tilespmem:v42+s23+$0x0], $0xffff  }
0x157: {  	s25 =	simm.s32 $0x5B40;
	v45 =	vld.idx.msk [tilespmem:v42+s24+$0x0], $0xffff  }
0x158: {  	s26 =	simm.s32 $0x5C40;
	v46 =	vld.idx.msk [tilespmem:v42+s25+$0x0], $0xffff  }
0x159: {  	v0 =	vld.idx.msk [tilespmem:v42+s26+$0x0], $0xffff  }
0x15a: {  	v5 =	vmul.f32 v47, v43  }
0x15b: {  	v11 =	vld [tilespmem:$0x6C50];
	v7 =	vmul.f32 v49, v43  }
0x15c: {  	v50 =	vmul.f32 v48, v44;
	v1 =	vmul.f32 v8, v43;
	v3 =	vsub.f32 v5, v45  }
0x15d: {  	v56 =	vld [tilespmem:$0x5D50];
	v51 =	vmul.f32 v9, v44;
	v4 =	vsub.f32 v7, v46  }
0x15e: {  	v57 =	vld [tilespmem:$0x64D0];
	v52 =	vmul.f32 v10, v44;
	v0 =	vsub.f32 v1, v0;
	v3 =	vadd.f32 v50, v3  }
0x15f: {  	v58 =	vld [tilespmem:$0x5FD0];
	v53 =	vadd.f32 v51, v4  }
0x160: {  	v59 =	vld [tilespmem:$0x6250];
	v0 =	vadd.f32 v52, v0;
	[tilespmem:$0x6EC0] =	vst v3  }
0x161: {  	v60 =	vld [tilespmem:$0x6750];
	[tilespmem:$0x7140] =	vst v53  }
0x162: {  	v61 =	vld [tilespmem:$0x69D0];
	[tilespmem:$0x73C0] =	vst v0  }
0x163: {  	v0 =	vld.idx.msk [tilespmem:v11+s22+$0x0], $0xffff  }
0x164: {  	v54 =	vld.idx.msk [tilespmem:v11+s23+$0x0], $0xffff  }
0x165: {  	v2 =	vld.idx.msk [tilespmem:v11+s24+$0x0], $0xffff  }
0x166: {  	v3 =	vld.idx.msk [tilespmem:v11+s25+$0x0], $0xffff  }
0x167: {  	v55 =	vld.idx.msk [tilespmem:v11+s26+$0x0], $0xffff  }
0x168: {  	v5 =	vmul.f32 v56, v0  }
0x169: {  	v62 =	vld [tilespmem:$0x6C60];
	v7 =	vmul.f32 v58, v0  }
0x16a: {  	v63 =	vmul.f32 v57, v54;
	v0 =	vmul.f32 v59, v0;
	v2 =	vsub.f32 v5, v2  }
0x16b: {  	v15 =	vld [tilespmem:$0x5D60];
	v12 =	vmul.f32 v60, v54;
	v3 =	vsub.f32 v7, v3  }
0x16c: {  	v16 =	vld [tilespmem:$0x64E0];
	v1 =	vmul.f32 v61, v54;
	v0 =	vsub.f32 v0, v55;
	v2 =	vadd.f32 v63, v2  }
0x16d: {  	v17 =	vld [tilespmem:$0x5FE0];
	v3 =	vadd.f32 v12, v3  }
0x16e: {  	v18 =	vld [tilespmem:$0x6260];
	v0 =	vadd.f32 v1, v0;
	[tilespmem:$0x6ED0] =	vst v2  }
0x16f: {  	v19 =	vld [tilespmem:$0x6760];
	[tilespmem:$0x7150] =	vst v3  }
0x170: {  	v20 =	vld [tilespmem:$0x69E0];
	[tilespmem:$0x73D0] =	vst v0  }
0x171: {  	v0 =	vld.idx.msk [tilespmem:v62+s22+$0x0], $0xffff  }
0x172: {  	v13 =	vld.idx.msk [tilespmem:v62+s23+$0x0], $0xffff  }
0x173: {  	v2 =	vld.idx.msk [tilespmem:v62+s24+$0x0], $0xffff  }
0x174: {  	v3 =	vld.idx.msk [tilespmem:v62+s25+$0x0], $0xffff  }
0x175: {  	v14 =	vld.idx.msk [tilespmem:v62+s26+$0x0], $0xffff  }
0x176: {  	v5 =	vmul.f32 v15, v0  }
0x177: {  	v21 =	vld [tilespmem:$0x6C70];
	v7 =	vmul.f32 v17, v0  }
0x178: {  	v22 =	vmul.f32 v16, v13;
	v0 =	vmul.f32 v18, v0;
	v2 =	vsub.f32 v5, v2  }
0x179: {  	v26 =	vld [tilespmem:$0x5D70];
	v23 =	vmul.f32 v19, v13;
	v3 =	vsub.f32 v7, v3  }
0x17a: {  	v27 =	vld [tilespmem:$0x64F0];
	v1 =	vmul.f32 v20, v13;
	v0 =	vsub.f32 v0, v14;
	v2 =	vadd.f32 v22, v2  }
0x17b: {  	v28 =	vld [tilespmem:$0x5FF0];
	v3 =	vadd.f32 v23, v3  }
0x17c: {  	v29 =	vld [tilespmem:$0x6270];
	v0 =	vadd.f32 v1, v0;
	[tilespmem:$0x6EE0] =	vst v2  }
0x17d: {  	v30 =	vld [tilespmem:$0x6770];
	[tilespmem:$0x7160] =	vst v3  }
0x17e: {  	v31 =	vld [tilespmem:$0x69F0];
	[tilespmem:$0x73E0] =	vst v0  }
0x17f: {  	v0 =	vld.idx.msk [tilespmem:v21+s22+$0x0], $0xffff  }
0x180: {  	v24 =	vld.idx.msk [tilespmem:v21+s23+$0x0], $0xffff  }
0x181: {  	v2 =	vld.idx.msk [tilespmem:v21+s24+$0x0], $0xffff  }
0x182: {  	v3 =	vld.idx.msk [tilespmem:v21+s25+$0x0], $0xffff  }
0x183: {  	v25 =	vld.idx.msk [tilespmem:v21+s26+$0x0], $0xffff  }
0x184: {  	v5 =	vmul.f32 v26, v0  }
0x185: {  	v32 =	vld [tilespmem:$0x6C80];
	v7 =	vmul.f32 v28, v0  }
0x186: {  	v33 =	vmul.f32 v27, v24;
	v0 =	vmul.f32 v29, v0;
	v2 =	vsub.f32 v5, v2  }
0x187: {  	v37 =	vld [tilespmem:$0x5D80];
	v34 =	vmul.f32 v30, v24;
	v3 =	vsub.f32 v7, v3  }
0x188: {  	v38 =	vld [tilespmem:$0x6500];
	v1 =	vmul.f32 v31, v24;
	v0 =	vsub.f32 v0, v25;
	v2 =	vadd.f32 v33, v2  }
0x189: {  	v39 =	vld [tilespmem:$0x6000];
	v3 =	vadd.f32 v34, v3  }
0x18a: {  	v40 =	vld [tilespmem:$0x6280];
	v0 =	vadd.f32 v1, v0;
	[tilespmem:$0x6EF0] =	vst v2  }
0x18b: {  	v41 =	vld [tilespmem:$0x6780];
	[tilespmem:$0x7170] =	vst v3  }
0x18c: {  	v42 =	vld [tilespmem:$0x6A00];
	[tilespmem:$0x73F0] =	vst v0  }
0x18d: {  	v0 =	vld.idx.msk [tilespmem:v32+s22+$0x0], $0xffff  }
0x18e: {  	v35 =	vld.idx.msk [tilespmem:v32+s23+$0x0], $0xffff  }
0x18f: {  	v2 =	vld.idx.msk [tilespmem:v32+s24+$0x0], $0xffff  }
0x190: {  	v3 =	vld.idx.msk [tilespmem:v32+s25+$0x0], $0xffff  }
0x191: {  	v36 =	vld.idx.msk [tilespmem:v32+s26+$0x0], $0xffff  }
0x192: {  	v5 =	vmul.f32 v37, v0  }
0x193: {  	v43 =	vld [tilespmem:$0x6C90];
	v7 =	vmul.f32 v39, v0  }
0x194: {  	v44 =	vmul.f32 v38, v35;
	v0 =	vmul.f32 v40, v0;
	v2 =	vsub.f32 v5, v2  }
0x195: {  	v48 =	vld [tilespmem:$0x5D90];
	v45 =	vmul.f32 v41, v35;
	v3 =	vsub.f32 v7, v3  }
0x196: {  	v49 =	vld [tilespmem:$0x6510];
	v1 =	vmul.f32 v42, v35;
	v0 =	vsub.f32 v0, v36;
	v2 =	vadd.f32 v44, v2  }
0x197: {  	v50 =	vld [tilespmem:$0x6010];
	v3 =	vadd.f32 v45, v3  }
0x198: {  	v51 =	vld [tilespmem:$0x6290];
	v0 =	vadd.f32 v1, v0;
	[tilespmem:$0x6F00] =	vst v2  }
0x199: {  	v52 =	vld [tilespmem:$0x6790];
	[tilespmem:$0x7180] =	vst v3  }
0x19a: {  	v53 =	vld [tilespmem:$0x6A10];
	[tilespmem:$0x7400] =	vst v0  }
0x19b: {  	v0 =	vld.idx.msk [tilespmem:v43+s22+$0x0], $0xffff  }
0x19c: {  	v46 =	vld.idx.msk [tilespmem:v43+s23+$0x0], $0xffff  }
0x19d: {  	v2 =	vld.idx.msk [tilespmem:v43+s24+$0x0], $0xffff  }
0x19e: {  	v3 =	vld.idx.msk [tilespmem:v43+s25+$0x0], $0xffff  }
0x19f: {  	v47 =	vld.idx.msk [tilespmem:v43+s26+$0x0], $0xffff  }
0x1a0: {  	v5 =	vmul.f32 v48, v0  }
0x1a1: {  	v54 =	vld [tilespmem:$0x6CA0];
	v7 =	vmul.f32 v50, v0  }
0x1a2: {  	v55 =	vmul.f32 v49, v46;
	v0 =	vmul.f32 v51, v0;
	v2 =	vsub.f32 v5, v2  }
0x1a3: {  	v59 =	vld [tilespmem:$0x5DA0];
	v56 =	vmul.f32 v52, v46;
	v3 =	vsub.f32 v7, v3  }
0x1a4: {  	v60 =	vld [tilespmem:$0x6520];
	v1 =	vmul.f32 v53, v46;
	v0 =	vsub.f32 v0, v47;
	v2 =	vadd.f32 v55, v2  }
0x1a5: {  	v61 =	vld [tilespmem:$0x6020];
	v3 =	vadd.f32 v56, v3  }
0x1a6: {  	v63 =	vld [tilespmem:$0x67A0];
	v0 =	vadd.f32 v1, v0;
	[tilespmem:$0x6F10] =	vst v2  }
0x1a7: {  	v12 =	vld [tilespmem:$0x6A20];
	[tilespmem:$0x7190] =	vst v3  }
0x1a8: {  	v62 =	vld [tilespmem:$0x62A0];
	[tilespmem:$0x7410] =	vst v0  }
0x1a9: {  	v0 =	vld.idx.msk [tilespmem:v54+s22+$0x0], $0xffff  }
0x1aa: {  	v57 =	vld.idx.msk [tilespmem:v54+s23+$0x0], $0xffff  }
0x1ab: {  	v2 =	vld.idx.msk [tilespmem:v54+s24+$0x0], $0xffff  }
0x1ac: {  	v3 =	vld.idx.msk [tilespmem:v54+s25+$0x0], $0xffff  }
0x1ad: {  	v58 =	vld.idx.msk [tilespmem:v54+s26+$0x0], $0xffff  }
0x1ae: {  	v5 =	vmul.f32 v59, v0  }
0x1af: {  	v13 =	vld [tilespmem:$0x6CB0];
	v7 =	vmul.f32 v61, v0  }
0x1b0: {  	v14 =	vmul.f32 v60, v57;
	v0 =	vmul.f32 v62, v0;
	v2 =	vsub.f32 v5, v2  }
0x1b1: {  	v15 =	vmul.f32 v63, v57;
	v3 =	vsub.f32 v7, v3  }
0x1b2: {  	v1 =	vmul.f32 v12, v57;
	v0 =	vsub.f32 v0, v58;
	v2 =	vadd.f32 v14, v2  }
0x1b3: {  	v3 =	vadd.f32 v15, v3  }
0x1b4: {  	v0 =	vadd.f32 v1, v0;
	[tilespmem:$0x6F20] =	vst v2  }
0x1b5: {  	[tilespmem:$0x71A0] =	vst v3  }
0x1b6: {  	[tilespmem:$0x7420] =	vst v0  }
0x1b7: {  	v0 =	vld.idx.msk [tilespmem:v13+s22+$0x0], $0xffff  }
0x1b8: {  	v16 =	vld.idx.msk [tilespmem:v13+s23+$0x0], $0xffff  }
0x1b9: {  	v2 =	vld.idx.msk [tilespmem:v13+s24+$0x0], $0xffff  }
0x1ba: {  	v3 =	vld.idx.msk [tilespmem:v13+s25+$0x0], $0xffff  }
0x1bb: {  	v17 =	vld.idx.msk [tilespmem:v13+s26+$0x0], $0xffff  }
0x1bc: {  	v18 =	vld [tilespmem:$0x5DB0]  }
0x1bd: {  	v19 =	vld [tilespmem:$0x6530]  }
0x1be: {  	v20 =	vld [tilespmem:$0x6030]  }
0x1bf: {  	v21 =	vld [tilespmem:$0x62B0]  }
0x1c0: {  	v22 =	vld [tilespmem:$0x67B0]  }
0x1c1: {  	v23 =	vld [tilespmem:$0x6A30]  }
0x1c2: {  	v5 =	vmul.f32 v18, v0  }
0x1c3: {  	v11 =	vld [tilespmem:$0x6CC0];
	v7 =	vmul.f32 v20, v0  }
0x1c4: {  	v24 =	vmul.f32 v19, v16;
	v0 =	vmul.f32 v21, v0;
	v2 =	vsub.f32 v5, v2  }
0x1c5: {  	v28 =	vld [tilespmem:$0x5DC0];
	v25 =	vmul.f32 v22, v16;
	v3 =	vsub.f32 v7, v3  }
0x1c6: {  	v29 =	vld [tilespmem:$0x6540];
	v1 =	vmul.f32 v23, v16;
	v0 =	vsub.f32 v0, v17;
	v2 =	vadd.f32 v24, v2  }
0x1c7: {  	v30 =	vld [tilespmem:$0x6040];
	v3 =	vadd.f32 v25, v3  }
0x1c8: {  	v31 =	vld [tilespmem:$0x62C0];
	v0 =	vadd.f32 v1, v0;
	[tilespmem:$0x6F30] =	vst v2  }
0x1c9: {  	v32 =	vld [tilespmem:$0x67C0];
	[tilespmem:$0x71B0] =	vst v3  }
0x1ca: {  	v33 =	vld [tilespmem:$0x6A40];
	[tilespmem:$0x7430] =	vst v0  }
0x1cb: {  	v0 =	vld.idx.msk [tilespmem:v11+s22+$0x0], $0xffff  }
0x1cc: {  	v26 =	vld.idx.msk [tilespmem:v11+s23+$0x0], $0xffff  }
0x1cd: {  	v2 =	vld.idx.msk [tilespmem:v11+s24+$0x0], $0xffff  }
0x1ce: {  	v3 =	vld.idx.msk [tilespmem:v11+s25+$0x0], $0xffff  }
0x1cf: {  	v27 =	vld.idx.msk [tilespmem:v11+s26+$0x0], $0xffff  }
0x1d0: {  	v5 =	vmul.f32 v28, v0  }
0x1d1: {  	v34 =	vld [tilespmem:$0x6CD0];
	v7 =	vmul.f32 v30, v0  }
0x1d2: {  	v35 =	vmul.f32 v29, v26;
	v0 =	vmul.f32 v31, v0;
	v2 =	vsub.f32 v5, v2  }
0x1d3: {  	v39 =	vld [tilespmem:$0x5DD0];
	v36 =	vmul.f32 v32, v26;
	v3 =	vsub.f32 v7, v3  }
0x1d4: {  	v40 =	vld [tilespmem:$0x6550];
	v1 =	vmul.f32 v33, v26;
	v0 =	vsub.f32 v0, v27;
	v2 =	vadd.f32 v35, v2  }
0x1d5: {  	v41 =	vld [tilespmem:$0x6050];
	v3 =	vadd.f32 v36, v3  }
0x1d6: {  	v42 =	vld [tilespmem:$0x62D0];
	v0 =	vadd.f32 v1, v0;
	[tilespmem:$0x6F40] =	vst v2  }
0x1d7: {  	v43 =	vld [tilespmem:$0x67D0];
	[tilespmem:$0x71C0] =	vst v3  }
0x1d8: {  	v44 =	vld [tilespmem:$0x6A50];
	[tilespmem:$0x7440] =	vst v0  }
0x1d9: {  	v0 =	vld.idx.msk [tilespmem:v34+s22+$0x0], $0xffff  }
0x1da: {  	v37 =	vld.idx.msk [tilespmem:v34+s23+$0x0], $0xffff  }
0x1db: {  	v2 =	vld.idx.msk [tilespmem:v34+s24+$0x0], $0xffff  }
0x1dc: {  	v3 =	vld.idx.msk [tilespmem:v34+s25+$0x0], $0xffff  }
0x1dd: {  	v38 =	vld.idx.msk [tilespmem:v34+s26+$0x0], $0xffff  }
0x1de: {  	v5 =	vmul.f32 v39, v0  }
0x1df: {  	v45 =	vld [tilespmem:$0x6CE0];
	v7 =	vmul.f32 v41, v0  }
0x1e0: {  	v46 =	vmul.f32 v40, v37;
	v0 =	vmul.f32 v42, v0;
	v2 =	vsub.f32 v5, v2  }
0x1e1: {  	v50 =	vld [tilespmem:$0x5DE0];
	v47 =	vmul.f32 v43, v37;
	v3 =	vsub.f32 v7, v3  }
0x1e2: {  	v51 =	vld [tilespmem:$0x6560];
	v1 =	vmul.f32 v44, v37;
	v0 =	vsub.f32 v0, v38;
	v2 =	vadd.f32 v46, v2  }
0x1e3: {  	v52 =	vld [tilespmem:$0x6060];
	v3 =	vadd.f32 v47, v3  }
0x1e4: {  	v53 =	vld [tilespmem:$0x62E0];
	v0 =	vadd.f32 v1, v0;
	[tilespmem:$0x6F50] =	vst v2  }
0x1e5: {  	v54 =	vld [tilespmem:$0x67E0];
	[tilespmem:$0x71D0] =	vst v3  }
0x1e6: {  	v55 =	vld [tilespmem:$0x6A60];
	[tilespmem:$0x7450] =	vst v0  }
0x1e7: {  	v0 =	vld.idx.msk [tilespmem:v45+s22+$0x0], $0xffff  }
0x1e8: {  	v48 =	vld.idx.msk [tilespmem:v45+s23+$0x0], $0xffff  }
0x1e9: {  	v2 =	vld.idx.msk [tilespmem:v45+s24+$0x0], $0xffff  }
0x1ea: {  	v3 =	vld.idx.msk [tilespmem:v45+s25+$0x0], $0xffff  }
0x1eb: {  	v49 =	vld.idx.msk [tilespmem:v45+s26+$0x0], $0xffff  }
0x1ec: {  	v5 =	vmul.f32 v50, v0  }
0x1ed: {  	v56 =	vld [tilespmem:$0x6CF0];
	v7 =	vmul.f32 v52, v0  }
0x1ee: {  	v57 =	vmul.f32 v51, v48;
	v0 =	vmul.f32 v53, v0;
	v2 =	vsub.f32 v5, v2  }
0x1ef: {  	v61 =	vld [tilespmem:$0x5DF0];
	v58 =	vmul.f32 v54, v48;
	v3 =	vsub.f32 v7, v3  }
0x1f0: {  	v62 =	vld [tilespmem:$0x6570];
	v1 =	vmul.f32 v55, v48;
	v0 =	vsub.f32 v0, v49;
	v2 =	vadd.f32 v57, v2  }
0x1f1: {  	v63 =	vld [tilespmem:$0x6070];
	v3 =	vadd.f32 v58, v3  }
0x1f2: {  	v12 =	vld [tilespmem:$0x62F0];
	v0 =	vadd.f32 v1, v0;
	[tilespmem:$0x6F60] =	vst v2  }
0x1f3: {  	v13 =	vld [tilespmem:$0x67F0];
	[tilespmem:$0x71E0] =	vst v3  }
0x1f4: {  	v14 =	vld [tilespmem:$0x6A70];
	[tilespmem:$0x7460] =	vst v0  }
0x1f5: {  	v0 =	vld.idx.msk [tilespmem:v56+s22+$0x0], $0xffff  }
0x1f6: {  	v59 =	vld.idx.msk [tilespmem:v56+s23+$0x0], $0xffff  }
0x1f7: {  	v2 =	vld.idx.msk [tilespmem:v56+s24+$0x0], $0xffff  }
0x1f8: {  	v3 =	vld.idx.msk [tilespmem:v56+s25+$0x0], $0xffff  }
0x1f9: {  	v60 =	vld.idx.msk [tilespmem:v56+s26+$0x0], $0xffff  }
0x1fa: {  	v5 =	vmul.f32 v61, v0  }
0x1fb: {  	v15 =	vld [tilespmem:$0x6D00];
	v7 =	vmul.f32 v63, v0  }
0x1fc: {  	v16 =	vmul.f32 v62, v59;
	v0 =	vmul.f32 v12, v0;
	v2 =	vsub.f32 v5, v2  }
0x1fd: {  	v20 =	vld [tilespmem:$0x5E00];
	v17 =	vmul.f32 v13, v59;
	v3 =	vsub.f32 v7, v3  }
0x1fe: {  	v21 =	vld [tilespmem:$0x6580];
	v1 =	vmul.f32 v14, v59;
	v0 =	vsub.f32 v0, v60;
	v2 =	vadd.f32 v16, v2  }
0x1ff: {  	v22 =	vld [tilespmem:$0x6080];
	v3 =	vadd.f32 v17, v3  }
0x200: {  	v23 =	vld [tilespmem:$0x6300];
	v0 =	vadd.f32 v1, v0;
	[tilespmem:$0x6F70] =	vst v2  }
0x201: {  	v24 =	vld [tilespmem:$0x6800];
	[tilespmem:$0x71F0] =	vst v3  }
0x202: {  	v25 =	vld [tilespmem:$0x6A80];
	[tilespmem:$0x7470] =	vst v0  }
0x203: {  	v0 =	vld.idx.msk [tilespmem:v15+s22+$0x0], $0xffff  }
0x204: {  	v18 =	vld.idx.msk [tilespmem:v15+s23+$0x0], $0xffff  }
0x205: {  	v2 =	vld.idx.msk [tilespmem:v15+s24+$0x0], $0xffff  }
0x206: {  	v3 =	vld.idx.msk [tilespmem:v15+s25+$0x0], $0xffff  }
0x207: {  	v19 =	vld.idx.msk [tilespmem:v15+s26+$0x0], $0xffff  }
0x208: {  	v5 =	vmul.f32 v20, v0  }
0x209: {  	v26 =	vld [tilespmem:$0x6D10];
	v7 =	vmul.f32 v22, v0  }
0x20a: {  	v27 =	vmul.f32 v21, v18;
	v0 =	vmul.f32 v23, v0;
	v2 =	vsub.f32 v5, v2  }
0x20b: {  	v31 =	vld [tilespmem:$0x5E10];
	v28 =	vmul.f32 v24, v18;
	v3 =	vsub.f32 v7, v3  }
0x20c: {  	v32 =	vld [tilespmem:$0x6590];
	v1 =	vmul.f32 v25, v18;
	v0 =	vsub.f32 v0, v19;
	v2 =	vadd.f32 v27, v2  }
0x20d: {  	v33 =	vld [tilespmem:$0x6090];
	v3 =	vadd.f32 v28, v3  }
0x20e: {  	v35 =	vld [tilespmem:$0x6810];
	v0 =	vadd.f32 v1, v0;
	[tilespmem:$0x6F80] =	vst v2  }
0x20f: {  	v36 =	vld [tilespmem:$0x6A90];
	[tilespmem:$0x7200] =	vst v3  }
0x210: {  	v34 =	vld [tilespmem:$0x6310];
	[tilespmem:$0x7480] =	vst v0  }
0x211: {  	v0 =	vld.idx.msk [tilespmem:v26+s22+$0x0], $0xffff  }
0x212: {  	v29 =	vld.idx.msk [tilespmem:v26+s23+$0x0], $0xffff  }
0x213: {  	v2 =	vld.idx.msk [tilespmem:v26+s24+$0x0], $0xffff  }
0x214: {  	v3 =	vld.idx.msk [tilespmem:v26+s25+$0x0], $0xffff  }
0x215: {  	v30 =	vld.idx.msk [tilespmem:v26+s26+$0x0], $0xffff  }
0x216: {  	v5 =	vmul.f32 v31, v0  }
0x217: {  	v37 =	vld [tilespmem:$0x6D20];
	v7 =	vmul.f32 v33, v0  }
0x218: {  	v38 =	vmul.f32 v32, v29;
	v0 =	vmul.f32 v34, v0;
	v2 =	vsub.f32 v5, v2  }
0x219: {  	v42 =	vld [tilespmem:$0x5E20];
	v39 =	vmul.f32 v35, v29;
	v3 =	vsub.f32 v7, v3  }
0x21a: {  	v43 =	vld [tilespmem:$0x65A0];
	v1 =	vmul.f32 v36, v29;
	v0 =	vsub.f32 v0, v30;
	v2 =	vadd.f32 v38, v2  }
0x21b: {  	v44 =	vld [tilespmem:$0x60A0];
	v3 =	vadd.f32 v39, v3  }
0x21c: {  	v46 =	vld [tilespmem:$0x6820];
	v0 =	vadd.f32 v1, v0;
	[tilespmem:$0x6F90] =	vst v2  }
0x21d: {  	v47 =	vld [tilespmem:$0x6AA0];
	[tilespmem:$0x7210] =	vst v3  }
0x21e: {  	v45 =	vld [tilespmem:$0x6320];
	[tilespmem:$0x7490] =	vst v0  }
0x21f: {  	v0 =	vld.idx.msk [tilespmem:v37+s22+$0x0], $0xffff  }
0x220: {  	v40 =	vld.idx.msk [tilespmem:v37+s23+$0x0], $0xffff  }
0x221: {  	v2 =	vld.idx.msk [tilespmem:v37+s24+$0x0], $0xffff  }
0x222: {  	v3 =	vld.idx.msk [tilespmem:v37+s25+$0x0], $0xffff  }
0x223: {  	v41 =	vld.idx.msk [tilespmem:v37+s26+$0x0], $0xffff  }
0x224: {  	v5 =	vmul.f32 v42, v0  }
0x225: {  	v48 =	vld [tilespmem:$0x6D30];
	v7 =	vmul.f32 v44, v0  }
0x226: {  	v49 =	vmul.f32 v43, v40;
	v0 =	vmul.f32 v45, v0;
	v2 =	vsub.f32 v5, v2  }
0x227: {  	v53 =	vld [tilespmem:$0x5E30];
	v50 =	vmul.f32 v46, v40;
	v3 =	vsub.f32 v7, v3  }
0x228: {  	v54 =	vld [tilespmem:$0x65B0];
	v1 =	vmul.f32 v47, v40;
	v0 =	vsub.f32 v0, v41;
	v2 =	vadd.f32 v49, v2  }
0x229: {  	v55 =	vld [tilespmem:$0x60B0];
	v3 =	vadd.f32 v50, v3  }
0x22a: {  	v57 =	vld [tilespmem:$0x6830];
	v0 =	vadd.f32 v1, v0;
	[tilespmem:$0x6FA0] =	vst v2  }
0x22b: {  	v58 =	vld [tilespmem:$0x6AB0];
	[tilespmem:$0x7220] =	vst v3  }
0x22c: {  	v56 =	vld [tilespmem:$0x6330];
	[tilespmem:$0x74A0] =	vst v0  }
0x22d: {  	v0 =	vld.idx.msk [tilespmem:v48+s22+$0x0], $0xffff  }
0x22e: {  	v51 =	vld.idx.msk [tilespmem:v48+s23+$0x0], $0xffff  }
0x22f: {  	v2 =	vld.idx.msk [tilespmem:v48+s24+$0x0], $0xffff  }
0x230: {  	v3 =	vld.idx.msk [tilespmem:v48+s25+$0x0], $0xffff  }
0x231: {  	v52 =	vld.idx.msk [tilespmem:v48+s26+$0x0], $0xffff  }
0x232: {  	v5 =	vmul.f32 v53, v0  }
0x233: {  	v59 =	vld [tilespmem:$0x6D40];
	v7 =	vmul.f32 v55, v0  }
0x234: {  	v60 =	vmul.f32 v54, v51;
	v0 =	vmul.f32 v56, v0;
	v2 =	vsub.f32 v5, v2  }
0x235: {  	v12 =	vld [tilespmem:$0x5E40];
	v61 =	vmul.f32 v57, v51;
	v3 =	vsub.f32 v7, v3  }
0x236: {  	v13 =	vld [tilespmem:$0x65C0];
	v1 =	vmul.f32 v58, v51;
	v0 =	vsub.f32 v0, v52;
	v2 =	vadd.f32 v60, v2  }
0x237: {  	v14 =	vld [tilespmem:$0x60C0];
	v3 =	vadd.f32 v61, v3  }
0x238: {  	v16 =	vld [tilespmem:$0x6840];
	v0 =	vadd.f32 v1, v0;
	[tilespmem:$0x6FB0] =	vst v2  }
0x239: {  	v17 =	vld [tilespmem:$0x6AC0];
	[tilespmem:$0x7230] =	vst v3  }
0x23a: {  	v15 =	vld [tilespmem:$0x6340];
	[tilespmem:$0x74B0] =	vst v0  }
0x23b: {  	v0 =	vld.idx.msk [tilespmem:v59+s22+$0x0], $0xffff  }
0x23c: {  	v62 =	vld.idx.msk [tilespmem:v59+s23+$0x0], $0xffff  }
0x23d: {  	v2 =	vld.idx.msk [tilespmem:v59+s24+$0x0], $0xffff  }
0x23e: {  	v3 =	vld.idx.msk [tilespmem:v59+s25+$0x0], $0xffff  }
0x23f: {  	v63 =	vld.idx.msk [tilespmem:v59+s26+$0x0], $0xffff  }
0x240: {  	v5 =	vmul.f32 v12, v0  }
0x241: {  	v18 =	vld [tilespmem:$0x6D50];
	v7 =	vmul.f32 v14, v0  }
0x242: {  	v19 =	vmul.f32 v13, v62;
	v0 =	vmul.f32 v15, v0;
	v2 =	vsub.f32 v5, v2  }
0x243: {  	v23 =	vld [tilespmem:$0x5E50];
	v20 =	vmul.f32 v16, v62;
	v3 =	vsub.f32 v7, v3  }
0x244: {  	v24 =	vld [tilespmem:$0x65D0];
	v1 =	vmul.f32 v17, v62;
	v0 =	vsub.f32 v0, v63;
	v2 =	vadd.f32 v19, v2  }
0x245: {  	v25 =	vld [tilespmem:$0x60D0];
	v3 =	vadd.f32 v20, v3  }
0x246: {  	v27 =	vld [tilespmem:$0x6850];
	v0 =	vadd.f32 v1, v0;
	[tilespmem:$0x6FC0] =	vst v2  }
0x247: {  	v28 =	vld [tilespmem:$0x6AD0];
	[tilespmem:$0x7240] =	vst v3  }
0x248: {  	v26 =	vld [tilespmem:$0x6350];
	[tilespmem:$0x74C0] =	vst v0  }
0x249: {  	v0 =	vld.idx.msk [tilespmem:v18+s22+$0x0], $0xffff  }
0x24a: {  	v21 =	vld.idx.msk [tilespmem:v18+s23+$0x0], $0xffff  }
0x24b: {  	v2 =	vld.idx.msk [tilespmem:v18+s24+$0x0], $0xffff  }
0x24c: {  	v3 =	vld.idx.msk [tilespmem:v18+s25+$0x0], $0xffff  }
0x24d: {  	v22 =	vld.idx.msk [tilespmem:v18+s26+$0x0], $0xffff  }
0x24e: {  	v5 =	vmul.f32 v23, v0  }
0x24f: {  	v29 =	vld [tilespmem:$0x6D60];
	v7 =	vmul.f32 v25, v0  }
0x250: {  	v30 =	vmul.f32 v24, v21;
	v0 =	vmul.f32 v26, v0;
	v2 =	vsub.f32 v5, v2  }
0x251: {  	v34 =	vld [tilespmem:$0x5E60];
	v31 =	vmul.f32 v27, v21;
	v3 =	vsub.f32 v7, v3  }
0x252: {  	v35 =	vld [tilespmem:$0x65E0];
	v1 =	vmul.f32 v28, v21;
	v0 =	vsub.f32 v0, v22;
	v2 =	vadd.f32 v30, v2  }
0x253: {  	v36 =	vld [tilespmem:$0x60E0];
	v3 =	vadd.f32 v31, v3  }
0x254: {  	v38 =	vld [tilespmem:$0x6860];
	v0 =	vadd.f32 v1, v0;
	[tilespmem:$0x6FD0] =	vst v2  }
0x255: {  	v39 =	vld [tilespmem:$0x6AE0];
	[tilespmem:$0x7250] =	vst v3  }
0x256: {  	v37 =	vld [tilespmem:$0x6360];
	[tilespmem:$0x74D0] =	vst v0  }
0x257: {  	v0 =	vld.idx.msk [tilespmem:v29+s22+$0x0], $0xffff  }
0x258: {  	v32 =	vld.idx.msk [tilespmem:v29+s23+$0x0], $0xffff  }
0x259: {  	v2 =	vld.idx.msk [tilespmem:v29+s24+$0x0], $0xffff  }
0x25a: {  	v3 =	vld.idx.msk [tilespmem:v29+s25+$0x0], $0xffff  }
0x25b: {  	v33 =	vld.idx.msk [tilespmem:v29+s26+$0x0], $0xffff  }
0x25c: {  	v5 =	vmul.f32 v34, v0  }
0x25d: {  	v40 =	vld [tilespmem:$0x6D70];
	v7 =	vmul.f32 v36, v0  }
0x25e: {  	v41 =	vmul.f32 v35, v32;
	v0 =	vmul.f32 v37, v0;
	v2 =	vsub.f32 v5, v2  }
0x25f: {  	v45 =	vld [tilespmem:$0x5E70];
	v42 =	vmul.f32 v38, v32;
	v3 =	vsub.f32 v7, v3  }
0x260: {  	v46 =	vld [tilespmem:$0x65F0];
	v1 =	vmul.f32 v39, v32;
	v0 =	vsub.f32 v0, v33;
	v2 =	vadd.f32 v41, v2  }
0x261: {  	v47 =	vld [tilespmem:$0x60F0];
	v3 =	vadd.f32 v42, v3  }
0x262: {  	v49 =	vld [tilespmem:$0x6870];
	v0 =	vadd.f32 v1, v0;
	[tilespmem:$0x6FE0] =	vst v2  }
0x263: {  	v50 =	vld [tilespmem:$0x6AF0];
	[tilespmem:$0x7260] =	vst v3  }
0x264: {  	v48 =	vld [tilespmem:$0x6370];
	[tilespmem:$0x74E0] =	vst v0  }
0x265: {  	v0 =	vld.idx.msk [tilespmem:v40+s22+$0x0], $0xffff  }
0x266: {  	v43 =	vld.idx.msk [tilespmem:v40+s23+$0x0], $0xffff  }
0x267: {  	v2 =	vld.idx.msk [tilespmem:v40+s24+$0x0], $0xffff  }
0x268: {  	v3 =	vld.idx.msk [tilespmem:v40+s25+$0x0], $0xffff  }
0x269: {  	v44 =	vld.idx.msk [tilespmem:v40+s26+$0x0], $0xffff  }
0x26a: {  	v5 =	vmul.f32 v45, v0  }
0x26b: {  	v51 =	vld [tilespmem:$0x6D80];
	v7 =	vmul.f32 v47, v0  }
0x26c: {  	v52 =	vmul.f32 v46, v43;
	v0 =	vmul.f32 v48, v0;
	v2 =	vsub.f32 v5, v2  }
0x26d: {  	v56 =	vld [tilespmem:$0x5E80];
	v53 =	vmul.f32 v49, v43;
	v3 =	vsub.f32 v7, v3  }
0x26e: {  	v57 =	vld [tilespmem:$0x6600];
	v1 =	vmul.f32 v50, v43;
	v0 =	vsub.f32 v0, v44;
	v2 =	vadd.f32 v52, v2  }
0x26f: {  	v58 =	vld [tilespmem:$0x6100];
	v3 =	vadd.f32 v53, v3  }
0x270: {  	v60 =	vld [tilespmem:$0x6880];
	v0 =	vadd.f32 v1, v0;
	[tilespmem:$0x6FF0] =	vst v2  }
0x271: {  	v61 =	vld [tilespmem:$0x6B00];
	[tilespmem:$0x7270] =	vst v3  }
0x272: {  	v59 =	vld [tilespmem:$0x6380];
	[tilespmem:$0x74F0] =	vst v0  }
0x273: {  	v0 =	vld.idx.msk [tilespmem:v51+s22+$0x0], $0xffff  }
0x274: {  	v54 =	vld.idx.msk [tilespmem:v51+s23+$0x0], $0xffff  }
0x275: {  	v2 =	vld.idx.msk [tilespmem:v51+s24+$0x0], $0xffff  }
0x276: {  	v3 =	vld.idx.msk [tilespmem:v51+s25+$0x0], $0xffff  }
0x277: {  	v55 =	vld.idx.msk [tilespmem:v51+s26+$0x0], $0xffff  }
0x278: {  	v5 =	vmul.f32 v56, v0  }
0x279: {  	v62 =	vld [tilespmem:$0x6D90];
	v7 =	vmul.f32 v58, v0  }
0x27a: {  	v63 =	vmul.f32 v57, v54;
	v0 =	vmul.f32 v59, v0;
	v2 =	vsub.f32 v5, v2  }
0x27b: {  	v14 =	vld [tilespmem:$0x5E90];
	v9 =	vmul.f32 v60, v54;
	v3 =	vsub.f32 v7, v3  }
0x27c: {  	v15 =	vld [tilespmem:$0x6610];
	v1 =	vmul.f32 v61, v54;
	v0 =	vsub.f32 v0, v55;
	v2 =	vadd.f32 v63, v2  }
0x27d: {  	v16 =	vld [tilespmem:$0x6110];
	v3 =	vadd.f32 v9, v3  }
0x27e: {  	v17 =	vld [tilespmem:$0x6390];
	v0 =	vadd.f32 v1, v0;
	[tilespmem:$0x7000] =	vst v2  }
0x27f: {  	v19 =	vld [tilespmem:$0x6B10];
	[tilespmem:$0x7280] =	vst v3  }
0x280: {  	v18 =	vld [tilespmem:$0x6890];
	[tilespmem:$0x7500] =	vst v0  }
0x281: {  	v0 =	vld.idx.msk [tilespmem:v62+s22+$0x0], $0xffff  }
0x282: {  	v12 =	vld.idx.msk [tilespmem:v62+s23+$0x0], $0xffff  }
0x283: {  	v2 =	vld.idx.msk [tilespmem:v62+s24+$0x0], $0xffff  }
0x284: {  	v3 =	vld.idx.msk [tilespmem:v62+s25+$0x0], $0xffff  }
0x285: {  	v13 =	vld.idx.msk [tilespmem:v62+s26+$0x0], $0xffff  }
0x286: {  	v5 =	vmul.f32 v14, v0  }
0x287: {  	v20 =	vld [tilespmem:$0x6DA0];
	v7 =	vmul.f32 v16, v0  }
0x288: {  	v21 =	vmul.f32 v15, v12;
	v0 =	vmul.f32 v17, v0;
	v2 =	vsub.f32 v5, v2  }
0x289: {  	v25 =	vld [tilespmem:$0x5EA0];
	v22 =	vmul.f32 v18, v12;
	v3 =	vsub.f32 v7, v3  }
0x28a: {  	v26 =	vld [tilespmem:$0x6620];
	v1 =	vmul.f32 v19, v12;
	v0 =	vsub.f32 v0, v13;
	v2 =	vadd.f32 v21, v2  }
0x28b: {  	v27 =	vld [tilespmem:$0x6120];
	v3 =	vadd.f32 v22, v3  }
0x28c: {  	v28 =	vld [tilespmem:$0x63A0];
	v0 =	vadd.f32 v1, v0;
	[tilespmem:$0x7010] =	vst v2  }
0x28d: {  	v30 =	vld [tilespmem:$0x6B20];
	[tilespmem:$0x7290] =	vst v3  }
0x28e: {  	v29 =	vld [tilespmem:$0x68A0];
	[tilespmem:$0x7510] =	vst v0  }
0x28f: {  	v0 =	vld.idx.msk [tilespmem:v20+s22+$0x0], $0xffff  }
0x290: {  	v23 =	vld.idx.msk [tilespmem:v20+s23+$0x0], $0xffff  }
0x291: {  	v2 =	vld.idx.msk [tilespmem:v20+s24+$0x0], $0xffff  }
0x292: {  	v3 =	vld.idx.msk [tilespmem:v20+s25+$0x0], $0xffff  }
0x293: {  	v24 =	vld.idx.msk [tilespmem:v20+s26+$0x0], $0xffff  }
0x294: {  	v5 =	vmul.f32 v25, v0  }
0x295: {  	v31 =	vld [tilespmem:$0x6DB0];
	v7 =	vmul.f32 v27, v0  }
0x296: {  	v32 =	vmul.f32 v26, v23;
	v0 =	vmul.f32 v28, v0;
	v2 =	vsub.f32 v5, v2  }
0x297: {  	v36 =	vld [tilespmem:$0x5EB0];
	v33 =	vmul.f32 v29, v23;
	v3 =	vsub.f32 v7, v3  }
0x298: {  	v37 =	vld [tilespmem:$0x6630];
	v1 =	vmul.f32 v30, v23;
	v0 =	vsub.f32 v0, v24;
	v2 =	vadd.f32 v32, v2  }
0x299: {  	v38 =	vld [tilespmem:$0x6130];
	v3 =	vadd.f32 v33, v3  }
0x29a: {  	v39 =	vld [tilespmem:$0x63B0];
	v0 =	vadd.f32 v1, v0;
	[tilespmem:$0x7020] =	vst v2  }
0x29b: {  	v41 =	vld [tilespmem:$0x6B30];
	[tilespmem:$0x72A0] =	vst v3  }
0x29c: {  	v40 =	vld [tilespmem:$0x68B0];
	[tilespmem:$0x7520] =	vst v0  }
0x29d: {  	v0 =	vld.idx.msk [tilespmem:v31+s22+$0x0], $0xffff  }
0x29e: {  	v34 =	vld.idx.msk [tilespmem:v31+s23+$0x0], $0xffff  }
0x29f: {  	v2 =	vld.idx.msk [tilespmem:v31+s24+$0x0], $0xffff  }
0x2a0: {  	v3 =	vld.idx.msk [tilespmem:v31+s25+$0x0], $0xffff  }
0x2a1: {  	v35 =	vld.idx.msk [tilespmem:v31+s26+$0x0], $0xffff  }
0x2a2: {  	v5 =	vmul.f32 v36, v0  }
0x2a3: {  	v42 =	vld [tilespmem:$0x6DC0];
	v7 =	vmul.f32 v38, v0  }
0x2a4: {  	v43 =	vmul.f32 v37, v34;
	v0 =	vmul.f32 v39, v0;
	v2 =	vsub.f32 v5, v2  }
0x2a5: {  	v47 =	vld [tilespmem:$0x5EC0];
	v44 =	vmul.f32 v40, v34;
	v3 =	vsub.f32 v7, v3  }
0x2a6: {  	v48 =	vld [tilespmem:$0x6640];
	v1 =	vmul.f32 v41, v34;
	v0 =	vsub.f32 v0, v35;
	v2 =	vadd.f32 v43, v2  }
0x2a7: {  	v49 =	vld [tilespmem:$0x6140];
	v3 =	vadd.f32 v44, v3  }
0x2a8: {  	v50 =	vld [tilespmem:$0x63C0];
	v0 =	vadd.f32 v1, v0;
	[tilespmem:$0x7030] =	vst v2  }
0x2a9: {  	v52 =	vld [tilespmem:$0x6B40];
	[tilespmem:$0x72B0] =	vst v3  }
0x2aa: {  	v51 =	vld [tilespmem:$0x68C0];
	[tilespmem:$0x7530] =	vst v0  }
0x2ab: {  	v0 =	vld.idx.msk [tilespmem:v42+s22+$0x0], $0xffff  }
0x2ac: {  	v45 =	vld.idx.msk [tilespmem:v42+s23+$0x0], $0xffff  }
0x2ad: {  	v2 =	vld.idx.msk [tilespmem:v42+s24+$0x0], $0xffff  }
0x2ae: {  	v3 =	vld.idx.msk [tilespmem:v42+s25+$0x0], $0xffff  }
0x2af: {  	v46 =	vld.idx.msk [tilespmem:v42+s26+$0x0], $0xffff  }
0x2b0: {  	v5 =	vmul.f32 v47, v0  }
0x2b1: {  	v53 =	vld [tilespmem:$0x6DD0];
	v7 =	vmul.f32 v49, v0  }
0x2b2: {  	v54 =	vmul.f32 v48, v45;
	v0 =	vmul.f32 v50, v0;
	v2 =	vsub.f32 v5, v2  }
0x2b3: {  	v58 =	vld [tilespmem:$0x5ED0];
	v55 =	vmul.f32 v51, v45;
	v3 =	vsub.f32 v7, v3  }
0x2b4: {  	v59 =	vld [tilespmem:$0x6650];
	v1 =	vmul.f32 v52, v45;
	v0 =	vsub.f32 v0, v46;
	v2 =	vadd.f32 v54, v2  }
0x2b5: {  	v60 =	vld [tilespmem:$0x6150];
	v3 =	vadd.f32 v55, v3  }
0x2b6: {  	v61 =	vld [tilespmem:$0x63D0];
	v0 =	vadd.f32 v1, v0;
	[tilespmem:$0x7040] =	vst v2  }
0x2b7: {  	v63 =	vld [tilespmem:$0x6B50];
	[tilespmem:$0x72C0] =	vst v3  }
0x2b8: {  	v62 =	vld [tilespmem:$0x68D0];
	[tilespmem:$0x7540] =	vst v0  }
0x2b9: {  	v0 =	vld.idx.msk [tilespmem:v53+s22+$0x0], $0xffff  }
0x2ba: {  	v56 =	vld.idx.msk [tilespmem:v53+s23+$0x0], $0xffff  }
0x2bb: {  	v2 =	vld.idx.msk [tilespmem:v53+s24+$0x0], $0xffff  }
0x2bc: {  	v3 =	vld.idx.msk [tilespmem:v53+s25+$0x0], $0xffff  }
0x2bd: {  	v57 =	vld.idx.msk [tilespmem:v53+s26+$0x0], $0xffff  }
0x2be: {  	v5 =	vmul.f32 v58, v0  }
0x2bf: {  	v12 =	vld [tilespmem:$0x6DE0];
	v7 =	vmul.f32 v60, v0  }
0x2c0: {  	v13 =	vmul.f32 v59, v56;
	v0 =	vmul.f32 v61, v0;
	v2 =	vsub.f32 v5, v2  }
0x2c1: {  	v17 =	vld [tilespmem:$0x5EE0];
	v14 =	vmul.f32 v62, v56;
	v3 =	vsub.f32 v7, v3  }
0x2c2: {  	v18 =	vld [tilespmem:$0x6660];
	v1 =	vmul.f32 v63, v56;
	v0 =	vsub.f32 v0, v57;
	v2 =	vadd.f32 v13, v2  }
0x2c3: {  	v19 =	vld [tilespmem:$0x6160];
	v3 =	vadd.f32 v14, v3  }
0x2c4: {  	v21 =	vld [tilespmem:$0x68E0];
	v0 =	vadd.f32 v1, v0;
	[tilespmem:$0x7050] =	vst v2  }
0x2c5: {  	v22 =	vld [tilespmem:$0x6B60];
	[tilespmem:$0x72D0] =	vst v3  }
0x2c6: {  	v20 =	vld [tilespmem:$0x63E0];
	[tilespmem:$0x7550] =	vst v0  }
0x2c7: {  	v0 =	vld.idx.msk [tilespmem:v12+s22+$0x0], $0xffff  }
0x2c8: {  	v15 =	vld.idx.msk [tilespmem:v12+s23+$0x0], $0xffff  }
0x2c9: {  	v2 =	vld.idx.msk [tilespmem:v12+s24+$0x0], $0xffff  }
0x2ca: {  	v3 =	vld.idx.msk [tilespmem:v12+s25+$0x0], $0xffff  }
0x2cb: {  	v16 =	vld.idx.msk [tilespmem:v12+s26+$0x0], $0xffff  }
0x2cc: {  	v5 =	vmul.f32 v17, v0  }
0x2cd: {  	v23 =	vld [tilespmem:$0x6DF0];
	v7 =	vmul.f32 v19, v0  }
0x2ce: {  	v24 =	vmul.f32 v18, v15;
	v0 =	vmul.f32 v20, v0;
	v2 =	vsub.f32 v5, v2  }
0x2cf: {  	v28 =	vld [tilespmem:$0x5EF0];
	v25 =	vmul.f32 v21, v15;
	v3 =	vsub.f32 v7, v3  }
0x2d0: {  	v29 =	vld [tilespmem:$0x6670];
	v1 =	vmul.f32 v22, v15;
	v0 =	vsub.f32 v0, v16;
	v2 =	vadd.f32 v24, v2  }
0x2d1: {  	v30 =	vld [tilespmem:$0x6170];
	v3 =	vadd.f32 v25, v3  }
0x2d2: {  	v32 =	vld [tilespmem:$0x68F0];
	v0 =	vadd.f32 v1, v0;
	[tilespmem:$0x7060] =	vst v2  }
0x2d3: {  	v33 =	vld [tilespmem:$0x6B70];
	[tilespmem:$0x72E0] =	vst v3  }
0x2d4: {  	v31 =	vld [tilespmem:$0x63F0];
	[tilespmem:$0x7560] =	vst v0  }
0x2d5: {  	v0 =	vld.idx.msk [tilespmem:v23+s22+$0x0], $0xffff  }
0x2d6: {  	v26 =	vld.idx.msk [tilespmem:v23+s23+$0x0], $0xffff  }
0x2d7: {  	v2 =	vld.idx.msk [tilespmem:v23+s24+$0x0], $0xffff  }
0x2d8: {  	v3 =	vld.idx.msk [tilespmem:v23+s25+$0x0], $0xffff  }
0x2d9: {  	v27 =	vld.idx.msk [tilespmem:v23+s26+$0x0], $0xffff  }
0x2da: {  	v5 =	vmul.f32 v28, v0  }
0x2db: {  	v34 =	vld [tilespmem:$0x6E00];
	v7 =	vmul.f32 v30, v0  }
0x2dc: {  	v35 =	vmul.f32 v29, v26;
	v0 =	vmul.f32 v31, v0;
	v2 =	vsub.f32 v5, v2  }
0x2dd: {  	v39 =	vld [tilespmem:$0x5F00];
	v36 =	vmul.f32 v32, v26;
	v3 =	vsub.f32 v7, v3  }
0x2de: {  	v40 =	vld [tilespmem:$0x6680];
	v1 =	vmul.f32 v33, v26;
	v0 =	vsub.f32 v0, v27;
	v2 =	vadd.f32 v35, v2  }
0x2df: {  	v41 =	vld [tilespmem:$0x6180];
	v3 =	vadd.f32 v36, v3  }
0x2e0: {  	v43 =	vld [tilespmem:$0x6900];
	v0 =	vadd.f32 v1, v0;
	[tilespmem:$0x7070] =	vst v2  }
0x2e1: {  	v44 =	vld [tilespmem:$0x6B80];
	[tilespmem:$0x72F0] =	vst v3  }
0x2e2: {  	v42 =	vld [tilespmem:$0x6400];
	[tilespmem:$0x7570] =	vst v0  }
0x2e3: {  	v0 =	vld.idx.msk [tilespmem:v34+s22+$0x0], $0xffff  }
0x2e4: {  	v37 =	vld.idx.msk [tilespmem:v34+s23+$0x0], $0xffff  }
0x2e5: {  	v2 =	vld.idx.msk [tilespmem:v34+s24+$0x0], $0xffff  }
0x2e6: {  	v3 =	vld.idx.msk [tilespmem:v34+s25+$0x0], $0xffff  }
0x2e7: {  	v38 =	vld.idx.msk [tilespmem:v34+s26+$0x0], $0xffff  }
0x2e8: {  	v5 =	vmul.f32 v39, v0  }
0x2e9: {  	v45 =	vld [tilespmem:$0x6E10];
	v7 =	vmul.f32 v41, v0  }
0x2ea: {  	v46 =	vmul.f32 v40, v37;
	v0 =	vmul.f32 v42, v0;
	v2 =	vsub.f32 v5, v2  }
0x2eb: {  	v50 =	vld [tilespmem:$0x5F10];
	v47 =	vmul.f32 v43, v37;
	v3 =	vsub.f32 v7, v3  }
0x2ec: {  	v51 =	vld [tilespmem:$0x6690];
	v1 =	vmul.f32 v44, v37;
	v0 =	vsub.f32 v0, v38;
	v2 =	vadd.f32 v46, v2  }
0x2ed: {  	v52 =	vld [tilespmem:$0x6190];
	v3 =	vadd.f32 v47, v3  }
0x2ee: {  	v54 =	vld [tilespmem:$0x6910];
	v0 =	vadd.f32 v1, v0;
	[tilespmem:$0x7080] =	vst v2  }
0x2ef: {  	v55 =	vld [tilespmem:$0x6B90];
	[tilespmem:$0x7300] =	vst v3  }
0x2f0: {  	v53 =	vld [tilespmem:$0x6410];
	[tilespmem:$0x7580] =	vst v0  }
0x2f1: {  	v0 =	vld.idx.msk [tilespmem:v45+s22+$0x0], $0xffff  }
0x2f2: {  	v48 =	vld.idx.msk [tilespmem:v45+s23+$0x0], $0xffff  }
0x2f3: {  	v2 =	vld.idx.msk [tilespmem:v45+s24+$0x0], $0xffff  }
0x2f4: {  	v3 =	vld.idx.msk [tilespmem:v45+s25+$0x0], $0xffff  }
0x2f5: {  	v49 =	vld.idx.msk [tilespmem:v45+s26+$0x0], $0xffff  }
0x2f6: {  	v5 =	vmul.f32 v50, v0  }
0x2f7: {  	v56 =	vld [tilespmem:$0x6E20];
	v7 =	vmul.f32 v52, v0  }
0x2f8: {  	v57 =	vmul.f32 v51, v48;
	v0 =	vmul.f32 v53, v0;
	v2 =	vsub.f32 v5, v2  }
0x2f9: {  	v61 =	vld [tilespmem:$0x5F20];
	v58 =	vmul.f32 v54, v48;
	v3 =	vsub.f32 v7, v3  }
0x2fa: {  	v62 =	vld [tilespmem:$0x66A0];
	v1 =	vmul.f32 v55, v48;
	v0 =	vsub.f32 v0, v49;
	v2 =	vadd.f32 v57, v2  }
0x2fb: {  	v63 =	vld [tilespmem:$0x61A0];
	v3 =	vadd.f32 v58, v3  }
0x2fc: {  	v13 =	vld [tilespmem:$0x6920];
	v0 =	vadd.f32 v1, v0;
	[tilespmem:$0x7090] =	vst v2  }
0x2fd: {  	v14 =	vld [tilespmem:$0x6BA0];
	[tilespmem:$0x7310] =	vst v3  }
0x2fe: {  	v12 =	vld [tilespmem:$0x6420];
	[tilespmem:$0x7590] =	vst v0  }
0x2ff: {  	v0 =	vld.idx.msk [tilespmem:v56+s22+$0x0], $0xffff  }
0x300: {  	v59 =	vld.idx.msk [tilespmem:v56+s23+$0x0], $0xffff  }
0x301: {  	v2 =	vld.idx.msk [tilespmem:v56+s24+$0x0], $0xffff  }
0x302: {  	v3 =	vld.idx.msk [tilespmem:v56+s25+$0x0], $0xffff  }
0x303: {  	v60 =	vld.idx.msk [tilespmem:v56+s26+$0x0], $0xffff  }
0x304: {  	v5 =	vmul.f32 v61, v0  }
0x305: {  	v15 =	vld [tilespmem:$0x6E30];
	v7 =	vmul.f32 v63, v0  }
0x306: {  	v16 =	vmul.f32 v62, v59;
	v0 =	vmul.f32 v12, v0;
	v2 =	vsub.f32 v5, v2  }
0x307: {  	v20 =	vld [tilespmem:$0x5F30];
	v17 =	vmul.f32 v13, v59;
	v3 =	vsub.f32 v7, v3  }
0x308: {  	v21 =	vld [tilespmem:$0x66B0];
	v1 =	vmul.f32 v14, v59;
	v0 =	vsub.f32 v0, v60;
	v2 =	vadd.f32 v16, v2  }
0x309: {  	v22 =	vld [tilespmem:$0x61B0];
	v3 =	vadd.f32 v17, v3  }
0x30a: {  	v24 =	vld [tilespmem:$0x6930];
	v0 =	vadd.f32 v1, v0;
	[tilespmem:$0x70A0] =	vst v2  }
0x30b: {  	v25 =	vld [tilespmem:$0x6BB0];
	[tilespmem:$0x7320] =	vst v3  }
0x30c: {  	v23 =	vld [tilespmem:$0x6430];
	[tilespmem:$0x75A0] =	vst v0  }
0x30d: {  	v0 =	vld.idx.msk [tilespmem:v15+s22+$0x0], $0xffff  }
0x30e: {  	v18 =	vld.idx.msk [tilespmem:v15+s23+$0x0], $0xffff  }
0x30f: {  	v2 =	vld.idx.msk [tilespmem:v15+s24+$0x0], $0xffff  }
0x310: {  	v3 =	vld.idx.msk [tilespmem:v15+s25+$0x0], $0xffff  }
0x311: {  	v19 =	vld.idx.msk [tilespmem:v15+s26+$0x0], $0xffff  }
0x312: {  	v5 =	vmul.f32 v20, v0  }
0x313: {  	v26 =	vld [tilespmem:$0x6E40];
	v7 =	vmul.f32 v22, v0  }
0x314: {  	v27 =	vmul.f32 v21, v18;
	v0 =	vmul.f32 v23, v0;
	v2 =	vsub.f32 v5, v2  }
0x315: {  	v31 =	vld [tilespmem:$0x5F40];
	v28 =	vmul.f32 v24, v18;
	v3 =	vsub.f32 v7, v3  }
0x316: {  	v32 =	vld [tilespmem:$0x66C0];
	v1 =	vmul.f32 v25, v18;
	v0 =	vsub.f32 v0, v19;
	v2 =	vadd.f32 v27, v2  }
0x317: {  	v33 =	vld [tilespmem:$0x61C0];
	v3 =	vadd.f32 v28, v3  }
0x318: {  	v35 =	vld [tilespmem:$0x6940];
	v0 =	vadd.f32 v1, v0;
	[tilespmem:$0x70B0] =	vst v2  }
0x319: {  	v36 =	vld [tilespmem:$0x6BC0];
	[tilespmem:$0x7330] =	vst v3  }
0x31a: {  	v34 =	vld [tilespmem:$0x6440];
	[tilespmem:$0x75B0] =	vst v0  }
0x31b: {  	v0 =	vld.idx.msk [tilespmem:v26+s22+$0x0], $0xffff  }
0x31c: {  	v29 =	vld.idx.msk [tilespmem:v26+s23+$0x0], $0xffff  }
0x31d: {  	v2 =	vld.idx.msk [tilespmem:v26+s24+$0x0], $0xffff  }
0x31e: {  	v3 =	vld.idx.msk [tilespmem:v26+s25+$0x0], $0xffff  }
0x31f: {  	v30 =	vld.idx.msk [tilespmem:v26+s26+$0x0], $0xffff  }
0x320: {  	v5 =	vmul.f32 v31, v0  }
0x321: {  	v37 =	vld [tilespmem:$0x6E50];
	v7 =	vmul.f32 v33, v0  }
0x322: {  	v38 =	vmul.f32 v32, v29;
	v0 =	vmul.f32 v34, v0;
	v2 =	vsub.f32 v5, v2  }
0x323: {  	v42 =	vld [tilespmem:$0x5F50];
	v39 =	vmul.f32 v35, v29;
	v3 =	vsub.f32 v7, v3  }
0x324: {  	v43 =	vld [tilespmem:$0x66D0];
	v1 =	vmul.f32 v36, v29;
	v0 =	vsub.f32 v0, v30;
	v2 =	vadd.f32 v38, v2  }
0x325: {  	v44 =	vld [tilespmem:$0x61D0];
	v3 =	vadd.f32 v39, v3  }
0x326: {  	v46 =	vld [tilespmem:$0x6950];
	v0 =	vadd.f32 v1, v0;
	[tilespmem:$0x70C0] =	vst v2  }
0x327: {  	v47 =	vld [tilespmem:$0x6BD0];
	[tilespmem:$0x7340] =	vst v3  }
0x328: {  	v45 =	vld [tilespmem:$0x6450];
	[tilespmem:$0x75C0] =	vst v0  }
0x329: {  	v0 =	vld.idx.msk [tilespmem:v37+s22+$0x0], $0xffff  }
0x32a: {  	v40 =	vld.idx.msk [tilespmem:v37+s23+$0x0], $0xffff  }
0x32b: {  	v2 =	vld.idx.msk [tilespmem:v37+s24+$0x0], $0xffff  }
0x32c: {  	v3 =	vld.idx.msk [tilespmem:v37+s25+$0x0], $0xffff  }
0x32d: {  	v41 =	vld.idx.msk [tilespmem:v37+s26+$0x0], $0xffff  }
0x32e: {  	v5 =	vmul.f32 v42, v0  }
0x32f: {  	v48 =	vld [tilespmem:$0x6E60];
	v7 =	vmul.f32 v44, v0  }
0x330: {  	v49 =	vmul.f32 v43, v40;
	v0 =	vmul.f32 v45, v0;
	v2 =	vsub.f32 v5, v2  }
0x331: {  	v53 =	vld [tilespmem:$0x5F60];
	v50 =	vmul.f32 v46, v40;
	v3 =	vsub.f32 v7, v3  }
0x332: {  	v54 =	vld [tilespmem:$0x66E0];
	v1 =	vmul.f32 v47, v40;
	v0 =	vsub.f32 v0, v41;
	v2 =	vadd.f32 v49, v2  }
0x333: {  	v55 =	vld [tilespmem:$0x61E0];
	v3 =	vadd.f32 v50, v3  }
0x334: {  	v57 =	vld [tilespmem:$0x6960];
	v0 =	vadd.f32 v1, v0;
	[tilespmem:$0x70D0] =	vst v2  }
0x335: {  	v58 =	vld [tilespmem:$0x6BE0];
	[tilespmem:$0x7350] =	vst v3  }
0x336: {  	v56 =	vld [tilespmem:$0x6460];
	[tilespmem:$0x75D0] =	vst v0  }
0x337: {  	v0 =	vld.idx.msk [tilespmem:v48+s22+$0x0], $0xffff  }
0x338: {  	v51 =	vld.idx.msk [tilespmem:v48+s23+$0x0], $0xffff  }
0x339: {  	v2 =	vld.idx.msk [tilespmem:v48+s24+$0x0], $0xffff  }
0x33a: {  	v3 =	vld.idx.msk [tilespmem:v48+s25+$0x0], $0xffff  }
0x33b: {  	v52 =	vld.idx.msk [tilespmem:v48+s26+$0x0], $0xffff  }
0x33c: {  	v5 =	vmul.f32 v53, v0  }
0x33d: {  	v59 =	vld [tilespmem:$0x6E70];
	v7 =	vmul.f32 v55, v0  }
0x33e: {  	v60 =	vmul.f32 v54, v51;
	v0 =	vmul.f32 v56, v0;
	v2 =	vsub.f32 v5, v2  }
0x33f: {  	v12 =	vld [tilespmem:$0x5F70];
	v61 =	vmul.f32 v57, v51;
	v3 =	vsub.f32 v7, v3  }
0x340: {  	v13 =	vld [tilespmem:$0x66F0];
	v1 =	vmul.f32 v58, v51;
	v0 =	vsub.f32 v0, v52;
	v2 =	vadd.f32 v60, v2  }
0x341: {  	v14 =	vld [tilespmem:$0x61F0];
	v3 =	vadd.f32 v61, v3  }
0x342: {  	v16 =	vld [tilespmem:$0x6970];
	v0 =	vadd.f32 v1, v0;
	[tilespmem:$0x70E0] =	vst v2  }
0x343: {  	v17 =	vld [tilespmem:$0x6BF0];
	[tilespmem:$0x7360] =	vst v3  }
0x344: {  	v15 =	vld [tilespmem:$0x6470];
	[tilespmem:$0x75E0] =	vst v0  }
0x345: {  	v0 =	vld.idx.msk [tilespmem:v59+s22+$0x0], $0xffff  }
0x346: {  	v62 =	vld.idx.msk [tilespmem:v59+s23+$0x0], $0xffff  }
0x347: {  	v2 =	vld.idx.msk [tilespmem:v59+s24+$0x0], $0xffff  }
0x348: {  	v3 =	vld.idx.msk [tilespmem:v59+s25+$0x0], $0xffff  }
0x349: {  	v63 =	vld.idx.msk [tilespmem:v59+s26+$0x0], $0xffff  }
0x34a: {  	v5 =	vmul.f32 v12, v0  }
0x34b: {  	v18 =	vld [tilespmem:$0x6E80];
	v7 =	vmul.f32 v14, v0  }
0x34c: {  	v19 =	vmul.f32 v13, v62;
	v0 =	vmul.f32 v15, v0;
	v2 =	vsub.f32 v5, v2  }
0x34d: {  	v23 =	vld [tilespmem:$0x5F80];
	v20 =	vmul.f32 v16, v62;
	v3 =	vsub.f32 v7, v3  }
0x34e: {  	v24 =	vld [tilespmem:$0x6700];
	v1 =	vmul.f32 v17, v62;
	v0 =	vsub.f32 v0, v63;
	v2 =	vadd.f32 v19, v2  }
0x34f: {  	v25 =	vld [tilespmem:$0x6200];
	v3 =	vadd.f32 v20, v3  }
0x350: {  	v27 =	vld [tilespmem:$0x6980];
	v0 =	vadd.f32 v1, v0;
	[tilespmem:$0x70F0] =	vst v2  }
0x351: {  	v28 =	vld [tilespmem:$0x6C00];
	[tilespmem:$0x7370] =	vst v3  }
0x352: {  	v26 =	vld [tilespmem:$0x6480];
	[tilespmem:$0x75F0] =	vst v0  }
0x353: {  	v0 =	vld.idx.msk [tilespmem:v18+s22+$0x0], $0xffff  }
0x354: {  	v21 =	vld.idx.msk [tilespmem:v18+s23+$0x0], $0xffff  }
0x355: {  	v2 =	vld.idx.msk [tilespmem:v18+s24+$0x0], $0xffff  }
0x356: {  	v3 =	vld.idx.msk [tilespmem:v18+s25+$0x0], $0xffff  }
0x357: {  	v22 =	vld.idx.msk [tilespmem:v18+s26+$0x0], $0xffff  }
0x358: {  	v5 =	vmul.f32 v23, v0  }
0x359: {  	v29 =	vld [tilespmem:$0x6E90];
	v7 =	vmul.f32 v25, v0  }
0x35a: {  	v30 =	vmul.f32 v24, v21;
	v0 =	vmul.f32 v26, v0;
	v2 =	vsub.f32 v5, v2  }
0x35b: {  	v34 =	vld [tilespmem:$0x5F90];
	v31 =	vmul.f32 v27, v21;
	v3 =	vsub.f32 v7, v3  }
0x35c: {  	v35 =	vld [tilespmem:$0x6710];
	v1 =	vmul.f32 v28, v21;
	v0 =	vsub.f32 v0, v22;
	v2 =	vadd.f32 v30, v2  }
0x35d: {  	v36 =	vld [tilespmem:$0x6210];
	v3 =	vadd.f32 v31, v3  }
0x35e: {  	v38 =	vld [tilespmem:$0x6990];
	v0 =	vadd.f32 v1, v0;
	[tilespmem:$0x7100] =	vst v2  }
0x35f: {  	v39 =	vld [tilespmem:$0x6C10];
	[tilespmem:$0x7380] =	vst v3  }
0x360: {  	v37 =	vld [tilespmem:$0x6490];
	[tilespmem:$0x7600] =	vst v0  }
0x361: {  	v0 =	vld.idx.msk [tilespmem:v29+s22+$0x0], $0xffff  }
0x362: {  	v32 =	vld.idx.msk [tilespmem:v29+s23+$0x0], $0xffff  }
0x363: {  	v2 =	vld.idx.msk [tilespmem:v29+s24+$0x0], $0xffff  }
0x364: {  	v3 =	vld.idx.msk [tilespmem:v29+s25+$0x0], $0xffff  }
0x365: {  	v33 =	vld.idx.msk [tilespmem:v29+s26+$0x0], $0xffff  }
0x366: {  	v5 =	vmul.f32 v34, v0  }
0x367: {  	v40 =	vld [tilespmem:$0x6EA0];
	v7 =	vmul.f32 v36, v0  }
0x368: {  	v41 =	vmul.f32 v35, v32;
	v0 =	vmul.f32 v37, v0;
	v2 =	vsub.f32 v5, v2  }
0x369: {  	v45 =	vld [tilespmem:$0x5FA0];
	v42 =	vmul.f32 v38, v32;
	v3 =	vsub.f32 v7, v3  }
0x36a: {  	v46 =	vld [tilespmem:$0x6720];
	v1 =	vmul.f32 v39, v32;
	v0 =	vsub.f32 v0, v33;
	v2 =	vadd.f32 v41, v2  }
0x36b: {  	v47 =	vld [tilespmem:$0x6220];
	v3 =	vadd.f32 v42, v3  }
0x36c: {  	v49 =	vld [tilespmem:$0x69A0];
	v0 =	vadd.f32 v1, v0;
	[tilespmem:$0x7110] =	vst v2  }
0x36d: {  	v50 =	vld [tilespmem:$0x6C20];
	[tilespmem:$0x7390] =	vst v3  }
0x36e: {  	v48 =	vld [tilespmem:$0x64A0];
	[tilespmem:$0x7610] =	vst v0  }
0x36f: {  	v0 =	vld.idx.msk [tilespmem:v40+s22+$0x0], $0xffff  }
0x370: {  	v43 =	vld.idx.msk [tilespmem:v40+s23+$0x0], $0xffff  }
0x371: {  	v2 =	vld.idx.msk [tilespmem:v40+s24+$0x0], $0xffff  }
0x372: {  	v3 =	vld.idx.msk [tilespmem:v40+s25+$0x0], $0xffff  }
0x373: {  	v44 =	vld.idx.msk [tilespmem:v40+s26+$0x0], $0xffff  }
0x374: {  	v5 =	vmul.f32 v45, v0  }
0x375: {  	v51 =	vld [tilespmem:$0x6EB0];
	v7 =	vmul.f32 v47, v0  }
0x376: {  	v52 =	vmul.f32 v46, v43;
	v0 =	vmul.f32 v48, v0;
	v2 =	vsub.f32 v5, v2  }
0x377: {  	v56 =	vld [tilespmem:$0x5FB0];
	v53 =	vmul.f32 v49, v43;
	v3 =	vsub.f32 v7, v3  }
0x378: {  	v57 =	vld [tilespmem:$0x6730];
	v1 =	vmul.f32 v50, v43;
	v0 =	vsub.f32 v0, v44;
	v2 =	vadd.f32 v52, v2  }
0x379: {  	v58 =	vld [tilespmem:$0x6230];
	v3 =	vadd.f32 v53, v3  }
0x37a: {  	v60 =	vld [tilespmem:$0x69B0];
	v0 =	vadd.f32 v1, v0;
	[tilespmem:$0x7120] =	vst v2  }
0x37b: {  	v61 =	vld [tilespmem:$0x6C30];
	[tilespmem:$0x73A0] =	vst v3  }
0x37c: {  	v59 =	vld [tilespmem:$0x64B0];
	[tilespmem:$0x7620] =	vst v0  }
0x37d: {  	v0 =	vld.idx.msk [tilespmem:v51+s22+$0x0], $0xffff  }
0x37e: {  	v54 =	vld.idx.msk [tilespmem:v51+s23+$0x0], $0xffff  }
0x37f: {  	v2 =	vld.idx.msk [tilespmem:v51+s24+$0x0], $0xffff  }
0x380: {  	v3 =	vld.idx.msk [tilespmem:v51+s25+$0x0], $0xffff  }
0x381: {  	v55 =	vld.idx.msk [tilespmem:v51+s26+$0x0], $0xffff  }
0x382: {  	v5 =	vmul.f32 v56, v0  }
0x383: {  	v7 =	vmul.f32 v58, v0  }
0x384: {  	v0 =	vmul.f32 v59, v0;
	v62 =	vmul.f32 v57, v54;
	v2 =	vsub.f32 v5, v2  }
0x385: {  	v63 =	vmul.f32 v60, v54;
	v3 =	vsub.f32 v7, v3  }
0x386: {  	v1 =	vmul.f32 v61, v54;
	v0 =	vsub.f32 v0, v55;
	v2 =	vadd.f32 v62, v2  }
0x387: {  	v3 =	vadd.f32 v63, v3  }
0x388: {  	v0 =	vadd.f32 v1, v0;
	[tilespmem:$0x7130] =	vst v2  }
0x389: {  	s3 =	sadd.s32 $0x5000, s3;
	[tilespmem:$0x73B0] =	vst v3  }
0x38a: {  	s5 =	sadd.s32 s3, s5;
	s28 =	simm.s32 $0x6EC0;
	[tilespmem:$0x7630] =	vst v0  }
0x38b: {  	[hbm4b:s5+s2] =	stream.linear.scatter [tilespmem:s28], [sflag:$0x1], $0x280, $0x38;
	[tilespmem:$0x76C0] =	vst v63  }
0x38c: {  	s29 =	sadd.s32 s3, s13;
	s30 =	simm.s32 $0x7140  }
0x38d: {  	[hbm4b:s29+s2] =	stream.linear.scatter [tilespmem:s30], [sflag:$0x1], $0x280, $0x38;
	[tilespmem:$0x76C0] =	vst v63  }
0x38e: {  	s31 =	simm.s32 $0x73C0;
	s3 =	sadd.s32 s3, s16  }
0x38f: {  	[hbm4b:s3+s2] =	stream.linear.scatter [tilespmem:s31], [sflag:$0x1], $0x280, $0x38;
	[tilespmem:$0x76C0] =	vst v63  }
0x390: {  	_ =	swait.ge [sflag:s4], $0x280  }
0x391: {  	[sflag:s4] =	ssyncset.done $0x0  }
0x392: {  	[sflag:s4] =	ssyncadd.s32 $0xFFFFFD80  }
0x393: {  	_ =	swait.ge [sflag:s4], $0x280  }
0x394: {  	[sflag:s4] =	ssyncset.done $0x0  }
0x395: {  	[sflag:s4] =	ssyncadd.s32 $0xFFFFFD80  }
0x396: {  	_ =	swait.ge [sflag:s4], $0x280  }
0x397: {  	[sflag:s4] =	ssyncset.done $0x0  }
0x398: {  	[sflag:s4] =	ssyncadd.s32 $0xFFFFFD80  }
0x399: {  	_ =	sfence.sel $0x180000  }
0x39a: {  	[bflag:$0x0] =	sbarrier.arrive $0xFFFF  }
0x39b: {  	p0 =	sne.s32 s1, $0x0;
	_ =	strace $0x90000047  }
0x39c: {  	s0 =	sadd.s32 @!p0 $0x100000, s0;
	[bflag:$0x2] =	sbarrier.arrive $0xFFFF  }
0x39d: {  	[sflag:s0] =	ssyncadd.tile.s32 @!p0 $0x1;
	_ =	shalt  }
.Lfunc_end2:
_tile_overlayer_lowered:
.L_overlay_start_2:
0x39e: {  	(tag) =	ssettag $0x2  }
0x39f: {  	s0 =	rddreg [dreg:$0x0];
	s2 =	stileid.u32  }
0x3a0: {  	s1 =	rddreg [dreg:$0x1];
	p0 =	sne.s32 s2, $0x0  }
0x3a1: {  	s3 =	rddreg [dreg:$0x2];
	[bflag:$0x3] =	sbarrier.arrive $0xFFFF;
	s2 =	simm.s32 @!p0 $0x1C02  }
0x3a2: {  	[timem:s3], [sflag:s2] =	dma.local @!p0 [hbm:s0], s1  }
0x3a3: {  	s0 =	simm.s32 @!p0 $0x2  }
0x3a4: {  	_ =	swait.ge @!p0 [sflag:s0], s1  }
0x3a5: {  	s1 =	ssub.s32 @!p0 $0x0, s1;
	[sflag:s0] =	ssyncset.done @!p0 $0x0  }
0x3a6: {  	[sflag:s0] =	ssyncadd.s32 @!p0 s1  }
0x3a7: {  	[bflag:$0x3] =	sbarrier.arrive $0xFFFF  }
0x3a8: {  	_ =	shalt  }

</sc_bundles>
